<compile_context>
chip_gen: v7x
topology: tpu7x:2x2x1
jax: 0.10.2.dev20260603
libtpu: 0.0.44.dev20260713+nightly
codegen_flags: <defaults>
</compile_context>

<pallas_src>
import jax
import jax.numpy as jnp
from jax import lax
from jax.experimental import pallas as pl
from jax.experimental.pallas import tpu as pltpu
from jax.experimental.pallas import tpu_sc as plsc

N = 10000
NPAD = 10240
E = 160000
D = 128
NZ = 16

NC = 2
NS = 16
NT = NC * NS
NQ = 4
NF = NZ // NQ
NE = NT // NQ
EP = 163840
EPW = EP // NE
BLK = 5120
NB = EPW // BLK

BM = 400



def _encode0_body(x_ref, w_ref, b_ref, o_ref):
    h = (jnp.dot(x_ref[...], w_ref[...], preferred_element_type=jnp.float32)
         + b_ref[...])
    o_ref[:, :N] = h.T


def _combine(p_ref):
    quarters = []
    for q in range(NQ):
        wids = [c * NS + s for c in range(NC) for s in range(NS) if s % NQ == q]
        sq = p_ref[wids[0], :, :]
        for w in wids[1:]:
            sq = sq + p_ref[w, :, :]
        quarters.append(sq)
    return jnp.concatenate(quarters, axis=0)


def _mid_body(p_ref, wt_ref, b_ref, a_ref, o_ref):
    s = _combine(p_ref)
    h = jnp.where(s >= 0, s, s * a_ref[...])
    o_ref[...] = (
        jnp.dot(wt_ref[...], h, preferred_element_type=jnp.float32) + b_ref[...]
    )


def _heads_body(p_ref, wmt_ref, bm_ref, wst_ref, bs_ref, a_ref, noise_t_ref,
                zm_ref, zs_ref, z_ref, zt_ref):
    s = _combine(p_ref)
    h = jnp.where(s >= 0, s, s * a_ref[...])
    zmt = (jnp.dot(wmt_ref[...], h, preferred_element_type=jnp.float32)
           + bm_ref[...])
    v = (jnp.dot(wst_ref[...], h, preferred_element_type=jnp.float32)
         + bs_ref[...])
    zst = jnp.maximum(v, 0.0) + jnp.log(1.0 + jnp.exp(-jnp.abs(v)))
    zmt = zmt[:, :N]
    zst = zst[:, :N]
    zt = zmt + noise_t_ref[...] * zst
    zm_ref[...] = zmt.T
    zs_ref[...] = zst.T
    z_ref[...] = zt.T
    zt_ref[...] = zt


def _decode_body(z_ref, zt_ref, o_ref):
    logits = jnp.dot(z_ref[...], zt_ref[...], preferred_element_type=jnp.float32)
    o_ref[...] = 1.0 / (1.0 + jnp.exp(-logits))


_encode0 = pl.pallas_call(
    _encode0_body,
    out_shape=jax.ShapeDtypeStruct((NZ, NPAD), jnp.float32),
)

_mid = pl.pallas_call(
    _mid_body,
    out_shape=jax.ShapeDtypeStruct((NZ, NPAD), jnp.float32),
)

_heads = pl.pallas_call(
    _heads_body,
    out_shape=(
        jax.ShapeDtypeStruct((N, NZ), jnp.float32),
        jax.ShapeDtypeStruct((N, NZ), jnp.float32),
        jax.ShapeDtypeStruct((N, NZ), jnp.float32),
        jax.ShapeDtypeStruct((NZ, N), jnp.float32),
    ),
)

_decode = pl.pallas_call(
    _decode_body,
    grid=(N // BM,),
    in_specs=[
        pl.BlockSpec((BM, NZ), lambda i: (i, 0)),
        pl.BlockSpec((NZ, N), lambda i: (0, 0)),
    ],
    out_specs=pl.BlockSpec((BM, N), lambda i: (i, 0)),
    out_shape=jax.ShapeDtypeStruct((N, N), jnp.float32),
)



UNROLL = 8


def _spmm_body(ht_hbm, src_hbm, dst_hbm, adj_hbm, out_hbm,
               src_a, dst_a, adj_a, src_b, dst_b, adj_b, h_v, acc_v,
               sem_h, sem_e0, sem_e1):
    cid = lax.axis_index("c")
    sid = lax.axis_index("s")
    q = sid % NQ
    es = cid * NQ + sid // NQ
    wid = cid * NS + sid

    hcopies = [pltpu.async_copy(
        ht_hbm.at[pl.ds(q * (NF * NPAD), NF * NPAD)], h_v, sem_h)]

    bufs = [(src_a, dst_a, adj_a), (src_b, dst_b, adj_b)]
    sems = [sem_e0, sem_e1]

    def _start(b):
        off = es * EPW + b * BLK
        sv, dv, av = bufs[b % 2]
        sem = sems[b % 2]
        return (pltpu.async_copy(src_hbm.at[pl.ds(off, BLK)], sv, sem),
                pltpu.async_copy(dst_hbm.at[pl.ds(off, BLK)], dv, sem),
                pltpu.async_copy(adj_hbm.at[pl.ds(off, BLK)], av, sem))

    pending = {0: _start(0)}

    zero16 = jnp.zeros((16,), jnp.float32)

    def _zb(i, c):
        for u in range(8):
            acc_v[pl.ds((i * 8 + u) * 16, 16)] = zero16
        return c
    lax.fori_loop(0, (NF * NPAD) // (16 * 8), _zb, 0)
    for c in hcopies:
        c.wait()

    lanesf = [jnp.full((16,), f * NPAD, jnp.int32) for f in range(NF)]

    for b in range(NB):
        if b + 1 < NB:
            pending[b + 1] = _start(b + 1)
        for c in pending.pop(b):
            c.wait()
        sv, dv, av = bufs[b % 2]

        @plsc.parallel_loop(0, BLK // 16, unroll=UNROLL)
        def _grp(g, sv=sv, dv=dv, av=av):
            base = g * 16
            src16 = sv[pl.ds(base, 16)]
            dst16 = dv[pl.ds(base, 16)]
            adj16 = av[pl.ds(base, 16)]
            for f in range(NF):
                vals = plsc.load_gather(h_v, [src16 + lanesf[f]]) * adj16
                plsc.addupdate_scatter(acc_v, [dst16 + lanesf[f]], vals)

    for f in range(NF):
        pltpu.sync_copy(acc_v.at[pl.ds(f * NPAD, NPAD)], out_hbm.at[wid, f])


_SPMM_CACHE = {}


def _get_spmm():
    if "k" not in _SPMM_CACHE:
        _SPMM_CACHE["k"] = pl.kernel(
            _spmm_body,
            mesh=plsc.VectorSubcoreMesh(
                core_axis_name="c", subcore_axis_name="s", num_cores=NC),
            compiler_params=pltpu.CompilerParams(needs_layout_passes=False),
            out_type=jax.ShapeDtypeStruct((NT, NF, NPAD), jnp.float32),
            scratch_types=[
                pltpu.VMEM((BLK,), jnp.int32),
                pltpu.VMEM((BLK,), jnp.int32),
                pltpu.VMEM((BLK,), jnp.float32),
                pltpu.VMEM((BLK,), jnp.int32),
                pltpu.VMEM((BLK,), jnp.int32),
                pltpu.VMEM((BLK,), jnp.float32),
                pltpu.VMEM((NF * NPAD,), jnp.float32),
                pltpu.VMEM((NF * NPAD,), jnp.float32),
                pltpu.SemaphoreType.DMA,
                pltpu.SemaphoreType.DMA,
                pltpu.SemaphoreType.DMA,
            ],
        )
    return _SPMM_CACHE["k"]


def kernel(x, edge_index, adj_vals, W0, b0, a0, W1, b1, a1, Wm, bm, Ws, bs):
    dst = edge_index[0]
    src = edge_index[1]
    pad = EP - E
    spread = jnp.arange(pad, dtype=jnp.int32) % N
    srcp = jnp.concatenate([src, spread])
    dstp = jnp.concatenate([dst, spread])
    adjp = jnp.pad(adj_vals, (0, pad))
    noise_t = jax.random.normal(jax.random.key(42), (N, NZ),
                                dtype=jnp.float32).T

    spmm = _get_spmm()

    def run_spmm(ht):
        return spmm(ht.reshape(-1), srcp, dstp, adjp)

    h0t = _encode0(x, W0, b0.reshape(1, NZ))
    parts0 = run_spmm(h0t)
    h1t = _mid(parts0, W1.T, b1.reshape(NZ, 1), a0.reshape(1, 1))
    parts1 = run_spmm(h1t)
    zm, zs, z, zt = _heads(parts1, Wm.T, bm.reshape(NZ, 1), Ws.T,
                           bs.reshape(NZ, 1), a1.reshape(1, 1), noise_t)
    a_probs = _decode(z, zt)
    return (a_probs, zm, zs)

# --- scband reference (transcript-rebuilt; emitter-appended) ---
"""Pipeline reference for scband-graph-generative-model-30477087932727 (READ-ONLY COPY).

The authoritative reference and input builder live on the scoring server;
editing this copy changes nothing except your own understanding.
"""

import jax, jax.numpy as jnp
import numpy as np

N = 10000
E = 160000
D = 128
NZ = 16


def setup_inputs(seed: int = 0) -> dict:
    key = jax.random.key(seed)
    ks = jax.random.split(key, 16)
    x = jax.random.normal(ks[0], (N, D), dtype=jnp.float32)
    edge_index = jax.random.randint(ks[1], (2, E), 0, N, dtype=jnp.int32)
    adj_vals = jax.random.uniform(ks[2], (E,), dtype=jnp.float32)
    # GCN layer 0: Linear(D -> NZ) + PReLU
    W0 = jax.random.normal(ks[3], (D, NZ), dtype=jnp.float32) * (1.0 / np.sqrt(D))
    b0 = jnp.zeros((NZ,), dtype=jnp.float32)
    a0 = jnp.asarray(0.25, dtype=jnp.float32)  # PReLU weight (num_parameters=1)
    # GCN layer 1: Linear(NZ -> NZ) + PReLU
    W1 = jax.random.normal(ks[4], (NZ, NZ), dtype=jnp.float32) * (1.0 / np.sqrt(NZ))
    b1 = jnp.zeros((NZ,), dtype=jnp.float32)
    a1 = jnp.asarray(0.25, dtype=jnp.float32)
    # encoder_mean: Linear(NZ -> NZ)
    Wm = jax.random.normal(ks[5], (NZ, NZ), dtype=jnp.float32) * (1.0 / np.sqrt(NZ))
    bm = jnp.zeros((NZ,), dtype=jnp.float32)
    # encoder_std: Linear(NZ -> NZ) + Softplus
    Ws = jax.random.normal(ks[6], (NZ, NZ), dtype=jnp.float32) * (1.0 / np.sqrt(NZ))
    bs = jnp.zeros((NZ,), dtype=jnp.float32)
    return {"x": x, "edge_index": edge_index, "adj_vals": adj_vals,
            "W0": W0, "b0": b0, "a0": a0,
            "W1": W1, "b1": b1, "a1": a1,
            "Wm": Wm, "bm": bm, "Ws": Ws, "bs": bs}


def reference(x, edge_index, adj_vals, W0, b0, a0, W1, b1, a1, Wm, bm, Ws, bs):
    dst = edge_index[0]
    src = edge_index[1]

    def spmm(h):
        # sparse adj (COO: (dst, src) -> adj_vals) times dense h
        msgs = adj_vals[:, None] * jnp.take(h, src, axis=0)
        return jax.ops.segment_sum(msgs, dst, num_segments=N)

    def prelu(h, a):
        return jnp.where(h >= 0, h, a * h)

    # GCN layer 0
    h = x @ W0 + b0
    h = spmm(h)
    h = prelu(h, a0)
    # GCN layer 1
    h = h @ W1 + b1
    h = spmm(h)
    h = prelu(h, a1)
    # variational heads
    z_mean = h @ Wm + bm
    z_std = jax.nn.softplus(h @ Ws + bs)
    noise = jax.random.normal(jax.random.key(42), z_std.shape, dtype=jnp.float32)
    z = z_mean + noise * z_std
    a_logits = z @ z.T
    a_probs = jax.nn.sigmoid(a_logits)
    return (a_probs, z_mean, z_std)

if __name__ == "__main__":
    import jax
    _d = setup_inputs()
    print(jax.jit(kernel)(*tuple(_d.values())))

</pallas_src>

<mosaic_0001>
#map = affine_map<(d0, d1) -> (0)>
#map1 = affine_map<(d0, d1) -> (0, 0, 0)>
module attributes {stable_mosaic.version = 14 : i64} {
  func.func @_spmm_body(%arg0: i32, %arg1: i32, %arg2: memref<163840xf32, #tpu.memory_space<hbm>>, %arg3: memref<163840xi32, #tpu.memory_space<hbm>>, %arg4: memref<163840xi32, #tpu.memory_space<hbm>>, %arg5: memref<163840xf32, #tpu.memory_space<hbm>>, %arg6: memref<32x4x10240xf32, #tpu.memory_space<hbm>>, %arg7: memref<5120xi32, #tpu.memory_space<vmem>>, %arg8: memref<5120xi32, #tpu.memory_space<vmem>>, %arg9: memref<5120xf32, #tpu.memory_space<vmem>>, %arg10: memref<5120xi32, #tpu.memory_space<vmem>>, %arg11: memref<5120xi32, #tpu.memory_space<vmem>>, %arg12: memref<5120xf32, #tpu.memory_space<vmem>>, %arg13: memref<40960xf32, #tpu.memory_space<vmem>>, %arg14: memref<40960xf32, #tpu.memory_space<vmem>>, %arg15: memref<!tpu.dma_semaphore, #tpu.memory_space<semaphore_mem>>, %arg16: memref<!tpu.dma_semaphore, #tpu.memory_space<semaphore_mem>>, %arg17: memref<!tpu.dma_semaphore, #tpu.memory_space<semaphore_mem>>) attributes {dimension_semantics = [#tpu.dimension_semantics<core_parallel>, #tpu.dimension_semantics<subcore_parallel>], iteration_bounds = array<i64: 2, 16>, scalar_prefetch = 0 : i64, scratch_operands = 11 : i64, tpu.core_type = #tpu.core_type<sc_vector_subcore>, window_params = [{transform_indices = #map}, {transform_indices = #map}, {transform_indices = #map}, {transform_indices = #map}, {transform_indices = #map1}]} {
    %jit3A = arith.constant 4 : i32
    %eq3A = arith.constant 0 : i32
    %eq3A_0 = arith.cmpi eq, %jit3A, %eq3A : i32
    %jit3A_1 = arith.constant 1 : i32
    %select_n3A = arith.select %eq3A_0, %jit3A_1, %jit3A : i32
    %rem3A = arith.remsi %arg1, %select_n3A : i32
    %ne3A = arith.constant 0 : i32
    %ne3A_2 = arith.cmpi ne, %rem3A, %ne3A : i32
    %lt3A = arith.constant 0 : i32
    %lt3A_3 = arith.cmpi slt, %rem3A, %lt3A : i32
    %lt3A_4 = arith.constant 0 : i32
    %lt3A_5 = arith.cmpi slt, %select_n3A, %lt3A_4 : i32
    %ne3A_6 = arith.xori %lt3A_3, %lt3A_5 : i1
    %and3A = arith.andi %ne3A_6, %ne3A_2 : i1
    %add3A = arith.addi %rem3A, %select_n3A : i32
    %select_n3A_7 = arith.select %and3A, %add3A, %rem3A : i32
    %mul3A = arith.constant 4 : i32
    %mul3A_8 = arith.muli %arg0, %mul3A : i32
    %jit3A_9 = arith.constant 4 : i32
    %div3A = arith.divsi %arg1, %jit3A_9 : i32
    %sign3A = arith.constant 0 : i32
    %sign3A_10 = arith.cmpi sgt, %arg1, %sign3A : i32
    %sign3A_11 = arith.extui %sign3A_10 : i1 to i32
    %sign3A_12 = arith.constant 0 : i32
    %sign3A_13 = arith.cmpi slt, %arg1, %sign3A_12 : i32
    %sign3A_14 = arith.extui %sign3A_13 : i1 to i32
    %sign3A_15 = arith.subi %sign3A_11, %sign3A_14 : i32
    %sign3A_16 = arith.constant 0 : i32
    %sign3A_17 = arith.cmpi sgt, %jit3A_9, %sign3A_16 : i32
    %sign3A_18 = arith.extui %sign3A_17 : i1 to i32
    %sign3A_19 = arith.constant 0 : i32
    %sign3A_20 = arith.cmpi slt, %jit3A_9, %sign3A_19 : i32
    %sign3A_21 = arith.extui %sign3A_20 : i1 to i32
    %sign3A_22 = arith.subi %sign3A_18, %sign3A_21 : i32
    %ne3A_23 = arith.cmpi ne, %sign3A_15, %sign3A_22 : i32
    %rem3A_24 = arith.remsi %arg1, %jit3A_9 : i32
    %ne3A_25 = arith.constant 0 : i32
    %ne3A_26 = arith.cmpi ne, %rem3A_24, %ne3A_25 : i32
    %and3A_27 = arith.andi %ne3A_23, %ne3A_26 : i1
    %sub3A = arith.constant 1 : i32
    %sub3A_28 = arith.subi %div3A, %sub3A : i32
    %select_n3A_29 = arith.select %and3A_27, %sub3A_28, %div3A : i32
    %add3A_30 = arith.addi %mul3A_8, %select_n3A_29 : i32
    %mul3A_31 = arith.constant 16 : i32
    %mul3A_32 = arith.muli %arg0, %mul3A_31 : i32
    %add3A_33 = arith.addi %mul3A_32, %arg1 : i32
    %mul3A_34 = arith.constant 40960 : i32
    %mul3A_35 = arith.muli %select_n3A_7, %mul3A_34 : i32
    %dma_start3A = tpu.memref_slice %arg2[%mul3A_35] : memref<163840xf32, #tpu.memory_space<hbm>> -> memref<40960xf32, #tpu.memory_space<hbm>>
    %dma_start3A_36 = tpu.memref_slice %arg2[%mul3A_35] : memref<163840xf32, #tpu.memory_space<hbm>> -> memref<40960xf32, #tpu.memory_space<hbm>>
    tpu.enqueue_dma source(%dma_start3A_36 : memref<40960xf32, #tpu.memory_space<hbm>>) target(%arg13 : memref<40960xf32, #tpu.memory_space<vmem>>) target_semaphore(%arg15 : memref<!tpu.dma_semaphore, #tpu.memory_space<semaphore_mem>>)
    %mul3A_37 = arith.constant 20480 : i32
    %mul3A_38 = arith.muli %add3A_30, %mul3A_37 : i32
    %add3A_39 = arith.constant 0 : i32
    %add3A_40 = arith.addi %mul3A_38, %add3A_39 : i32
    %dma_start3A_41 = tpu.memref_slice %arg3[%add3A_40] : memref<163840xi32, #tpu.memory_space<hbm>> -> memref<5120xi32, #tpu.memory_space<hbm>>
    %dma_start3A_42 = tpu.memref_slice %arg3[%add3A_40] : memref<163840xi32, #tpu.memory_space<hbm>> -> memref<5120xi32, #tpu.memory_space<hbm>>
    tpu.enqueue_dma source(%dma_start3A_42 : memref<5120xi32, #tpu.memory_space<hbm>>) target(%arg7 : memref<5120xi32, #tpu.memory_space<vmem>>) target_semaphore(%arg16 : memref<!tpu.dma_semaphore, #tpu.memory_space<semaphore_mem>>)
    %dma_start3A_43 = tpu.memref_slice %arg4[%add3A_40] : memref<163840xi32, #tpu.memory_space<hbm>> -> memref<5120xi32, #tpu.memory_space<hbm>>
    %dma_start3A_44 = tpu.memref_slice %arg4[%add3A_40] : memref<163840xi32, #tpu.memory_space<hbm>> -> memref<5120xi32, #tpu.memory_space<hbm>>
    tpu.enqueue_dma source(%dma_start3A_44 : memref<5120xi32, #tpu.memory_space<hbm>>) target(%arg8 : memref<5120xi32, #tpu.memory_space<vmem>>) target_semaphore(%arg16 : memref<!tpu.dma_semaphore, #tpu.memory_space<semaphore_mem>>)
    %dma_start3A_45 = tpu.memref_slice %arg5[%add3A_40] : memref<163840xf32, #tpu.memory_space<hbm>> -> memref<5120xf32, #tpu.memory_space<hbm>>
    %dma_start3A_46 = tpu.memref_slice %arg5[%add3A_40] : memref<163840xf32, #tpu.memory_space<hbm>> -> memref<5120xf32, #tpu.memory_space<hbm>>
    tpu.enqueue_dma source(%dma_start3A_46 : memref<5120xf32, #tpu.memory_space<hbm>>) target(%arg9 : memref<5120xf32, #tpu.memory_space<vmem>>) target_semaphore(%arg16 : memref<!tpu.dma_semaphore, #tpu.memory_space<semaphore_mem>>)
    %broadcast_in_dim3A = arith.constant 0.000000e+00 : f32
    %broadcast_in_dim3A_47 = vector.broadcast %broadcast_in_dim3A : f32 to vector<16xf32>
    %scan3A = arith.constant 0 : i32
    %scan3A_48 = arith.constant 0 : i32
    %scan3A_49 = arith.constant 320 : i32
    %scan3A_50 = arith.addi %scan3A_48, %scan3A_49 : i32
    %scan3A_51 = arith.constant 1 : i32
    scf.for %scan3A_130 = %scan3A_48 to %scan3A_50 step %scan3A_51  : i32 {
      %mul3A_131 = arith.constant 8 : i32
      %mul3A_132 = arith.muli %scan3A_130, %mul3A_131 : i32
      %add3A_133 = arith.constant 0 : i32
      %add3A_134 = arith.addi %mul3A_132, %add3A_133 : i32
      %mul3A_135 = arith.constant 16 : i32
      %mul3A_136 = arith.muli %add3A_134, %mul3A_135 : i32
      %swap3A = arith.index_cast %mul3A_136 : i32 to index
      %swap3A_137 = tpu.vector_load %arg14[%swap3A] {strides = array<i32>} : memref<40960xf32, #tpu.memory_space<vmem>>, vector<16xf32>,
      tpu.vector_store %arg14[%swap3A], %broadcast_in_dim3A_47 {strides = array<i32>} : memref<40960xf32, #tpu.memory_space<vmem>>, vector<16xf32>,
      %mul3A_138 = arith.constant 8 : i32
      %mul3A_139 = arith.muli %scan3A_130, %mul3A_138 : i32
      %add3A_140 = arith.constant 1 : i32
      %add3A_141 = arith.addi %mul3A_139, %add3A_140 : i32
      %mul3A_142 = arith.constant 16 : i32
      %mul3A_143 = arith.muli %add3A_141, %mul3A_142 : i32
      %swap3A_144 = arith.index_cast %mul3A_143 : i32 to index
      %swap3A_145 = tpu.vector_load %arg14[%swap3A_144] {strides = array<i32>} : memref<40960xf32, #tpu.memory_space<vmem>>, vector<16xf32>,
      tpu.vector_store %arg14[%swap3A_144], %broadcast_in_dim3A_47 {strides = array<i32>} : memref<40960xf32, #tpu.memory_space<vmem>>, vector<16xf32>,
      %mul3A_146 = arith.constant 8 : i32
      %mul3A_147 = arith.muli %scan3A_130, %mul3A_146 : i32
      %add3A_148 = arith.constant 2 : i32
      %add3A_149 = arith.addi %mul3A_147, %add3A_148 : i32
      %mul3A_150 = arith.constant 16 : i32
      %mul3A_151 = arith.muli %add3A_149, %mul3A_150 : i32
      %swap3A_152 = arith.index_cast %mul3A_151 : i32 to index
      %swap3A_153 = tpu.vector_load %arg14[%swap3A_152] {strides = array<i32>} : memref<40960xf32, #tpu.memory_space<vmem>>, vector<16xf32>,
      tpu.vector_store %arg14[%swap3A_152], %broadcast_in_dim3A_47 {strides = array<i32>} : memref<40960xf32, #tpu.memory_space<vmem>>, vector<16xf32>,
      %mul3A_154 = arith.constant 8 : i32
      %mul3A_155 = arith.muli %scan3A_130, %mul3A_154 : i32
      %add3A_156 = arith.constant 3 : i32
      %add3A_157 = arith.addi %mul3A_155, %add3A_156 : i32
      %mul3A_158 = arith.constant 16 : i32
      %mul3A_159 = arith.muli %add3A_157, %mul3A_158 : i32
      %swap3A_160 = arith.index_cast %mul3A_159 : i32 to index
      %swap3A_161 = tpu.vector_load %arg14[%swap3A_160] {strides = array<i32>} : memref<40960xf32, #tpu.memory_space<vmem>>, vector<16xf32>,
      tpu.vector_store %arg14[%swap3A_160], %broadcast_in_dim3A_47 {strides = array<i32>} : memref<40960xf32, #tpu.memory_space<vmem>>, vector<16xf32>,
      %mul3A_162 = arith.constant 8 : i32
      %mul3A_163 = arith.muli %scan3A_130, %mul3A_162 : i32
      %add3A_164 = arith.constant 4 : i32
      %add3A_165 = arith.addi %mul3A_163, %add3A_164 : i32
      %mul3A_166 = arith.constant 16 : i32
      %mul3A_167 = arith.muli %add3A_165, %mul3A_166 : i32
      %swap3A_168 = arith.index_cast %mul3A_167 : i32 to index
      %swap3A_169 = tpu.vector_load %arg14[%swap3A_168] {strides = array<i32>} : memref<40960xf32, #tpu.memory_space<vmem>>, vector<16xf32>,
      tpu.vector_store %arg14[%swap3A_168], %broadcast_in_dim3A_47 {strides = array<i32>} : memref<40960xf32, #tpu.memory_space<vmem>>, vector<16xf32>,
      %mul3A_170 = arith.constant 8 : i32
      %mul3A_171 = arith.muli %scan3A_130, %mul3A_170 : i32
      %add3A_172 = arith.constant 5 : i32
      %add3A_173 = arith.addi %mul3A_171, %add3A_172 : i32
      %mul3A_174 = arith.constant 16 : i32
      %mul3A_175 = arith.muli %add3A_173, %mul3A_174 : i32
      %swap3A_176 = arith.index_cast %mul3A_175 : i32 to index
      %swap3A_177 = tpu.vector_load %arg14[%swap3A_176] {strides = array<i32>} : memref<40960xf32, #tpu.memory_space<vmem>>, vector<16xf32>,
      tpu.vector_store %arg14[%swap3A_176], %broadcast_in_dim3A_47 {strides = array<i32>} : memref<40960xf32, #tpu.memory_space<vmem>>, vector<16xf32>,
      %mul3A_178 = arith.constant 8 : i32
      %mul3A_179 = arith.muli %scan3A_130, %mul3A_178 : i32
      %add3A_180 = arith.constant 6 : i32
      %add3A_181 = arith.addi %mul3A_179, %add3A_180 : i32
      %mul3A_182 = arith.constant 16 : i32
      %mul3A_183 = arith.muli %add3A_181, %mul3A_182 : i32
      %swap3A_184 = arith.index_cast %mul3A_183 : i32 to index
      %swap3A_185 = tpu.vector_load %arg14[%swap3A_184] {strides = array<i32>} : memref<40960xf32, #tpu.memory_space<vmem>>, vector<16xf32>,
      tpu.vector_store %arg14[%swap3A_184], %broadcast_in_dim3A_47 {strides = array<i32>} : memref<40960xf32, #tpu.memory_space<vmem>>, vector<16xf32>,
      %mul3A_186 = arith.constant 8 : i32
      %mul3A_187 = arith.muli %scan3A_130, %mul3A_186 : i32
      %add3A_188 = arith.constant 7 : i32
      %add3A_189 = arith.addi %mul3A_187, %add3A_188 : i32
      %mul3A_190 = arith.constant 16 : i32
      %mul3A_191 = arith.muli %add3A_189, %mul3A_190 : i32
      %swap3A_192 = arith.index_cast %mul3A_191 : i32 to index
      %swap3A_193 = tpu.vector_load %arg14[%swap3A_192] {strides = array<i32>} : memref<40960xf32, #tpu.memory_space<vmem>>, vector<16xf32>,
      tpu.vector_store %arg14[%swap3A_192], %broadcast_in_dim3A_47 {strides = array<i32>} : memref<40960xf32, #tpu.memory_space<vmem>>, vector<16xf32>,
    }
    %scan3A_52 = arith.constant 320 : i32
    %dma_wait3A = tpu.memref_slice %arg2[%mul3A_35] : memref<163840xf32, #tpu.memory_space<hbm>> -> memref<40960xf32, #tpu.memory_space<hbm>>
    %dma_wait3A_53 = tpu.memref_slice %arg2[%mul3A_35] : memref<163840xf32, #tpu.memory_space<hbm>> -> memref<40960xf32, #tpu.memory_space<hbm>>
    tpu.wait_dma2 semaphore(%arg15 : memref<!tpu.dma_semaphore, #tpu.memory_space<semaphore_mem>>) src(%dma_wait3A_53 : memref<40960xf32, #tpu.memory_space<hbm>>) dst(%arg13 : memref<40960xf32, #tpu.memory_space<vmem>>)
    %broadcast_in_dim3A_54 = arith.constant 0 : i32
    %broadcast_in_dim3A_55 = vector.broadcast %broadcast_in_dim3A_54 : i32 to vector<16xi32>
    %broadcast_in_dim3A_56 = arith.constant 10240 : i32
    %broadcast_in_dim3A_57 = vector.broadcast %broadcast_in_dim3A_56 : i32 to vector<16xi32>
    %broadcast_in_dim3A_58 = arith.constant 20480 : i32
    %broadcast_in_dim3A_59 = vector.broadcast %broadcast_in_dim3A_58 : i32 to vector<16xi32>
    %broadcast_in_dim3A_60 = arith.constant 30720 : i32
    %broadcast_in_dim3A_61 = vector.broadcast %broadcast_in_dim3A_60 : i32 to vector<16xi32>
    %mul3A_62 = arith.constant 20480 : i32
    %mul3A_63 = arith.muli %add3A_30, %mul3A_62 : i32
    %add3A_64 = arith.constant 5120 : i32
    %add3A_65 = arith.addi %mul3A_63, %add3A_64 : i32
    %dma_start3A_66 = tpu.memref_slice %arg3[%add3A_65] : memref<163840xi32, #tpu.memory_space<hbm>> -> memref<5120xi32, #tpu.memory_space<hbm>>
    %dma_start3A_67 = tpu.memref_slice %arg3[%add3A_65] : memref<163840xi32, #tpu.memory_space<hbm>> -> memref<5120xi32, #tpu.memory_space<hbm>>
    tpu.enqueue_dma source(%dma_start3A_67 : memref<5120xi32, #tpu.memory_space<hbm>>) target(%arg10 : memref<5120xi32, #tpu.memory_space<vmem>>) target_semaphore(%arg17 : memref<!tpu.dma_semaphore, #tpu.memory_space<semaphore_mem>>)
    %dma_start3A_68 = tpu.memref_slice %arg4[%add3A_65] : memref<163840xi32, #tpu.memory_space<hbm>> -> memref<5120xi32, #tpu.memory_space<hbm>>
    %dma_start3A_69 = tpu.memref_slice %arg4[%add3A_65] : memref<163840xi32, #tpu.memory_space<hbm>> -> memref<5120xi32, #tpu.memory_space<hbm>>
    tpu.enqueue_dma source(%dma_start3A_69 : memref<5120xi32, #tpu.memory_space<hbm>>) target(%arg11 : memref<5120xi32, #tpu.memory_space<vmem>>) target_semaphore(%arg17 : memref<!tpu.dma_semaphore, #tpu.memory_space<semaphore_mem>>)
    %dma_start3A_70 = tpu.memref_slice %arg5[%add3A_65] : memref<163840xf32, #tpu.memory_space<hbm>> -> memref<5120xf32, #tpu.memory_space<hbm>>
    %dma_start3A_71 = tpu.memref_slice %arg5[%add3A_65] : memref<163840xf32, #tpu.memory_space<hbm>> -> memref<5120xf32, #tpu.memory_space<hbm>>
    tpu.enqueue_dma source(%dma_start3A_71 : memref<5120xf32, #tpu.memory_space<hbm>>) target(%arg12 : memref<5120xf32, #tpu.memory_space<vmem>>) target_semaphore(%arg17 : memref<!tpu.dma_semaphore, #tpu.memory_space<semaphore_mem>>)
    %dma_wait3A_72 = tpu.memref_slice %arg3[%add3A_40] : memref<163840xi32, #tpu.memory_space<hbm>> -> memref<5120xi32, #tpu.memory_space<hbm>>
    %dma_wait3A_73 = tpu.memref_slice %arg3[%add3A_40] : memref<163840xi32, #tpu.memory_space<hbm>> -> memref<5120xi32, #tpu.memory_space<hbm>>
    tpu.wait_dma2 semaphore(%arg16 : memref<!tpu.dma_semaphore, #tpu.memory_space<semaphore_mem>>) src(%dma_wait3A_73 : memref<5120xi32, #tpu.memory_space<hbm>>) dst(%arg7 : memref<5120xi32, #tpu.memory_space<vmem>>)
    %dma_wait3A_74 = tpu.memref_slice %arg4[%add3A_40] : memref<163840xi32, #tpu.memory_space<hbm>> -> memref<5120xi32, #tpu.memory_space<hbm>>
    %dma_wait3A_75 = tpu.memref_slice %arg4[%add3A_40] : memref<163840xi32, #tpu.memory_space<hbm>> -> memref<5120xi32, #tpu.memory_space<hbm>>
    tpu.wait_dma2 semaphore(%arg16 : memref<!tpu.dma_semaphore, #tpu.memory_space<semaphore_mem>>) src(%dma_wait3A_75 : memref<5120xi32, #tpu.memory_space<hbm>>) dst(%arg8 : memref<5120xi32, #tpu.memory_space<vmem>>)
    %dma_wait3A_76 = tpu.memref_slice %arg5[%add3A_40] : memref<163840xf32, #tpu.memory_space<hbm>> -> memref<5120xf32, #tpu.memory_space<hbm>>
    %dma_wait3A_77 = tpu.memref_slice %arg5[%add3A_40] : memref<163840xf32, #tpu.memory_space<hbm>> -> memref<5120xf32, #tpu.memory_space<hbm>>
    tpu.wait_dma2 semaphore(%arg16 : memref<!tpu.dma_semaphore, #tpu.memory_space<semaphore_mem>>) src(%dma_wait3A_77 : memref<5120xf32, #tpu.memory_space<hbm>>) dst(%arg9 : memref<5120xf32, #tpu.memory_space<vmem>>)
    %parallel_loop3A = arith.constant 0 : i32
    %parallel_loop3A_78 = arith.constant 320 : i32
    %parallel_loop3A_79 = arith.constant 1 : i32
    scf.for %parallel_loop3A_130 = %parallel_loop3A to %parallel_loop3A_78 step %parallel_loop3A_79  : i32 {
      %parallel_loop3A_131 = arith.constant 16 : i32
      %parallel_loop3A_132 = arith.muli %parallel_loop3A_130, %parallel_loop3A_131 : i32
      %parallel_loop3A_133 = arith.index_cast %parallel_loop3A_132 : i32 to index
      %parallel_loop3A_134 = tpu.vector_load %arg7[%parallel_loop3A_133] {strides = array<i32>} : memref<5120xi32, #tpu.memory_space<vmem>>, vector<16xi32>,
      %parallel_loop3A_135 = arith.index_cast %parallel_loop3A_132 : i32 to index
      %parallel_loop3A_136 = tpu.vector_load %arg8[%parallel_loop3A_135] {strides = array<i32>} : memref<5120xi32, #tpu.memory_space<vmem>>, vector<16xi32>,
      %parallel_loop3A_137 = arith.index_cast %parallel_loop3A_132 : i32 to index
      %parallel_loop3A_138 = tpu.vector_load %arg9[%parallel_loop3A_137] {strides = array<i32>} : memref<5120xf32, #tpu.memory_space<vmem>>, vector<16xf32>,
      %parallel_loop3A_139 = arith.addi %parallel_loop3A_134, %broadcast_in_dim3A_55 : vector<16xi32>
      %parallel_loop3A_140 = tpu.vector_load_idx %arg13[%parallel_loop3A_139] : memref<40960xf32, #tpu.memory_space<vmem>>[vector<16xi32>], vector<16xf32>,
      %parallel_loop3A_141 = arith.mulf %parallel_loop3A_140, %parallel_loop3A_138 : vector<16xf32>
      %parallel_loop3A_142 = arith.addi %parallel_loop3A_136, %broadcast_in_dim3A_55 : vector<16xi32>
      tpu.vector_store_idx %arg14[%parallel_loop3A_142], %parallel_loop3A_141 {add = true} : memref<40960xf32, #tpu.memory_space<vmem>>[vector<16xi32>], vector<16xf32>,
      %parallel_loop3A_143 = arith.addi %parallel_loop3A_134, %broadcast_in_dim3A_57 : vector<16xi32>
      %parallel_loop3A_144 = tpu.vector_load_idx %arg13[%parallel_loop3A_143] : memref<40960xf32, #tpu.memory_space<vmem>>[vector<16xi32>], vector<16xf32>,
      %parallel_loop3A_145 = arith.mulf %parallel_loop3A_144, %parallel_loop3A_138 : vector<16xf32>
      %parallel_loop3A_146 = arith.addi %parallel_loop3A_136, %broadcast_in_dim3A_57 : vector<16xi32>
      tpu.vector_store_idx %arg14[%parallel_loop3A_146], %parallel_loop3A_145 {add = true} : memref<40960xf32, #tpu.memory_space<vmem>>[vector<16xi32>], vector<16xf32>,
      %parallel_loop3A_147 = arith.addi %parallel_loop3A_134, %broadcast_in_dim3A_59 : vector<16xi32>
      %parallel_loop3A_148 = tpu.vector_load_idx %arg13[%parallel_loop3A_147] : memref<40960xf32, #tpu.memory_space<vmem>>[vector<16xi32>], vector<16xf32>,
      %parallel_loop3A_149 = arith.mulf %parallel_loop3A_148, %parallel_loop3A_138 : vector<16xf32>
      %parallel_loop3A_150 = arith.addi %parallel_loop3A_136, %broadcast_in_dim3A_59 : vector<16xi32>
      tpu.vector_store_idx %arg14[%parallel_loop3A_150], %parallel_loop3A_149 {add = true} : memref<40960xf32, #tpu.memory_space<vmem>>[vector<16xi32>], vector<16xf32>,
      %parallel_loop3A_151 = arith.addi %parallel_loop3A_134, %broadcast_in_dim3A_61 : vector<16xi32>
      %parallel_loop3A_152 = tpu.vector_load_idx %arg13[%parallel_loop3A_151] : memref<40960xf32, #tpu.memory_space<vmem>>[vector<16xi32>], vector<16xf32>,
      %parallel_loop3A_153 = arith.mulf %parallel_loop3A_152, %parallel_loop3A_138 : vector<16xf32>
      %parallel_loop3A_154 = arith.addi %parallel_loop3A_136, %broadcast_in_dim3A_61 : vector<16xi32>
      tpu.vector_store_idx %arg14[%parallel_loop3A_154], %parallel_loop3A_153 {add = true} : memref<40960xf32, #tpu.memory_space<vmem>>[vector<16xi32>], vector<16xf32>,
    } {sc.loop_unroll_factor = 8 : i64, sc.parallel_access}
    %mul3A_80 = arith.constant 20480 : i32
    %mul3A_81 = arith.muli %add3A_30, %mul3A_80 : i32
    %add3A_82 = arith.constant 10240 : i32
    %add3A_83 = arith.addi %mul3A_81, %add3A_82 : i32
    %dma_start3A_84 = tpu.memref_slice %arg3[%add3A_83] : memref<163840xi32, #tpu.memory_space<hbm>> -> memref<5120xi32, #tpu.memory_space<hbm>>
    %dma_start3A_85 = tpu.memref_slice %arg3[%add3A_83] : memref<163840xi32, #tpu.memory_space<hbm>> -> memref<5120xi32, #tpu.memory_space<hbm>>
    tpu.enqueue_dma source(%dma_start3A_85 : memref<5120xi32, #tpu.memory_space<hbm>>) target(%arg7 : memref<5120xi32, #tpu.memory_space<vmem>>) target_semaphore(%arg16 : memref<!tpu.dma_semaphore, #tpu.memory_space<semaphore_mem>>)
    %dma_start3A_86 = tpu.memref_slice %arg4[%add3A_83] : memref<163840xi32, #tpu.memory_space<hbm>> -> memref<5120xi32, #tpu.memory_space<hbm>>
    %dma_start3A_87 = tpu.memref_slice %arg4[%add3A_83] : memref<163840xi32, #tpu.memory_space<hbm>> -> memref<5120xi32, #tpu.memory_space<hbm>>
    tpu.enqueue_dma source(%dma_start3A_87 : memref<5120xi32, #tpu.memory_space<hbm>>) target(%arg8 : memref<5120xi32, #tpu.memory_space<vmem>>) target_semaphore(%arg16 : memref<!tpu.dma_semaphore, #tpu.memory_space<semaphore_mem>>)
    %dma_start3A_88 = tpu.memref_slice %arg5[%add3A_83] : memref<163840xf32, #tpu.memory_space<hbm>> -> memref<5120xf32, #tpu.memory_space<hbm>>
    %dma_start3A_89 = tpu.memref_slice %arg5[%add3A_83] : memref<163840xf32, #tpu.memory_space<hbm>> -> memref<5120xf32, #tpu.memory_space<hbm>>
    tpu.enqueue_dma source(%dma_start3A_89 : memref<5120xf32, #tpu.memory_space<hbm>>) target(%arg9 : memref<5120xf32, #tpu.memory_space<vmem>>) target_semaphore(%arg16 : memref<!tpu.dma_semaphore, #tpu.memory_space<semaphore_mem>>)
    %dma_wait3A_90 = tpu.memref_slice %arg3[%add3A_65] : memref<163840xi32, #tpu.memory_space<hbm>> -> memref<5120xi32, #tpu.memory_space<hbm>>
    %dma_wait3A_91 = tpu.memref_slice %arg3[%add3A_65] : memref<163840xi32, #tpu.memory_space<hbm>> -> memref<5120xi32, #tpu.memory_space<hbm>>
    tpu.wait_dma2 semaphore(%arg17 : memref<!tpu.dma_semaphore, #tpu.memory_space<semaphore_mem>>) src(%dma_wait3A_91 : memref<5120xi32, #tpu.memory_space<hbm>>) dst(%arg10 : memref<5120xi32, #tpu.memory_space<vmem>>)
    %dma_wait3A_92 = tpu.memref_slice %arg4[%add3A_65] : memref<163840xi32, #tpu.memory_space<hbm>> -> memref<5120xi32, #tpu.memory_space<hbm>>
    %dma_wait3A_93 = tpu.memref_slice %arg4[%add3A_65] : memref<163840xi32, #tpu.memory_space<hbm>> -> memref<5120xi32, #tpu.memory_space<hbm>>
    tpu.wait_dma2 semaphore(%arg17 : memref<!tpu.dma_semaphore, #tpu.memory_space<semaphore_mem>>) src(%dma_wait3A_93 : memref<5120xi32, #tpu.memory_space<hbm>>) dst(%arg11 : memref<5120xi32, #tpu.memory_space<vmem>>)
    %dma_wait3A_94 = tpu.memref_slice %arg5[%add3A_65] : memref<163840xf32, #tpu.memory_space<hbm>> -> memref<5120xf32, #tpu.memory_space<hbm>>
    %dma_wait3A_95 = tpu.memref_slice %arg5[%add3A_65] : memref<163840xf32, #tpu.memory_space<hbm>> -> memref<5120xf32, #tpu.memory_space<hbm>>
    tpu.wait_dma2 semaphore(%arg17 : memref<!tpu.dma_semaphore, #tpu.memory_space<semaphore_mem>>) src(%dma_wait3A_95 : memref<5120xf32, #tpu.memory_space<hbm>>) dst(%arg12 : memref<5120xf32, #tpu.memory_space<vmem>>)
    %parallel_loop3A_96 = arith.constant 0 : i32
    %parallel_loop3A_97 = arith.constant 320 : i32
    %parallel_loop3A_98 = arith.constant 1 : i32
    scf.for %parallel_loop3A_130 = %parallel_loop3A_96 to %parallel_loop3A_97 step %parallel_loop3A_98  : i32 {
      %parallel_loop3A_131 = arith.constant 16 : i32
      %parallel_loop3A_132 = arith.muli %parallel_loop3A_130, %parallel_loop3A_131 : i32
      %parallel_loop3A_133 = arith.index_cast %parallel_loop3A_132 : i32 to index
      %parallel_loop3A_134 = tpu.vector_load %arg10[%parallel_loop3A_133] {strides = array<i32>} : memref<5120xi32, #tpu.memory_space<vmem>>, vector<16xi32>,
      %parallel_loop3A_135 = arith.index_cast %parallel_loop3A_132 : i32 to index
      %parallel_loop3A_136 = tpu.vector_load %arg11[%parallel_loop3A_135] {strides = array<i32>} : memref<5120xi32, #tpu.memory_space<vmem>>, vector<16xi32>,
      %parallel_loop3A_137 = arith.index_cast %parallel_loop3A_132 : i32 to index
      %parallel_loop3A_138 = tpu.vector_load %arg12[%parallel_loop3A_137] {strides = array<i32>} : memref<5120xf32, #tpu.memory_space<vmem>>, vector<16xf32>,
      %parallel_loop3A_139 = arith.addi %parallel_loop3A_134, %broadcast_in_dim3A_55 : vector<16xi32>
      %parallel_loop3A_140 = tpu.vector_load_idx %arg13[%parallel_loop3A_139] : memref<40960xf32, #tpu.memory_space<vmem>>[vector<16xi32>], vector<16xf32>,
      %parallel_loop3A_141 = arith.mulf %parallel_loop3A_140, %parallel_loop3A_138 : vector<16xf32>
      %parallel_loop3A_142 = arith.addi %parallel_loop3A_136, %broadcast_in_dim3A_55 : vector<16xi32>
      tpu.vector_store_idx %arg14[%parallel_loop3A_142], %parallel_loop3A_141 {add = true} : memref<40960xf32, #tpu.memory_space<vmem>>[vector<16xi32>], vector<16xf32>,
      %parallel_loop3A_143 = arith.addi %parallel_loop3A_134, %broadcast_in_dim3A_57 : vector<16xi32>
      %parallel_loop3A_144 = tpu.vector_load_idx %arg13[%parallel_loop3A_143] : memref<40960xf32, #tpu.memory_space<vmem>>[vector<16xi32>], vector<16xf32>,
      %parallel_loop3A_145 = arith.mulf %parallel_loop3A_144, %parallel_loop3A_138 : vector<16xf32>
      %parallel_loop3A_146 = arith.addi %parallel_loop3A_136, %broadcast_in_dim3A_57 : vector<16xi32>
      tpu.vector_store_idx %arg14[%parallel_loop3A_146], %parallel_loop3A_145 {add = true} : memref<40960xf32, #tpu.memory_space<vmem>>[vector<16xi32>], vector<16xf32>,
      %parallel_loop3A_147 = arith.addi %parallel_loop3A_134, %broadcast_in_dim3A_59 : vector<16xi32>
      %parallel_loop3A_148 = tpu.vector_load_idx %arg13[%parallel_loop3A_147] : memref<40960xf32, #tpu.memory_space<vmem>>[vector<16xi32>], vector<16xf32>,
      %parallel_loop3A_149 = arith.mulf %parallel_loop3A_148, %parallel_loop3A_138 : vector<16xf32>
      %parallel_loop3A_150 = arith.addi %parallel_loop3A_136, %broadcast_in_dim3A_59 : vector<16xi32>
      tpu.vector_store_idx %arg14[%parallel_loop3A_150], %parallel_loop3A_149 {add = true} : memref<40960xf32, #tpu.memory_space<vmem>>[vector<16xi32>], vector<16xf32>,
      %parallel_loop3A_151 = arith.addi %parallel_loop3A_134, %broadcast_in_dim3A_61 : vector<16xi32>
      %parallel_loop3A_152 = tpu.vector_load_idx %arg13[%parallel_loop3A_151] : memref<40960xf32, #tpu.memory_space<vmem>>[vector<16xi32>], vector<16xf32>,
      %parallel_loop3A_153 = arith.mulf %parallel_loop3A_152, %parallel_loop3A_138 : vector<16xf32>
      %parallel_loop3A_154 = arith.addi %parallel_loop3A_136, %broadcast_in_dim3A_61 : vector<16xi32>
      tpu.vector_store_idx %arg14[%parallel_loop3A_154], %parallel_loop3A_153 {add = true} : memref<40960xf32, #tpu.memory_space<vmem>>[vector<16xi32>], vector<16xf32>,
    } {sc.loop_unroll_factor = 8 : i64, sc.parallel_access}
    %mul3A_99 = arith.constant 20480 : i32
    %mul3A_100 = arith.muli %add3A_30, %mul3A_99 : i32
    %add3A_101 = arith.constant 15360 : i32
    %add3A_102 = arith.addi %mul3A_100, %add3A_101 : i32
    %dma_start3A_103 = tpu.memref_slice %arg3[%add3A_102] : memref<163840xi32, #tpu.memory_space<hbm>> -> memref<5120xi32, #tpu.memory_space<hbm>>
    %dma_start3A_104 = tpu.memref_slice %arg3[%add3A_102] : memref<163840xi32, #tpu.memory_space<hbm>> -> memref<5120xi32, #tpu.memory_space<hbm>>
    tpu.enqueue_dma source(%dma_start3A_104 : memref<5120xi32, #tpu.memory_space<hbm>>) target(%arg10 : memref<5120xi32, #tpu.memory_space<vmem>>) target_semaphore(%arg17 : memref<!tpu.dma_semaphore, #tpu.memory_space<semaphore_mem>>)
    %dma_start3A_105 = tpu.memref_slice %arg4[%add3A_102] : memref<163840xi32, #tpu.memory_space<hbm>> -> memref<5120xi32, #tpu.memory_space<hbm>>
    %dma_start3A_106 = tpu.memref_slice %arg4[%add3A_102] : memref<163840xi32, #tpu.memory_space<hbm>> -> memref<5120xi32, #tpu.memory_space<hbm>>
    tpu.enqueue_dma source(%dma_start3A_106 : memref<5120xi32, #tpu.memory_space<hbm>>) target(%arg11 : memref<5120xi32, #tpu.memory_space<vmem>>) target_semaphore(%arg17 : memref<!tpu.dma_semaphore, #tpu.memory_space<semaphore_mem>>)
    %dma_start3A_107 = tpu.memref_slice %arg5[%add3A_102] : memref<163840xf32, #tpu.memory_space<hbm>> -> memref<5120xf32, #tpu.memory_space<hbm>>
    %dma_start3A_108 = tpu.memref_slice %arg5[%add3A_102] : memref<163840xf32, #tpu.memory_space<hbm>> -> memref<5120xf32, #tpu.memory_space<hbm>>
    tpu.enqueue_dma source(%dma_start3A_108 : memref<5120xf32, #tpu.memory_space<hbm>>) target(%arg12 : memref<5120xf32, #tpu.memory_space<vmem>>) target_semaphore(%arg17 : memref<!tpu.dma_semaphore, #tpu.memory_space<semaphore_mem>>)
    %dma_wait3A_109 = tpu.memref_slice %arg3[%add3A_83] : memref<163840xi32, #tpu.memory_space<hbm>> -> memref<5120xi32, #tpu.memory_space<hbm>>
    %dma_wait3A_110 = tpu.memref_slice %arg3[%add3A_83] : memref<163840xi32, #tpu.memory_space<hbm>> -> memref<5120xi32, #tpu.memory_space<hbm>>
    tpu.wait_dma2 semaphore(%arg16 : memref<!tpu.dma_semaphore, #tpu.memory_space<semaphore_mem>>) src(%dma_wait3A_110 : memref<5120xi32, #tpu.memory_space<hbm>>) dst(%arg7 : memref<5120xi32, #tpu.memory_space<vmem>>)
    %dma_wait3A_111 = tpu.memref_slice %arg4[%add3A_83] : memref<163840xi32, #tpu.memory_space<hbm>> -> memref<5120xi32, #tpu.memory_space<hbm>>
    %dma_wait3A_112 = tpu.memref_slice %arg4[%add3A_83] : memref<163840xi32, #tpu.memory_space<hbm>> -> memref<5120xi32, #tpu.memory_space<hbm>>
    tpu.wait_dma2 semaphore(%arg16 : memref<!tpu.dma_semaphore, #tpu.memory_space<semaphore_mem>>) src(%dma_wait3A_112 : memref<5120xi32, #tpu.memory_space<hbm>>) dst(%arg8 : memref<5120xi32, #tpu.memory_space<vmem>>)
    %dma_wait3A_113 = tpu.memref_slice %arg5[%add3A_83] : memref<163840xf32, #tpu.memory_space<hbm>> -> memref<5120xf32, #tpu.memory_space<hbm>>
    %dma_wait3A_114 = tpu.memref_slice %arg5[%add3A_83] : memref<163840xf32, #tpu.memory_space<hbm>> -> memref<5120xf32, #tpu.memory_space<hbm>>
    tpu.wait_dma2 semaphore(%arg16 : memref<!tpu.dma_semaphore, #tpu.memory_space<semaphore_mem>>) src(%dma_wait3A_114 : memref<5120xf32, #tpu.memory_space<hbm>>) dst(%arg9 : memref<5120xf32, #tpu.memory_space<vmem>>)
    %parallel_loop3A_115 = arith.constant 0 : i32
    %parallel_loop3A_116 = arith.constant 320 : i32
    %parallel_loop3A_117 = arith.constant 1 : i32
    scf.for %parallel_loop3A_130 = %parallel_loop3A_115 to %parallel_loop3A_116 step %parallel_loop3A_117  : i32 {
      %parallel_loop3A_131 = arith.constant 16 : i32
      %parallel_loop3A_132 = arith.muli %parallel_loop3A_130, %parallel_loop3A_131 : i32
      %parallel_loop3A_133 = arith.index_cast %parallel_loop3A_132 : i32 to index
      %parallel_loop3A_134 = tpu.vector_load %arg7[%parallel_loop3A_133] {strides = array<i32>} : memref<5120xi32, #tpu.memory_space<vmem>>, vector<16xi32>,
      %parallel_loop3A_135 = arith.index_cast %parallel_loop3A_132 : i32 to index
      %parallel_loop3A_136 = tpu.vector_load %arg8[%parallel_loop3A_135] {strides = array<i32>} : memref<5120xi32, #tpu.memory_space<vmem>>, vector<16xi32>,
      %parallel_loop3A_137 = arith.index_cast %parallel_loop3A_132 : i32 to index
      %parallel_loop3A_138 = tpu.vector_load %arg9[%parallel_loop3A_137] {strides = array<i32>} : memref<5120xf32, #tpu.memory_space<vmem>>, vector<16xf32>,
      %parallel_loop3A_139 = arith.addi %parallel_loop3A_134, %broadcast_in_dim3A_55 : vector<16xi32>
      %parallel_loop3A_140 = tpu.vector_load_idx %arg13[%parallel_loop3A_139] : memref<40960xf32, #tpu.memory_space<vmem>>[vector<16xi32>], vector<16xf32>,
      %parallel_loop3A_141 = arith.mulf %parallel_loop3A_140, %parallel_loop3A_138 : vector<16xf32>
      %parallel_loop3A_142 = arith.addi %parallel_loop3A_136, %broadcast_in_dim3A_55 : vector<16xi32>
      tpu.vector_store_idx %arg14[%parallel_loop3A_142], %parallel_loop3A_141 {add = true} : memref<40960xf32, #tpu.memory_space<vmem>>[vector<16xi32>], vector<16xf32>,
      %parallel_loop3A_143 = arith.addi %parallel_loop3A_134, %broadcast_in_dim3A_57 : vector<16xi32>
      %parallel_loop3A_144 = tpu.vector_load_idx %arg13[%parallel_loop3A_143] : memref<40960xf32, #tpu.memory_space<vmem>>[vector<16xi32>], vector<16xf32>,
      %parallel_loop3A_145 = arith.mulf %parallel_loop3A_144, %parallel_loop3A_138 : vector<16xf32>
      %parallel_loop3A_146 = arith.addi %parallel_loop3A_136, %broadcast_in_dim3A_57 : vector<16xi32>
      tpu.vector_store_idx %arg14[%parallel_loop3A_146], %parallel_loop3A_145 {add = true} : memref<40960xf32, #tpu.memory_space<vmem>>[vector<16xi32>], vector<16xf32>,
      %parallel_loop3A_147 = arith.addi %parallel_loop3A_134, %broadcast_in_dim3A_59 : vector<16xi32>
      %parallel_loop3A_148 = tpu.vector_load_idx %arg13[%parallel_loop3A_147] : memref<40960xf32, #tpu.memory_space<vmem>>[vector<16xi32>], vector<16xf32>,
      %parallel_loop3A_149 = arith.mulf %parallel_loop3A_148, %parallel_loop3A_138 : vector<16xf32>
      %parallel_loop3A_150 = arith.addi %parallel_loop3A_136, %broadcast_in_dim3A_59 : vector<16xi32>
      tpu.vector_store_idx %arg14[%parallel_loop3A_150], %parallel_loop3A_149 {add = true} : memref<40960xf32, #tpu.memory_space<vmem>>[vector<16xi32>], vector<16xf32>,
      %parallel_loop3A_151 = arith.addi %parallel_loop3A_134, %broadcast_in_dim3A_61 : vector<16xi32>
      %parallel_loop3A_152 = tpu.vector_load_idx %arg13[%parallel_loop3A_151] : memref<40960xf32, #tpu.memory_space<vmem>>[vector<16xi32>], vector<16xf32>,
      %parallel_loop3A_153 = arith.mulf %parallel_loop3A_152, %parallel_loop3A_138 : vector<16xf32>
      %parallel_loop3A_154 = arith.addi %parallel_loop3A_136, %broadcast_in_dim3A_61 : vector<16xi32>
      tpu.vector_store_idx %arg14[%parallel_loop3A_154], %parallel_loop3A_153 {add = true} : memref<40960xf32, #tpu.memory_space<vmem>>[vector<16xi32>], vector<16xf32>,
    } {sc.loop_unroll_factor = 8 : i64, sc.parallel_access}
    %dma_wait3A_118 = tpu.memref_slice %arg3[%add3A_102] : memref<163840xi32, #tpu.memory_space<hbm>> -> memref<5120xi32, #tpu.memory_space<hbm>>
    %dma_wait3A_119 = tpu.memref_slice %arg3[%add3A_102] : memref<163840xi32, #tpu.memory_space<hbm>> -> memref<5120xi32, #tpu.memory_space<hbm>>
    tpu.wait_dma2 semaphore(%arg17 : memref<!tpu.dma_semaphore, #tpu.memory_space<semaphore_mem>>) src(%dma_wait3A_119 : memref<5120xi32, #tpu.memory_space<hbm>>) dst(%arg10 : memref<5120xi32, #tpu.memory_space<vmem>>)
    %dma_wait3A_120 = tpu.memref_slice %arg4[%add3A_102] : memref<163840xi32, #tpu.memory_space<hbm>> -> memref<5120xi32, #tpu.memory_space<hbm>>
    %dma_wait3A_121 = tpu.memref_slice %arg4[%add3A_102] : memref<163840xi32, #tpu.memory_space<hbm>> -> memref<5120xi32, #tpu.memory_space<hbm>>
    tpu.wait_dma2 semaphore(%arg17 : memref<!tpu.dma_semaphore, #tpu.memory_space<semaphore_mem>>) src(%dma_wait3A_121 : memref<5120xi32, #tpu.memory_space<hbm>>) dst(%arg11 : memref<5120xi32, #tpu.memory_space<vmem>>)
    %dma_wait3A_122 = tpu.memref_slice %arg5[%add3A_102] : memref<163840xf32, #tpu.memory_space<hbm>> -> memref<5120xf32, #tpu.memory_space<hbm>>
    %dma_wait3A_123 = tpu.memref_slice %arg5[%add3A_102] : memref<163840xf32, #tpu.memory_space<hbm>> -> memref<5120xf32, #tpu.memory_space<hbm>>
    tpu.wait_dma2 semaphore(%arg17 : memref<!tpu.dma_semaphore, #tpu.memory_space<semaphore_mem>>) src(%dma_wait3A_123 : memref<5120xf32, #tpu.memory_space<hbm>>) dst(%arg12 : memref<5120xf32, #tpu.memory_space<vmem>>)
    %parallel_loop3A_124 = arith.constant 0 : i32
    %parallel_loop3A_125 = arith.constant 320 : i32
    %parallel_loop3A_126 = arith.constant 1 : i32
    scf.for %parallel_loop3A_130 = %parallel_loop3A_124 to %parallel_loop3A_125 step %parallel_loop3A_126  : i32 {
      %parallel_loop3A_131 = arith.constant 16 : i32
      %parallel_loop3A_132 = arith.muli %parallel_loop3A_130, %parallel_loop3A_131 : i32
      %parallel_loop3A_133 = arith.index_cast %parallel_loop3A_132 : i32 to index
      %parallel_loop3A_134 = tpu.vector_load %arg10[%parallel_loop3A_133] {strides = array<i32>} : memref<5120xi32, #tpu.memory_space<vmem>>, vector<16xi32>,
      %parallel_loop3A_135 = arith.index_cast %parallel_loop3A_132 : i32 to index
      %parallel_loop3A_136 = tpu.vector_load %arg11[%parallel_loop3A_135] {strides = array<i32>} : memref<5120xi32, #tpu.memory_space<vmem>>, vector<16xi32>,
      %parallel_loop3A_137 = arith.index_cast %parallel_loop3A_132 : i32 to index
      %parallel_loop3A_138 = tpu.vector_load %arg12[%parallel_loop3A_137] {strides = array<i32>} : memref<5120xf32, #tpu.memory_space<vmem>>, vector<16xf32>,
      %parallel_loop3A_139 = arith.addi %parallel_loop3A_134, %broadcast_in_dim3A_55 : vector<16xi32>
      %parallel_loop3A_140 = tpu.vector_load_idx %arg13[%parallel_loop3A_139] : memref<40960xf32, #tpu.memory_space<vmem>>[vector<16xi32>], vector<16xf32>,
      %parallel_loop3A_141 = arith.mulf %parallel_loop3A_140, %parallel_loop3A_138 : vector<16xf32>
      %parallel_loop3A_142 = arith.addi %parallel_loop3A_136, %broadcast_in_dim3A_55 : vector<16xi32>
      tpu.vector_store_idx %arg14[%parallel_loop3A_142], %parallel_loop3A_141 {add = true} : memref<40960xf32, #tpu.memory_space<vmem>>[vector<16xi32>], vector<16xf32>,
      %parallel_loop3A_143 = arith.addi %parallel_loop3A_134, %broadcast_in_dim3A_57 : vector<16xi32>
      %parallel_loop3A_144 = tpu.vector_load_idx %arg13[%parallel_loop3A_143] : memref<40960xf32, #tpu.memory_space<vmem>>[vector<16xi32>], vector<16xf32>,
      %parallel_loop3A_145 = arith.mulf %parallel_loop3A_144, %parallel_loop3A_138 : vector<16xf32>
      %parallel_loop3A_146 = arith.addi %parallel_loop3A_136, %broadcast_in_dim3A_57 : vector<16xi32>
      tpu.vector_store_idx %arg14[%parallel_loop3A_146], %parallel_loop3A_145 {add = true} : memref<40960xf32, #tpu.memory_space<vmem>>[vector<16xi32>], vector<16xf32>,
      %parallel_loop3A_147 = arith.addi %parallel_loop3A_134, %broadcast_in_dim3A_59 : vector<16xi32>
      %parallel_loop3A_148 = tpu.vector_load_idx %arg13[%parallel_loop3A_147] : memref<40960xf32, #tpu.memory_space<vmem>>[vector<16xi32>], vector<16xf32>,
      %parallel_loop3A_149 = arith.mulf %parallel_loop3A_148, %parallel_loop3A_138 : vector<16xf32>
      %parallel_loop3A_150 = arith.addi %parallel_loop3A_136, %broadcast_in_dim3A_59 : vector<16xi32>
      tpu.vector_store_idx %arg14[%parallel_loop3A_150], %parallel_loop3A_149 {add = true} : memref<40960xf32, #tpu.memory_space<vmem>>[vector<16xi32>], vector<16xf32>,
      %parallel_loop3A_151 = arith.addi %parallel_loop3A_134, %broadcast_in_dim3A_61 : vector<16xi32>
      %parallel_loop3A_152 = tpu.vector_load_idx %arg13[%parallel_loop3A_151] : memref<40960xf32, #tpu.memory_space<vmem>>[vector<16xi32>], vector<16xf32>,
      %parallel_loop3A_153 = arith.mulf %parallel_loop3A_152, %parallel_loop3A_138 : vector<16xf32>
      %parallel_loop3A_154 = arith.addi %parallel_loop3A_136, %broadcast_in_dim3A_61 : vector<16xi32>
      tpu.vector_store_idx %arg14[%parallel_loop3A_154], %parallel_loop3A_153 {add = true} : memref<40960xf32, #tpu.memory_space<vmem>>[vector<16xi32>], vector<16xf32>,
    } {sc.loop_unroll_factor = 8 : i64, sc.parallel_access}
    %run_scoped3A = arith.constant 0 : i32
    "tpu.region"() ({
      %run_scoped3A_130 = tpu.sem_alloc : memref<!tpu.dma_semaphore, #tpu.memory_space<semaphore_mem>>
      %dma_start3A_131 = arith.constant 0 : i32
      %dma_start3A_132 = tpu.memref_slice %arg14[%dma_start3A_131] : memref<40960xf32, #tpu.memory_space<vmem>> -> memref<10240xf32, #tpu.memory_space<vmem>>
      %dma_start3A_133 = arith.constant 0 : i32
      %dma_start3A_134 = tpu.memref_slice %arg6[%add3A_33, %run_scoped3A, %dma_start3A_133] : memref<32x4x10240xf32, #tpu.memory_space<hbm>> -> memref<1x1x10240xf32, #tpu.memory_space<hbm>>
      %dma_start3A_135 = tpu.memref_squeeze %dma_start3A_134 : memref<1x1x10240xf32, #tpu.memory_space<hbm>> -> memref<10240xf32, #tpu.memory_space<hbm>>
      %dma_start3A_136 = arith.constant 0 : i32
      %dma_start3A_137 = tpu.memref_slice %arg6[%add3A_33, %run_scoped3A, %dma_start3A_136] : memref<32x4x10240xf32, #tpu.memory_space<hbm>> -> memref<1x1x10240xf32, #tpu.memory_space<hbm>>
      %dma_start3A_138 = tpu.memref_squeeze %dma_start3A_137 : memref<1x1x10240xf32, #tpu.memory_space<hbm>> -> memref<10240xf32, #tpu.memory_space<hbm>>
      %dma_start3A_139 = arith.constant 0 : i32
      %dma_start3A_140 = tpu.memref_slice %arg14[%dma_start3A_139] : memref<40960xf32, #tpu.memory_space<vmem>> -> memref<10240xf32, #tpu.memory_space<vmem>>
      tpu.enqueue_dma source(%dma_start3A_140 : memref<10240xf32, #tpu.memory_space<vmem>>) target(%dma_start3A_138 : memref<10240xf32, #tpu.memory_space<hbm>>) target_semaphore(%run_scoped3A_130 : memref<!tpu.dma_semaphore, #tpu.memory_space<semaphore_mem>>)
      %dma_wait3A_141 = arith.constant 0 : i32
      %dma_wait3A_142 = tpu.memref_slice %arg14[%dma_wait3A_141] : memref<40960xf32, #tpu.memory_space<vmem>> -> memref<10240xf32, #tpu.memory_space<vmem>>
      %dma_wait3A_143 = arith.constant 0 : i32
      %dma_wait3A_144 = tpu.memref_slice %arg6[%add3A_33, %run_scoped3A, %dma_wait3A_143] : memref<32x4x10240xf32, #tpu.memory_space<hbm>> -> memref<1x1x10240xf32, #tpu.memory_space<hbm>>
      %dma_wait3A_145 = tpu.memref_squeeze %dma_wait3A_144 : memref<1x1x10240xf32, #tpu.memory_space<hbm>> -> memref<10240xf32, #tpu.memory_space<hbm>>
      %dma_wait3A_146 = arith.constant 0 : i32
      %dma_wait3A_147 = tpu.memref_slice %arg6[%add3A_33, %run_scoped3A, %dma_wait3A_146] : memref<32x4x10240xf32, #tpu.memory_space<hbm>> -> memref<1x1x10240xf32, #tpu.memory_space<hbm>>
      %dma_wait3A_148 = tpu.memref_squeeze %dma_wait3A_147 : memref<1x1x10240xf32, #tpu.memory_space<hbm>> -> memref<10240xf32, #tpu.memory_space<hbm>>
      %dma_wait3A_149 = arith.constant 0 : i32
      %dma_wait3A_150 = tpu.memref_slice %arg14[%dma_wait3A_149] : memref<40960xf32, #tpu.memory_space<vmem>> -> memref<10240xf32, #tpu.memory_space<vmem>>
      tpu.wait_dma2 semaphore(%run_scoped3A_130 : memref<!tpu.dma_semaphore, #tpu.memory_space<semaphore_mem>>) src(%dma_wait3A_150 : memref<10240xf32, #tpu.memory_space<vmem>>) dst(%dma_wait3A_148 : memref<10240xf32, #tpu.memory_space<hbm>>)
      tpu.yield
    }) : () -> ()
    %run_scoped3A_127 = arith.constant 1 : i32
    "tpu.region"() ({
      %run_scoped3A_130 = tpu.sem_alloc : memref<!tpu.dma_semaphore, #tpu.memory_space<semaphore_mem>>
      %dma_start3A_131 = arith.constant 10240 : i32
      %dma_start3A_132 = tpu.memref_slice %arg14[%dma_start3A_131] : memref<40960xf32, #tpu.memory_space<vmem>> -> memref<10240xf32, #tpu.memory_space<vmem>>
      %dma_start3A_133 = arith.constant 0 : i32
      %dma_start3A_134 = tpu.memref_slice %arg6[%add3A_33, %run_scoped3A_127, %dma_start3A_133] : memref<32x4x10240xf32, #tpu.memory_space<hbm>> -> memref<1x1x10240xf32, #tpu.memory_space<hbm>>
      %dma_start3A_135 = tpu.memref_squeeze %dma_start3A_134 : memref<1x1x10240xf32, #tpu.memory_space<hbm>> -> memref<10240xf32, #tpu.memory_space<hbm>>
      %dma_start3A_136 = arith.constant 0 : i32
      %dma_start3A_137 = tpu.memref_slice %arg6[%add3A_33, %run_scoped3A_127, %dma_start3A_136] : memref<32x4x10240xf32, #tpu.memory_space<hbm>> -> memref<1x1x10240xf32, #tpu.memory_space<hbm>>
      %dma_start3A_138 = tpu.memref_squeeze %dma_start3A_137 : memref<1x1x10240xf32, #tpu.memory_space<hbm>> -> memref<10240xf32, #tpu.memory_space<hbm>>
      %dma_start3A_139 = arith.constant 10240 : i32
      %dma_start3A_140 = tpu.memref_slice %arg14[%dma_start3A_139] : memref<40960xf32, #tpu.memory_space<vmem>> -> memref<10240xf32, #tpu.memory_space<vmem>>
      tpu.enqueue_dma source(%dma_start3A_140 : memref<10240xf32, #tpu.memory_space<vmem>>) target(%dma_start3A_138 : memref<10240xf32, #tpu.memory_space<hbm>>) target_semaphore(%run_scoped3A_130 : memref<!tpu.dma_semaphore, #tpu.memory_space<semaphore_mem>>)
      %dma_wait3A_141 = arith.constant 10240 : i32
      %dma_wait3A_142 = tpu.memref_slice %arg14[%dma_wait3A_141] : memref<40960xf32, #tpu.memory_space<vmem>> -> memref<10240xf32, #tpu.memory_space<vmem>>
      %dma_wait3A_143 = arith.constant 0 : i32
      %dma_wait3A_144 = tpu.memref_slice %arg6[%add3A_33, %run_scoped3A_127, %dma_wait3A_143] : memref<32x4x10240xf32, #tpu.memory_space<hbm>> -> memref<1x1x10240xf32, #tpu.memory_space<hbm>>
      %dma_wait3A_145 = tpu.memref_squeeze %dma_wait3A_144 : memref<1x1x10240xf32, #tpu.memory_space<hbm>> -> memref<10240xf32, #tpu.memory_space<hbm>>
      %dma_wait3A_146 = arith.constant 0 : i32
      %dma_wait3A_147 = tpu.memref_slice %arg6[%add3A_33, %run_scoped3A_127, %dma_wait3A_146] : memref<32x4x10240xf32, #tpu.memory_space<hbm>> -> memref<1x1x10240xf32, #tpu.memory_space<hbm>>
      %dma_wait3A_148 = tpu.memref_squeeze %dma_wait3A_147 : memref<1x1x10240xf32, #tpu.memory_space<hbm>> -> memref<10240xf32, #tpu.memory_space<hbm>>
      %dma_wait3A_149 = arith.constant 10240 : i32
      %dma_wait3A_150 = tpu.memref_slice %arg14[%dma_wait3A_149] : memref<40960xf32, #tpu.memory_space<vmem>> -> memref<10240xf32, #tpu.memory_space<vmem>>
      tpu.wait_dma2 semaphore(%run_scoped3A_130 : memref<!tpu.dma_semaphore, #tpu.memory_space<semaphore_mem>>) src(%dma_wait3A_150 : memref<10240xf32, #tpu.memory_space<vmem>>) dst(%dma_wait3A_148 : memref<10240xf32, #tpu.memory_space<hbm>>)
      tpu.yield
    }) : () -> ()
    %run_scoped3A_128 = arith.constant 2 : i32
    "tpu.region"() ({
      %run_scoped3A_130 = tpu.sem_alloc : memref<!tpu.dma_semaphore, #tpu.memory_space<semaphore_mem>>
      %dma_start3A_131 = arith.constant 20480 : i32
      %dma_start3A_132 = tpu.memref_slice %arg14[%dma_start3A_131] : memref<40960xf32, #tpu.memory_space<vmem>> -> memref<10240xf32, #tpu.memory_space<vmem>>
      %dma_start3A_133 = arith.constant 0 : i32
      %dma_start3A_134 = tpu.memref_slice %arg6[%add3A_33, %run_scoped3A_128, %dma_start3A_133] : memref<32x4x10240xf32, #tpu.memory_space<hbm>> -> memref<1x1x10240xf32, #tpu.memory_space<hbm>>
      %dma_start3A_135 = tpu.memref_squeeze %dma_start3A_134 : memref<1x1x10240xf32, #tpu.memory_space<hbm>> -> memref<10240xf32, #tpu.memory_space<hbm>>
      %dma_start3A_136 = arith.constant 0 : i32
      %dma_start3A_137 = tpu.memref_slice %arg6[%add3A_33, %run_scoped3A_128, %dma_start3A_136] : memref<32x4x10240xf32, #tpu.memory_space<hbm>> -> memref<1x1x10240xf32, #tpu.memory_space<hbm>>
      %dma_start3A_138 = tpu.memref_squeeze %dma_start3A_137 : memref<1x1x10240xf32, #tpu.memory_space<hbm>> -> memref<10240xf32, #tpu.memory_space<hbm>>
      %dma_start3A_139 = arith.constant 20480 : i32
      %dma_start3A_140 = tpu.memref_slice %arg14[%dma_start3A_139] : memref<40960xf32, #tpu.memory_space<vmem>> -> memref<10240xf32, #tpu.memory_space<vmem>>
      tpu.enqueue_dma source(%dma_start3A_140 : memref<10240xf32, #tpu.memory_space<vmem>>) target(%dma_start3A_138 : memref<10240xf32, #tpu.memory_space<hbm>>) target_semaphore(%run_scoped3A_130 : memref<!tpu.dma_semaphore, #tpu.memory_space<semaphore_mem>>)
      %dma_wait3A_141 = arith.constant 20480 : i32
      %dma_wait3A_142 = tpu.memref_slice %arg14[%dma_wait3A_141] : memref<40960xf32, #tpu.memory_space<vmem>> -> memref<10240xf32, #tpu.memory_space<vmem>>
      %dma_wait3A_143 = arith.constant 0 : i32
      %dma_wait3A_144 = tpu.memref_slice %arg6[%add3A_33, %run_scoped3A_128, %dma_wait3A_143] : memref<32x4x10240xf32, #tpu.memory_space<hbm>> -> memref<1x1x10240xf32, #tpu.memory_space<hbm>>
      %dma_wait3A_145 = tpu.memref_squeeze %dma_wait3A_144 : memref<1x1x10240xf32, #tpu.memory_space<hbm>> -> memref<10240xf32, #tpu.memory_space<hbm>>
      %dma_wait3A_146 = arith.constant 0 : i32
      %dma_wait3A_147 = tpu.memref_slice %arg6[%add3A_33, %run_scoped3A_128, %dma_wait3A_146] : memref<32x4x10240xf32, #tpu.memory_space<hbm>> -> memref<1x1x10240xf32, #tpu.memory_space<hbm>>
      %dma_wait3A_148 = tpu.memref_squeeze %dma_wait3A_147 : memref<1x1x10240xf32, #tpu.memory_space<hbm>> -> memref<10240xf32, #tpu.memory_space<hbm>>
      %dma_wait3A_149 = arith.constant 20480 : i32
      %dma_wait3A_150 = tpu.memref_slice %arg14[%dma_wait3A_149] : memref<40960xf32, #tpu.memory_space<vmem>> -> memref<10240xf32, #tpu.memory_space<vmem>>
      tpu.wait_dma2 semaphore(%run_scoped3A_130 : memref<!tpu.dma_semaphore, #tpu.memory_space<semaphore_mem>>) src(%dma_wait3A_150 : memref<10240xf32, #tpu.memory_space<vmem>>) dst(%dma_wait3A_148 : memref<10240xf32, #tpu.memory_space<hbm>>)
      tpu.yield
    }) : () -> ()
    %run_scoped3A_129 = arith.constant 3 : i32
    "tpu.region"() ({
      %run_scoped3A_130 = tpu.sem_alloc : memref<!tpu.dma_semaphore, #tpu.memory_space<semaphore_mem>>
      %dma_start3A_131 = arith.constant 30720 : i32
      %dma_start3A_132 = tpu.memref_slice %arg14[%dma_start3A_131] : memref<40960xf32, #tpu.memory_space<vmem>> -> memref<10240xf32, #tpu.memory_space<vmem>>
      %dma_start3A_133 = arith.constant 0 : i32
      %dma_start3A_134 = tpu.memref_slice %arg6[%add3A_33, %run_scoped3A_129, %dma_start3A_133] : memref<32x4x10240xf32, #tpu.memory_space<hbm>> -> memref<1x1x10240xf32, #tpu.memory_space<hbm>>
      %dma_start3A_135 = tpu.memref_squeeze %dma_start3A_134 : memref<1x1x10240xf32, #tpu.memory_space<hbm>> -> memref<10240xf32, #tpu.memory_space<hbm>>
      %dma_start3A_136 = arith.constant 0 : i32
      %dma_start3A_137 = tpu.memref_slice %arg6[%add3A_33, %run_scoped3A_129, %dma_start3A_136] : memref<32x4x10240xf32, #tpu.memory_space<hbm>> -> memref<1x1x10240xf32, #tpu.memory_space<hbm>>
      %dma_start3A_138 = tpu.memref_squeeze %dma_start3A_137 : memref<1x1x10240xf32, #tpu.memory_space<hbm>> -> memref<10240xf32, #tpu.memory_space<hbm>>
      %dma_start3A_139 = arith.constant 30720 : i32
      %dma_start3A_140 = tpu.memref_slice %arg14[%dma_start3A_139] : memref<40960xf32, #tpu.memory_space<vmem>> -> memref<10240xf32, #tpu.memory_space<vmem>>
      tpu.enqueue_dma source(%dma_start3A_140 : memref<10240xf32, #tpu.memory_space<vmem>>) target(%dma_start3A_138 : memref<10240xf32, #tpu.memory_space<hbm>>) target_semaphore(%run_scoped3A_130 : memref<!tpu.dma_semaphore, #tpu.memory_space<semaphore_mem>>)
      %dma_wait3A_141 = arith.constant 30720 : i32
      %dma_wait3A_142 = tpu.memref_slice %arg14[%dma_wait3A_141] : memref<40960xf32, #tpu.memory_space<vmem>> -> memref<10240xf32, #tpu.memory_space<vmem>>
      %dma_wait3A_143 = arith.constant 0 : i32
      %dma_wait3A_144 = tpu.memref_slice %arg6[%add3A_33, %run_scoped3A_129, %dma_wait3A_143] : memref<32x4x10240xf32, #tpu.memory_space<hbm>> -> memref<1x1x10240xf32, #tpu.memory_space<hbm>>
      %dma_wait3A_145 = tpu.memref_squeeze %dma_wait3A_144 : memref<1x1x10240xf32, #tpu.memory_space<hbm>> -> memref<10240xf32, #tpu.memory_space<hbm>>
      %dma_wait3A_146 = arith.constant 0 : i32
      %dma_wait3A_147 = tpu.memref_slice %arg6[%add3A_33, %run_scoped3A_129, %dma_wait3A_146] : memref<32x4x10240xf32, #tpu.memory_space<hbm>> -> memref<1x1x10240xf32, #tpu.memory_space<hbm>>
      %dma_wait3A_148 = tpu.memref_squeeze %dma_wait3A_147 : memref<1x1x10240xf32, #tpu.memory_space<hbm>> -> memref<10240xf32, #tpu.memory_space<hbm>>
      %dma_wait3A_149 = arith.constant 30720 : i32
      %dma_wait3A_150 = tpu.memref_slice %arg14[%dma_wait3A_149] : memref<40960xf32, #tpu.memory_space<vmem>> -> memref<10240xf32, #tpu.memory_space<vmem>>
      tpu.wait_dma2 semaphore(%run_scoped3A_130 : memref<!tpu.dma_semaphore, #tpu.memory_space<semaphore_mem>>) src(%dma_wait3A_150 : memref<10240xf32, #tpu.memory_space<vmem>>) dst(%dma_wait3A_148 : memref<10240xf32, #tpu.memory_space<hbm>>)
      tpu.yield
    }) : () -> ()
    return
  }
}

#map = affine_map<(d0, d1) -> (0)>
#map1 = affine_map<(d0, d1) -> (0, 0, 0)>
module attributes {stable_mosaic.version = 14 : i64} {
  func.func @_spmm_body(%arg0: i32, %arg1: i32, %arg2: memref<163840xf32, #tpu.memory_space<hbm>>, %arg3: memref<163840xi32, #tpu.memory_space<hbm>>, %arg4: memref<163840xi32, #tpu.memory_space<hbm>>, %arg5: memref<163840xf32, #tpu.memory_space<hbm>>, %arg6: memref<32x4x10240xf32, #tpu.memory_space<hbm>>, %arg7: memref<5120xi32, #tpu.memory_space<vmem>>, %arg8: memref<5120xi32, #tpu.memory_space<vmem>>, %arg9: memref<5120xf32, #tpu.memory_space<vmem>>, %arg10: memref<5120xi32, #tpu.memory_space<vmem>>, %arg11: memref<5120xi32, #tpu.memory_space<vmem>>, %arg12: memref<5120xf32, #tpu.memory_space<vmem>>, %arg13: memref<40960xf32, #tpu.memory_space<vmem>>, %arg14: memref<40960xf32, #tpu.memory_space<vmem>>, %arg15: memref<!tpu.dma_semaphore, #tpu.memory_space<semaphore_mem>>, %arg16: memref<!tpu.dma_semaphore, #tpu.memory_space<semaphore_mem>>, %arg17: memref<!tpu.dma_semaphore, #tpu.memory_space<semaphore_mem>>) attributes {dimension_semantics = [#tpu.dimension_semantics<core_parallel>, #tpu.dimension_semantics<subcore_parallel>], iteration_bounds = array<i64: 2, 16>, scalar_prefetch = 0 : i64, scratch_operands = 11 : i64, tpu.core_type = #tpu.core_type<sc_vector_subcore>, window_params = [{transform_indices = #map}, {transform_indices = #map}, {transform_indices = #map}, {transform_indices = #map}, {transform_indices = #map1}]} {
    %jit3A = arith.constant 4 : i32
    %eq3A = arith.constant 0 : i32
    %eq3A_0 = arith.cmpi eq, %jit3A, %eq3A : i32
    %jit3A_1 = arith.constant 1 : i32
    %select_n3A = arith.select %eq3A_0, %jit3A_1, %jit3A : i32
    %rem3A = arith.remsi %arg1, %select_n3A : i32
    %ne3A = arith.constant 0 : i32
    %ne3A_2 = arith.cmpi ne, %rem3A, %ne3A : i32
    %lt3A = arith.constant 0 : i32
    %lt3A_3 = arith.cmpi slt, %rem3A, %lt3A : i32
    %lt3A_4 = arith.constant 0 : i32
    %lt3A_5 = arith.cmpi slt, %select_n3A, %lt3A_4 : i32
    %ne3A_6 = arith.xori %lt3A_3, %lt3A_5 : i1
    %and3A = arith.andi %ne3A_6, %ne3A_2 : i1
    %add3A = arith.addi %rem3A, %select_n3A : i32
    %select_n3A_7 = arith.select %and3A, %add3A, %rem3A : i32
    %mul3A = arith.constant 4 : i32
    %mul3A_8 = arith.muli %arg0, %mul3A : i32
    %jit3A_9 = arith.constant 4 : i32
    %div3A = arith.divsi %arg1, %jit3A_9 : i32
    %sign3A = arith.constant 0 : i32
    %sign3A_10 = arith.cmpi sgt, %arg1, %sign3A : i32
    %sign3A_11 = arith.extui %sign3A_10 : i1 to i32
    %sign3A_12 = arith.constant 0 : i32
    %sign3A_13 = arith.cmpi slt, %arg1, %sign3A_12 : i32
    %sign3A_14 = arith.extui %sign3A_13 : i1 to i32
    %sign3A_15 = arith.subi %sign3A_11, %sign3A_14 : i32
    %sign3A_16 = arith.constant 0 : i32
    %sign3A_17 = arith.cmpi sgt, %jit3A_9, %sign3A_16 : i32
    %sign3A_18 = arith.extui %sign3A_17 : i1 to i32
    %sign3A_19 = arith.constant 0 : i32
    %sign3A_20 = arith.cmpi slt, %jit3A_9, %sign3A_19 : i32
    %sign3A_21 = arith.extui %sign3A_20 : i1 to i32
    %sign3A_22 = arith.subi %sign3A_18, %sign3A_21 : i32
    %ne3A_23 = arith.cmpi ne, %sign3A_15, %sign3A_22 : i32
    %rem3A_24 = arith.remsi %arg1, %jit3A_9 : i32
    %ne3A_25 = arith.constant 0 : i32
    %ne3A_26 = arith.cmpi ne, %rem3A_24, %ne3A_25 : i32
    %and3A_27 = arith.andi %ne3A_23, %ne3A_26 : i1
    %sub3A = arith.constant 1 : i32
    %sub3A_28 = arith.subi %div3A, %sub3A : i32
    %select_n3A_29 = arith.select %and3A_27, %sub3A_28, %div3A : i32
    %add3A_30 = arith.addi %mul3A_8, %select_n3A_29 : i32
    %mul3A_31 = arith.constant 16 : i32
    %mul3A_32 = arith.muli %arg0, %mul3A_31 : i32
    %add3A_33 = arith.addi %mul3A_32, %arg1 : i32
    %mul3A_34 = arith.constant 40960 : i32
    %mul3A_35 = arith.muli %select_n3A_7, %mul3A_34 : i32
    %dma_start3A = tpu.memref_slice %arg2[%mul3A_35] : memref<163840xf32, #tpu.memory_space<hbm>> -> memref<40960xf32, #tpu.memory_space<hbm>>
    %dma_start3A_36 = tpu.memref_slice %arg2[%mul3A_35] : memref<163840xf32, #tpu.memory_space<hbm>> -> memref<40960xf32, #tpu.memory_space<hbm>>
    tpu.enqueue_dma source(%dma_start3A_36 : memref<40960xf32, #tpu.memory_space<hbm>>) target(%arg13 : memref<40960xf32, #tpu.memory_space<vmem>>) target_semaphore(%arg15 : memref<!tpu.dma_semaphore, #tpu.memory_space<semaphore_mem>>)
    %mul3A_37 = arith.constant 20480 : i32
    %mul3A_38 = arith.muli %add3A_30, %mul3A_37 : i32
    %add3A_39 = arith.constant 0 : i32
    %add3A_40 = arith.addi %mul3A_38, %add3A_39 : i32
    %dma_start3A_41 = tpu.memref_slice %arg3[%add3A_40] : memref<163840xi32, #tpu.memory_space<hbm>> -> memref<5120xi32, #tpu.memory_space<hbm>>
    %dma_start3A_42 = tpu.memref_slice %arg3[%add3A_40] : memref<163840xi32, #tpu.memory_space<hbm>> -> memref<5120xi32, #tpu.memory_space<hbm>>
    tpu.enqueue_dma source(%dma_start3A_42 : memref<5120xi32, #tpu.memory_space<hbm>>) target(%arg7 : memref<5120xi32, #tpu.memory_space<vmem>>) target_semaphore(%arg16 : memref<!tpu.dma_semaphore, #tpu.memory_space<semaphore_mem>>)
    %dma_start3A_43 = tpu.memref_slice %arg4[%add3A_40] : memref<163840xi32, #tpu.memory_space<hbm>> -> memref<5120xi32, #tpu.memory_space<hbm>>
    %dma_start3A_44 = tpu.memref_slice %arg4[%add3A_40] : memref<163840xi32, #tpu.memory_space<hbm>> -> memref<5120xi32, #tpu.memory_space<hbm>>
    tpu.enqueue_dma source(%dma_start3A_44 : memref<5120xi32, #tpu.memory_space<hbm>>) target(%arg8 : memref<5120xi32, #tpu.memory_space<vmem>>) target_semaphore(%arg16 : memref<!tpu.dma_semaphore, #tpu.memory_space<semaphore_mem>>)
    %dma_start3A_45 = tpu.memref_slice %arg5[%add3A_40] : memref<163840xf32, #tpu.memory_space<hbm>> -> memref<5120xf32, #tpu.memory_space<hbm>>
    %dma_start3A_46 = tpu.memref_slice %arg5[%add3A_40] : memref<163840xf32, #tpu.memory_space<hbm>> -> memref<5120xf32, #tpu.memory_space<hbm>>
    tpu.enqueue_dma source(%dma_start3A_46 : memref<5120xf32, #tpu.memory_space<hbm>>) target(%arg9 : memref<5120xf32, #tpu.memory_space<vmem>>) target_semaphore(%arg16 : memref<!tpu.dma_semaphore, #tpu.memory_space<semaphore_mem>>)
    %broadcast_in_dim3A = arith.constant 0.000000e+00 : f32
    %broadcast_in_dim3A_47 = vector.broadcast %broadcast_in_dim3A : f32 to vector<16xf32>
    %scan3A = arith.constant 0 : i32
    %scan3A_48 = arith.constant 0 : i32
    %scan3A_49 = arith.constant 320 : i32
    %scan3A_50 = arith.addi %scan3A_48, %scan3A_49 : i32
    %scan3A_51 = arith.constant 1 : i32
    scf.for %scan3A_130 = %scan3A_48 to %scan3A_50 step %scan3A_51  : i32 {
      %mul3A_131 = arith.constant 8 : i32
      %mul3A_132 = arith.muli %scan3A_130, %mul3A_131 : i32
      %add3A_133 = arith.constant 0 : i32
      %add3A_134 = arith.addi %mul3A_132, %add3A_133 : i32
      %mul3A_135 = arith.constant 16 : i32
      %mul3A_136 = arith.muli %add3A_134, %mul3A_135 : i32
      %swap3A = arith.index_cast %mul3A_136 : i32 to index
      %swap3A_137 = tpu.vector_load %arg14[%swap3A] {strides = array<i32>} : memref<40960xf32, #tpu.memory_space<vmem>>, vector<16xf32>,
      tpu.vector_store %arg14[%swap3A], %broadcast_in_dim3A_47 {strides = array<i32>} : memref<40960xf32, #tpu.memory_space<vmem>>, vector<16xf32>,
      %mul3A_138 = arith.constant 8 : i32
      %mul3A_139 = arith.muli %scan3A_130, %mul3A_138 : i32
      %add3A_140 = arith.constant 1 : i32
      %add3A_141 = arith.addi %mul3A_139, %add3A_140 : i32
      %mul3A_142 = arith.constant 16 : i32
      %mul3A_143 = arith.muli %add3A_141, %mul3A_142 : i32
      %swap3A_144 = arith.index_cast %mul3A_143 : i32 to index
      %swap3A_145 = tpu.vector_load %arg14[%swap3A_144] {strides = array<i32>} : memref<40960xf32, #tpu.memory_space<vmem>>, vector<16xf32>,
      tpu.vector_store %arg14[%swap3A_144], %broadcast_in_dim3A_47 {strides = array<i32>} : memref<40960xf32, #tpu.memory_space<vmem>>, vector<16xf32>,
      %mul3A_146 = arith.constant 8 : i32
      %mul3A_147 = arith.muli %scan3A_130, %mul3A_146 : i32
      %add3A_148 = arith.constant 2 : i32
      %add3A_149 = arith.addi %mul3A_147, %add3A_148 : i32
      %mul3A_150 = arith.constant 16 : i32
      %mul3A_151 = arith.muli %add3A_149, %mul3A_150 : i32
      %swap3A_152 = arith.index_cast %mul3A_151 : i32 to index
      %swap3A_153 = tpu.vector_load %arg14[%swap3A_152] {strides = array<i32>} : memref<40960xf32, #tpu.memory_space<vmem>>, vector<16xf32>,
      tpu.vector_store %arg14[%swap3A_152], %broadcast_in_dim3A_47 {strides = array<i32>} : memref<40960xf32, #tpu.memory_space<vmem>>, vector<16xf32>,
      %mul3A_154 = arith.constant 8 : i32
      %mul3A_155 = arith.muli %scan3A_130, %mul3A_154 : i32
      %add3A_156 = arith.constant 3 : i32
      %add3A_157 = arith.addi %mul3A_155, %add3A_156 : i32
      %mul3A_158 = arith.constant 16 : i32
      %mul3A_159 = arith.muli %add3A_157, %mul3A_158 : i32
      %swap3A_160 = arith.index_cast %mul3A_159 : i32 to index
      %swap3A_161 = tpu.vector_load %arg14[%swap3A_160] {strides = array<i32>} : memref<40960xf32, #tpu.memory_space<vmem>>, vector<16xf32>,
      tpu.vector_store %arg14[%swap3A_160], %broadcast_in_dim3A_47 {strides = array<i32>} : memref<40960xf32, #tpu.memory_space<vmem>>, vector<16xf32>,
      %mul3A_162 = arith.constant 8 : i32
      %mul3A_163 = arith.muli %scan3A_130, %mul3A_162 : i32
      %add3A_164 = arith.constant 4 : i32
      %add3A_165 = arith.addi %mul3A_163, %add3A_164 : i32
      %mul3A_166 = arith.constant 16 : i32
      %mul3A_167 = arith.muli %add3A_165, %mul3A_166 : i32
      %swap3A_168 = arith.index_cast %mul3A_167 : i32 to index
      %swap3A_169 = tpu.vector_load %arg14[%swap3A_168] {strides = array<i32>} : memref<40960xf32, #tpu.memory_space<vmem>>, vector<16xf32>,
      tpu.vector_store %arg14[%swap3A_168], %broadcast_in_dim3A_47 {strides = array<i32>} : memref<40960xf32, #tpu.memory_space<vmem>>, vector<16xf32>,
      %mul3A_170 = arith.constant 8 : i32
      %mul3A_171 = arith.muli %scan3A_130, %mul3A_170 : i32
      %add3A_172 = arith.constant 5 : i32
      %add3A_173 = arith.addi %mul3A_171, %add3A_172 : i32
      %mul3A_174 = arith.constant 16 : i32
      %mul3A_175 = arith.muli %add3A_173, %mul3A_174 : i32
      %swap3A_176 = arith.index_cast %mul3A_175 : i32 to index
      %swap3A_177 = tpu.vector_load %arg14[%swap3A_176] {strides = array<i32>} : memref<40960xf32, #tpu.memory_space<vmem>>, vector<16xf32>,
      tpu.vector_store %arg14[%swap3A_176], %broadcast_in_dim3A_47 {strides = array<i32>} : memref<40960xf32, #tpu.memory_space<vmem>>, vector<16xf32>,
      %mul3A_178 = arith.constant 8 : i32
      %mul3A_179 = arith.muli %scan3A_130, %mul3A_178 : i32
      %add3A_180 = arith.constant 6 : i32
      %add3A_181 = arith.addi %mul3A_179, %add3A_180 : i32
      %mul3A_182 = arith.constant 16 : i32
      %mul3A_183 = arith.muli %add3A_181, %mul3A_182 : i32
      %swap3A_184 = arith.index_cast %mul3A_183 : i32 to index
      %swap3A_185 = tpu.vector_load %arg14[%swap3A_184] {strides = array<i32>} : memref<40960xf32, #tpu.memory_space<vmem>>, vector<16xf32>,
      tpu.vector_store %arg14[%swap3A_184], %broadcast_in_dim3A_47 {strides = array<i32>} : memref<40960xf32, #tpu.memory_space<vmem>>, vector<16xf32>,
      %mul3A_186 = arith.constant 8 : i32
      %mul3A_187 = arith.muli %scan3A_130, %mul3A_186 : i32
      %add3A_188 = arith.constant 7 : i32
      %add3A_189 = arith.addi %mul3A_187, %add3A_188 : i32
      %mul3A_190 = arith.constant 16 : i32
      %mul3A_191 = arith.muli %add3A_189, %mul3A_190 : i32
      %swap3A_192 = arith.index_cast %mul3A_191 : i32 to index
      %swap3A_193 = tpu.vector_load %arg14[%swap3A_192] {strides = array<i32>} : memref<40960xf32, #tpu.memory_space<vmem>>, vector<16xf32>,
      tpu.vector_store %arg14[%swap3A_192], %broadcast_in_dim3A_47 {strides = array<i32>} : memref<40960xf32, #tpu.memory_space<vmem>>, vector<16xf32>,
    }
    %scan3A_52 = arith.constant 320 : i32
    %dma_wait3A = tpu.memref_slice %arg2[%mul3A_35] : memref<163840xf32, #tpu.memory_space<hbm>> -> memref<40960xf32, #tpu.memory_space<hbm>>
    %dma_wait3A_53 = tpu.memref_slice %arg2[%mul3A_35] : memref<163840xf32, #tpu.memory_space<hbm>> -> memref<40960xf32, #tpu.memory_space<hbm>>
    tpu.wait_dma2 semaphore(%arg15 : memref<!tpu.dma_semaphore, #tpu.memory_space<semaphore_mem>>) src(%dma_wait3A_53 : memref<40960xf32, #tpu.memory_space<hbm>>) dst(%arg13 : memref<40960xf32, #tpu.memory_space<vmem>>)
    %broadcast_in_dim3A_54 = arith.constant 0 : i32
    %broadcast_in_dim3A_55 = vector.broadcast %broadcast_in_dim3A_54 : i32 to vector<16xi32>
    %broadcast_in_dim3A_56 = arith.constant 10240 : i32
    %broadcast_in_dim3A_57 = vector.broadcast %broadcast_in_dim3A_56 : i32 to vector<16xi32>
    %broadcast_in_dim3A_58 = arith.constant 20480 : i32
    %broadcast_in_dim3A_59 = vector.broadcast %broadcast_in_dim3A_58 : i32 to vector<16xi32>
    %broadcast_in_dim3A_60 = arith.constant 30720 : i32
    %broadcast_in_dim3A_61 = vector.broadcast %broadcast_in_dim3A_60 : i32 to vector<16xi32>
    %mul3A_62 = arith.constant 20480 : i32
    %mul3A_63 = arith.muli %add3A_30, %mul3A_62 : i32
    %add3A_64 = arith.constant 5120 : i32
    %add3A_65 = arith.addi %mul3A_63, %add3A_64 : i32
    %dma_start3A_66 = tpu.memref_slice %arg3[%add3A_65] : memref<163840xi32, #tpu.memory_space<hbm>> -> memref<5120xi32, #tpu.memory_space<hbm>>
    %dma_start3A_67 = tpu.memref_slice %arg3[%add3A_65] : memref<163840xi32, #tpu.memory_space<hbm>> -> memref<5120xi32, #tpu.memory_space<hbm>>
    tpu.enqueue_dma source(%dma_start3A_67 : memref<5120xi32, #tpu.memory_space<hbm>>) target(%arg10 : memref<5120xi32, #tpu.memory_space<vmem>>) target_semaphore(%arg17 : memref<!tpu.dma_semaphore, #tpu.memory_space<semaphore_mem>>)
    %dma_start3A_68 = tpu.memref_slice %arg4[%add3A_65] : memref<163840xi32, #tpu.memory_space<hbm>> -> memref<5120xi32, #tpu.memory_space<hbm>>
    %dma_start3A_69 = tpu.memref_slice %arg4[%add3A_65] : memref<163840xi32, #tpu.memory_space<hbm>> -> memref<5120xi32, #tpu.memory_space<hbm>>
    tpu.enqueue_dma source(%dma_start3A_69 : memref<5120xi32, #tpu.memory_space<hbm>>) target(%arg11 : memref<5120xi32, #tpu.memory_space<vmem>>) target_semaphore(%arg17 : memref<!tpu.dma_semaphore, #tpu.memory_space<semaphore_mem>>)
    %dma_start3A_70 = tpu.memref_slice %arg5[%add3A_65] : memref<163840xf32, #tpu.memory_space<hbm>> -> memref<5120xf32, #tpu.memory_space<hbm>>
    %dma_start3A_71 = tpu.memref_slice %arg5[%add3A_65] : memref<163840xf32, #tpu.memory_space<hbm>> -> memref<5120xf32, #tpu.memory_space<hbm>>
    tpu.enqueue_dma source(%dma_start3A_71 : memref<5120xf32, #tpu.memory_space<hbm>>) target(%arg12 : memref<5120xf32, #tpu.memory_space<vmem>>) target_semaphore(%arg17 : memref<!tpu.dma_semaphore, #tpu.memory_space<semaphore_mem>>)
    %dma_wait3A_72 = tpu.memref_slice %arg3[%add3A_40] : memref<163840xi32, #tpu.memory_space<hbm>> -> memref<5120xi32, #tpu.memory_space<hbm>>
    %dma_wait3A_73 = tpu.memref_slice %arg3[%add3A_40] : memref<163840xi32, #tpu.memory_space<hbm>> -> memref<5120xi32, #tpu.memory_space<hbm>>
    tpu.wait_dma2 semaphore(%arg16 : memref<!tpu.dma_semaphore, #tpu.memory_space<semaphore_mem>>) src(%dma_wait3A_73 : memref<5120xi32, #tpu.memory_space<hbm>>) dst(%arg7 : memref<5120xi32, #tpu.memory_space<vmem>>)
    %dma_wait3A_74 = tpu.memref_slice %arg4[%add3A_40] : memref<163840xi32, #tpu.memory_space<hbm>> -> memref<5120xi32, #tpu.memory_space<hbm>>
    %dma_wait3A_75 = tpu.memref_slice %arg4[%add3A_40] : memref<163840xi32, #tpu.memory_space<hbm>> -> memref<5120xi32, #tpu.memory_space<hbm>>
    tpu.wait_dma2 semaphore(%arg16 : memref<!tpu.dma_semaphore, #tpu.memory_space<semaphore_mem>>) src(%dma_wait3A_75 : memref<5120xi32, #tpu.memory_space<hbm>>) dst(%arg8 : memref<5120xi32, #tpu.memory_space<vmem>>)
    %dma_wait3A_76 = tpu.memref_slice %arg5[%add3A_40] : memref<163840xf32, #tpu.memory_space<hbm>> -> memref<5120xf32, #tpu.memory_space<hbm>>
    %dma_wait3A_77 = tpu.memref_slice %arg5[%add3A_40] : memref<163840xf32, #tpu.memory_space<hbm>> -> memref<5120xf32, #tpu.memory_space<hbm>>
    tpu.wait_dma2 semaphore(%arg16 : memref<!tpu.dma_semaphore, #tpu.memory_space<semaphore_mem>>) src(%dma_wait3A_77 : memref<5120xf32, #tpu.memory_space<hbm>>) dst(%arg9 : memref<5120xf32, #tpu.memory_space<vmem>>)
    %parallel_loop3A = arith.constant 0 : i32
    %parallel_loop3A_78 = arith.constant 320 : i32
    %parallel_loop3A_79 = arith.constant 1 : i32
    scf.for %parallel_loop3A_130 = %parallel_loop3A to %parallel_loop3A_78 step %parallel_loop3A_79  : i32 {
      %parallel_loop3A_131 = arith.constant 16 : i32
      %parallel_loop3A_132 = arith.muli %parallel_loop3A_130, %parallel_loop3A_131 : i32
      %parallel_loop3A_133 = arith.index_cast %parallel_loop3A_132 : i32 to index
      %parallel_loop3A_134 = tpu.vector_load %arg7[%parallel_loop3A_133] {strides = array<i32>} : memref<5120xi32, #tpu.memory_space<vmem>>, vector<16xi32>,
      %parallel_loop3A_135 = arith.index_cast %parallel_loop3A_132 : i32 to index
      %parallel_loop3A_136 = tpu.vector_load %arg8[%parallel_loop3A_135] {strides = array<i32>} : memref<5120xi32, #tpu.memory_space<vmem>>, vector<16xi32>,
      %parallel_loop3A_137 = arith.index_cast %parallel_loop3A_132 : i32 to index
      %parallel_loop3A_138 = tpu.vector_load %arg9[%parallel_loop3A_137] {strides = array<i32>} : memref<5120xf32, #tpu.memory_space<vmem>>, vector<16xf32>,
      %parallel_loop3A_139 = arith.addi %parallel_loop3A_134, %broadcast_in_dim3A_55 : vector<16xi32>
      %parallel_loop3A_140 = tpu.vector_load_idx %arg13[%parallel_loop3A_139] : memref<40960xf32, #tpu.memory_space<vmem>>[vector<16xi32>], vector<16xf32>,
      %parallel_loop3A_141 = arith.mulf %parallel_loop3A_140, %parallel_loop3A_138 : vector<16xf32>
      %parallel_loop3A_142 = arith.addi %parallel_loop3A_136, %broadcast_in_dim3A_55 : vector<16xi32>
      tpu.vector_store_idx %arg14[%parallel_loop3A_142], %parallel_loop3A_141 {add = true} : memref<40960xf32, #tpu.memory_space<vmem>>[vector<16xi32>], vector<16xf32>,
      %parallel_loop3A_143 = arith.addi %parallel_loop3A_134, %broadcast_in_dim3A_57 : vector<16xi32>
      %parallel_loop3A_144 = tpu.vector_load_idx %arg13[%parallel_loop3A_143] : memref<40960xf32, #tpu.memory_space<vmem>>[vector<16xi32>], vector<16xf32>,
      %parallel_loop3A_145 = arith.mulf %parallel_loop3A_144, %parallel_loop3A_138 : vector<16xf32>
      %parallel_loop3A_146 = arith.addi %parallel_loop3A_136, %broadcast_in_dim3A_57 : vector<16xi32>
      tpu.vector_store_idx %arg14[%parallel_loop3A_146], %parallel_loop3A_145 {add = true} : memref<40960xf32, #tpu.memory_space<vmem>>[vector<16xi32>], vector<16xf32>,
      %parallel_loop3A_147 = arith.addi %parallel_loop3A_134, %broadcast_in_dim3A_59 : vector<16xi32>
      %parallel_loop3A_148 = tpu.vector_load_idx %arg13[%parallel_loop3A_147] : memref<40960xf32, #tpu.memory_space<vmem>>[vector<16xi32>], vector<16xf32>,
      %parallel_loop3A_149 = arith.mulf %parallel_loop3A_148, %parallel_loop3A_138 : vector<16xf32>
      %parallel_loop3A_150 = arith.addi %parallel_loop3A_136, %broadcast_in_dim3A_59 : vector<16xi32>
      tpu.vector_store_idx %arg14[%parallel_loop3A_150], %parallel_loop3A_149 {add = true} : memref<40960xf32, #tpu.memory_space<vmem>>[vector<16xi32>], vector<16xf32>,
      %parallel_loop3A_151 = arith.addi %parallel_loop3A_134, %broadcast_in_dim3A_61 : vector<16xi32>
      %parallel_loop3A_152 = tpu.vector_load_idx %arg13[%parallel_loop3A_151] : memref<40960xf32, #tpu.memory_space<vmem>>[vector<16xi32>], vector<16xf32>,
      %parallel_loop3A_153 = arith.mulf %parallel_loop3A_152, %parallel_loop3A_138 : vector<16xf32>
      %parallel_loop3A_154 = arith.addi %parallel_loop3A_136, %broadcast_in_dim3A_61 : vector<16xi32>
      tpu.vector_store_idx %arg14[%parallel_loop3A_154], %parallel_loop3A_153 {add = true} : memref<40960xf32, #tpu.memory_space<vmem>>[vector<16xi32>], vector<16xf32>,
    } {sc.loop_unroll_factor = 8 : i64, sc.parallel_access}
    %mul3A_80 = arith.constant 20480 : i32
    %mul3A_81 = arith.muli %add3A_30, %mul3A_80 : i32
    %add3A_82 = arith.constant 10240 : i32
    %add3A_83 = arith.addi %mul3A_81, %add3A_82 : i32
    %dma_start3A_84 = tpu.memref_slice %arg3[%add3A_83] : memref<163840xi32, #tpu.memory_space<hbm>> -> memref<5120xi32, #tpu.memory_space<hbm>>
    %dma_start3A_85 = tpu.memref_slice %arg3[%add3A_83] : memref<163840xi32, #tpu.memory_space<hbm>> -> memref<5120xi32, #tpu.memory_space<hbm>>
    tpu.enqueue_dma source(%dma_start3A_85 : memref<5120xi32, #tpu.memory_space<hbm>>) target(%arg7 : memref<5120xi32, #tpu.memory_space<vmem>>) target_semaphore(%arg16 : memref<!tpu.dma_semaphore, #tpu.memory_space<semaphore_mem>>)
    %dma_start3A_86 = tpu.memref_slice %arg4[%add3A_83] : memref<163840xi32, #tpu.memory_space<hbm>> -> memref<5120xi32, #tpu.memory_space<hbm>>
    %dma_start3A_87 = tpu.memref_slice %arg4[%add3A_83] : memref<163840xi32, #tpu.memory_space<hbm>> -> memref<5120xi32, #tpu.memory_space<hbm>>
    tpu.enqueue_dma source(%dma_start3A_87 : memref<5120xi32, #tpu.memory_space<hbm>>) target(%arg8 : memref<5120xi32, #tpu.memory_space<vmem>>) target_semaphore(%arg16 : memref<!tpu.dma_semaphore, #tpu.memory_space<semaphore_mem>>)
    %dma_start3A_88 = tpu.memref_slice %arg5[%add3A_83] : memref<163840xf32, #tpu.memory_space<hbm>> -> memref<5120xf32, #tpu.memory_space<hbm>>
    %dma_start3A_89 = tpu.memref_slice %arg5[%add3A_83] : memref<163840xf32, #tpu.memory_space<hbm>> -> memref<5120xf32, #tpu.memory_space<hbm>>
    tpu.enqueue_dma source(%dma_start3A_89 : memref<5120xf32, #tpu.memory_space<hbm>>) target(%arg9 : memref<5120xf32, #tpu.memory_space<vmem>>) target_semaphore(%arg16 : memref<!tpu.dma_semaphore, #tpu.memory_space<semaphore_mem>>)
    %dma_wait3A_90 = tpu.memref_slice %arg3[%add3A_65] : memref<163840xi32, #tpu.memory_space<hbm>> -> memref<5120xi32, #tpu.memory_space<hbm>>
    %dma_wait3A_91 = tpu.memref_slice %arg3[%add3A_65] : memref<163840xi32, #tpu.memory_space<hbm>> -> memref<5120xi32, #tpu.memory_space<hbm>>
    tpu.wait_dma2 semaphore(%arg17 : memref<!tpu.dma_semaphore, #tpu.memory_space<semaphore_mem>>) src(%dma_wait3A_91 : memref<5120xi32, #tpu.memory_space<hbm>>) dst(%arg10 : memref<5120xi32, #tpu.memory_space<vmem>>)
    %dma_wait3A_92 = tpu.memref_slice %arg4[%add3A_65] : memref<163840xi32, #tpu.memory_space<hbm>> -> memref<5120xi32, #tpu.memory_space<hbm>>
    %dma_wait3A_93 = tpu.memref_slice %arg4[%add3A_65] : memref<163840xi32, #tpu.memory_space<hbm>> -> memref<5120xi32, #tpu.memory_space<hbm>>
    tpu.wait_dma2 semaphore(%arg17 : memref<!tpu.dma_semaphore, #tpu.memory_space<semaphore_mem>>) src(%dma_wait3A_93 : memref<5120xi32, #tpu.memory_space<hbm>>) dst(%arg11 : memref<5120xi32, #tpu.memory_space<vmem>>)
    %dma_wait3A_94 = tpu.memref_slice %arg5[%add3A_65] : memref<163840xf32, #tpu.memory_space<hbm>> -> memref<5120xf32, #tpu.memory_space<hbm>>
    %dma_wait3A_95 = tpu.memref_slice %arg5[%add3A_65] : memref<163840xf32, #tpu.memory_space<hbm>> -> memref<5120xf32, #tpu.memory_space<hbm>>
    tpu.wait_dma2 semaphore(%arg17 : memref<!tpu.dma_semaphore, #tpu.memory_space<semaphore_mem>>) src(%dma_wait3A_95 : memref<5120xf32, #tpu.memory_space<hbm>>) dst(%arg12 : memref<5120xf32, #tpu.memory_space<vmem>>)
    %parallel_loop3A_96 = arith.constant 0 : i32
    %parallel_loop3A_97 = arith.constant 320 : i32
    %parallel_loop3A_98 = arith.constant 1 : i32
    scf.for %parallel_loop3A_130 = %parallel_loop3A_96 to %parallel_loop3A_97 step %parallel_loop3A_98  : i32 {
      %parallel_loop3A_131 = arith.constant 16 : i32
      %parallel_loop3A_132 = arith.muli %parallel_loop3A_130, %parallel_loop3A_131 : i32
      %parallel_loop3A_133 = arith.index_cast %parallel_loop3A_132 : i32 to index
      %parallel_loop3A_134 = tpu.vector_load %arg10[%parallel_loop3A_133] {strides = array<i32>} : memref<5120xi32, #tpu.memory_space<vmem>>, vector<16xi32>,
      %parallel_loop3A_135 = arith.index_cast %parallel_loop3A_132 : i32 to index
      %parallel_loop3A_136 = tpu.vector_load %arg11[%parallel_loop3A_135] {strides = array<i32>} : memref<5120xi32, #tpu.memory_space<vmem>>, vector<16xi32>,
      %parallel_loop3A_137 = arith.index_cast %parallel_loop3A_132 : i32 to index
      %parallel_loop3A_138 = tpu.vector_load %arg12[%parallel_loop3A_137] {strides = array<i32>} : memref<5120xf32, #tpu.memory_space<vmem>>, vector<16xf32>,
      %parallel_loop3A_139 = arith.addi %parallel_loop3A_134, %broadcast_in_dim3A_55 : vector<16xi32>
      %parallel_loop3A_140 = tpu.vector_load_idx %arg13[%parallel_loop3A_139] : memref<40960xf32, #tpu.memory_space<vmem>>[vector<16xi32>], vector<16xf32>,
      %parallel_loop3A_141 = arith.mulf %parallel_loop3A_140, %parallel_loop3A_138 : vector<16xf32>
      %parallel_loop3A_142 = arith.addi %parallel_loop3A_136, %broadcast_in_dim3A_55 : vector<16xi32>
      tpu.vector_store_idx %arg14[%parallel_loop3A_142], %parallel_loop3A_141 {add = true} : memref<40960xf32, #tpu.memory_space<vmem>>[vector<16xi32>], vector<16xf32>,
      %parallel_loop3A_143 = arith.addi %parallel_loop3A_134, %broadcast_in_dim3A_57 : vector<16xi32>
      %parallel_loop3A_144 = tpu.vector_load_idx %arg13[%parallel_loop3A_143] : memref<40960xf32, #tpu.memory_space<vmem>>[vector<16xi32>], vector<16xf32>,
      %parallel_loop3A_145 = arith.mulf %parallel_loop3A_144, %parallel_loop3A_138 : vector<16xf32>
      %parallel_loop3A_146 = arith.addi %parallel_loop3A_136, %broadcast_in_dim3A_57 : vector<16xi32>
      tpu.vector_store_idx %arg14[%parallel_loop3A_146], %parallel_loop3A_145 {add = true} : memref<40960xf32, #tpu.memory_space<vmem>>[vector<16xi32>], vector<16xf32>,
      %parallel_loop3A_147 = arith.addi %parallel_loop3A_134, %broadcast_in_dim3A_59 : vector<16xi32>
      %parallel_loop3A_148 = tpu.vector_load_idx %arg13[%parallel_loop3A_147] : memref<40960xf32, #tpu.memory_space<vmem>>[vector<16xi32>], vector<16xf32>,
      %parallel_loop3A_149 = arith.mulf %parallel_loop3A_148, %parallel_loop3A_138 : vector<16xf32>
      %parallel_loop3A_150 = arith.addi %parallel_loop3A_136, %broadcast_in_dim3A_59 : vector<16xi32>
      tpu.vector_store_idx %arg14[%parallel_loop3A_150], %parallel_loop3A_149 {add = true} : memref<40960xf32, #tpu.memory_space<vmem>>[vector<16xi32>], vector<16xf32>,
      %parallel_loop3A_151 = arith.addi %parallel_loop3A_134, %broadcast_in_dim3A_61 : vector<16xi32>
      %parallel_loop3A_152 = tpu.vector_load_idx %arg13[%parallel_loop3A_151] : memref<40960xf32, #tpu.memory_space<vmem>>[vector<16xi32>], vector<16xf32>,
      %parallel_loop3A_153 = arith.mulf %parallel_loop3A_152, %parallel_loop3A_138 : vector<16xf32>
      %parallel_loop3A_154 = arith.addi %parallel_loop3A_136, %broadcast_in_dim3A_61 : vector<16xi32>
      tpu.vector_store_idx %arg14[%parallel_loop3A_154], %parallel_loop3A_153 {add = true} : memref<40960xf32, #tpu.memory_space<vmem>>[vector<16xi32>], vector<16xf32>,
    } {sc.loop_unroll_factor = 8 : i64, sc.parallel_access}
    %mul3A_99 = arith.constant 20480 : i32
    %mul3A_100 = arith.muli %add3A_30, %mul3A_99 : i32
    %add3A_101 = arith.constant 15360 : i32
    %add3A_102 = arith.addi %mul3A_100, %add3A_101 : i32
    %dma_start3A_103 = tpu.memref_slice %arg3[%add3A_102] : memref<163840xi32, #tpu.memory_space<hbm>> -> memref<5120xi32, #tpu.memory_space<hbm>>
    %dma_start3A_104 = tpu.memref_slice %arg3[%add3A_102] : memref<163840xi32, #tpu.memory_space<hbm>> -> memref<5120xi32, #tpu.memory_space<hbm>>
    tpu.enqueue_dma source(%dma_start3A_104 : memref<5120xi32, #tpu.memory_space<hbm>>) target(%arg10 : memref<5120xi32, #tpu.memory_space<vmem>>) target_semaphore(%arg17 : memref<!tpu.dma_semaphore, #tpu.memory_space<semaphore_mem>>)
    %dma_start3A_105 = tpu.memref_slice %arg4[%add3A_102] : memref<163840xi32, #tpu.memory_space<hbm>> -> memref<5120xi32, #tpu.memory_space<hbm>>
    %dma_start3A_106 = tpu.memref_slice %arg4[%add3A_102] : memref<163840xi32, #tpu.memory_space<hbm>> -> memref<5120xi32, #tpu.memory_space<hbm>>
    tpu.enqueue_dma source(%dma_start3A_106 : memref<5120xi32, #tpu.memory_space<hbm>>) target(%arg11 : memref<5120xi32, #tpu.memory_space<vmem>>) target_semaphore(%arg17 : memref<!tpu.dma_semaphore, #tpu.memory_space<semaphore_mem>>)
    %dma_start3A_107 = tpu.memref_slice %arg5[%add3A_102] : memref<163840xf32, #tpu.memory_space<hbm>> -> memref<5120xf32, #tpu.memory_space<hbm>>
    %dma_start3A_108 = tpu.memref_slice %arg5[%add3A_102] : memref<163840xf32, #tpu.memory_space<hbm>> -> memref<5120xf32, #tpu.memory_space<hbm>>
    tpu.enqueue_dma source(%dma_start3A_108 : memref<5120xf32, #tpu.memory_space<hbm>>) target(%arg12 : memref<5120xf32, #tpu.memory_space<vmem>>) target_semaphore(%arg17 : memref<!tpu.dma_semaphore, #tpu.memory_space<semaphore_mem>>)
    %dma_wait3A_109 = tpu.memref_slice %arg3[%add3A_83] : memref<163840xi32, #tpu.memory_space<hbm>> -> memref<5120xi32, #tpu.memory_space<hbm>>
    %dma_wait3A_110 = tpu.memref_slice %arg3[%add3A_83] : memref<163840xi32, #tpu.memory_space<hbm>> -> memref<5120xi32, #tpu.memory_space<hbm>>
    tpu.wait_dma2 semaphore(%arg16 : memref<!tpu.dma_semaphore, #tpu.memory_space<semaphore_mem>>) src(%dma_wait3A_110 : memref<5120xi32, #tpu.memory_space<hbm>>) dst(%arg7 : memref<5120xi32, #tpu.memory_space<vmem>>)
    %dma_wait3A_111 = tpu.memref_slice %arg4[%add3A_83] : memref<163840xi32, #tpu.memory_space<hbm>> -> memref<5120xi32, #tpu.memory_space<hbm>>
    %dma_wait3A_112 = tpu.memref_slice %arg4[%add3A_83] : memref<163840xi32, #tpu.memory_space<hbm>> -> memref<5120xi32, #tpu.memory_space<hbm>>
    tpu.wait_dma2 semaphore(%arg16 : memref<!tpu.dma_semaphore, #tpu.memory_space<semaphore_mem>>) src(%dma_wait3A_112 : memref<5120xi32, #tpu.memory_space<hbm>>) dst(%arg8 : memref<5120xi32, #tpu.memory_space<vmem>>)
    %dma_wait3A_113 = tpu.memref_slice %arg5[%add3A_83] : memref<163840xf32, #tpu.memory_space<hbm>> -> memref<5120xf32, #tpu.memory_space<hbm>>
    %dma_wait3A_114 = tpu.memref_slice %arg5[%add3A_83] : memref<163840xf32, #tpu.memory_space<hbm>> -> memref<5120xf32, #tpu.memory_space<hbm>>
    tpu.wait_dma2 semaphore(%arg16 : memref<!tpu.dma_semaphore, #tpu.memory_space<semaphore_mem>>) src(%dma_wait3A_114 : memref<5120xf32, #tpu.memory_space<hbm>>) dst(%arg9 : memref<5120xf32, #tpu.memory_space<vmem>>)
    %parallel_loop3A_115 = arith.constant 0 : i32
    %parallel_loop3A_116 = arith.constant 320 : i32
    %parallel_loop3A_117 = arith.constant 1 : i32
    scf.for %parallel_loop3A_130 = %parallel_loop3A_115 to %parallel_loop3A_116 step %parallel_loop3A_117  : i32 {
      %parallel_loop3A_131 = arith.constant 16 : i32
      %parallel_loop3A_132 = arith.muli %parallel_loop3A_130, %parallel_loop3A_131 : i32
      %parallel_loop3A_133 = arith.index_cast %parallel_loop3A_132 : i32 to index
      %parallel_loop3A_134 = tpu.vector_load %arg7[%parallel_loop3A_133] {strides = array<i32>} : memref<5120xi32, #tpu.memory_space<vmem>>, vector<16xi32>,
      %parallel_loop3A_135 = arith.index_cast %parallel_loop3A_132 : i32 to index
      %parallel_loop3A_136 = tpu.vector_load %arg8[%parallel_loop3A_135] {strides = array<i32>} : memref<5120xi32, #tpu.memory_space<vmem>>, vector<16xi32>,
      %parallel_loop3A_137 = arith.index_cast %parallel_loop3A_132 : i32 to index
      %parallel_loop3A_138 = tpu.vector_load %arg9[%parallel_loop3A_137] {strides = array<i32>} : memref<5120xf32, #tpu.memory_space<vmem>>, vector<16xf32>,
      %parallel_loop3A_139 = arith.addi %parallel_loop3A_134, %broadcast_in_dim3A_55 : vector<16xi32>
      %parallel_loop3A_140 = tpu.vector_load_idx %arg13[%parallel_loop3A_139] : memref<40960xf32, #tpu.memory_space<vmem>>[vector<16xi32>], vector<16xf32>,
      %parallel_loop3A_141 = arith.mulf %parallel_loop3A_140, %parallel_loop3A_138 : vector<16xf32>
      %parallel_loop3A_142 = arith.addi %parallel_loop3A_136, %broadcast_in_dim3A_55 : vector<16xi32>
      tpu.vector_store_idx %arg14[%parallel_loop3A_142], %parallel_loop3A_141 {add = true} : memref<40960xf32, #tpu.memory_space<vmem>>[vector<16xi32>], vector<16xf32>,
      %parallel_loop3A_143 = arith.addi %parallel_loop3A_134, %broadcast_in_dim3A_57 : vector<16xi32>
      %parallel_loop3A_144 = tpu.vector_load_idx %arg13[%parallel_loop3A_143] : memref<40960xf32, #tpu.memory_space<vmem>>[vector<16xi32>], vector<16xf32>,
      %parallel_loop3A_145 = arith.mulf %parallel_loop3A_144, %parallel_loop3A_138 : vector<16xf32>
      %parallel_loop3A_146 = arith.addi %parallel_loop3A_136, %broadcast_in_dim3A_57 : vector<16xi32>
      tpu.vector_store_idx %arg14[%parallel_loop3A_146], %parallel_loop3A_145 {add = true} : memref<40960xf32, #tpu.memory_space<vmem>>[vector<16xi32>], vector<16xf32>,
      %parallel_loop3A_147 = arith.addi %parallel_loop3A_134, %broadcast_in_dim3A_59 : vector<16xi32>
      %parallel_loop3A_148 = tpu.vector_load_idx %arg13[%parallel_loop3A_147] : memref<40960xf32, #tpu.memory_space<vmem>>[vector<16xi32>], vector<16xf32>,
      %parallel_loop3A_149 = arith.mulf %parallel_loop3A_148, %parallel_loop3A_138 : vector<16xf32>
      %parallel_loop3A_150 = arith.addi %parallel_loop3A_136, %broadcast_in_dim3A_59 : vector<16xi32>
      tpu.vector_store_idx %arg14[%parallel_loop3A_150], %parallel_loop3A_149 {add = true} : memref<40960xf32, #tpu.memory_space<vmem>>[vector<16xi32>], vector<16xf32>,
      %parallel_loop3A_151 = arith.addi %parallel_loop3A_134, %broadcast_in_dim3A_61 : vector<16xi32>
      %parallel_loop3A_152 = tpu.vector_load_idx %arg13[%parallel_loop3A_151] : memref<40960xf32, #tpu.memory_space<vmem>>[vector<16xi32>], vector<16xf32>,
      %parallel_loop3A_153 = arith.mulf %parallel_loop3A_152, %parallel_loop3A_138 : vector<16xf32>
      %parallel_loop3A_154 = arith.addi %parallel_loop3A_136, %broadcast_in_dim3A_61 : vector<16xi32>
      tpu.vector_store_idx %arg14[%parallel_loop3A_154], %parallel_loop3A_153 {add = true} : memref<40960xf32, #tpu.memory_space<vmem>>[vector<16xi32>], vector<16xf32>,
    } {sc.loop_unroll_factor = 8 : i64, sc.parallel_access}
    %dma_wait3A_118 = tpu.memref_slice %arg3[%add3A_102] : memref<163840xi32, #tpu.memory_space<hbm>> -> memref<5120xi32, #tpu.memory_space<hbm>>
    %dma_wait3A_119 = tpu.memref_slice %arg3[%add3A_102] : memref<163840xi32, #tpu.memory_space<hbm>> -> memref<5120xi32, #tpu.memory_space<hbm>>
    tpu.wait_dma2 semaphore(%arg17 : memref<!tpu.dma_semaphore, #tpu.memory_space<semaphore_mem>>) src(%dma_wait3A_119 : memref<5120xi32, #tpu.memory_space<hbm>>) dst(%arg10 : memref<5120xi32, #tpu.memory_space<vmem>>)
    %dma_wait3A_120 = tpu.memref_slice %arg4[%add3A_102] : memref<163840xi32, #tpu.memory_space<hbm>> -> memref<5120xi32, #tpu.memory_space<hbm>>
    %dma_wait3A_121 = tpu.memref_slice %arg4[%add3A_102] : memref<163840xi32, #tpu.memory_space<hbm>> -> memref<5120xi32, #tpu.memory_space<hbm>>
    tpu.wait_dma2 semaphore(%arg17 : memref<!tpu.dma_semaphore, #tpu.memory_space<semaphore_mem>>) src(%dma_wait3A_121 : memref<5120xi32, #tpu.memory_space<hbm>>) dst(%arg11 : memref<5120xi32, #tpu.memory_space<vmem>>)
    %dma_wait3A_122 = tpu.memref_slice %arg5[%add3A_102] : memref<163840xf32, #tpu.memory_space<hbm>> -> memref<5120xf32, #tpu.memory_space<hbm>>
    %dma_wait3A_123 = tpu.memref_slice %arg5[%add3A_102] : memref<163840xf32, #tpu.memory_space<hbm>> -> memref<5120xf32, #tpu.memory_space<hbm>>
    tpu.wait_dma2 semaphore(%arg17 : memref<!tpu.dma_semaphore, #tpu.memory_space<semaphore_mem>>) src(%dma_wait3A_123 : memref<5120xf32, #tpu.memory_space<hbm>>) dst(%arg12 : memref<5120xf32, #tpu.memory_space<vmem>>)
    %parallel_loop3A_124 = arith.constant 0 : i32
    %parallel_loop3A_125 = arith.constant 320 : i32
    %parallel_loop3A_126 = arith.constant 1 : i32
    scf.for %parallel_loop3A_130 = %parallel_loop3A_124 to %parallel_loop3A_125 step %parallel_loop3A_126  : i32 {
      %parallel_loop3A_131 = arith.constant 16 : i32
      %parallel_loop3A_132 = arith.muli %parallel_loop3A_130, %parallel_loop3A_131 : i32
      %parallel_loop3A_133 = arith.index_cast %parallel_loop3A_132 : i32 to index
      %parallel_loop3A_134 = tpu.vector_load %arg10[%parallel_loop3A_133] {strides = array<i32>} : memref<5120xi32, #tpu.memory_space<vmem>>, vector<16xi32>,
      %parallel_loop3A_135 = arith.index_cast %parallel_loop3A_132 : i32 to index
      %parallel_loop3A_136 = tpu.vector_load %arg11[%parallel_loop3A_135] {strides = array<i32>} : memref<5120xi32, #tpu.memory_space<vmem>>, vector<16xi32>,
      %parallel_loop3A_137 = arith.index_cast %parallel_loop3A_132 : i32 to index
      %parallel_loop3A_138 = tpu.vector_load %arg12[%parallel_loop3A_137] {strides = array<i32>} : memref<5120xf32, #tpu.memory_space<vmem>>, vector<16xf32>,
      %parallel_loop3A_139 = arith.addi %parallel_loop3A_134, %broadcast_in_dim3A_55 : vector<16xi32>
      %parallel_loop3A_140 = tpu.vector_load_idx %arg13[%parallel_loop3A_139] : memref<40960xf32, #tpu.memory_space<vmem>>[vector<16xi32>], vector<16xf32>,
      %parallel_loop3A_141 = arith.mulf %parallel_loop3A_140, %parallel_loop3A_138 : vector<16xf32>
      %parallel_loop3A_142 = arith.addi %parallel_loop3A_136, %broadcast_in_dim3A_55 : vector<16xi32>
      tpu.vector_store_idx %arg14[%parallel_loop3A_142], %parallel_loop3A_141 {add = true} : memref<40960xf32, #tpu.memory_space<vmem>>[vector<16xi32>], vector<16xf32>,
      %parallel_loop3A_143 = arith.addi %parallel_loop3A_134, %broadcast_in_dim3A_57 : vector<16xi32>
      %parallel_loop3A_144 = tpu.vector_load_idx %arg13[%parallel_loop3A_143] : memref<40960xf32, #tpu.memory_space<vmem>>[vector<16xi32>], vector<16xf32>,
      %parallel_loop3A_145 = arith.mulf %parallel_loop3A_144, %parallel_loop3A_138 : vector<16xf32>
      %parallel_loop3A_146 = arith.addi %parallel_loop3A_136, %broadcast_in_dim3A_57 : vector<16xi32>
      tpu.vector_store_idx %arg14[%parallel_loop3A_146], %parallel_loop3A_145 {add = true} : memref<40960xf32, #tpu.memory_space<vmem>>[vector<16xi32>], vector<16xf32>,
      %parallel_loop3A_147 = arith.addi %parallel_loop3A_134, %broadcast_in_dim3A_59 : vector<16xi32>
      %parallel_loop3A_148 = tpu.vector_load_idx %arg13[%parallel_loop3A_147] : memref<40960xf32, #tpu.memory_space<vmem>>[vector<16xi32>], vector<16xf32>,
      %parallel_loop3A_149 = arith.mulf %parallel_loop3A_148, %parallel_loop3A_138 : vector<16xf32>
      %parallel_loop3A_150 = arith.addi %parallel_loop3A_136, %broadcast_in_dim3A_59 : vector<16xi32>
      tpu.vector_store_idx %arg14[%parallel_loop3A_150], %parallel_loop3A_149 {add = true} : memref<40960xf32, #tpu.memory_space<vmem>>[vector<16xi32>], vector<16xf32>,
      %parallel_loop3A_151 = arith.addi %parallel_loop3A_134, %broadcast_in_dim3A_61 : vector<16xi32>
      %parallel_loop3A_152 = tpu.vector_load_idx %arg13[%parallel_loop3A_151] : memref<40960xf32, #tpu.memory_space<vmem>>[vector<16xi32>], vector<16xf32>,
      %parallel_loop3A_153 = arith.mulf %parallel_loop3A_152, %parallel_loop3A_138 : vector<16xf32>
      %parallel_loop3A_154 = arith.addi %parallel_loop3A_136, %broadcast_in_dim3A_61 : vector<16xi32>
      tpu.vector_store_idx %arg14[%parallel_loop3A_154], %parallel_loop3A_153 {add = true} : memref<40960xf32, #tpu.memory_space<vmem>>[vector<16xi32>], vector<16xf32>,
    } {sc.loop_unroll_factor = 8 : i64, sc.parallel_access}
    %run_scoped3A = arith.constant 0 : i32
    "tpu.region"() ({
      %run_scoped3A_130 = tpu.sem_alloc : memref<!tpu.dma_semaphore, #tpu.memory_space<semaphore_mem>>
      %dma_start3A_131 = arith.constant 0 : i32
      %dma_start3A_132 = tpu.memref_slice %arg14[%dma_start3A_131] : memref<40960xf32, #tpu.memory_space<vmem>> -> memref<10240xf32, #tpu.memory_space<vmem>>
      %dma_start3A_133 = arith.constant 0 : i32
      %dma_start3A_134 = tpu.memref_slice %arg6[%add3A_33, %run_scoped3A, %dma_start3A_133] : memref<32x4x10240xf32, #tpu.memory_space<hbm>> -> memref<1x1x10240xf32, #tpu.memory_space<hbm>>
      %dma_start3A_135 = tpu.memref_squeeze %dma_start3A_134 : memref<1x1x10240xf32, #tpu.memory_space<hbm>> -> memref<10240xf32, #tpu.memory_space<hbm>>
      %dma_start3A_136 = arith.constant 0 : i32
      %dma_start3A_137 = tpu.memref_slice %arg6[%add3A_33, %run_scoped3A, %dma_start3A_136] : memref<32x4x10240xf32, #tpu.memory_space<hbm>> -> memref<1x1x10240xf32, #tpu.memory_space<hbm>>
      %dma_start3A_138 = tpu.memref_squeeze %dma_start3A_137 : memref<1x1x10240xf32, #tpu.memory_space<hbm>> -> memref<10240xf32, #tpu.memory_space<hbm>>
      %dma_start3A_139 = arith.constant 0 : i32
      %dma_start3A_140 = tpu.memref_slice %arg14[%dma_start3A_139] : memref<40960xf32, #tpu.memory_space<vmem>> -> memref<10240xf32, #tpu.memory_space<vmem>>
      tpu.enqueue_dma source(%dma_start3A_140 : memref<10240xf32, #tpu.memory_space<vmem>>) target(%dma_start3A_138 : memref<10240xf32, #tpu.memory_space<hbm>>) target_semaphore(%run_scoped3A_130 : memref<!tpu.dma_semaphore, #tpu.memory_space<semaphore_mem>>)
      %dma_wait3A_141 = arith.constant 0 : i32
      %dma_wait3A_142 = tpu.memref_slice %arg14[%dma_wait3A_141] : memref<40960xf32, #tpu.memory_space<vmem>> -> memref<10240xf32, #tpu.memory_space<vmem>>
      %dma_wait3A_143 = arith.constant 0 : i32
      %dma_wait3A_144 = tpu.memref_slice %arg6[%add3A_33, %run_scoped3A, %dma_wait3A_143] : memref<32x4x10240xf32, #tpu.memory_space<hbm>> -> memref<1x1x10240xf32, #tpu.memory_space<hbm>>
      %dma_wait3A_145 = tpu.memref_squeeze %dma_wait3A_144 : memref<1x1x10240xf32, #tpu.memory_space<hbm>> -> memref<10240xf32, #tpu.memory_space<hbm>>
      %dma_wait3A_146 = arith.constant 0 : i32
      %dma_wait3A_147 = tpu.memref_slice %arg6[%add3A_33, %run_scoped3A, %dma_wait3A_146] : memref<32x4x10240xf32, #tpu.memory_space<hbm>> -> memref<1x1x10240xf32, #tpu.memory_space<hbm>>
      %dma_wait3A_148 = tpu.memref_squeeze %dma_wait3A_147 : memref<1x1x10240xf32, #tpu.memory_space<hbm>> -> memref<10240xf32, #tpu.memory_space<hbm>>
      %dma_wait3A_149 = arith.constant 0 : i32
      %dma_wait3A_150 = tpu.memref_slice %arg14[%dma_wait3A_149] : memref<40960xf32, #tpu.memory_space<vmem>> -> memref<10240xf32, #tpu.memory_space<vmem>>
      tpu.wait_dma2 semaphore(%run_scoped3A_130 : memref<!tpu.dma_semaphore, #tpu.memory_space<semaphore_mem>>) src(%dma_wait3A_150 : memref<10240xf32, #tpu.memory_space<vmem>>) dst(%dma_wait3A_148 : memref<10240xf32, #tpu.memory_space<hbm>>)
      tpu.yield
    }) : () -> ()
    %run_scoped3A_127 = arith.constant 1 : i32
    "tpu.region"() ({
      %run_scoped3A_130 = tpu.sem_alloc : memref<!tpu.dma_semaphore, #tpu.memory_space<semaphore_mem>>
      %dma_start3A_131 = arith.constant 10240 : i32
      %dma_start3A_132 = tpu.memref_slice %arg14[%dma_start3A_131] : memref<40960xf32, #tpu.memory_space<vmem>> -> memref<10240xf32, #tpu.memory_space<vmem>>
      %dma_start3A_133 = arith.constant 0 : i32
      %dma_start3A_134 = tpu.memref_slice %arg6[%add3A_33, %run_scoped3A_127, %dma_start3A_133] : memref<32x4x10240xf32, #tpu.memory_space<hbm>> -> memref<1x1x10240xf32, #tpu.memory_space<hbm>>
      %dma_start3A_135 = tpu.memref_squeeze %dma_start3A_134 : memref<1x1x10240xf32, #tpu.memory_space<hbm>> -> memref<10240xf32, #tpu.memory_space<hbm>>
      %dma_start3A_136 = arith.constant 0 : i32
      %dma_start3A_137 = tpu.memref_slice %arg6[%add3A_33, %run_scoped3A_127, %dma_start3A_136] : memref<32x4x10240xf32, #tpu.memory_space<hbm>> -> memref<1x1x10240xf32, #tpu.memory_space<hbm>>
      %dma_start3A_138 = tpu.memref_squeeze %dma_start3A_137 : memref<1x1x10240xf32, #tpu.memory_space<hbm>> -> memref<10240xf32, #tpu.memory_space<hbm>>
      %dma_start3A_139 = arith.constant 10240 : i32
      %dma_start3A_140 = tpu.memref_slice %arg14[%dma_start3A_139] : memref<40960xf32, #tpu.memory_space<vmem>> -> memref<10240xf32, #tpu.memory_space<vmem>>
      tpu.enqueue_dma source(%dma_start3A_140 : memref<10240xf32, #tpu.memory_space<vmem>>) target(%dma_start3A_138 : memref<10240xf32, #tpu.memory_space<hbm>>) target_semaphore(%run_scoped3A_130 : memref<!tpu.dma_semaphore, #tpu.memory_space<semaphore_mem>>)
      %dma_wait3A_141 = arith.constant 10240 : i32
      %dma_wait3A_142 = tpu.memref_slice %arg14[%dma_wait3A_141] : memref<40960xf32, #tpu.memory_space<vmem>> -> memref<10240xf32, #tpu.memory_space<vmem>>
      %dma_wait3A_143 = arith.constant 0 : i32
      %dma_wait3A_144 = tpu.memref_slice %arg6[%add3A_33, %run_scoped3A_127, %dma_wait3A_143] : memref<32x4x10240xf32, #tpu.memory_space<hbm>> -> memref<1x1x10240xf32, #tpu.memory_space<hbm>>
      %dma_wait3A_145 = tpu.memref_squeeze %dma_wait3A_144 : memref<1x1x10240xf32, #tpu.memory_space<hbm>> -> memref<10240xf32, #tpu.memory_space<hbm>>
      %dma_wait3A_146 = arith.constant 0 : i32
      %dma_wait3A_147 = tpu.memref_slice %arg6[%add3A_33, %run_scoped3A_127, %dma_wait3A_146] : memref<32x4x10240xf32, #tpu.memory_space<hbm>> -> memref<1x1x10240xf32, #tpu.memory_space<hbm>>
      %dma_wait3A_148 = tpu.memref_squeeze %dma_wait3A_147 : memref<1x1x10240xf32, #tpu.memory_space<hbm>> -> memref<10240xf32, #tpu.memory_space<hbm>>
      %dma_wait3A_149 = arith.constant 10240 : i32
      %dma_wait3A_150 = tpu.memref_slice %arg14[%dma_wait3A_149] : memref<40960xf32, #tpu.memory_space<vmem>> -> memref<10240xf32, #tpu.memory_space<vmem>>
      tpu.wait_dma2 semaphore(%run_scoped3A_130 : memref<!tpu.dma_semaphore, #tpu.memory_space<semaphore_mem>>) src(%dma_wait3A_150 : memref<10240xf32, #tpu.memory_space<vmem>>) dst(%dma_wait3A_148 : memref<10240xf32, #tpu.memory_space<hbm>>)
      tpu.yield
    }) : () -> ()
    %run_scoped3A_128 = arith.constant 2 : i32
    "tpu.region"() ({
      %run_scoped3A_130 = tpu.sem_alloc : memref<!tpu.dma_semaphore, #tpu.memory_space<semaphore_mem>>
      %dma_start3A_131 = arith.constant 20480 : i32
      %dma_start3A_132 = tpu.memref_slice %arg14[%dma_start3A_131] : memref<40960xf32, #tpu.memory_space<vmem>> -> memref<10240xf32, #tpu.memory_space<vmem>>
      %dma_start3A_133 = arith.constant 0 : i32
      %dma_start3A_134 = tpu.memref_slice %arg6[%add3A_33, %run_scoped3A_128, %dma_start3A_133] : memref<32x4x10240xf32, #tpu.memory_space<hbm>> -> memref<1x1x10240xf32, #tpu.memory_space<hbm>>
      %dma_start3A_135 = tpu.memref_squeeze %dma_start3A_134 : memref<1x1x10240xf32, #tpu.memory_space<hbm>> -> memref<10240xf32, #tpu.memory_space<hbm>>
      %dma_start3A_136 = arith.constant 0 : i32
      %dma_start3A_137 = tpu.memref_slice %arg6[%add3A_33, %run_scoped3A_128, %dma_start3A_136] : memref<32x4x10240xf32, #tpu.memory_space<hbm>> -> memref<1x1x10240xf32, #tpu.memory_space<hbm>>
      %dma_start3A_138 = tpu.memref_squeeze %dma_start3A_137 : memref<1x1x10240xf32, #tpu.memory_space<hbm>> -> memref<10240xf32, #tpu.memory_space<hbm>>
      %dma_start3A_139 = arith.constant 20480 : i32
      %dma_start3A_140 = tpu.memref_slice %arg14[%dma_start3A_139] : memref<40960xf32, #tpu.memory_space<vmem>> -> memref<10240xf32, #tpu.memory_space<vmem>>
      tpu.enqueue_dma source(%dma_start3A_140 : memref<10240xf32, #tpu.memory_space<vmem>>) target(%dma_start3A_138 : memref<10240xf32, #tpu.memory_space<hbm>>) target_semaphore(%run_scoped3A_130 : memref<!tpu.dma_semaphore, #tpu.memory_space<semaphore_mem>>)
      %dma_wait3A_141 = arith.constant 20480 : i32
      %dma_wait3A_142 = tpu.memref_slice %arg14[%dma_wait3A_141] : memref<40960xf32, #tpu.memory_space<vmem>> -> memref<10240xf32, #tpu.memory_space<vmem>>
      %dma_wait3A_143 = arith.constant 0 : i32
      %dma_wait3A_144 = tpu.memref_slice %arg6[%add3A_33, %run_scoped3A_128, %dma_wait3A_143] : memref<32x4x10240xf32, #tpu.memory_space<hbm>> -> memref<1x1x10240xf32, #tpu.memory_space<hbm>>
      %dma_wait3A_145 = tpu.memref_squeeze %dma_wait3A_144 : memref<1x1x10240xf32, #tpu.memory_space<hbm>> -> memref<10240xf32, #tpu.memory_space<hbm>>
      %dma_wait3A_146 = arith.constant 0 : i32
      %dma_wait3A_147 = tpu.memref_slice %arg6[%add3A_33, %run_scoped3A_128, %dma_wait3A_146] : memref<32x4x10240xf32, #tpu.memory_space<hbm>> -> memref<1x1x10240xf32, #tpu.memory_space<hbm>>
      %dma_wait3A_148 = tpu.memref_squeeze %dma_wait3A_147 : memref<1x1x10240xf32, #tpu.memory_space<hbm>> -> memref<10240xf32, #tpu.memory_space<hbm>>
      %dma_wait3A_149 = arith.constant 20480 : i32
      %dma_wait3A_150 = tpu.memref_slice %arg14[%dma_wait3A_149] : memref<40960xf32, #tpu.memory_space<vmem>> -> memref<10240xf32, #tpu.memory_space<vmem>>
      tpu.wait_dma2 semaphore(%run_scoped3A_130 : memref<!tpu.dma_semaphore, #tpu.memory_space<semaphore_mem>>) src(%dma_wait3A_150 : memref<10240xf32, #tpu.memory_space<vmem>>) dst(%dma_wait3A_148 : memref<10240xf32, #tpu.memory_space<hbm>>)
      tpu.yield
    }) : () -> ()
    %run_scoped3A_129 = arith.constant 3 : i32
    "tpu.region"() ({
      %run_scoped3A_130 = tpu.sem_alloc : memref<!tpu.dma_semaphore, #tpu.memory_space<semaphore_mem>>
      %dma_start3A_131 = arith.constant 30720 : i32
      %dma_start3A_132 = tpu.memref_slice %arg14[%dma_start3A_131] : memref<40960xf32, #tpu.memory_space<vmem>> -> memref<10240xf32, #tpu.memory_space<vmem>>
      %dma_start3A_133 = arith.constant 0 : i32
      %dma_start3A_134 = tpu.memref_slice %arg6[%add3A_33, %run_scoped3A_129, %dma_start3A_133] : memref<32x4x10240xf32, #tpu.memory_space<hbm>> -> memref<1x1x10240xf32, #tpu.memory_space<hbm>>
      %dma_start3A_135 = tpu.memref_squeeze %dma_start3A_134 : memref<1x1x10240xf32, #tpu.memory_space<hbm>> -> memref<10240xf32, #tpu.memory_space<hbm>>
      %dma_start3A_136 = arith.constant 0 : i32
      %dma_start3A_137 = tpu.memref_slice %arg6[%add3A_33, %run_scoped3A_129, %dma_start3A_136] : memref<32x4x10240xf32, #tpu.memory_space<hbm>> -> memref<1x1x10240xf32, #tpu.memory_space<hbm>>
      %dma_start3A_138 = tpu.memref_squeeze %dma_start3A_137 : memref<1x1x10240xf32, #tpu.memory_space<hbm>> -> memref<10240xf32, #tpu.memory_space<hbm>>
      %dma_start3A_139 = arith.constant 30720 : i32
      %dma_start3A_140 = tpu.memref_slice %arg14[%dma_start3A_139] : memref<40960xf32, #tpu.memory_space<vmem>> -> memref<10240xf32, #tpu.memory_space<vmem>>
      tpu.enqueue_dma source(%dma_start3A_140 : memref<10240xf32, #tpu.memory_space<vmem>>) target(%dma_start3A_138 : memref<10240xf32, #tpu.memory_space<hbm>>) target_semaphore(%run_scoped3A_130 : memref<!tpu.dma_semaphore, #tpu.memory_space<semaphore_mem>>)
      %dma_wait3A_141 = arith.constant 30720 : i32
      %dma_wait3A_142 = tpu.memref_slice %arg14[%dma_wait3A_141] : memref<40960xf32, #tpu.memory_space<vmem>> -> memref<10240xf32, #tpu.memory_space<vmem>>
      %dma_wait3A_143 = arith.constant 0 : i32
      %dma_wait3A_144 = tpu.memref_slice %arg6[%add3A_33, %run_scoped3A_129, %dma_wait3A_143] : memref<32x4x10240xf32, #tpu.memory_space<hbm>> -> memref<1x1x10240xf32, #tpu.memory_space<hbm>>
      %dma_wait3A_145 = tpu.memref_squeeze %dma_wait3A_144 : memref<1x1x10240xf32, #tpu.memory_space<hbm>> -> memref<10240xf32, #tpu.memory_space<hbm>>
      %dma_wait3A_146 = arith.constant 0 : i32
      %dma_wait3A_147 = tpu.memref_slice %arg6[%add3A_33, %run_scoped3A_129, %dma_wait3A_146] : memref<32x4x10240xf32, #tpu.memory_space<hbm>> -> memref<1x1x10240xf32, #tpu.memory_space<hbm>>
      %dma_wait3A_148 = tpu.memref_squeeze %dma_wait3A_147 : memref<1x1x10240xf32, #tpu.memory_space<hbm>> -> memref<10240xf32, #tpu.memory_space<hbm>>
      %dma_wait3A_149 = arith.constant 30720 : i32
      %dma_wait3A_150 = tpu.memref_slice %arg14[%dma_wait3A_149] : memref<40960xf32, #tpu.memory_space<vmem>> -> memref<10240xf32, #tpu.memory_space<vmem>>
      tpu.wait_dma2 semaphore(%run_scoped3A_130 : memref<!tpu.dma_semaphore, #tpu.memory_space<semaphore_mem>>) src(%dma_wait3A_150 : memref<10240xf32, #tpu.memory_space<vmem>>) dst(%dma_wait3A_148 : memref<10240xf32, #tpu.memory_space<hbm>>)
      tpu.yield
    }) : () -> ()
    return
  }
}

module attributes {stable_mosaic.version = 14 : i64} {
  func.func @_encode0_body(%arg0: memref<10000x128xf32, #tpu.memory_space<vmem>>, %arg1: memref<128x16xf32, #tpu.memory_space<vmem>>, %arg2: memref<1x16xf32, #tpu.memory_space<vmem>>, %arg3: memref<16x10240xf32, #tpu.memory_space<vmem>>) attributes {dimension_semantics = [], scalar_prefetch = 0 : i64, scratch_operands = 0 : i64, tpu.core_type = #tpu.core_type<tc>} {
    %get3A = arith.constant 0 : index
    %get3A_0 = arith.constant 0 : index
    %get3A_1 = vector.load %arg0[%get3A, %get3A_0] : memref<10000x128xf32, #tpu.memory_space<vmem>>, vector<10000x128xf32>
    %get3A_2 = arith.constant 0 : index
    %get3A_3 = arith.constant 0 : index
    %get3A_4 = vector.load %arg1[%get3A_2, %get3A_3] : memref<128x16xf32, #tpu.memory_space<vmem>>, vector<128x16xf32>
    %dot_general3A = arith.constant dense<0.000000e+00> : vector<10000x16xf32>
    %dot_general3A_5 = tpu.matmul %get3A_1, %get3A_4, %dot_general3A {dimension_numbers = #tpu.dot_dimension_numbers<[1], [0], [0], [1], [0, 0, 1, 1], [], []>, transpose_lhs_hint = false} : vector<10000x128xf32>, vector<128x16xf32>, vector<10000x16xf32> -> vector<10000x16xf32>
    %get3A_6 = arith.constant 0 : index
    %get3A_7 = arith.constant 0 : index
    %get3A_8 = vector.load %arg2[%get3A_6, %get3A_7] : memref<1x16xf32, #tpu.memory_space<vmem>>, vector<1x16xf32>
    %add3A = vector.broadcast %get3A_8 : vector<1x16xf32> to vector<10000x16xf32>
    %add3A_9 = arith.addf %dot_general3A_5, %add3A : vector<10000x16xf32>
    %transpose3A = tpu.transpose %add3A_9, [1, 0] : vector<10000x16xf32> -> vector<16x10000xf32>
    %swap3A = arith.constant 0 : index
    %swap3A_10 = arith.constant 0 : index
    %swap3A_11 = vector.load %arg3[%swap3A, %swap3A_10] : memref<16x10240xf32, #tpu.memory_space<vmem>>, vector<16x10000xf32>
    tpu.vector_store %arg3[%swap3A, %swap3A_10], %transpose3A {strides = array<i32>} : memref<16x10240xf32, #tpu.memory_space<vmem>>, vector<16x10000xf32>,
    return
  }
}

module attributes {stable_mosaic.version = 14 : i64} {
  func.func @_mid_body(%arg0: memref<32x4x10240xf32, #tpu.memory_space<vmem>>, %arg1: memref<16x16xf32, #tpu.memory_space<vmem>>, %arg2: memref<16x1xf32, #tpu.memory_space<vmem>>, %arg3: memref<1x1xf32, #tpu.memory_space<vmem>>, %arg4: memref<16x10240xf32, #tpu.memory_space<vmem>>) attributes {dimension_semantics = [], scalar_prefetch = 0 : i64, scratch_operands = 0 : i64, tpu.core_type = #tpu.core_type<tc>} {
    %get3A = arith.constant 0 : index
    %get3A_0 = arith.constant 0 : index
    %get3A_1 = arith.constant 0 : index
    %get3A_2 = vector.load %arg0[%get3A, %get3A_0, %get3A_1] : memref<32x4x10240xf32, #tpu.memory_space<vmem>>, vector<1x4x10240xf32>
    %get3A_3 = vector.shape_cast %get3A_2 : vector<1x4x10240xf32> to vector<4x10240xf32>
    %get3A_4 = arith.constant 4 : index
    %get3A_5 = arith.constant 0 : index
    %get3A_6 = arith.constant 0 : index
    %get3A_7 = vector.load %arg0[%get3A_4, %get3A_5, %get3A_6] : memref<32x4x10240xf32, #tpu.memory_space<vmem>>, vector<1x4x10240xf32>
    %get3A_8 = vector.shape_cast %get3A_7 : vector<1x4x10240xf32> to vector<4x10240xf32>
    %add3A = arith.addf %get3A_3, %get3A_8 : vector<4x10240xf32>
    %get3A_9 = arith.constant 8 : index
    %get3A_10 = arith.constant 0 : index
    %get3A_11 = arith.constant 0 : index
    %get3A_12 = vector.load %arg0[%get3A_9, %get3A_10, %get3A_11] : memref<32x4x10240xf32, #tpu.memory_space<vmem>>, vector<1x4x10240xf32>
    %get3A_13 = vector.shape_cast %get3A_12 : vector<1x4x10240xf32> to vector<4x10240xf32>
    %add3A_14 = arith.addf %add3A, %get3A_13 : vector<4x10240xf32>
    %get3A_15 = arith.constant 12 : index
    %get3A_16 = arith.constant 0 : index
    %get3A_17 = arith.constant 0 : index
    %get3A_18 = vector.load %arg0[%get3A_15, %get3A_16, %get3A_17] : memref<32x4x10240xf32, #tpu.memory_space<vmem>>, vector<1x4x10240xf32>
    %get3A_19 = vector.shape_cast %get3A_18 : vector<1x4x10240xf32> to vector<4x10240xf32>
    %add3A_20 = arith.addf %add3A_14, %get3A_19 : vector<4x10240xf32>
    %get3A_21 = arith.constant 16 : index
    %get3A_22 = arith.constant 0 : index
    %get3A_23 = arith.constant 0 : index
    %get3A_24 = vector.load %arg0[%get3A_21, %get3A_22, %get3A_23] : memref<32x4x10240xf32, #tpu.memory_space<vmem>>, vector<1x4x10240xf32>
    %get3A_25 = vector.shape_cast %get3A_24 : vector<1x4x10240xf32> to vector<4x10240xf32>
    %add3A_26 = arith.addf %add3A_20, %get3A_25 : vector<4x10240xf32>
    %get3A_27 = arith.constant 20 : index
    %get3A_28 = arith.constant 0 : index
    %get3A_29 = arith.constant 0 : index
    %get3A_30 = vector.load %arg0[%get3A_27, %get3A_28, %get3A_29] : memref<32x4x10240xf32, #tpu.memory_space<vmem>>, vector<1x4x10240xf32>
    %get3A_31 = vector.shape_cast %get3A_30 : vector<1x4x10240xf32> to vector<4x10240xf32>
    %add3A_32 = arith.addf %add3A_26, %get3A_31 : vector<4x10240xf32>
    %get3A_33 = arith.constant 24 : index
    %get3A_34 = arith.constant 0 : index
    %get3A_35 = arith.constant 0 : index
    %get3A_36 = vector.load %arg0[%get3A_33, %get3A_34, %get3A_35] : memref<32x4x10240xf32, #tpu.memory_space<vmem>>, vector<1x4x10240xf32>
    %get3A_37 = vector.shape_cast %get3A_36 : vector<1x4x10240xf32> to vector<4x10240xf32>
    %add3A_38 = arith.addf %add3A_32, %get3A_37 : vector<4x10240xf32>
    %get3A_39 = arith.constant 28 : index
    %get3A_40 = arith.constant 0 : index
    %get3A_41 = arith.constant 0 : index
    %get3A_42 = vector.load %arg0[%get3A_39, %get3A_40, %get3A_41] : memref<32x4x10240xf32, #tpu.memory_space<vmem>>, vector<1x4x10240xf32>
    %get3A_43 = vector.shape_cast %get3A_42 : vector<1x4x10240xf32> to vector<4x10240xf32>
    %add3A_44 = arith.addf %add3A_38, %get3A_43 : vector<4x10240xf32>
    %get3A_45 = arith.constant 1 : index
    %get3A_46 = arith.constant 0 : index
    %get3A_47 = arith.constant 0 : index
    %get3A_48 = vector.load %arg0[%get3A_45, %get3A_46, %get3A_47] : memref<32x4x10240xf32, #tpu.memory_space<vmem>>, vector<1x4x10240xf32>
    %get3A_49 = vector.shape_cast %get3A_48 : vector<1x4x10240xf32> to vector<4x10240xf32>
    %get3A_50 = arith.constant 5 : index
    %get3A_51 = arith.constant 0 : index
    %get3A_52 = arith.constant 0 : index
    %get3A_53 = vector.load %arg0[%get3A_50, %get3A_51, %get3A_52] : memref<32x4x10240xf32, #tpu.memory_space<vmem>>, vector<1x4x10240xf32>
    %get3A_54 = vector.shape_cast %get3A_53 : vector<1x4x10240xf32> to vector<4x10240xf32>
    %add3A_55 = arith.addf %get3A_49, %get3A_54 : vector<4x10240xf32>
    %get3A_56 = arith.constant 9 : index
    %get3A_57 = arith.constant 0 : index
    %get3A_58 = arith.constant 0 : index
    %get3A_59 = vector.load %arg0[%get3A_56, %get3A_57, %get3A_58] : memref<32x4x10240xf32, #tpu.memory_space<vmem>>, vector<1x4x10240xf32>
    %get3A_60 = vector.shape_cast %get3A_59 : vector<1x4x10240xf32> to vector<4x10240xf32>
    %add3A_61 = arith.addf %add3A_55, %get3A_60 : vector<4x10240xf32>
    %get3A_62 = arith.constant 13 : index
    %get3A_63 = arith.constant 0 : index
    %get3A_64 = arith.constant 0 : index
    %get3A_65 = vector.load %arg0[%get3A_62, %get3A_63, %get3A_64] : memref<32x4x10240xf32, #tpu.memory_space<vmem>>, vector<1x4x10240xf32>
    %get3A_66 = vector.shape_cast %get3A_65 : vector<1x4x10240xf32> to vector<4x10240xf32>
    %add3A_67 = arith.addf %add3A_61, %get3A_66 : vector<4x10240xf32>
    %get3A_68 = arith.constant 17 : index
    %get3A_69 = arith.constant 0 : index
    %get3A_70 = arith.constant 0 : index
    %get3A_71 = vector.load %arg0[%get3A_68, %get3A_69, %get3A_70] : memref<32x4x10240xf32, #tpu.memory_space<vmem>>, vector<1x4x10240xf32>
    %get3A_72 = vector.shape_cast %get3A_71 : vector<1x4x10240xf32> to vector<4x10240xf32>
    %add3A_73 = arith.addf %add3A_67, %get3A_72 : vector<4x10240xf32>
    %get3A_74 = arith.constant 21 : index
    %get3A_75 = arith.constant 0 : index
    %get3A_76 = arith.constant 0 : index
    %get3A_77 = vector.load %arg0[%get3A_74, %get3A_75, %get3A_76] : memref<32x4x10240xf32, #tpu.memory_space<vmem>>, vector<1x4x10240xf32>
    %get3A_78 = vector.shape_cast %get3A_77 : vector<1x4x10240xf32> to vector<4x10240xf32>
    %add3A_79 = arith.addf %add3A_73, %get3A_78 : vector<4x10240xf32>
    %get3A_80 = arith.constant 25 : index
    %get3A_81 = arith.constant 0 : index
    %get3A_82 = arith.constant 0 : index
    %get3A_83 = vector.load %arg0[%get3A_80, %get3A_81, %get3A_82] : memref<32x4x10240xf32, #tpu.memory_space<vmem>>, vector<1x4x10240xf32>
    %get3A_84 = vector.shape_cast %get3A_83 : vector<1x4x10240xf32> to vector<4x10240xf32>
    %add3A_85 = arith.addf %add3A_79, %get3A_84 : vector<4x10240xf32>
    %get3A_86 = arith.constant 29 : index
    %get3A_87 = arith.constant 0 : index
    %get3A_88 = arith.constant 0 : index
    %get3A_89 = vector.load %arg0[%get3A_86, %get3A_87, %get3A_88] : memref<32x4x10240xf32, #tpu.memory_space<vmem>>, vector<1x4x10240xf32>
    %get3A_90 = vector.shape_cast %get3A_89 : vector<1x4x10240xf32> to vector<4x10240xf32>
    %add3A_91 = arith.addf %add3A_85, %get3A_90 : vector<4x10240xf32>
    %get3A_92 = arith.constant 2 : index
    %get3A_93 = arith.constant 0 : index
    %get3A_94 = arith.constant 0 : index
    %get3A_95 = vector.load %arg0[%get3A_92, %get3A_93, %get3A_94] : memref<32x4x10240xf32, #tpu.memory_space<vmem>>, vector<1x4x10240xf32>
    %get3A_96 = vector.shape_cast %get3A_95 : vector<1x4x10240xf32> to vector<4x10240xf32>
    %get3A_97 = arith.constant 6 : index
    %get3A_98 = arith.constant 0 : index
    %get3A_99 = arith.constant 0 : index
    %get3A_100 = vector.load %arg0[%get3A_97, %get3A_98, %get3A_99] : memref<32x4x10240xf32, #tpu.memory_space<vmem>>, vector<1x4x10240xf32>
    %get3A_101 = vector.shape_cast %get3A_100 : vector<1x4x10240xf32> to vector<4x10240xf32>
    %add3A_102 = arith.addf %get3A_96, %get3A_101 : vector<4x10240xf32>
    %get3A_103 = arith.constant 10 : index
    %get3A_104 = arith.constant 0 : index
    %get3A_105 = arith.constant 0 : index
    %get3A_106 = vector.load %arg0[%get3A_103, %get3A_104, %get3A_105] : memref<32x4x10240xf32, #tpu.memory_space<vmem>>, vector<1x4x10240xf32>
    %get3A_107 = vector.shape_cast %get3A_106 : vector<1x4x10240xf32> to vector<4x10240xf32>
    %add3A_108 = arith.addf %add3A_102, %get3A_107 : vector<4x10240xf32>
    %get3A_109 = arith.constant 14 : index
    %get3A_110 = arith.constant 0 : index
    %get3A_111 = arith.constant 0 : index
    %get3A_112 = vector.load %arg0[%get3A_109, %get3A_110, %get3A_111] : memref<32x4x10240xf32, #tpu.memory_space<vmem>>, vector<1x4x10240xf32>
    %get3A_113 = vector.shape_cast %get3A_112 : vector<1x4x10240xf32> to vector<4x10240xf32>
    %add3A_114 = arith.addf %add3A_108, %get3A_113 : vector<4x10240xf32>
    %get3A_115 = arith.constant 18 : index
    %get3A_116 = arith.constant 0 : index
    %get3A_117 = arith.constant 0 : index
    %get3A_118 = vector.load %arg0[%get3A_115, %get3A_116, %get3A_117] : memref<32x4x10240xf32, #tpu.memory_space<vmem>>, vector<1x4x10240xf32>
    %get3A_119 = vector.shape_cast %get3A_118 : vector<1x4x10240xf32> to vector<4x10240xf32>
    %add3A_120 = arith.addf %add3A_114, %get3A_119 : vector<4x10240xf32>
    %get3A_121 = arith.constant 22 : index
    %get3A_122 = arith.constant 0 : index
    %get3A_123 = arith.constant 0 : index
    %get3A_124 = vector.load %arg0[%get3A_121, %get3A_122, %get3A_123] : memref<32x4x10240xf32, #tpu.memory_space<vmem>>, vector<1x4x10240xf32>
    %get3A_125 = vector.shape_cast %get3A_124 : vector<1x4x10240xf32> to vector<4x10240xf32>
    %add3A_126 = arith.addf %add3A_120, %get3A_125 : vector<4x10240xf32>
    %get3A_127 = arith.constant 26 : index
    %get3A_128 = arith.constant 0 : index
    %get3A_129 = arith.constant 0 : index
    %get3A_130 = vector.load %arg0[%get3A_127, %get3A_128, %get3A_129] : memref<32x4x10240xf32, #tpu.memory_space<vmem>>, vector<1x4x10240xf32>
    %get3A_131 = vector.shape_cast %get3A_130 : vector<1x4x10240xf32> to vector<4x10240xf32>
    %add3A_132 = arith.addf %add3A_126, %get3A_131 : vector<4x10240xf32>
    %get3A_133 = arith.constant 30 : index
    %get3A_134 = arith.constant 0 : index
    %get3A_135 = arith.constant 0 : index
    %get3A_136 = vector.load %arg0[%get3A_133, %get3A_134, %get3A_135] : memref<32x4x10240xf32, #tpu.memory_space<vmem>>, vector<1x4x10240xf32>
    %get3A_137 = vector.shape_cast %get3A_136 : vector<1x4x10240xf32> to vector<4x10240xf32>
    %add3A_138 = arith.addf %add3A_132, %get3A_137 : vector<4x10240xf32>
    %get3A_139 = arith.constant 3 : index
    %get3A_140 = arith.constant 0 : index
    %get3A_141 = arith.constant 0 : index
    %get3A_142 = vector.load %arg0[%get3A_139, %get3A_140, %get3A_141] : memref<32x4x10240xf32, #tpu.memory_space<vmem>>, vector<1x4x10240xf32>
    %get3A_143 = vector.shape_cast %get3A_142 : vector<1x4x10240xf32> to vector<4x10240xf32>
    %get3A_144 = arith.constant 7 : index
    %get3A_145 = arith.constant 0 : index
    %get3A_146 = arith.constant 0 : index
    %get3A_147 = vector.load %arg0[%get3A_144, %get3A_145, %get3A_146] : memref<32x4x10240xf32, #tpu.memory_space<vmem>>, vector<1x4x10240xf32>
    %get3A_148 = vector.shape_cast %get3A_147 : vector<1x4x10240xf32> to vector<4x10240xf32>
    %add3A_149 = arith.addf %get3A_143, %get3A_148 : vector<4x10240xf32>
    %get3A_150 = arith.constant 11 : index
    %get3A_151 = arith.constant 0 : index
    %get3A_152 = arith.constant 0 : index
    %get3A_153 = vector.load %arg0[%get3A_150, %get3A_151, %get3A_152] : memref<32x4x10240xf32, #tpu.memory_space<vmem>>, vector<1x4x10240xf32>
    %get3A_154 = vector.shape_cast %get3A_153 : vector<1x4x10240xf32> to vector<4x10240xf32>
    %add3A_155 = arith.addf %add3A_149, %get3A_154 : vector<4x10240xf32>
    %get3A_156 = arith.constant 15 : index
    %get3A_157 = arith.constant 0 : index
    %get3A_158 = arith.constant 0 : index
    %get3A_159 = vector.load %arg0[%get3A_156, %get3A_157, %get3A_158] : memref<32x4x10240xf32, #tpu.memory_space<vmem>>, vector<1x4x10240xf32>
    %get3A_160 = vector.shape_cast %get3A_159 : vector<1x4x10240xf32> to vector<4x10240xf32>
    %add3A_161 = arith.addf %add3A_155, %get3A_160 : vector<4x10240xf32>
    %get3A_162 = arith.constant 19 : index
    %get3A_163 = arith.constant 0 : index
    %get3A_164 = arith.constant 0 : index
    %get3A_165 = vector.load %arg0[%get3A_162, %get3A_163, %get3A_164] : memref<32x4x10240xf32, #tpu.memory_space<vmem>>, vector<1x4x10240xf32>
    %get3A_166 = vector.shape_cast %get3A_165 : vector<1x4x10240xf32> to vector<4x10240xf32>
    %add3A_167 = arith.addf %add3A_161, %get3A_166 : vector<4x10240xf32>
    %get3A_168 = arith.constant 23 : index
    %get3A_169 = arith.constant 0 : index
    %get3A_170 = arith.constant 0 : index
    %get3A_171 = vector.load %arg0[%get3A_168, %get3A_169, %get3A_170] : memref<32x4x10240xf32, #tpu.memory_space<vmem>>, vector<1x4x10240xf32>
    %get3A_172 = vector.shape_cast %get3A_171 : vector<1x4x10240xf32> to vector<4x10240xf32>
    %add3A_173 = arith.addf %add3A_167, %get3A_172 : vector<4x10240xf32>
    %get3A_174 = arith.constant 27 : index
    %get3A_175 = arith.constant 0 : index
    %get3A_176 = arith.constant 0 : index
    %get3A_177 = vector.load %arg0[%get3A_174, %get3A_175, %get3A_176] : memref<32x4x10240xf32, #tpu.memory_space<vmem>>, vector<1x4x10240xf32>
    %get3A_178 = vector.shape_cast %get3A_177 : vector<1x4x10240xf32> to vector<4x10240xf32>
    %add3A_179 = arith.addf %add3A_173, %get3A_178 : vector<4x10240xf32>
    %get3A_180 = arith.constant 31 : index
    %get3A_181 = arith.constant 0 : index
    %get3A_182 = arith.constant 0 : index
    %get3A_183 = vector.load %arg0[%get3A_180, %get3A_181, %get3A_182] : memref<32x4x10240xf32, #tpu.memory_space<vmem>>, vector<1x4x10240xf32>
    %get3A_184 = vector.shape_cast %get3A_183 : vector<1x4x10240xf32> to vector<4x10240xf32>
    %add3A_185 = arith.addf %add3A_179, %get3A_184 : vector<4x10240xf32>
    %concatenate3A = tpu.concatenate %add3A_44, %add3A_91, %add3A_138, %add3A_185 in 0 : vector<4x10240xf32>, vector<4x10240xf32>, vector<4x10240xf32>, vector<4x10240xf32> -> vector<16x10240xf32>
    %ge3A = arith.constant 0.000000e+00 : f32
    %ge3A_186 = vector.broadcast %ge3A : f32 to vector<16x10240xf32>
    %ge3A_187 = arith.cmpf oge, %concatenate3A, %ge3A_186 : vector<16x10240xf32>
    %get3A_188 = arith.constant 0 : index
    %get3A_189 = arith.constant 0 : index
    %get3A_190 = vector.load %arg3[%get3A_188, %get3A_189] : memref<1x1xf32, #tpu.memory_space<vmem>>, vector<1x1xf32>
    %mul3A = vector.broadcast %get3A_190 : vector<1x1xf32> to vector<16x10240xf32>
    %mul3A_191 = arith.mulf %concatenate3A, %mul3A : vector<16x10240xf32>
    %select_n3A = arith.select %ge3A_187, %concatenate3A, %mul3A_191 : vector<16x10240xi1>, vector<16x10240xf32>
    %get3A_192 = arith.constant 0 : index
    %get3A_193 = arith.constant 0 : index
    %get3A_194 = vector.load %arg1[%get3A_192, %get3A_193] : memref<16x16xf32, #tpu.memory_space<vmem>>, vector<16x16xf32>
    %dot_general3A = arith.constant dense<0.000000e+00> : vector<16x10240xf32>
    %dot_general3A_195 = tpu.matmul %get3A_194, %select_n3A, %dot_general3A {dimension_numbers = #tpu.dot_dimension_numbers<[1], [0], [0], [1], [0, 0, 1, 1], [], []>, transpose_lhs_hint = false} : vector<16x16xf32>, vector<16x10240xf32>, vector<16x10240xf32> -> vector<16x10240xf32>
    %get3A_196 = arith.constant 0 : index
    %get3A_197 = arith.constant 0 : index
    %get3A_198 = vector.load %arg2[%get3A_196, %get3A_197] : memref<16x1xf32, #tpu.memory_space<vmem>>, vector<16x1xf32>
    %add3A_199 = vector.broadcast %get3A_198 : vector<16x1xf32> to vector<16x10240xf32>
    %add3A_200 = arith.addf %dot_general3A_195, %add3A_199 : vector<16x10240xf32>
    %swap3A = arith.constant 0 : index
    %swap3A_201 = arith.constant 0 : index
    %swap3A_202 = vector.load %arg4[%swap3A, %swap3A_201] : memref<16x10240xf32, #tpu.memory_space<vmem>>, vector<16x10240xf32>
    tpu.vector_store %arg4[%swap3A, %swap3A_201], %add3A_200 {strides = array<i32>} : memref<16x10240xf32, #tpu.memory_space<vmem>>, vector<16x10240xf32>,
    return
  }
}

module attributes {stable_mosaic.version = 14 : i64} {
  func.func @_heads_body(%arg0: memref<32x4x10240xf32, #tpu.memory_space<vmem>>, %arg1: memref<16x16xf32, #tpu.memory_space<vmem>>, %arg2: memref<16x1xf32, #tpu.memory_space<vmem>>, %arg3: memref<16x16xf32, #tpu.memory_space<vmem>>, %arg4: memref<16x1xf32, #tpu.memory_space<vmem>>, %arg5: memref<1x1xf32, #tpu.memory_space<vmem>>, %arg6: memref<16x10000xf32, #tpu.memory_space<vmem>>, %arg7: memref<10000x16xf32, #tpu.memory_space<vmem>>, %arg8: memref<10000x16xf32, #tpu.memory_space<vmem>>, %arg9: memref<10000x16xf32, #tpu.memory_space<vmem>>, %arg10: memref<16x10000xf32, #tpu.memory_space<vmem>>) attributes {dimension_semantics = [], scalar_prefetch = 0 : i64, scratch_operands = 0 : i64, tpu.core_type = #tpu.core_type<tc>} {
    %get3A = arith.constant 0 : index
    %get3A_0 = arith.constant 0 : index
    %get3A_1 = arith.constant 0 : index
    %get3A_2 = vector.load %arg0[%get3A, %get3A_0, %get3A_1] : memref<32x4x10240xf32, #tpu.memory_space<vmem>>, vector<1x4x10240xf32>
    %get3A_3 = vector.shape_cast %get3A_2 : vector<1x4x10240xf32> to vector<4x10240xf32>
    %get3A_4 = arith.constant 4 : index
    %get3A_5 = arith.constant 0 : index
    %get3A_6 = arith.constant 0 : index
    %get3A_7 = vector.load %arg0[%get3A_4, %get3A_5, %get3A_6] : memref<32x4x10240xf32, #tpu.memory_space<vmem>>, vector<1x4x10240xf32>
    %get3A_8 = vector.shape_cast %get3A_7 : vector<1x4x10240xf32> to vector<4x10240xf32>
    %add3A = arith.addf %get3A_3, %get3A_8 : vector<4x10240xf32>
    %get3A_9 = arith.constant 8 : index
    %get3A_10 = arith.constant 0 : index
    %get3A_11 = arith.constant 0 : index
    %get3A_12 = vector.load %arg0[%get3A_9, %get3A_10, %get3A_11] : memref<32x4x10240xf32, #tpu.memory_space<vmem>>, vector<1x4x10240xf32>
    %get3A_13 = vector.shape_cast %get3A_12 : vector<1x4x10240xf32> to vector<4x10240xf32>
    %add3A_14 = arith.addf %add3A, %get3A_13 : vector<4x10240xf32>
    %get3A_15 = arith.constant 12 : index
    %get3A_16 = arith.constant 0 : index
    %get3A_17 = arith.constant 0 : index
    %get3A_18 = vector.load %arg0[%get3A_15, %get3A_16, %get3A_17] : memref<32x4x10240xf32, #tpu.memory_space<vmem>>, vector<1x4x10240xf32>
    %get3A_19 = vector.shape_cast %get3A_18 : vector<1x4x10240xf32> to vector<4x10240xf32>
    %add3A_20 = arith.addf %add3A_14, %get3A_19 : vector<4x10240xf32>
    %get3A_21 = arith.constant 16 : index
    %get3A_22 = arith.constant 0 : index
    %get3A_23 = arith.constant 0 : index
    %get3A_24 = vector.load %arg0[%get3A_21, %get3A_22, %get3A_23] : memref<32x4x10240xf32, #tpu.memory_space<vmem>>, vector<1x4x10240xf32>
    %get3A_25 = vector.shape_cast %get3A_24 : vector<1x4x10240xf32> to vector<4x10240xf32>
    %add3A_26 = arith.addf %add3A_20, %get3A_25 : vector<4x10240xf32>
    %get3A_27 = arith.constant 20 : index
    %get3A_28 = arith.constant 0 : index
    %get3A_29 = arith.constant 0 : index
    %get3A_30 = vector.load %arg0[%get3A_27, %get3A_28, %get3A_29] : memref<32x4x10240xf32, #tpu.memory_space<vmem>>, vector<1x4x10240xf32>
    %get3A_31 = vector.shape_cast %get3A_30 : vector<1x4x10240xf32> to vector<4x10240xf32>
    %add3A_32 = arith.addf %add3A_26, %get3A_31 : vector<4x10240xf32>
    %get3A_33 = arith.constant 24 : index
    %get3A_34 = arith.constant 0 : index
    %get3A_35 = arith.constant 0 : index
    %get3A_36 = vector.load %arg0[%get3A_33, %get3A_34, %get3A_35] : memref<32x4x10240xf32, #tpu.memory_space<vmem>>, vector<1x4x10240xf32>
    %get3A_37 = vector.shape_cast %get3A_36 : vector<1x4x10240xf32> to vector<4x10240xf32>
    %add3A_38 = arith.addf %add3A_32, %get3A_37 : vector<4x10240xf32>
    %get3A_39 = arith.constant 28 : index
    %get3A_40 = arith.constant 0 : index
    %get3A_41 = arith.constant 0 : index
    %get3A_42 = vector.load %arg0[%get3A_39, %get3A_40, %get3A_41] : memref<32x4x10240xf32, #tpu.memory_space<vmem>>, vector<1x4x10240xf32>
    %get3A_43 = vector.shape_cast %get3A_42 : vector<1x4x10240xf32> to vector<4x10240xf32>
    %add3A_44 = arith.addf %add3A_38, %get3A_43 : vector<4x10240xf32>
    %get3A_45 = arith.constant 1 : index
    %get3A_46 = arith.constant 0 : index
    %get3A_47 = arith.constant 0 : index
    %get3A_48 = vector.load %arg0[%get3A_45, %get3A_46, %get3A_47] : memref<32x4x10240xf32, #tpu.memory_space<vmem>>, vector<1x4x10240xf32>
    %get3A_49 = vector.shape_cast %get3A_48 : vector<1x4x10240xf32> to vector<4x10240xf32>
    %get3A_50 = arith.constant 5 : index
    %get3A_51 = arith.constant 0 : index
    %get3A_52 = arith.constant 0 : index
    %get3A_53 = vector.load %arg0[%get3A_50, %get3A_51, %get3A_52] : memref<32x4x10240xf32, #tpu.memory_space<vmem>>, vector<1x4x10240xf32>
    %get3A_54 = vector.shape_cast %get3A_53 : vector<1x4x10240xf32> to vector<4x10240xf32>
    %add3A_55 = arith.addf %get3A_49, %get3A_54 : vector<4x10240xf32>
    %get3A_56 = arith.constant 9 : index
    %get3A_57 = arith.constant 0 : index
    %get3A_58 = arith.constant 0 : index
    %get3A_59 = vector.load %arg0[%get3A_56, %get3A_57, %get3A_58] : memref<32x4x10240xf32, #tpu.memory_space<vmem>>, vector<1x4x10240xf32>
    %get3A_60 = vector.shape_cast %get3A_59 : vector<1x4x10240xf32> to vector<4x10240xf32>
    %add3A_61 = arith.addf %add3A_55, %get3A_60 : vector<4x10240xf32>
    %get3A_62 = arith.constant 13 : index
    %get3A_63 = arith.constant 0 : index
    %get3A_64 = arith.constant 0 : index
    %get3A_65 = vector.load %arg0[%get3A_62, %get3A_63, %get3A_64] : memref<32x4x10240xf32, #tpu.memory_space<vmem>>, vector<1x4x10240xf32>
    %get3A_66 = vector.shape_cast %get3A_65 : vector<1x4x10240xf32> to vector<4x10240xf32>
    %add3A_67 = arith.addf %add3A_61, %get3A_66 : vector<4x10240xf32>
    %get3A_68 = arith.constant 17 : index
    %get3A_69 = arith.constant 0 : index
    %get3A_70 = arith.constant 0 : index
    %get3A_71 = vector.load %arg0[%get3A_68, %get3A_69, %get3A_70] : memref<32x4x10240xf32, #tpu.memory_space<vmem>>, vector<1x4x10240xf32>
    %get3A_72 = vector.shape_cast %get3A_71 : vector<1x4x10240xf32> to vector<4x10240xf32>
    %add3A_73 = arith.addf %add3A_67, %get3A_72 : vector<4x10240xf32>
    %get3A_74 = arith.constant 21 : index
    %get3A_75 = arith.constant 0 : index
    %get3A_76 = arith.constant 0 : index
    %get3A_77 = vector.load %arg0[%get3A_74, %get3A_75, %get3A_76] : memref<32x4x10240xf32, #tpu.memory_space<vmem>>, vector<1x4x10240xf32>
    %get3A_78 = vector.shape_cast %get3A_77 : vector<1x4x10240xf32> to vector<4x10240xf32>
    %add3A_79 = arith.addf %add3A_73, %get3A_78 : vector<4x10240xf32>
    %get3A_80 = arith.constant 25 : index
    %get3A_81 = arith.constant 0 : index
    %get3A_82 = arith.constant 0 : index
    %get3A_83 = vector.load %arg0[%get3A_80, %get3A_81, %get3A_82] : memref<32x4x10240xf32, #tpu.memory_space<vmem>>, vector<1x4x10240xf32>
    %get3A_84 = vector.shape_cast %get3A_83 : vector<1x4x10240xf32> to vector<4x10240xf32>
    %add3A_85 = arith.addf %add3A_79, %get3A_84 : vector<4x10240xf32>
    %get3A_86 = arith.constant 29 : index
    %get3A_87 = arith.constant 0 : index
    %get3A_88 = arith.constant 0 : index
    %get3A_89 = vector.load %arg0[%get3A_86, %get3A_87, %get3A_88] : memref<32x4x10240xf32, #tpu.memory_space<vmem>>, vector<1x4x10240xf32>
    %get3A_90 = vector.shape_cast %get3A_89 : vector<1x4x10240xf32> to vector<4x10240xf32>
    %add3A_91 = arith.addf %add3A_85, %get3A_90 : vector<4x10240xf32>
    %get3A_92 = arith.constant 2 : index
    %get3A_93 = arith.constant 0 : index
    %get3A_94 = arith.constant 0 : index
    %get3A_95 = vector.load %arg0[%get3A_92, %get3A_93, %get3A_94] : memref<32x4x10240xf32, #tpu.memory_space<vmem>>, vector<1x4x10240xf32>
    %get3A_96 = vector.shape_cast %get3A_95 : vector<1x4x10240xf32> to vector<4x10240xf32>
    %get3A_97 = arith.constant 6 : index
    %get3A_98 = arith.constant 0 : index
    %get3A_99 = arith.constant 0 : index
    %get3A_100 = vector.load %arg0[%get3A_97, %get3A_98, %get3A_99] : memref<32x4x10240xf32, #tpu.memory_space<vmem>>, vector<1x4x10240xf32>
    %get3A_101 = vector.shape_cast %get3A_100 : vector<1x4x10240xf32> to vector<4x10240xf32>
    %add3A_102 = arith.addf %get3A_96, %get3A_101 : vector<4x10240xf32>
    %get3A_103 = arith.constant 10 : index
    %get3A_104 = arith.constant 0 : index
    %get3A_105 = arith.constant 0 : index
    %get3A_106 = vector.load %arg0[%get3A_103, %get3A_104, %get3A_105] : memref<32x4x10240xf32, #tpu.memory_space<vmem>>, vector<1x4x10240xf32>
    %get3A_107 = vector.shape_cast %get3A_106 : vector<1x4x10240xf32> to vector<4x10240xf32>
    %add3A_108 = arith.addf %add3A_102, %get3A_107 : vector<4x10240xf32>
    %get3A_109 = arith.constant 14 : index
    %get3A_110 = arith.constant 0 : index
    %get3A_111 = arith.constant 0 : index
    %get3A_112 = vector.load %arg0[%get3A_109, %get3A_110, %get3A_111] : memref<32x4x10240xf32, #tpu.memory_space<vmem>>, vector<1x4x10240xf32>
    %get3A_113 = vector.shape_cast %get3A_112 : vector<1x4x10240xf32> to vector<4x10240xf32>
    %add3A_114 = arith.addf %add3A_108, %get3A_113 : vector<4x10240xf32>
    %get3A_115 = arith.constant 18 : index
    %get3A_116 = arith.constant 0 : index
    %get3A_117 = arith.constant 0 : index
    %get3A_118 = vector.load %arg0[%get3A_115, %get3A_116, %get3A_117] : memref<32x4x10240xf32, #tpu.memory_space<vmem>>, vector<1x4x10240xf32>
    %get3A_119 = vector.shape_cast %get3A_118 : vector<1x4x10240xf32> to vector<4x10240xf32>
    %add3A_120 = arith.addf %add3A_114, %get3A_119 : vector<4x10240xf32>
    %get3A_121 = arith.constant 22 : index
    %get3A_122 = arith.constant 0 : index
    %get3A_123 = arith.constant 0 : index
    %get3A_124 = vector.load %arg0[%get3A_121, %get3A_122, %get3A_123] : memref<32x4x10240xf32, #tpu.memory_space<vmem>>, vector<1x4x10240xf32>
    %get3A_125 = vector.shape_cast %get3A_124 : vector<1x4x10240xf32> to vector<4x10240xf32>
    %add3A_126 = arith.addf %add3A_120, %get3A_125 : vector<4x10240xf32>
    %get3A_127 = arith.constant 26 : index
    %get3A_128 = arith.constant 0 : index
    %get3A_129 = arith.constant 0 : index
    %get3A_130 = vector.load %arg0[%get3A_127, %get3A_128, %get3A_129] : memref<32x4x10240xf32, #tpu.memory_space<vmem>>, vector<1x4x10240xf32>
    %get3A_131 = vector.shape_cast %get3A_130 : vector<1x4x10240xf32> to vector<4x10240xf32>
    %add3A_132 = arith.addf %add3A_126, %get3A_131 : vector<4x10240xf32>
    %get3A_133 = arith.constant 30 : index
    %get3A_134 = arith.constant 0 : index
    %get3A_135 = arith.constant 0 : index
    %get3A_136 = vector.load %arg0[%get3A_133, %get3A_134, %get3A_135] : memref<32x4x10240xf32, #tpu.memory_space<vmem>>, vector<1x4x10240xf32>
    %get3A_137 = vector.shape_cast %get3A_136 : vector<1x4x10240xf32> to vector<4x10240xf32>
    %add3A_138 = arith.addf %add3A_132, %get3A_137 : vector<4x10240xf32>
    %get3A_139 = arith.constant 3 : index
    %get3A_140 = arith.constant 0 : index
    %get3A_141 = arith.constant 0 : index
    %get3A_142 = vector.load %arg0[%get3A_139, %get3A_140, %get3A_141] : memref<32x4x10240xf32, #tpu.memory_space<vmem>>, vector<1x4x10240xf32>
    %get3A_143 = vector.shape_cast %get3A_142 : vector<1x4x10240xf32> to vector<4x10240xf32>
    %get3A_144 = arith.constant 7 : index
    %get3A_145 = arith.constant 0 : index
    %get3A_146 = arith.constant 0 : index
    %get3A_147 = vector.load %arg0[%get3A_144, %get3A_145, %get3A_146] : memref<32x4x10240xf32, #tpu.memory_space<vmem>>, vector<1x4x10240xf32>
    %get3A_148 = vector.shape_cast %get3A_147 : vector<1x4x10240xf32> to vector<4x10240xf32>
    %add3A_149 = arith.addf %get3A_143, %get3A_148 : vector<4x10240xf32>
    %get3A_150 = arith.constant 11 : index
    %get3A_151 = arith.constant 0 : index
    %get3A_152 = arith.constant 0 : index
    %get3A_153 = vector.load %arg0[%get3A_150, %get3A_151, %get3A_152] : memref<32x4x10240xf32, #tpu.memory_space<vmem>>, vector<1x4x10240xf32>
    %get3A_154 = vector.shape_cast %get3A_153 : vector<1x4x10240xf32> to vector<4x10240xf32>
    %add3A_155 = arith.addf %add3A_149, %get3A_154 : vector<4x10240xf32>
    %get3A_156 = arith.constant 15 : index
    %get3A_157 = arith.constant 0 : index
    %get3A_158 = arith.constant 0 : index
    %get3A_159 = vector.load %arg0[%get3A_156, %get3A_157, %get3A_158] : memref<32x4x10240xf32, #tpu.memory_space<vmem>>, vector<1x4x10240xf32>
    %get3A_160 = vector.shape_cast %get3A_159 : vector<1x4x10240xf32> to vector<4x10240xf32>
    %add3A_161 = arith.addf %add3A_155, %get3A_160 : vector<4x10240xf32>
    %get3A_162 = arith.constant 19 : index
    %get3A_163 = arith.constant 0 : index
    %get3A_164 = arith.constant 0 : index
    %get3A_165 = vector.load %arg0[%get3A_162, %get3A_163, %get3A_164] : memref<32x4x10240xf32, #tpu.memory_space<vmem>>, vector<1x4x10240xf32>
    %get3A_166 = vector.shape_cast %get3A_165 : vector<1x4x10240xf32> to vector<4x10240xf32>
    %add3A_167 = arith.addf %add3A_161, %get3A_166 : vector<4x10240xf32>
    %get3A_168 = arith.constant 23 : index
    %get3A_169 = arith.constant 0 : index
    %get3A_170 = arith.constant 0 : index
    %get3A_171 = vector.load %arg0[%get3A_168, %get3A_169, %get3A_170] : memref<32x4x10240xf32, #tpu.memory_space<vmem>>, vector<1x4x10240xf32>
    %get3A_172 = vector.shape_cast %get3A_171 : vector<1x4x10240xf32> to vector<4x10240xf32>
    %add3A_173 = arith.addf %add3A_167, %get3A_172 : vector<4x10240xf32>
    %get3A_174 = arith.constant 27 : index
    %get3A_175 = arith.constant 0 : index
    %get3A_176 = arith.constant 0 : index
    %get3A_177 = vector.load %arg0[%get3A_174, %get3A_175, %get3A_176] : memref<32x4x10240xf32, #tpu.memory_space<vmem>>, vector<1x4x10240xf32>
    %get3A_178 = vector.shape_cast %get3A_177 : vector<1x4x10240xf32> to vector<4x10240xf32>
    %add3A_179 = arith.addf %add3A_173, %get3A_178 : vector<4x10240xf32>
    %get3A_180 = arith.constant 31 : index
    %get3A_181 = arith.constant 0 : index
    %get3A_182 = arith.constant 0 : index
    %get3A_183 = vector.load %arg0[%get3A_180, %get3A_181, %get3A_182] : memref<32x4x10240xf32, #tpu.memory_space<vmem>>, vector<1x4x10240xf32>
    %get3A_184 = vector.shape_cast %get3A_183 : vector<1x4x10240xf32> to vector<4x10240xf32>
    %add3A_185 = arith.addf %add3A_179, %get3A_184 : vector<4x10240xf32>
    %concatenate3A = tpu.concatenate %add3A_44, %add3A_91, %add3A_138, %add3A_185 in 0 : vector<4x10240xf32>, vector<4x10240xf32>, vector<4x10240xf32>, vector<4x10240xf32> -> vector<16x10240xf32>
    %ge3A = arith.constant 0.000000e+00 : f32
    %ge3A_186 = vector.broadcast %ge3A : f32 to vector<16x10240xf32>
    %ge3A_187 = arith.cmpf oge, %concatenate3A, %ge3A_186 : vector<16x10240xf32>
    %get3A_188 = arith.constant 0 : index
    %get3A_189 = arith.constant 0 : index
    %get3A_190 = vector.load %arg5[%get3A_188, %get3A_189] : memref<1x1xf32, #tpu.memory_space<vmem>>, vector<1x1xf32>
    %mul3A = vector.broadcast %get3A_190 : vector<1x1xf32> to vector<16x10240xf32>
    %mul3A_191 = arith.mulf %concatenate3A, %mul3A : vector<16x10240xf32>
    %select_n3A = arith.select %ge3A_187, %concatenate3A, %mul3A_191 : vector<16x10240xi1>, vector<16x10240xf32>
    %get3A_192 = arith.constant 0 : index
    %get3A_193 = arith.constant 0 : index
    %get3A_194 = vector.load %arg1[%get3A_192, %get3A_193] : memref<16x16xf32, #tpu.memory_space<vmem>>, vector<16x16xf32>
    %dot_general3A = arith.constant dense<0.000000e+00> : vector<16x10240xf32>
    %dot_general3A_195 = tpu.matmul %get3A_194, %select_n3A, %dot_general3A {dimension_numbers = #tpu.dot_dimension_numbers<[1], [0], [0], [1], [0, 0, 1, 1], [], []>, transpose_lhs_hint = false} : vector<16x16xf32>, vector<16x10240xf32>, vector<16x10240xf32> -> vector<16x10240xf32>
    %get3A_196 = arith.constant 0 : index
    %get3A_197 = arith.constant 0 : index
    %get3A_198 = vector.load %arg2[%get3A_196, %get3A_197] : memref<16x1xf32, #tpu.memory_space<vmem>>, vector<16x1xf32>
    %add3A_199 = vector.broadcast %get3A_198 : vector<16x1xf32> to vector<16x10240xf32>
    %add3A_200 = arith.addf %dot_general3A_195, %add3A_199 : vector<16x10240xf32>
    %get3A_201 = arith.constant 0 : index
    %get3A_202 = arith.constant 0 : index
    %get3A_203 = vector.load %arg3[%get3A_201, %get3A_202] : memref<16x16xf32, #tpu.memory_space<vmem>>, vector<16x16xf32>
    %dot_general3A_204 = arith.constant dense<0.000000e+00> : vector<16x10240xf32>
    %dot_general3A_205 = tpu.matmul %get3A_203, %select_n3A, %dot_general3A_204 {dimension_numbers = #tpu.dot_dimension_numbers<[1], [0], [0], [1], [0, 0, 1, 1], [], []>, transpose_lhs_hint = false} : vector<16x16xf32>, vector<16x10240xf32>, vector<16x10240xf32> -> vector<16x10240xf32>
    %get3A_206 = arith.constant 0 : index
    %get3A_207 = arith.constant 0 : index
    %get3A_208 = vector.load %arg4[%get3A_206, %get3A_207] : memref<16x1xf32, #tpu.memory_space<vmem>>, vector<16x1xf32>
    %add3A_209 = vector.broadcast %get3A_208 : vector<16x1xf32> to vector<16x10240xf32>
    %add3A_210 = arith.addf %dot_general3A_205, %add3A_209 : vector<16x10240xf32>
    %max3A = arith.constant 0.000000e+00 : f32
    %max3A_211 = vector.broadcast %max3A : f32 to vector<16x10240xf32>
    %max3A_212 = arith.maximumf %add3A_210, %max3A_211 : vector<16x10240xf32>
    %abs3A = math.absf %add3A_210 : vector<16x10240xf32>
    %neg3A = arith.constant 0.000000e+00 : f32
    %neg3A_213 = vector.broadcast %neg3A : f32 to vector<16x10240xf32>
    %neg3A_214 = arith.subf %neg3A_213, %abs3A : vector<16x10240xf32>
    %exp3A = math.exp %neg3A_214 : vector<16x10240xf32>
    %add3A_215 = arith.constant 1.000000e+00 : f32
    %add3A_216 = vector.broadcast %add3A_215 : f32 to vector<16x10240xf32>
    %add3A_217 = arith.addf %add3A_216, %exp3A : vector<16x10240xf32>
    %log3A = math.log %add3A_217 : vector<16x10240xf32>
    %add3A_218 = arith.addf %max3A_212, %log3A : vector<16x10240xf32>
    %slice3A = vector.extract_strided_slice %add3A_200 {offsets = [0, 0], sizes = [16, 10000], strides = [1, 1]} : vector<16x10240xf32> to vector<16x10000xf32>
    %slice3A_219 = vector.extract_strided_slice %add3A_218 {offsets = [0, 0], sizes = [16, 10000], strides = [1, 1]} : vector<16x10240xf32> to vector<16x10000xf32>
    %get3A_220 = arith.constant 0 : index
    %get3A_221 = arith.constant 0 : index
    %get3A_222 = vector.load %arg6[%get3A_220, %get3A_221] : memref<16x10000xf32, #tpu.memory_space<vmem>>, vector<16x10000xf32>
    %mul3A_223 = arith.mulf %get3A_222, %slice3A_219 : vector<16x10000xf32>
    %add3A_224 = arith.addf %slice3A, %mul3A_223 : vector<16x10000xf32>
    %transpose3A = tpu.transpose %slice3A, [1, 0] : vector<16x10000xf32> -> vector<10000x16xf32>
    %swap3A = arith.constant 0 : index
    %swap3A_225 = arith.constant 0 : index
    %swap3A_226 = vector.load %arg7[%swap3A, %swap3A_225] : memref<10000x16xf32, #tpu.memory_space<vmem>>, vector<10000x16xf32>
    tpu.vector_store %arg7[%swap3A, %swap3A_225], %transpose3A {strides = array<i32>} : memref<10000x16xf32, #tpu.memory_space<vmem>>, vector<10000x16xf32>,
    %transpose3A_227 = tpu.transpose %slice3A_219, [1, 0] : vector<16x10000xf32> -> vector<10000x16xf32>
    %swap3A_228 = arith.constant 0 : index
    %swap3A_229 = arith.constant 0 : index
    %swap3A_230 = vector.load %arg8[%swap3A_228, %swap3A_229] : memref<10000x16xf32, #tpu.memory_space<vmem>>, vector<10000x16xf32>
    tpu.vector_store %arg8[%swap3A_228, %swap3A_229], %transpose3A_227 {strides = array<i32>} : memref<10000x16xf32, #tpu.memory_space<vmem>>, vector<10000x16xf32>,
    %transpose3A_231 = tpu.transpose %add3A_224, [1, 0] : vector<16x10000xf32> -> vector<10000x16xf32>
    %swap3A_232 = arith.constant 0 : index
    %swap3A_233 = arith.constant 0 : index
    %swap3A_234 = vector.load %arg9[%swap3A_232, %swap3A_233] : memref<10000x16xf32, #tpu.memory_space<vmem>>, vector<10000x16xf32>
    tpu.vector_store %arg9[%swap3A_232, %swap3A_233], %transpose3A_231 {strides = array<i32>} : memref<10000x16xf32, #tpu.memory_space<vmem>>, vector<10000x16xf32>,
    %swap3A_235 = arith.constant 0 : index
    %swap3A_236 = arith.constant 0 : index
    %swap3A_237 = vector.load %arg10[%swap3A_235, %swap3A_236] : memref<16x10000xf32, #tpu.memory_space<vmem>>, vector<16x10000xf32>
    tpu.vector_store %arg10[%swap3A_235, %swap3A_236], %add3A_224 {strides = array<i32>} : memref<16x10000xf32, #tpu.memory_space<vmem>>, vector<16x10000xf32>,
    return
  }
}

module attributes {stable_mosaic.version = 14 : i64} {
  func.func @_decode_body(%arg0: i32, %arg1: memref<400x16xf32, #tpu.memory_space<vmem>>, %arg2: memref<16x10000xf32, #tpu.memory_space<vmem>>, %arg3: memref<400x10000xf32, #tpu.memory_space<vmem>>) attributes {dimension_semantics = [#tpu.dimension_semantics<arbitrary>], iteration_bounds = array<i64: 25>, scalar_prefetch = 0 : i64, scratch_operands = 0 : i64, tpu.core_type = #tpu.core_type<tc>, window_params = [{transform_indices = @transform_0, window_bounds = array<i64: 400, 16>}, {pipeline_mode = #tpu.pipeline_mode<synchronous>, transform_indices = @transform_1, window_bounds = array<i64: 16, 10000>}, {transform_indices = @transform_2, window_bounds = array<i64: 400, 10000>}]} {
    %get3A = arith.constant 0 : index
    %get3A_0 = arith.constant 0 : index
    %get3A_1 = vector.load %arg1[%get3A, %get3A_0] : memref<400x16xf32, #tpu.memory_space<vmem>>, vector<400x16xf32>
    %get3A_2 = arith.constant 0 : index
    %get3A_3 = arith.constant 0 : index
    %get3A_4 = vector.load %arg2[%get3A_2, %get3A_3] : memref<16x10000xf32, #tpu.memory_space<vmem>>, vector<16x10000xf32>
    %dot_general3A = arith.constant dense<0.000000e+00> : vector<400x10000xf32>
    %dot_general3A_5 = tpu.matmul %get3A_1, %get3A_4, %dot_general3A {dimension_numbers = #tpu.dot_dimension_numbers<[1], [0], [0], [1], [0, 0, 1, 1], [], []>, transpose_lhs_hint = false} : vector<400x16xf32>, vector<16x10000xf32>, vector<400x10000xf32> -> vector<400x10000xf32>
    %neg3A = arith.constant 0.000000e+00 : f32
    %neg3A_6 = vector.broadcast %neg3A : f32 to vector<400x10000xf32>
    %neg3A_7 = arith.subf %neg3A_6, %dot_general3A_5 : vector<400x10000xf32>
    %exp3A = math.exp %neg3A_7 : vector<400x10000xf32>
    %add3A = arith.constant 1.000000e+00 : f32
    %add3A_8 = vector.broadcast %add3A : f32 to vector<400x10000xf32>
    %add3A_9 = arith.addf %add3A_8, %exp3A : vector<400x10000xf32>
    %div3A = arith.constant 1.000000e+00 : f32
    %div3A_10 = vector.broadcast %div3A : f32 to vector<400x10000xf32>
    %div3A_11 = arith.divf %div3A_10, %add3A_9 : vector<400x10000xf32>
    %swap3A = arith.constant 0 : index
    %swap3A_12 = arith.constant 0 : index
    %swap3A_13 = vector.load %arg3[%swap3A, %swap3A_12] : memref<400x10000xf32, #tpu.memory_space<vmem>>, vector<400x10000xf32>
    tpu.vector_store %arg3[%swap3A, %swap3A_12], %div3A_11 {strides = array<i32>} : memref<400x10000xf32, #tpu.memory_space<vmem>>, vector<400x10000xf32>,
    return
  }
  func.func @transform_0(%arg0: i32) -> (i32, i32) {
    %c0_i32 = arith.constant 0 : i32
    %c0_i32_0 = arith.constant 0 : i32
    return %arg0, %c0_i32 : i32, i32
  }
  func.func @transform_1(%arg0: i32) -> (i32, i32) {
    %c0_i32 = arith.constant 0 : i32
    %c0_i32_0 = arith.constant 0 : i32
    %c0_i32_1 = arith.constant 0 : i32
    return %c0_i32, %c0_i32_0 : i32, i32
  }
  func.func @transform_2(%arg0: i32) -> (i32, i32) {
    %c0_i32 = arith.constant 0 : i32
    %c0_i32_0 = arith.constant 0 : i32
    return %arg0, %c0_i32 : i32, i32
  }
}

</mosaic_0001>

<sc_bundles>
// kernel: kernel.11.cloned.1.call-start
scs
__scs_entry_jumppad:
0x0: {  	(pc) =	sbr.rel $0x88, $3  }
0x1: {  	(tag) =	ssettag $0x0;
	lr =	simm.s32 $0x1  }
0x2: {  	[smem:$0x3F94] =	sst lr;
	_ =	strace $0xD0000000  }
0x3: {  	_ = 	snop  }
0x4: {  	_ = 	snop  }
0x5: {  	_ = 	snop  }
0x6: {  	_ = 	snop  }
0x7: {  	_ = 	snop  }
__scs_overlays_trampoline_lowered:
0x8: {  	[smem:$0x3FA3] =	sst s0  }
0x9: {  	[smem:$0x3FA4] =	sst s1  }
0xa: {  	[smem:$0x3FA5] =	sst s2  }
0xb: {  	[smem:$0x3FA6] =	sst s3  }
0xc: {  	[smem:$0x3FA7] =	sst s4  }
0xd: {  	[smem:$0x3FA8] =	sst s5  }
0xe: {  	[smem:$0x3FA9] =	sst s6  }
0xf: {  	[smem:$0x3FAA] =	sst s7  }
0x10: {  	[smem:$0x3FAB] =	sst s8  }
0x11: {  	[smem:$0x3FAC] =	sst s9;
	s0 =	simm.s32 @!p0 $0x0  }
0x12: {  	s1 =	sld [smem:$0x3F92];
	s0 =	simm.s32 @p0 $0x1  }
0x13: {  	[smem:$0x3FAD] =	sst s0;
	s0 =	simm.s32 @!p1 $0x0  }
0x14: {  	s2 =	sld [smem:$0x3F91];
	s0 =	simm.s32 @p1 $0x1  }
0x15: {  	[smem:$0x3FAE] =	sst s0;
	s0 =	simm.s32 @!p2 $0x0  }
0x16: {  	s3 =	sld [smem:$0x3FDB];
	s0 =	simm.s32 @p2 $0x1  }
0x17: {  	s4 =	simm.s32 $0x1BF5;
	[smem:$0x3FB0] =	sst s0  }
0x18: {  	s0 =	sld [smem:$0x3F93];
	_ =	swait.ge [sflag:s4], $0x0  }
0x19: {  	s7 =	sld [smem:$0x3F94]  }
0x1a: {  	s8 =	sadd.s32 $0xFFFFE003, lr  }
0x1b: {  	s9 =	sadd.s32 $0xFFFFFEF7, lr;
	s5 =	simm.s32 $0xFFFFFFFF;
	p2 =	slt.u32 s8, $0xFFFFF086  }
0x1c: {  	p1 =	slt.u32 s9, $0xF7A;
	s5 =	simm.s32 @!p2 $0x0  }
0x1d: {  	s5 =	simm.s32 @p1 $0x1;
	p0 =	seq.s32 s7, s2  }
0x1e: {  	s7 =	smul.u32 @!p0 $0xF7A, s2;
	p2 =	seq.s32 @!p0 s5, $0x0  }
0x1f: {  	s9 =	smul.u32 $0xF7A, s1;
	s8 =	simm.s32 @!p0 $0x1BF5;
	p2 =	por !p2, p0  }
0x20: {  	[sflag:s8] =	ssyncset.s32 @!p0 $0xFFFFF086;
	s6 =	sadd.s32 @!p0 s3, s7;
	s7 =	simm.s32 @!p0 $0x108  }
0x21: {  	s3 =	sadd.s32 s3, s9;
	s6 =	sadd.s32 @!p0 $0x88, s6;
	s7 =	simm.s32 @p2 $0x1082  }
0x22: {  	[simem:s7], [sflag:s8] =	dma.local @!p0 [hbm:s6], $0xF7A  }
0x23: {  	s9 =	sor.u32 $0xD0000000, s2;
	s6 =	simm.s32 $0x108;
	_ =	swait.ge @!p0 [sflag:s8], $0x0  }
0x24: {  	s3 =	sadd.s32 $0x88, s3;
	s6 =	simm.s32 @!p1 $0x1082;
	[sflag:s4] =	ssyncset.s32 $0xFFFFF086  }
0x25: {  	[simem:s6], [sflag:s4] =	dma.local [hbm:s3], $0xF7A  }
0x26: {  	[smem:$0x3F94] =	sst s1;
	(tag) =	ssettag s2;
	_ =	strace s9  }
0x27: {  	s1 =	sld [smem:$0x3FA4]  }
0x28: {  	s2 =	sld [smem:$0x3FA5]  }
0x29: {  	s4 =	sld [smem:$0x3FA7]  }
0x2a: {  	p0 =	seq.s32 s5, $0x0;
	s5 =	sld [smem:$0x3FA8]  }
0x2b: {  	s6 =	sld [smem:$0x3FA9]  }
0x2c: {  	s7 =	sld [smem:$0x3FAA]  }
0x2d: {  	s3 =	simm.s32 $0x108;
	s8 =	sld [smem:$0x3FAB]  }
0x2e: {  	s3 =	simm.s32 @!p0 $0x1082;
	s9 =	sld [smem:$0x3FAC]  }
0x2f: {  	lr =	sadd.s32 s0, s3;
	s0 =	sld [smem:$0x3FA3]  }
0x30: {  	s3 =	sld [smem:$0x3FA6]  }
0x31: {  	[smem:$0x3FAF] =	sst s10  }
0x32: {  	s10 =	sld [smem:$0x3FAD];
	_ =	sdelay $0x3  }
0x33: {  	p0 =	seq.s32 s10, $0x1;
	s10 =	sld [smem:$0x3FAF];
	_ =	sdelay $0x3  }
0x34: {  	[smem:$0x3FAF] =	sst s10  }
0x35: {  	s10 =	sld [smem:$0x3FAE];
	_ =	sdelay $0x3  }
0x36: {  	p1 =	seq.s32 s10, $0x1;
	s10 =	sld [smem:$0x3FAF];
	_ =	sdelay $0x3  }
0x37: {  	[smem:$0x3FAF] =	sst s10  }
0x38: {  	s10 =	sld [smem:$0x3FB0]  }
0x39: {  	_ = 	snop;
	(pc) =	sbr.ind lr, $3  }
0x3a: {  	_ = 	snop  }
0x3b: {  	_ = 	snop  }
0x3c: {  	p2 =	seq.s32 s10, $0x1;
	s10 =	sld [smem:$0x3FAF]  }
0x3d: {  	_ =	shalt  }
0x3e: {  	_ =	shalt  }
0x3f: {  	_ =	shalt  }
0x40: {  	_ =	shalt  }
0x41: {  	_ =	shalt  }
0x42: {  	_ =	shalt  }
0x43: {  	_ =	shalt  }
0x44: {  	_ =	shalt  }
0x45: {  	_ =	shalt  }
0x46: {  	_ =	shalt  }
0x47: {  	_ =	shalt  }
0x48: {  	_ =	shalt  }
0x49: {  	_ =	shalt  }
0x4a: {  	_ =	shalt  }
0x4b: {  	_ =	shalt  }
0x4c: {  	_ =	shalt  }
0x4d: {  	_ =	shalt  }
0x4e: {  	_ =	shalt  }
0x4f: {  	_ =	shalt  }
0x50: {  	_ =	shalt  }
0x51: {  	_ =	shalt  }
0x52: {  	_ =	shalt  }
0x53: {  	_ =	shalt  }
0x54: {  	_ =	shalt  }
0x55: {  	_ =	shalt  }
0x56: {  	_ =	shalt  }
0x57: {  	_ =	shalt  }
0x58: {  	_ =	shalt  }
0x59: {  	_ =	shalt  }
0x5a: {  	_ =	shalt  }
0x5b: {  	_ =	shalt  }
0x5c: {  	_ =	shalt  }
0x5d: {  	_ =	shalt  }
0x5e: {  	_ =	shalt  }
0x5f: {  	_ =	shalt  }
0x60: {  	_ =	shalt  }
0x61: {  	_ =	shalt  }
0x62: {  	_ =	shalt  }
0x63: {  	_ =	shalt  }
0x64: {  	_ =	shalt  }
0x65: {  	_ =	shalt  }
0x66: {  	_ =	shalt  }
0x67: {  	_ =	shalt  }
0x68: {  	_ =	shalt  }
0x69: {  	_ =	shalt  }
0x6a: {  	_ =	shalt  }
0x6b: {  	_ =	shalt  }
0x6c: {  	_ =	shalt  }
0x6d: {  	_ =	shalt  }
0x6e: {  	_ =	shalt  }
0x6f: {  	_ =	shalt  }
0x70: {  	_ =	shalt  }
0x71: {  	_ =	shalt  }
0x72: {  	_ =	shalt  }
0x73: {  	_ =	shalt  }
0x74: {  	_ =	shalt  }
0x75: {  	_ =	shalt  }
0x76: {  	_ =	shalt  }
0x77: {  	_ =	shalt  }
0x78: {  	_ =	shalt  }
0x79: {  	_ =	shalt  }
0x7a: {  	_ =	shalt  }
0x7b: {  	_ =	shalt  }
0x7c: {  	_ =	shalt  }
0x7d: {  	_ =	shalt  }
0x7e: {  	_ =	shalt  }
0x7f: {  	_ =	shalt  }
0x80: {  	_ =	shalt  }
0x81: {  	_ =	shalt  }
0x82: {  	_ =	shalt  }
0x83: {  	_ =	shalt  }
0x84: {  	_ =	shalt  }
0x85: {  	_ =	shalt  }
0x86: {  	_ =	shalt  }
0x87: {  	_ =	shalt  }
.Lfunc_end0:
.L_simem_size_0:
called_computation.1_lowered:
.L_overlay_start_0:
0x88: {  	s2 =	sld [smem:$0x3FD9]  }
0x89: {  	s3 =	sld [smem:$0x3FFE];
	_ =	sdelay $0x1  }
0x8a: {  	s1 =	srdreg.scid  }
0x8b: {  	s0 =	sand.u32 $0x1, s1  }
0x8c: {  	s14 =	sshll.u32 s0, $0xA;
	s2 =	sadd.s32 s3, s2  }
0x8d: {  	s2 =	sadd.s32 s2, s14  }
0x8e: {  	[smem:$0x3FBB] =	sst s2  }
0x8f: {  	_ = 	snop  }
0x90: {  	s2 =	sld [smem:$0x3FD0];
	_ =	sdelay $0x2  }
0x91: {  	s15 =	simm.s32 $0xA;
	s4 =	simm.s32 $0x10  }
0x92: {  	[smem:s4], [sflag:s15] =	dma.local [hbm:s2], $0x1  }
0x93: {  	_ =	swait.eq [sflag:s15], $0x1  }
0x94: {  	[sflag:s15] =	ssyncset.done $0x0  }
0x95: {  	[sflag:s15] =	ssyncadd.s32 $0xFFFFFFFF  }
0x96: {  	s16 =	sld [smem:$0x10];
	(tm) =	ssettm $0x1  }
0x97: {  	s17 =	sld [smem:$0x3FFB];
	_ =	sdelay $0x3  }
0x98: {  	_ =	strace s17  }
0x99: {  	s3 =	sld [smem:$0x3FFC];
	_ =	sdelay $0x3  }
0x9a: {  	_ =	strace s3  }
0x9b: {  	s3 =	sld [smem:$0x3FFD];
	_ =	sdelay $0x3  }
0x9c: {  	_ =	strace s3  }
0x9d: {  	_ =	strace $0x8FFFFFFF  }
0x9e: {  	s18 =	sld [smem:$0x3FDB];
	_ =	sdelay $0x1  }
0x9f: {  	s19 =	simm.s32 $_scs_section_size  }
0xa0: {  	s5 =	simm.s32 $_size__tile_overlayer_lowered;
	s6 =	simm.s32 $_tile_overlayer_lowered  }
0xa1: {  	s22 =	simm.s32 $0x1BFF;
	s21 =	sshll.u32 s6, $0x1;
	s3 =	sadd.s32 s19, s18  }
0xa2: {  	s7 =	simm.s32 $0x0;
	s20 =	sshll.u32 s5, $0x1;
	s5 =	sadd.s32 s21, s3  }
0xa3: {  	[timem:s7], [sflag:s22] =	dma.local [hbm:s5], s20  }
0xa4: {  	_ =	swait.ge [sflag:s22], s20  }
0xa5: {  	s4 =	ssub.s32 $0x0, s20;
	[sflag:s22] =	ssyncset.done $0x0  }
0xa6: {  	[sflag:s22] =	ssyncadd.s32 s4;
	_ =	sdelay $0x1  }
0xa7: {  	s23 =	simm.s32 $0x1B8B  }
0xa8: {  	_ =	swait.ge [sflag:s23], $0x1  }
0xa9: {  	[sflag:s23] =	ssyncset.done $0x0  }
0xaa: {  	s25 =	simm.s32 $0x1B8E;
	s24 =	sld [smem:$0x3FFE];
	[sflag:s23] =	ssyncadd.s32 $0xFFFFFFFF  }
0xab: {  	s26 =	simm.s32 $execute0_lowered;
	[smem:$0x3FD2] =	sst s25  }
0xac: {  	s5 =	sshll.u32 s26, $0x1;
	_ =	strace $0x80000049;
	[dreg:$0x1] =	wrdreg $0xFFFFFFFF  }
0xad: {  	s28 =	simm.s32 $_size_execute0_lowered;
	s3 =	sadd.s32 s3, s5;
	[dreg:$0x0] =	wrdreg $0x0  }
0xae: {  	s5 =	sshll.u32 s28, $0x1;
	[dreg:$0x2] =	wrdreg s3  }
0xaf: {  	[dreg:$0x3] =	wrdreg s5  }
0xb0: {  	[dreg:$0x4] =	wrdreg $0xC0  }
0xb1: {  	_ =	task [dreg:s7], $0x5FFFF  }
0xb2: {  	[dreg:$0x1] =	wrdreg $0xFFFFFFFF  }
0xb3: {  	[dreg:$0x0] =	wrdreg $0x60  }
0xb4: {  	[dreg:$0x2] =	wrdreg s24  }
0xb5: {  	[dreg:$0x3] =	wrdreg s16  }
0xb6: {  	[dreg:$0x4] =	wrdreg $0x9  }
0xb7: {  	_ =	task.clear_ibuf [dreg:s7], $0x5FFFF;
	_ =	strace $0x90000049  }
0xb8: {  	s29 =	simm.s32 $0x9;
	_ =	strace $0x8000004B  }
0xb9: {  	_ =	swait.ge [sflag:s29], $0x1  }
0xba: {  	[sflag:s29] =	ssyncadd.s32 $0xFFFFFFFF  }
0xbb: {  	_ =	strace $0x9000004B  }
0xbc: {  	_ =	sfence  }
0xbd: {  	s30 =	sld [smem:$0x0];
	_ =	sdelay $0x2  }
0xbe: {  	s31 =	sshll.u32 s1, $0xD;
	s1 =	sshrl.u32 s1, $0x2  }
0xbf: {  	s3 =	sand.u32 $0x4000, s31;
	s1 =	sadd.s32 s1, s30  }
0xc0: {  	s0 =	sor.u32 s3, s0;
	s1 =	sshll.u32 s1, $0x11  }
0xc1: {  	s0 =	sor.u32 s1, s0  }
0xc2: {  	s0 =	sadd.s32 $0x8F2B, s0  }
0xc3: {  	[sflag:s0] =	ssyncadd.remote.s32 $0x1  }
0xc4: {  	_ =	sfence.sel $0xFFFF  }
0xc5: {  	[dreg:$0x0] =	wrdreg $0xFFFFFFFF;
	(pc) =	sbr.abs _section_cstart, $3  }
0xc6: {  	[dreg:$0x1] =	wrdreg $0xFFFFFFFF  }
0xc7: {  	_ =	task.clear_ibuf [dreg:s7], $0x2FFFF;
	_ =	strace $0x9FFFFFFF  }
0xc8: {  	(tm) =	ssettm $0x7FFFFFFF  }
0xc9: {  	_ =	shalt  }
tec
execute0_lowered:
.L_overlay_start_1:
0x0: {  	(tag) =	ssettag $0x1  }
0x1: {  	s0 =	rddreg [dreg:$0x0]  }
0x2: {  	s1 =	rddreg [dreg:$0x1]  }
0x3: {  	s8 =	stileid.u32;
	s2 =	simm.s32 $0x0;
	s4 =	srdreg.scid  }
0x4: {  	s21 =	simm.s32 $0x7800;
	s24 =	simm.s32 $0x1;
	s29 =	simm.s32 $0x2  }
0x5: {  	s30 =	simm.s32 $0x11800;
	s31 =	simm.s32 $0x3;
	s22 =	simm.s32 $0x4  }
0x6: {  	s23 =	simm.s32 $0x0;
	s3 =	sand.u32 $0x3, s8;
	[smem:$0x7FF] =	sst s2  }
0x7: {  	s4 =	sand.u32 $0x1, s4;
	s6 =	sshrl.u32 s8, $0x2;
	s13 =	sadd.s32 $0x10E00, s0  }
0x8: {  	s14 =	sadd.s32 $0xBE00, s0;
	s3 =	smul.u32 $0x1400, s3;
	_ =	strace $0x8000004A  }
0x9: {  	s5 =	sshll.u32 s4, $0x2;
	s25 =	ssub.s32 $0x2, s4;
	s4 =	sshll.u32 s4, $0x4  }
0xa: {  	s5 =	sor.u32 s6, s5;
	s7 =	sshrl.u32 s25, $0x1;
	s11 =	sor.u32 s8, s4  }
0xb: {  	s3 =	sadd.s32 s3, s0;
	s5 =	smul.u32 $0x5000, s5;
	s0 =	sadd.s32 $0x6E00, s0  }
0xc: {  	s20 =	ssub.s32 s25, s7;
	s16 =	smul.u32 $0x1400, s11;
	s3 =	sadd.s32 $0x1E00, s3  }
0xd: {  	s20 =	smax.u32 s20, $0x1;
	s12 =	sshrl.u32 s5, $0x3;
	[dreg:$0x3] =	wrdreg s3  }
0xe: {  	s16 =	sadd.s32 s1, s16;
	s1 =	simm.s32 $0x200;
	s4 =	sadd.s32 s13, s12  }
0xf: {  	s26 =	sadd.s32 $0x280, s12;
	s5 =	sadd.s32 s14, s12;
	s6 =	sadd.s32 s0, s12  }
0x10: {  	s28 =	sadd.s32 $0x500, s12;
	s15 =	sadd.s32 $0x780, s12;
	s17 =	sadd.s32 $0x10, s16  }
0x11: {  	s18 =	sadd.s32 $0x20, s16;
	s19 =	sadd.s32 $0x30, s16;
	s7 =	sadd.s32 s13, s26  }
0x12: {  	s8 =	sadd.s32 s14, s26;
	s9 =	sadd.s32 s0, s26;
	s10 =	sadd.s32 s13, s28  }
0x13: {  	s11 =	sadd.s32 s14, s28;
	s12 =	sadd.s32 s0, s28;
	s13 =	sadd.s32 s13, s15  }
0x14: {  	v0 =	vimm.f32 $0.0e+00;
	s14 =	sadd.s32 s14, s15;
	s15 =	sadd.s32 s0, s15;
	s0 =	simm.s32 $0x80  }
.LBB2_1:
0x15: {  	s3 =	rddreg [dreg:$0x3]  }
0x16: {  	[tilespmem:s21], [sflag:$0x1] =	stream.linear.gather [hbm4b:s3+s2], $0xA000, $0x38;
	[tilespmem:$0x1B800] =	vst v63  }
0x17: {  	_ = 	snop  }
0x18: {  	[tilespmem:s2], [sflag:$0x2] =	stream.linear.gather [hbm4b:s4+s2], $0x1400, $0x38;
	[tilespmem:$0x1B800] =	vst v63  }
0x19: {  	s26 =	simm.s32 $0x1400  }
0x1a: {  	[tilespmem:s26], [sflag:$0x2] =	stream.linear.gather [hbm4b:s5+s2], $0x1400, $0x38;
	[tilespmem:$0x1B800] =	vst v63  }
0x1b: {  	s28 =	simm.s32 $0x2800;
	s25 =	simm.s32 $0x200;
	s3 =	simm.s32 $0x0  }
0x1c: {  	[tilespmem:s28], [sflag:$0x2] =	stream.linear.gather [hbm4b:s6+s2], $0x1400, $0x38;
	[tilespmem:$0x1B800] =	vst v63  }
.LBB2_2:
0x1d: {  	p0 =	sne.s32 s25, $0x27E00;
	[tilespmem:s3+$0x11870] =	vst v0  }
0x1e: {  	[tilespmem:s3+$0x11800] =	vst v0  }
0x1f: {  	[tilespmem:s3+$0x11810] =	vst v0  }
.Ltmp0:
0x20: {  	[tilespmem:s3+$0x11820] =	vst v0;
	(pc) =	sbr.rel @p0 .LBB2_2-.Ltmp0, $4  }
0x21: {  	[tilespmem:s3+$0x11830] =	vst v0  }
0x22: {  	[tilespmem:s3+$0x11840] =	vst v0  }
0x23: {  	[tilespmem:s3+$0x11850] =	vst v0  }
0x24: {  	[tilespmem:s3+$0x11860] =	vst v0;
	s3 =	sshra.s32 s25, $0x2;
	s25 =	sadd.s32 $0x200, s25  }
0x25: {  	[tilespmem:s3+$0x11870] =	vst v0  }
0x26: {  	[tilespmem:s3+$0x11800] =	vst v0  }
0x27: {  	[tilespmem:s3+$0x11810] =	vst v0  }
0x28: {  	[tilespmem:s3+$0x11820] =	vst v0  }
0x29: {  	[tilespmem:s3+$0x11830] =	vst v0  }
0x2a: {  	[tilespmem:s3+$0x11840] =	vst v0  }
0x2b: {  	[tilespmem:s3+$0x11850] =	vst v0  }
0x2c: {  	[tilespmem:s3+$0x11860] =	vst v0  }
0x2d: {  	_ =	swait.ge [sflag:s24], $0xA000  }
0x2e: {  	[sflag:s24] =	ssyncset.done $0x0  }
0x2f: {  	s26 =	simm.s32 $0x3C00;
	[sflag:s24] =	ssyncadd.s32 $0xFFFF6000  }
0x30: {  	[tilespmem:s26], [sflag:$0x3] =	stream.linear.gather [hbm4b:s7+s2], $0x1400, $0x38;
	[tilespmem:$0x1B800] =	vst v63  }
0x31: {  	s25 =	simm.s32 $0x5000  }
0x32: {  	[tilespmem:s25], [sflag:$0x3] =	stream.linear.gather [hbm4b:s8+s2], $0x1400, $0x38;
	[tilespmem:$0x1B800] =	vst v63  }
0x33: {  	s26 =	simm.s32 $0x6400  }
0x34: {  	[tilespmem:s26], [sflag:$0x3] =	stream.linear.gather [hbm4b:s9+s2], $0x1400, $0x38;
	[tilespmem:$0x1B800] =	vst v63  }
0x35: {  	_ =	swait.ge [sflag:s29], $0x1400  }
0x36: {  	[sflag:s29] =	ssyncset.done $0x0  }
0x37: {  	[sflag:s29] =	ssyncadd.s32 $0xFFFFEC00  }
0x38: {  	_ =	swait.ge [sflag:s29], $0x1400  }
0x39: {  	[sflag:s29] =	ssyncset.done $0x0  }
0x3a: {  	[sflag:s29] =	ssyncadd.s32 $0xFFFFEC00  }
0x3b: {  	_ =	swait.ge [sflag:s29], $0x1400  }
0x3c: {  	[sflag:s29] =	ssyncset.done $0x0  }
0x3d: {  	s3 =	simm.s32 $0x40;
	[sflag:s29] =	ssyncadd.s32 $0xFFFFEC00  }
0x3e: {  	v11 =	vld [tilespmem:s3+$0x30]  }
0x3f: {  	v9 =	vld [tilespmem:s3+$0xFFFFFFD0]  }
0x40: {  	v8 =	vld [tilespmem:s3+$0xFFFFFFE0]  }
0x41: {  	v5 =	vld [tilespmem:s3+$0xFFFFFFF0]  }
0x42: {  	v4 =	vld [tilespmem:s3+$0x0]  }
0x43: {  	v2 =	vld [tilespmem:s3+$0x10]  }
0x44: {  	s25 =	simm.s32 $0x1440;
	v3 =	vld [tilespmem:s3+$0x20]  }
0x45: {  	s26 =	simm.s32 $0x2840;
	v12 =	vld [tilespmem:s25+$0x30]  }
0x46: {  	v13 =	vld [tilespmem:s26+$0x30]  }
0x47: {  	v14 =	vld [tilespmem:s3+$0xFFFFFFC0]  }
0x48: {  	v22 =	vld [tilespmem:s26+$0xFFFFFFC0]  }
0x49: {  	v23 =	vld [tilespmem:s26+$0xFFFFFFD0]  }
0x4a: {  	v25 =	vld [tilespmem:s26+$0xFFFFFFE0]  }
0x4b: {  	v10 =	vld [tilespmem:s26+$0xFFFFFFF0]  }
0x4c: {  	v1 =	vld.idx.msk [tilespmem:v11+s21+$0x0], $0xffff  }
0x4d: {  	v26 =	vld [tilespmem:s25+$0xFFFFFFC0]  }
0x4e: {  	v28 =	vld [tilespmem:s25+$0xFFFFFFD0]  }
0x4f: {  	v29 =	vld [tilespmem:s25+$0xFFFFFFE0];
	v6 =	vadd.s32 $0x2800, v11  }
0x50: {  	v30 =	vld [tilespmem:s25+$0xFFFFFFF0]  }
0x51: {  	v31 =	vld [tilespmem:s25+$0x0];
	v1 =	vmul.f32 v1, v13  }
0x52: {  	v40 =	vld [tilespmem:s25+$0x10]  }
0x53: {  	[tilespmem:v12+s30+$0x0] =	vst.idx.add.f32.msk $0xffff, v1  }
0x54: {  	v1 =	vld.idx.msk [tilespmem:v6+s21+$0x0], $0xffff  }
0x55: {  	v41 =	vld [tilespmem:s25+$0x20]  }
0x56: {  	v7 =	vadd.s32 $0x2800, v12;
	v15 =	vld.idx.msk [tilespmem:v9+s21+$0x0], $0xffff  }
0x57: {  	v24 =	vadd.s32 $0x5000, v11;
	v16 =	vld.idx.msk [tilespmem:v8+s21+$0x0], $0xffff  }
0x58: {  	v20 =	vld.idx.msk [tilespmem:v14+s21+$0x0], $0xffff  }
0x59: {  	v18 =	vld.idx.msk [tilespmem:v4+s21+$0x0], $0xffff;
	v1 =	vmul.f32 v1, v13  }
0x5a: {  	v6 =	vld [tilespmem:s26+$0x0]  }
0x5b: {  	[tilespmem:v7+s30+$0x0] =	vst.idx.add.f32.msk $0xffff, v1  }
0x5c: {  	v24 =	vld.idx.msk [tilespmem:v24+s21+$0x0], $0xffff  }
0x5d: {  	v17 =	vld.idx.msk [tilespmem:v5+s21+$0x0], $0xffff;
	v20 =	vmul.f32 v20, v22  }
0x5e: {  	v27 =	vadd.s32 $0x5000, v12;
	v19 =	vld.idx.msk [tilespmem:v2+s21+$0x0], $0xffff;
	v15 =	vmul.f32 v15, v23  }
0x5f: {  	v11 =	vadd.s32 $0x7800, v11;
	v16 =	vmul.f32 v16, v25;
	[tilespmem:v26+s30+$0x0] =	vst.idx.add.f32.msk $0xffff, v20  }
0x60: {  	v42 =	vadd.s32 $0x2800, v14;
	[tilespmem:v28+s30+$0x0] =	vst.idx.add.f32.msk $0xffff, v15;
	v15 =	vmul.f32 v18, v6  }
0x61: {  	[tilespmem:v29+s30+$0x0] =	vst.idx.add.f32.msk $0xffff, v16;
	v24 =	vmul.f32 v24, v13  }
0x62: {  	[tilespmem:v31+s30+$0x0] =	vst.idx.add.f32.msk $0xffff, v15  }
0x63: {  	v15 =	vadd.s32 $0x2800, v8;
	[tilespmem:v27+s30+$0x0] =	vst.idx.add.f32.msk $0xffff, v24  }
0x64: {  	v11 =	vld.idx.msk [tilespmem:v11+s21+$0x0], $0xffff  }
0x65: {  	v16 =	vld.idx.msk [tilespmem:v42+s21+$0x0], $0xffff  }
0x66: {  	v12 =	vadd.s32 $0x7800, v12;
	v7 =	vld [tilespmem:s26+$0x10]  }
0x67: {  	v47 =	vadd.s32 $0x2800, v26;
	v21 =	vld.idx.msk [tilespmem:v3+s21+$0x0], $0xffff;
	v17 =	vmul.f32 v17, v10  }
0x68: {  	v15 =	vld.idx.msk [tilespmem:v15+s21+$0x0], $0xffff  }
0x69: {  	[tilespmem:v30+s30+$0x0] =	vst.idx.add.f32.msk $0xffff, v17;
	v11 =	vmul.f32 v11, v13;
	v13 =	vadd.s32 $0x2800, v9  }
0x6a: {  	v49 =	vadd.s32 $0x2800, v29;
	v16 =	vmul.f32 v16, v22;
	v1 =	vld [tilespmem:s26+$0x20]  }
0x6b: {  	v43 =	vmul.f32 v19, v7;
	[tilespmem:v12+s30+$0x0] =	vst.idx.add.f32.msk $0xffff, v11;
	v11 =	vadd.s32 $0x2800, v5  }
0x6c: {  	[tilespmem:v47+s30+$0x0] =	vst.idx.add.f32.msk $0xffff, v16;
	v12 =	vadd.s32 $0x2800, v4  }
0x6d: {  	[tilespmem:v40+s30+$0x0] =	vst.idx.add.f32.msk $0xffff, v43;
	v15 =	vmul.f32 v15, v25  }
0x6e: {  	v45 =	vadd.s32 $0x2800, v2;
	v13 =	vld.idx.msk [tilespmem:v13+s21+$0x0], $0xffff  }
0x6f: {  	v46 =	vadd.s32 $0x2800, v3;
	[tilespmem:v49+s30+$0x0] =	vst.idx.add.f32.msk $0xffff, v15  }
0x70: {  	v48 =	vadd.s32 $0x2800, v28;
	v44 =	vmul.f32 v21, v1;
	v11 =	vld.idx.msk [tilespmem:v11+s21+$0x0], $0xffff  }
0x71: {  	v15 =	vadd.s32 $0x5000, v9;
	v12 =	vld.idx.msk [tilespmem:v12+s21+$0x0], $0xffff  }
0x72: {  	v32 =	vadd.s32 $0x2800, v30;
	[tilespmem:v41+s30+$0x0] =	vst.idx.add.f32.msk $0xffff, v44  }
0x73: {  	v33 =	vadd.s32 $0x2800, v31;
	v17 =	vld.idx.msk [tilespmem:v45+s21+$0x0], $0xffff;
	v13 =	vmul.f32 v13, v23  }
0x74: {  	v51 =	vadd.s32 $0x5000, v8;
	v18 =	vld.idx.msk [tilespmem:v46+s21+$0x0], $0xffff  }
0x75: {  	v52 =	vadd.s32 $0x5000, v5;
	[tilespmem:v48+s30+$0x0] =	vst.idx.add.f32.msk $0xffff, v13;
	v11 =	vmul.f32 v11, v10  }
0x76: {  	v34 =	vadd.s32 $0x2800, v40;
	v12 =	vmul.f32 v12, v6;
	v15 =	vld.idx.msk [tilespmem:v15+s21+$0x0], $0xffff  }
0x77: {  	v50 =	vadd.s32 $0x2800, v41;
	[tilespmem:v32+s30+$0x0] =	vst.idx.add.f32.msk $0xffff, v11  }
0x78: {  	v13 =	vadd.s32 $0x5000, v14;
	[tilespmem:v33+s30+$0x0] =	vst.idx.add.f32.msk $0xffff, v12  }
0x79: {  	v53 =	vadd.s32 $0x5000, v3;
	v11 =	vmul.f32 v17, v7;
	v17 =	vld.idx.msk [tilespmem:v51+s21+$0x0], $0xffff  }
0x7a: {  	v55 =	vadd.s32 $0x5000, v28;
	v12 =	vmul.f32 v18, v1;
	v18 =	vld.idx.msk [tilespmem:v52+s21+$0x0], $0xffff  }
0x7b: {  	[tilespmem:v34+s30+$0x0] =	vst.idx.add.f32.msk $0xffff, v11;
	v11 =	vadd.s32 $0x5000, v4  }
0x7c: {  	[tilespmem:v50+s30+$0x0] =	vst.idx.add.f32.msk $0xffff, v12;
	v12 =	vadd.s32 $0x5000, v2  }
0x7d: {  	v9 =	vadd.s32 $0x7800, v9;
	v13 =	vld.idx.msk [tilespmem:v13+s21+$0x0], $0xffff;
	v15 =	vmul.f32 v15, v23  }
0x7e: {  	v57 =	vadd.s32 $0x5000, v30;
	v16 =	vld.idx.msk [tilespmem:v53+s21+$0x0], $0xffff  }
0x7f: {  	v54 =	vadd.s32 $0x5000, v26;
	[tilespmem:v55+s30+$0x0] =	vst.idx.add.f32.msk $0xffff, v15  }
0x80: {  	v5 =	vadd.s32 $0x7800, v5;
	v11 =	vld.idx.msk [tilespmem:v11+s21+$0x0], $0xffff  }
0x81: {  	v56 =	vadd.s32 $0x5000, v29;
	v15 =	vmul.f32 v18, v10;
	v12 =	vld.idx.msk [tilespmem:v12+s21+$0x0], $0xffff  }
0x82: {  	v8 =	vadd.s32 $0x7800, v8;
	v9 =	vld.idx.msk [tilespmem:v9+s21+$0x0], $0xffff;
	v13 =	vmul.f32 v13, v22  }
0x83: {  	v58 =	vadd.s32 $0x5000, v31;
	[tilespmem:v57+s30+$0x0] =	vst.idx.add.f32.msk $0xffff, v15  }
0x84: {  	v59 =	vadd.s32 $0x5000, v40;
	[tilespmem:v54+s30+$0x0] =	vst.idx.add.f32.msk $0xffff, v13;
	v13 =	vmul.f32 v17, v25  }
0x85: {  	v60 =	vadd.s32 $0x5000, v41;
	v5 =	vld.idx.msk [tilespmem:v5+s21+$0x0], $0xffff  }
0x86: {  	v14 =	vadd.s32 $0x7800, v14;
	[tilespmem:v56+s30+$0x0] =	vst.idx.add.f32.msk $0xffff, v13;
	v11 =	vmul.f32 v11, v6  }
0x87: {  	v4 =	vadd.s32 $0x7800, v4;
	v12 =	vmul.f32 v12, v7;
	v13 =	vld.idx.msk [tilespmem:v8+s21+$0x0], $0xffff  }
0x88: {  	v2 =	vadd.s32 $0x7800, v2;
	[tilespmem:v58+s30+$0x0] =	vst.idx.add.f32.msk $0xffff, v11;
	v11 =	vmul.f32 v16, v1  }
0x89: {  	v3 =	vadd.s32 $0x7800, v3;
	[tilespmem:v59+s30+$0x0] =	vst.idx.add.f32.msk $0xffff, v12  }
0x8a: {  	v62 =	vadd.s32 $0x7800, v30;
	[tilespmem:v60+s30+$0x0] =	vst.idx.add.f32.msk $0xffff, v11  }
0x8b: {  	v15 =	vadd.s32 $0x7800, v29;
	v11 =	vld.idx.msk [tilespmem:v14+s21+$0x0], $0xffff  }
0x8c: {  	v61 =	vld.idx.msk [tilespmem:v4+s21+$0x0], $0xffff;
	v14 =	vadd.s32 $0x7800, v28  }
0x8d: {  	v12 =	vadd.s32 $0x7800, v26;
	v5 =	vmul.f32 v5, v10;
	v63 =	vld.idx.msk [tilespmem:v2+s21+$0x0], $0xffff  }
0x8e: {  	v8 =	vld.idx.msk [tilespmem:v3+s21+$0x0], $0xffff;
	v4 =	vmul.f32 v13, v25  }
0x8f: {  	[tilespmem:v62+s30+$0x0] =	vst.idx.add.f32.msk $0xffff, v5;
	v3 =	vmul.f32 v9, v23  }
0x90: {  	[tilespmem:v15+s30+$0x0] =	vst.idx.add.f32.msk $0xffff, v4;
	v2 =	vmul.f32 v11, v22  }
0x91: {  	v4 =	vadd.s32 $0x7800, v41;
	v13 =	vmul.f32 v61, v6;
	[tilespmem:v14+s30+$0x0] =	vst.idx.add.f32.msk $0xffff, v3  }
0x92: {  	s28 =	simm.s32 $0x0;
	s3 =	simm.s32 $0xC0;
	v6 =	vmul.f32 v63, v7;
	v3 =	vadd.s32 $0x7800, v40;
	[tilespmem:v12+s30+$0x0] =	vst.idx.add.f32.msk $0xffff, v2;
	v2 =	vadd.s32 $0x7800, v31  }
.LBB2_4:
0x93: {  	v28 =	vld [tilespmem:s3+$0x30];
	s28 =	sadd.s32 $0x8, s28;
	v5 =	vmul.f32 v8, v1  }
0x94: {  	v1 =	vld [tilespmem:s3+$0xFFFFFFD0];
	p0 =	slt.u32 s28, $0x138  }
0x95: {  	v15 =	vld [tilespmem:s3+$0xFFFFFFE0]  }
0x96: {  	v16 =	vld [tilespmem:s3+$0xFFFFFFF0]  }
0x97: {  	v17 =	vld [tilespmem:s3+$0x0]  }
0x98: {  	v18 =	vld [tilespmem:s3+$0x10]  }
0x99: {  	s25 =	sadd.s32 $0x80, s25;
	v27 =	vadd.s32 $0x2800, v1;
	v14 =	vadd.s32 $0x5000, v1;
	v7 =	vadd.s32 $0x7800, v1;
	v19 =	vld [tilespmem:s3+$0x20]  }
0x9a: {  	v29 =	vadd.s32 $0x2800, v15;
	v20 =	vadd.s32 $0x5000, v15;
	v8 =	vadd.s32 $0x7800, v15;
	v36 =	vld [tilespmem:s25+$0x30]  }
0x9b: {  	s26 =	sadd.s32 $0x80, s26;
	v33 =	vadd.s32 $0x2800, v16;
	v22 =	vadd.s32 $0x5000, v16;
	v9 =	vadd.s32 $0x7800, v16;
	v21 =	vld.idx.msk [tilespmem:v28+s21+$0x0], $0xffff  }
0x9c: {  	v35 =	vadd.s32 $0x2800, v17;
	v24 =	vadd.s32 $0x5000, v17;
	v10 =	vadd.s32 $0x7800, v17;
	v37 =	vld [tilespmem:s26+$0x30]  }
0x9d: {  	v23 =	vld [tilespmem:s3+$0xFFFFFFC0];
	v38 =	vadd.s32 $0x2800, v18;
	v25 =	vadd.s32 $0x5000, v18;
	v11 =	vadd.s32 $0x7800, v18  }
0x9e: {  	v1 =	vld.idx.msk [tilespmem:v1+s21+$0x0], $0xffff;
	v39 =	vadd.s32 $0x2800, v19;
	v26 =	vadd.s32 $0x5000, v19;
	v12 =	vadd.s32 $0x7800, v19  }
0x9f: {  	v31 =	vld.idx.msk [tilespmem:v15+s21+$0x0], $0xffff;
	v15 =	vadd.s32 $0x2800, v28  }
0xa0: {  	v32 =	vld.idx.msk [tilespmem:v16+s21+$0x0], $0xffff  }
0xa1: {  	v34 =	vld.idx.msk [tilespmem:v17+s21+$0x0], $0xffff;
	v16 =	vmul.f32 v21, v37  }
0xa2: {  	v40 =	vadd.s32 $0x2800, v23;
	v30 =	vadd.s32 $0x5000, v23;
	v21 =	vadd.s32 $0x7800, v23;
	v41 =	vld.idx.msk [tilespmem:v18+s21+$0x0], $0xffff  }
0xa3: {  	[tilespmem:v36+s30+$0x0] =	vst.idx.add.f32.msk $0xffff, v16  }
0xa4: {  	v16 =	vld.idx.msk [tilespmem:v15+s21+$0x0], $0xffff  }
0xa5: {  	v23 =	vld.idx.msk [tilespmem:v23+s21+$0x0], $0xffff  }
0xa6: {  	v42 =	vld.idx.msk [tilespmem:v19+s21+$0x0], $0xffff  }
0xa7: {  	v43 =	vadd.s32 $0x2800, v36;
	v18 =	vld [tilespmem:s26+$0xFFFFFFC0]  }
0xa8: {  	v44 =	vadd.s32 $0x5000, v28;
	v19 =	vld [tilespmem:s26+$0xFFFFFFD0]  }
0xa9: {  	v17 =	vld [tilespmem:s26+$0xFFFFFFE0]  }
0xaa: {  	v45 =	vmul.f32 v16, v37;
	v15 =	vld [tilespmem:s26+$0xFFFFFFF0]  }
0xab: {  	v16 =	vld [tilespmem:s26+$0x0]  }
0xac: {  	v46 =	vmul.f32 v23, v18;
	[tilespmem:v43+s30+$0x0] =	vst.idx.add.f32.msk $0xffff, v45  }
0xad: {  	v43 =	vmul.f32 v1, v19;
	v44 =	vld.idx.msk [tilespmem:v44+s21+$0x0], $0xffff  }
0xae: {  	v45 =	vmul.f32 v31, v17;
	v23 =	vld [tilespmem:s26+$0x10]  }
0xaf: {  	v47 =	vmul.f32 v32, v15;
	v1 =	vld [tilespmem:s26+$0x20]  }
0xb0: {  	v31 =	vadd.s32 $0x5000, v36;
	v48 =	vld [tilespmem:s25+$0xFFFFFFC0];
	v49 =	vmul.f32 v34, v16  }
0xb1: {  	v32 =	vadd.s32 $0x7800, v28;
	v50 =	vld [tilespmem:s25+$0xFFFFFFD0]  }
0xb2: {  	v51 =	vld [tilespmem:s25+$0xFFFFFFE0]  }
0xb3: {  	v34 =	vmul.f32 v44, v37;
	v52 =	vld [tilespmem:s25+$0xFFFFFFF0];
	v41 =	vmul.f32 v41, v23  }
0xb4: {  	v44 =	vld [tilespmem:s25+$0x0];
	v42 =	vmul.f32 v42, v1  }
0xb5: {  	v53 =	vadd.s32 $0x2800, v48;
	v54 =	vadd.s32 $0x5000, v48;
	v28 =	vadd.s32 $0x7800, v48;
	[tilespmem:v31+s30+$0x0] =	vst.idx.add.f32.msk $0xffff, v34  }
0xb6: {  	v55 =	vadd.s32 $0x2800, v50;
	v56 =	vadd.s32 $0x5000, v50;
	v31 =	vadd.s32 $0x7800, v50;
	v57 =	vld.idx.msk [tilespmem:v32+s21+$0x0], $0xffff  }
0xb7: {  	v58 =	vadd.s32 $0x2800, v51;
	v59 =	vadd.s32 $0x5000, v51;
	v32 =	vadd.s32 $0x7800, v51;
	v60 =	vld [tilespmem:s25+$0x10]  }
0xb8: {  	v61 =	vadd.s32 $0x2800, v52;
	v62 =	vadd.s32 $0x5000, v52;
	v34 =	vadd.s32 $0x7800, v52;
	v63 =	vld [tilespmem:s25+$0x20]  }
0xb9: {  	v36 =	vadd.s32 $0x7800, v36;
	[tilespmem:v48+s30+$0x0] =	vst.idx.add.f32.msk $0xffff, v46;
	v46 =	vadd.s32 $0x2800, v44;
	v48 =	vadd.s32 $0x5000, v44  }
0xba: {  	[tilespmem:v50+s30+$0x0] =	vst.idx.add.f32.msk $0xffff, v43;
	v43 =	vadd.s32 $0x7800, v44  }
0xbb: {  	[tilespmem:v51+s30+$0x0] =	vst.idx.add.f32.msk $0xffff, v45  }
0xbc: {  	v37 =	vmul.f32 v57, v37;
	[tilespmem:v52+s30+$0x0] =	vst.idx.add.f32.msk $0xffff, v47;
	v45 =	vadd.s32 $0x2800, v60;
	v47 =	vadd.s32 $0x5000, v60  }
0xbd: {  	[tilespmem:v44+s30+$0x0] =	vst.idx.add.f32.msk $0xffff, v49;
	v44 =	vadd.s32 $0x7800, v60;
	v49 =	vadd.s32 $0x2800, v63;
	v50 =	vadd.s32 $0x5000, v63  }
0xbe: {  	v51 =	vadd.s32 $0x7800, v63;
	[tilespmem:v36+s30+$0x0] =	vst.idx.add.f32.msk $0xffff, v37  }
0xbf: {  	[tilespmem:v60+s30+$0x0] =	vst.idx.add.f32.msk $0xffff, v41  }
0xc0: {  	[tilespmem:v63+s30+$0x0] =	vst.idx.add.f32.msk $0xffff, v42  }
0xc1: {  	v36 =	vld.idx.msk [tilespmem:v40+s21+$0x0], $0xffff  }
0xc2: {  	v27 =	vld.idx.msk [tilespmem:v27+s21+$0x0], $0xffff  }
0xc3: {  	v29 =	vld.idx.msk [tilespmem:v29+s21+$0x0], $0xffff  }
0xc4: {  	v33 =	vld.idx.msk [tilespmem:v33+s21+$0x0], $0xffff  }
0xc5: {  	v35 =	vld.idx.msk [tilespmem:v35+s21+$0x0], $0xffff  }
0xc6: {  	v37 =	vld.idx.msk [tilespmem:v38+s21+$0x0], $0xffff  }
0xc7: {  	v36 =	vmul.f32 v36, v18;
	v38 =	vld.idx.msk [tilespmem:v39+s21+$0x0], $0xffff  }
0xc8: {  	v27 =	vmul.f32 v27, v19;
	[tilespmem:v2+s30+$0x0] =	vst.idx.add.f32.msk $0xffff, v13;
	v2 =	vmov v43  }
0xc9: {  	v13 =	vmul.f32 v29, v17;
	[tilespmem:v53+s30+$0x0] =	vst.idx.add.f32.msk $0xffff, v36  }
0xca: {  	[tilespmem:v55+s30+$0x0] =	vst.idx.add.f32.msk $0xffff, v27;
	v27 =	vmul.f32 v33, v15  }
0xcb: {  	[tilespmem:v58+s30+$0x0] =	vst.idx.add.f32.msk $0xffff, v13;
	v13 =	vmul.f32 v35, v16  }
0xcc: {  	[tilespmem:v61+s30+$0x0] =	vst.idx.add.f32.msk $0xffff, v27;
	v27 =	vmul.f32 v37, v23  }
0xcd: {  	[tilespmem:v46+s30+$0x0] =	vst.idx.add.f32.msk $0xffff, v13;
	v13 =	vmul.f32 v38, v1  }
0xce: {  	[tilespmem:v45+s30+$0x0] =	vst.idx.add.f32.msk $0xffff, v27  }
0xcf: {  	[tilespmem:v49+s30+$0x0] =	vst.idx.add.f32.msk $0xffff, v13  }
0xd0: {  	v13 =	vld.idx.msk [tilespmem:v30+s21+$0x0], $0xffff  }
0xd1: {  	v14 =	vld.idx.msk [tilespmem:v14+s21+$0x0], $0xffff  }
0xd2: {  	v20 =	vld.idx.msk [tilespmem:v20+s21+$0x0], $0xffff  }
0xd3: {  	v22 =	vld.idx.msk [tilespmem:v22+s21+$0x0], $0xffff  }
0xd4: {  	v24 =	vld.idx.msk [tilespmem:v24+s21+$0x0], $0xffff  }
0xd5: {  	v25 =	vld.idx.msk [tilespmem:v25+s21+$0x0], $0xffff  }
0xd6: {  	v13 =	vmul.f32 v13, v18;
	v26 =	vld.idx.msk [tilespmem:v26+s21+$0x0], $0xffff  }
0xd7: {  	v14 =	vmul.f32 v14, v19;
	[tilespmem:v3+s30+$0x0] =	vst.idx.add.f32.msk $0xffff, v6;
	v3 =	vmov v44  }
0xd8: {  	v6 =	vmul.f32 v20, v17;
	[tilespmem:v54+s30+$0x0] =	vst.idx.add.f32.msk $0xffff, v13  }
0xd9: {  	v13 =	vmul.f32 v22, v15;
	[tilespmem:v56+s30+$0x0] =	vst.idx.add.f32.msk $0xffff, v14  }
0xda: {  	[tilespmem:v59+s30+$0x0] =	vst.idx.add.f32.msk $0xffff, v6;
	v6 =	vmul.f32 v24, v16  }
0xdb: {  	[tilespmem:v62+s30+$0x0] =	vst.idx.add.f32.msk $0xffff, v13;
	v13 =	vmul.f32 v25, v23  }
0xdc: {  	[tilespmem:v48+s30+$0x0] =	vst.idx.add.f32.msk $0xffff, v6;
	v6 =	vmul.f32 v26, v1  }
0xdd: {  	[tilespmem:v47+s30+$0x0] =	vst.idx.add.f32.msk $0xffff, v13  }
0xde: {  	[tilespmem:v50+s30+$0x0] =	vst.idx.add.f32.msk $0xffff, v6  }
0xdf: {  	v6 =	vld.idx.msk [tilespmem:v21+s21+$0x0], $0xffff  }
0xe0: {  	v7 =	vld.idx.msk [tilespmem:v7+s21+$0x0], $0xffff  }
0xe1: {  	v13 =	vld.idx.msk [tilespmem:v8+s21+$0x0], $0xffff  }
0xe2: {  	v9 =	vld.idx.msk [tilespmem:v9+s21+$0x0], $0xffff  }
0xe3: {  	v10 =	vld.idx.msk [tilespmem:v10+s21+$0x0], $0xffff  }
0xe4: {  	v11 =	vld.idx.msk [tilespmem:v11+s21+$0x0], $0xffff  }
0xe5: {  	v6 =	vmul.f32 v6, v18;
	v8 =	vld.idx.msk [tilespmem:v12+s21+$0x0], $0xffff  }
.Ltmp1:
0xe6: {  	v7 =	vmul.f32 v7, v19;
	[tilespmem:v4+s30+$0x0] =	vst.idx.add.f32.msk $0xffff, v5;
	v4 =	vmov v51;
	(pc) =	sbr.rel @p0 .LBB2_4-.Ltmp1, $4  }
0xe7: {  	v5 =	vmul.f32 v13, v17;
	[tilespmem:v28+s30+$0x0] =	vst.idx.add.f32.msk $0xffff, v6  }
0xe8: {  	v6 =	vmul.f32 v9, v15;
	[tilespmem:v31+s30+$0x0] =	vst.idx.add.f32.msk $0xffff, v7  }
0xe9: {  	v13 =	vmul.f32 v10, v16;
	[tilespmem:v32+s30+$0x0] =	vst.idx.add.f32.msk $0xffff, v5  }
0xea: {  	s3 =	sadd.s32 $0x80, s3;
	[tilespmem:v34+s30+$0x0] =	vst.idx.add.f32.msk $0xffff, v6;
	v6 =	vmul.f32 v11, v23  }
0xeb: {  	_ =	sdelay $0x3  }
0xec: {  	v1 =	vmul.f32 v8, v1;
	[tilespmem:v2+s30+$0x0] =	vst.idx.add.f32.msk $0xffff, v13  }
0xed: {  	[tilespmem:v3+s30+$0x0] =	vst.idx.add.f32.msk $0xffff, v6  }
0xee: {  	[tilespmem:v4+s30+$0x0] =	vst.idx.add.f32.msk $0xffff, v1  }
0xef: {  	[tilespmem:s2], [sflag:$0x2] =	stream.linear.gather [hbm4b:s10+s2], $0x1400, $0x38;
	[tilespmem:$0x1B800] =	vst v63  }
0xf0: {  	s3 =	simm.s32 $0x1400  }
0xf1: {  	[tilespmem:s3], [sflag:$0x2] =	stream.linear.gather [hbm4b:s11+s2], $0x1400, $0x38;
	[tilespmem:$0x1B800] =	vst v63  }
0xf2: {  	s26 =	simm.s32 $0x2800  }
0xf3: {  	[tilespmem:s26], [sflag:$0x2] =	stream.linear.gather [hbm4b:s12+s2], $0x1400, $0x38;
	[tilespmem:$0x1B800] =	vst v63  }
0xf4: {  	_ =	swait.ge [sflag:s31], $0x1400  }
0xf5: {  	[sflag:s31] =	ssyncset.done $0x0  }
0xf6: {  	[sflag:s31] =	ssyncadd.s32 $0xFFFFEC00  }
0xf7: {  	_ =	swait.ge [sflag:s31], $0x1400  }
0xf8: {  	[sflag:s31] =	ssyncset.done $0x0  }
0xf9: {  	[sflag:s31] =	ssyncadd.s32 $0xFFFFEC00  }
0xfa: {  	_ =	swait.ge [sflag:s31], $0x1400  }
0xfb: {  	[sflag:s31] =	ssyncset.done $0x0  }
0xfc: {  	s3 =	simm.s32 $0x3C40;
	[sflag:s31] =	ssyncadd.s32 $0xFFFFEC00  }
0xfd: {  	v11 =	vld [tilespmem:s3+$0x30]  }
0xfe: {  	v9 =	vld [tilespmem:s3+$0xFFFFFFD0]  }
0xff: {  	v8 =	vld [tilespmem:s3+$0xFFFFFFE0]  }
0x100: {  	v5 =	vld [tilespmem:s3+$0xFFFFFFF0]  }
0x101: {  	v4 =	vld [tilespmem:s3+$0x0]  }
0x102: {  	v2 =	vld [tilespmem:s3+$0x10]  }
0x103: {  	s25 =	simm.s32 $0x5040;
	v3 =	vld [tilespmem:s3+$0x20]  }
0x104: {  	s26 =	simm.s32 $0x6440;
	v12 =	vld [tilespmem:s25+$0x30]  }
0x105: {  	v13 =	vld [tilespmem:s26+$0x30]  }
0x106: {  	v14 =	vld [tilespmem:s3+$0xFFFFFFC0]  }
0x107: {  	v22 =	vld [tilespmem:s26+$0xFFFFFFC0]  }
0x108: {  	v23 =	vld [tilespmem:s26+$0xFFFFFFD0]  }
0x109: {  	v25 =	vld [tilespmem:s26+$0xFFFFFFE0]  }
0x10a: {  	v10 =	vld [tilespmem:s26+$0xFFFFFFF0]  }
0x10b: {  	v1 =	vld.idx.msk [tilespmem:v11+s21+$0x0], $0xffff  }
0x10c: {  	v26 =	vld [tilespmem:s25+$0xFFFFFFC0]  }
0x10d: {  	v28 =	vld [tilespmem:s25+$0xFFFFFFD0]  }
0x10e: {  	v29 =	vld [tilespmem:s25+$0xFFFFFFE0];
	v6 =	vadd.s32 $0x2800, v11  }
0x10f: {  	v30 =	vld [tilespmem:s25+$0xFFFFFFF0]  }
0x110: {  	v31 =	vld [tilespmem:s25+$0x0];
	v1 =	vmul.f32 v1, v13  }
0x111: {  	v40 =	vld [tilespmem:s25+$0x10]  }
0x112: {  	[tilespmem:v12+s30+$0x0] =	vst.idx.add.f32.msk $0xffff, v1  }
0x113: {  	v1 =	vld.idx.msk [tilespmem:v6+s21+$0x0], $0xffff  }
0x114: {  	v41 =	vld [tilespmem:s25+$0x20]  }
0x115: {  	v7 =	vadd.s32 $0x2800, v12;
	v15 =	vld.idx.msk [tilespmem:v9+s21+$0x0], $0xffff  }
0x116: {  	v24 =	vadd.s32 $0x5000, v11;
	v16 =	vld.idx.msk [tilespmem:v8+s21+$0x0], $0xffff  }
0x117: {  	v20 =	vld.idx.msk [tilespmem:v14+s21+$0x0], $0xffff  }
0x118: {  	v18 =	vld.idx.msk [tilespmem:v4+s21+$0x0], $0xffff;
	v1 =	vmul.f32 v1, v13  }
0x119: {  	v6 =	vld [tilespmem:s26+$0x0]  }
0x11a: {  	[tilespmem:v7+s30+$0x0] =	vst.idx.add.f32.msk $0xffff, v1  }
0x11b: {  	v24 =	vld.idx.msk [tilespmem:v24+s21+$0x0], $0xffff  }
0x11c: {  	v17 =	vld.idx.msk [tilespmem:v5+s21+$0x0], $0xffff;
	v20 =	vmul.f32 v20, v22  }
0x11d: {  	v27 =	vadd.s32 $0x5000, v12;
	v19 =	vld.idx.msk [tilespmem:v2+s21+$0x0], $0xffff;
	v15 =	vmul.f32 v15, v23  }
0x11e: {  	v11 =	vadd.s32 $0x7800, v11;
	v16 =	vmul.f32 v16, v25;
	[tilespmem:v26+s30+$0x0] =	vst.idx.add.f32.msk $0xffff, v20  }
0x11f: {  	v42 =	vadd.s32 $0x2800, v14;
	[tilespmem:v28+s30+$0x0] =	vst.idx.add.f32.msk $0xffff, v15;
	v15 =	vmul.f32 v18, v6  }
0x120: {  	[tilespmem:v29+s30+$0x0] =	vst.idx.add.f32.msk $0xffff, v16;
	v24 =	vmul.f32 v24, v13  }
0x121: {  	[tilespmem:v31+s30+$0x0] =	vst.idx.add.f32.msk $0xffff, v15  }
0x122: {  	v15 =	vadd.s32 $0x2800, v8;
	[tilespmem:v27+s30+$0x0] =	vst.idx.add.f32.msk $0xffff, v24  }
0x123: {  	v11 =	vld.idx.msk [tilespmem:v11+s21+$0x0], $0xffff  }
0x124: {  	v16 =	vld.idx.msk [tilespmem:v42+s21+$0x0], $0xffff  }
0x125: {  	v12 =	vadd.s32 $0x7800, v12;
	v7 =	vld [tilespmem:s26+$0x10]  }
0x126: {  	v47 =	vadd.s32 $0x2800, v26;
	v21 =	vld.idx.msk [tilespmem:v3+s21+$0x0], $0xffff;
	v17 =	vmul.f32 v17, v10  }
0x127: {  	v15 =	vld.idx.msk [tilespmem:v15+s21+$0x0], $0xffff  }
0x128: {  	[tilespmem:v30+s30+$0x0] =	vst.idx.add.f32.msk $0xffff, v17;
	v11 =	vmul.f32 v11, v13;
	v13 =	vadd.s32 $0x2800, v9  }
0x129: {  	v49 =	vadd.s32 $0x2800, v29;
	v16 =	vmul.f32 v16, v22;
	v1 =	vld [tilespmem:s26+$0x20]  }
0x12a: {  	v43 =	vmul.f32 v19, v7;
	[tilespmem:v12+s30+$0x0] =	vst.idx.add.f32.msk $0xffff, v11;
	v11 =	vadd.s32 $0x2800, v5  }
0x12b: {  	[tilespmem:v47+s30+$0x0] =	vst.idx.add.f32.msk $0xffff, v16;
	v12 =	vadd.s32 $0x2800, v4  }
0x12c: {  	[tilespmem:v40+s30+$0x0] =	vst.idx.add.f32.msk $0xffff, v43;
	v15 =	vmul.f32 v15, v25  }
0x12d: {  	v45 =	vadd.s32 $0x2800, v2;
	v13 =	vld.idx.msk [tilespmem:v13+s21+$0x0], $0xffff  }
0x12e: {  	v46 =	vadd.s32 $0x2800, v3;
	[tilespmem:v49+s30+$0x0] =	vst.idx.add.f32.msk $0xffff, v15  }
0x12f: {  	v48 =	vadd.s32 $0x2800, v28;
	v44 =	vmul.f32 v21, v1;
	v11 =	vld.idx.msk [tilespmem:v11+s21+$0x0], $0xffff  }
0x130: {  	v15 =	vadd.s32 $0x5000, v9;
	v12 =	vld.idx.msk [tilespmem:v12+s21+$0x0], $0xffff  }
0x131: {  	v32 =	vadd.s32 $0x2800, v30;
	[tilespmem:v41+s30+$0x0] =	vst.idx.add.f32.msk $0xffff, v44  }
0x132: {  	v33 =	vadd.s32 $0x2800, v31;
	v17 =	vld.idx.msk [tilespmem:v45+s21+$0x0], $0xffff;
	v13 =	vmul.f32 v13, v23  }
0x133: {  	v51 =	vadd.s32 $0x5000, v8;
	v18 =	vld.idx.msk [tilespmem:v46+s21+$0x0], $0xffff  }
0x134: {  	v52 =	vadd.s32 $0x5000, v5;
	[tilespmem:v48+s30+$0x0] =	vst.idx.add.f32.msk $0xffff, v13;
	v11 =	vmul.f32 v11, v10  }
0x135: {  	v34 =	vadd.s32 $0x2800, v40;
	v12 =	vmul.f32 v12, v6;
	v15 =	vld.idx.msk [tilespmem:v15+s21+$0x0], $0xffff  }
0x136: {  	v50 =	vadd.s32 $0x2800, v41;
	[tilespmem:v32+s30+$0x0] =	vst.idx.add.f32.msk $0xffff, v11  }
0x137: {  	v13 =	vadd.s32 $0x5000, v14;
	[tilespmem:v33+s30+$0x0] =	vst.idx.add.f32.msk $0xffff, v12  }
0x138: {  	v53 =	vadd.s32 $0x5000, v3;
	v11 =	vmul.f32 v17, v7;
	v17 =	vld.idx.msk [tilespmem:v51+s21+$0x0], $0xffff  }
0x139: {  	v55 =	vadd.s32 $0x5000, v28;
	v12 =	vmul.f32 v18, v1;
	v18 =	vld.idx.msk [tilespmem:v52+s21+$0x0], $0xffff  }
0x13a: {  	[tilespmem:v34+s30+$0x0] =	vst.idx.add.f32.msk $0xffff, v11;
	v11 =	vadd.s32 $0x5000, v4  }
0x13b: {  	[tilespmem:v50+s30+$0x0] =	vst.idx.add.f32.msk $0xffff, v12;
	v12 =	vadd.s32 $0x5000, v2  }
0x13c: {  	v9 =	vadd.s32 $0x7800, v9;
	v13 =	vld.idx.msk [tilespmem:v13+s21+$0x0], $0xffff;
	v15 =	vmul.f32 v15, v23  }
0x13d: {  	v57 =	vadd.s32 $0x5000, v30;
	v16 =	vld.idx.msk [tilespmem:v53+s21+$0x0], $0xffff  }
0x13e: {  	v54 =	vadd.s32 $0x5000, v26;
	[tilespmem:v55+s30+$0x0] =	vst.idx.add.f32.msk $0xffff, v15  }
0x13f: {  	v5 =	vadd.s32 $0x7800, v5;
	v11 =	vld.idx.msk [tilespmem:v11+s21+$0x0], $0xffff  }
0x140: {  	v56 =	vadd.s32 $0x5000, v29;
	v15 =	vmul.f32 v18, v10;
	v12 =	vld.idx.msk [tilespmem:v12+s21+$0x0], $0xffff  }
0x141: {  	v8 =	vadd.s32 $0x7800, v8;
	v9 =	vld.idx.msk [tilespmem:v9+s21+$0x0], $0xffff;
	v13 =	vmul.f32 v13, v22  }
0x142: {  	v58 =	vadd.s32 $0x5000, v31;
	[tilespmem:v57+s30+$0x0] =	vst.idx.add.f32.msk $0xffff, v15  }
0x143: {  	v59 =	vadd.s32 $0x5000, v40;
	[tilespmem:v54+s30+$0x0] =	vst.idx.add.f32.msk $0xffff, v13;
	v13 =	vmul.f32 v17, v25  }
0x144: {  	v60 =	vadd.s32 $0x5000, v41;
	v5 =	vld.idx.msk [tilespmem:v5+s21+$0x0], $0xffff  }
0x145: {  	v14 =	vadd.s32 $0x7800, v14;
	[tilespmem:v56+s30+$0x0] =	vst.idx.add.f32.msk $0xffff, v13;
	v11 =	vmul.f32 v11, v6  }
0x146: {  	v4 =	vadd.s32 $0x7800, v4;
	v12 =	vmul.f32 v12, v7;
	v13 =	vld.idx.msk [tilespmem:v8+s21+$0x0], $0xffff  }
0x147: {  	v2 =	vadd.s32 $0x7800, v2;
	[tilespmem:v58+s30+$0x0] =	vst.idx.add.f32.msk $0xffff, v11;
	v11 =	vmul.f32 v16, v1  }
0x148: {  	v3 =	vadd.s32 $0x7800, v3;
	[tilespmem:v59+s30+$0x0] =	vst.idx.add.f32.msk $0xffff, v12  }
0x149: {  	v62 =	vadd.s32 $0x7800, v30;
	[tilespmem:v60+s30+$0x0] =	vst.idx.add.f32.msk $0xffff, v11  }
0x14a: {  	v15 =	vadd.s32 $0x7800, v29;
	v11 =	vld.idx.msk [tilespmem:v14+s21+$0x0], $0xffff  }
0x14b: {  	v61 =	vld.idx.msk [tilespmem:v4+s21+$0x0], $0xffff;
	v14 =	vadd.s32 $0x7800, v28  }
0x14c: {  	v12 =	vadd.s32 $0x7800, v26;
	v5 =	vmul.f32 v5, v10;
	v63 =	vld.idx.msk [tilespmem:v2+s21+$0x0], $0xffff  }
0x14d: {  	v8 =	vld.idx.msk [tilespmem:v3+s21+$0x0], $0xffff;
	v4 =	vmul.f32 v13, v25  }
0x14e: {  	[tilespmem:v62+s30+$0x0] =	vst.idx.add.f32.msk $0xffff, v5;
	v3 =	vmul.f32 v9, v23  }
0x14f: {  	[tilespmem:v15+s30+$0x0] =	vst.idx.add.f32.msk $0xffff, v4;
	v2 =	vmul.f32 v11, v22  }
0x150: {  	v4 =	vadd.s32 $0x7800, v41;
	v13 =	vmul.f32 v61, v6;
	[tilespmem:v14+s30+$0x0] =	vst.idx.add.f32.msk $0xffff, v3  }
0x151: {  	s28 =	simm.s32 $0x0;
	s3 =	simm.s32 $0x3CC0;
	v6 =	vmul.f32 v63, v7;
	v3 =	vadd.s32 $0x7800, v40;
	[tilespmem:v12+s30+$0x0] =	vst.idx.add.f32.msk $0xffff, v2;
	v2 =	vadd.s32 $0x7800, v31  }
.LBB2_6:
0x152: {  	v28 =	vld [tilespmem:s3+$0x30];
	s28 =	sadd.s32 $0x8, s28;
	v5 =	vmul.f32 v8, v1  }
0x153: {  	v1 =	vld [tilespmem:s3+$0xFFFFFFD0];
	p0 =	slt.u32 s28, $0x138  }
0x154: {  	v15 =	vld [tilespmem:s3+$0xFFFFFFE0]  }
0x155: {  	v16 =	vld [tilespmem:s3+$0xFFFFFFF0]  }
0x156: {  	v17 =	vld [tilespmem:s3+$0x0]  }
0x157: {  	v18 =	vld [tilespmem:s3+$0x10]  }
0x158: {  	s25 =	sadd.s32 $0x80, s25;
	v27 =	vadd.s32 $0x2800, v1;
	v14 =	vadd.s32 $0x5000, v1;
	v7 =	vadd.s32 $0x7800, v1;
	v19 =	vld [tilespmem:s3+$0x20]  }
0x159: {  	v29 =	vadd.s32 $0x2800, v15;
	v20 =	vadd.s32 $0x5000, v15;
	v8 =	vadd.s32 $0x7800, v15;
	v36 =	vld [tilespmem:s25+$0x30]  }
0x15a: {  	s26 =	sadd.s32 $0x80, s26;
	v33 =	vadd.s32 $0x2800, v16;
	v22 =	vadd.s32 $0x5000, v16;
	v9 =	vadd.s32 $0x7800, v16;
	v21 =	vld.idx.msk [tilespmem:v28+s21+$0x0], $0xffff  }
0x15b: {  	v35 =	vadd.s32 $0x2800, v17;
	v24 =	vadd.s32 $0x5000, v17;
	v10 =	vadd.s32 $0x7800, v17;
	v37 =	vld [tilespmem:s26+$0x30]  }
0x15c: {  	v23 =	vld [tilespmem:s3+$0xFFFFFFC0];
	v38 =	vadd.s32 $0x2800, v18;
	v25 =	vadd.s32 $0x5000, v18;
	v11 =	vadd.s32 $0x7800, v18  }
0x15d: {  	v1 =	vld.idx.msk [tilespmem:v1+s21+$0x0], $0xffff;
	v39 =	vadd.s32 $0x2800, v19;
	v26 =	vadd.s32 $0x5000, v19;
	v12 =	vadd.s32 $0x7800, v19  }
0x15e: {  	v31 =	vld.idx.msk [tilespmem:v15+s21+$0x0], $0xffff;
	v15 =	vadd.s32 $0x2800, v28  }
0x15f: {  	v32 =	vld.idx.msk [tilespmem:v16+s21+$0x0], $0xffff  }
0x160: {  	v34 =	vld.idx.msk [tilespmem:v17+s21+$0x0], $0xffff;
	v16 =	vmul.f32 v21, v37  }
0x161: {  	v40 =	vadd.s32 $0x2800, v23;
	v30 =	vadd.s32 $0x5000, v23;
	v21 =	vadd.s32 $0x7800, v23;
	v41 =	vld.idx.msk [tilespmem:v18+s21+$0x0], $0xffff  }
0x162: {  	[tilespmem:v36+s30+$0x0] =	vst.idx.add.f32.msk $0xffff, v16  }
0x163: {  	v16 =	vld.idx.msk [tilespmem:v15+s21+$0x0], $0xffff  }
0x164: {  	v23 =	vld.idx.msk [tilespmem:v23+s21+$0x0], $0xffff  }
0x165: {  	v42 =	vld.idx.msk [tilespmem:v19+s21+$0x0], $0xffff  }
0x166: {  	v43 =	vadd.s32 $0x2800, v36;
	v18 =	vld [tilespmem:s26+$0xFFFFFFC0]  }
0x167: {  	v44 =	vadd.s32 $0x5000, v28;
	v19 =	vld [tilespmem:s26+$0xFFFFFFD0]  }
0x168: {  	v17 =	vld [tilespmem:s26+$0xFFFFFFE0]  }
0x169: {  	v45 =	vmul.f32 v16, v37;
	v15 =	vld [tilespmem:s26+$0xFFFFFFF0]  }
0x16a: {  	v16 =	vld [tilespmem:s26+$0x0]  }
0x16b: {  	v46 =	vmul.f32 v23, v18;
	[tilespmem:v43+s30+$0x0] =	vst.idx.add.f32.msk $0xffff, v45  }
0x16c: {  	v43 =	vmul.f32 v1, v19;
	v44 =	vld.idx.msk [tilespmem:v44+s21+$0x0], $0xffff  }
0x16d: {  	v45 =	vmul.f32 v31, v17;
	v23 =	vld [tilespmem:s26+$0x10]  }
0x16e: {  	v47 =	vmul.f32 v32, v15;
	v1 =	vld [tilespmem:s26+$0x20]  }
0x16f: {  	v31 =	vadd.s32 $0x5000, v36;
	v48 =	vld [tilespmem:s25+$0xFFFFFFC0];
	v49 =	vmul.f32 v34, v16  }
0x170: {  	v32 =	vadd.s32 $0x7800, v28;
	v50 =	vld [tilespmem:s25+$0xFFFFFFD0]  }
0x171: {  	v51 =	vld [tilespmem:s25+$0xFFFFFFE0]  }
0x172: {  	v34 =	vmul.f32 v44, v37;
	v52 =	vld [tilespmem:s25+$0xFFFFFFF0];
	v41 =	vmul.f32 v41, v23  }
0x173: {  	v44 =	vld [tilespmem:s25+$0x0];
	v42 =	vmul.f32 v42, v1  }
0x174: {  	v53 =	vadd.s32 $0x2800, v48;
	v54 =	vadd.s32 $0x5000, v48;
	v28 =	vadd.s32 $0x7800, v48;
	[tilespmem:v31+s30+$0x0] =	vst.idx.add.f32.msk $0xffff, v34  }
0x175: {  	v55 =	vadd.s32 $0x2800, v50;
	v56 =	vadd.s32 $0x5000, v50;
	v31 =	vadd.s32 $0x7800, v50;
	v57 =	vld.idx.msk [tilespmem:v32+s21+$0x0], $0xffff  }
0x176: {  	v58 =	vadd.s32 $0x2800, v51;
	v59 =	vadd.s32 $0x5000, v51;
	v32 =	vadd.s32 $0x7800, v51;
	v60 =	vld [tilespmem:s25+$0x10]  }
0x177: {  	v61 =	vadd.s32 $0x2800, v52;
	v62 =	vadd.s32 $0x5000, v52;
	v34 =	vadd.s32 $0x7800, v52;
	v63 =	vld [tilespmem:s25+$0x20]  }
0x178: {  	v36 =	vadd.s32 $0x7800, v36;
	[tilespmem:v48+s30+$0x0] =	vst.idx.add.f32.msk $0xffff, v46;
	v46 =	vadd.s32 $0x2800, v44;
	v48 =	vadd.s32 $0x5000, v44  }
0x179: {  	[tilespmem:v50+s30+$0x0] =	vst.idx.add.f32.msk $0xffff, v43;
	v43 =	vadd.s32 $0x7800, v44  }
0x17a: {  	[tilespmem:v51+s30+$0x0] =	vst.idx.add.f32.msk $0xffff, v45  }
0x17b: {  	v37 =	vmul.f32 v57, v37;
	[tilespmem:v52+s30+$0x0] =	vst.idx.add.f32.msk $0xffff, v47;
	v45 =	vadd.s32 $0x2800, v60;
	v47 =	vadd.s32 $0x5000, v60  }
0x17c: {  	[tilespmem:v44+s30+$0x0] =	vst.idx.add.f32.msk $0xffff, v49;
	v44 =	vadd.s32 $0x7800, v60;
	v49 =	vadd.s32 $0x2800, v63;
	v50 =	vadd.s32 $0x5000, v63  }
0x17d: {  	v51 =	vadd.s32 $0x7800, v63;
	[tilespmem:v36+s30+$0x0] =	vst.idx.add.f32.msk $0xffff, v37  }
0x17e: {  	[tilespmem:v60+s30+$0x0] =	vst.idx.add.f32.msk $0xffff, v41  }
0x17f: {  	[tilespmem:v63+s30+$0x0] =	vst.idx.add.f32.msk $0xffff, v42  }
0x180: {  	v36 =	vld.idx.msk [tilespmem:v40+s21+$0x0], $0xffff  }
0x181: {  	v27 =	vld.idx.msk [tilespmem:v27+s21+$0x0], $0xffff  }
0x182: {  	v29 =	vld.idx.msk [tilespmem:v29+s21+$0x0], $0xffff  }
0x183: {  	v33 =	vld.idx.msk [tilespmem:v33+s21+$0x0], $0xffff  }
0x184: {  	v35 =	vld.idx.msk [tilespmem:v35+s21+$0x0], $0xffff  }
0x185: {  	v37 =	vld.idx.msk [tilespmem:v38+s21+$0x0], $0xffff  }
0x186: {  	v36 =	vmul.f32 v36, v18;
	v38 =	vld.idx.msk [tilespmem:v39+s21+$0x0], $0xffff  }
0x187: {  	v27 =	vmul.f32 v27, v19;
	[tilespmem:v2+s30+$0x0] =	vst.idx.add.f32.msk $0xffff, v13;
	v2 =	vmov v43  }
0x188: {  	v13 =	vmul.f32 v29, v17;
	[tilespmem:v53+s30+$0x0] =	vst.idx.add.f32.msk $0xffff, v36  }
0x189: {  	[tilespmem:v55+s30+$0x0] =	vst.idx.add.f32.msk $0xffff, v27;
	v27 =	vmul.f32 v33, v15  }
0x18a: {  	[tilespmem:v58+s30+$0x0] =	vst.idx.add.f32.msk $0xffff, v13;
	v13 =	vmul.f32 v35, v16  }
0x18b: {  	[tilespmem:v61+s30+$0x0] =	vst.idx.add.f32.msk $0xffff, v27;
	v27 =	vmul.f32 v37, v23  }
0x18c: {  	[tilespmem:v46+s30+$0x0] =	vst.idx.add.f32.msk $0xffff, v13;
	v13 =	vmul.f32 v38, v1  }
0x18d: {  	[tilespmem:v45+s30+$0x0] =	vst.idx.add.f32.msk $0xffff, v27  }
0x18e: {  	[tilespmem:v49+s30+$0x0] =	vst.idx.add.f32.msk $0xffff, v13  }
0x18f: {  	v13 =	vld.idx.msk [tilespmem:v30+s21+$0x0], $0xffff  }
0x190: {  	v14 =	vld.idx.msk [tilespmem:v14+s21+$0x0], $0xffff  }
0x191: {  	v20 =	vld.idx.msk [tilespmem:v20+s21+$0x0], $0xffff  }
0x192: {  	v22 =	vld.idx.msk [tilespmem:v22+s21+$0x0], $0xffff  }
0x193: {  	v24 =	vld.idx.msk [tilespmem:v24+s21+$0x0], $0xffff  }
0x194: {  	v25 =	vld.idx.msk [tilespmem:v25+s21+$0x0], $0xffff  }
0x195: {  	v13 =	vmul.f32 v13, v18;
	v26 =	vld.idx.msk [tilespmem:v26+s21+$0x0], $0xffff  }
0x196: {  	v14 =	vmul.f32 v14, v19;
	[tilespmem:v3+s30+$0x0] =	vst.idx.add.f32.msk $0xffff, v6;
	v3 =	vmov v44  }
0x197: {  	v6 =	vmul.f32 v20, v17;
	[tilespmem:v54+s30+$0x0] =	vst.idx.add.f32.msk $0xffff, v13  }
0x198: {  	v13 =	vmul.f32 v22, v15;
	[tilespmem:v56+s30+$0x0] =	vst.idx.add.f32.msk $0xffff, v14  }
0x199: {  	[tilespmem:v59+s30+$0x0] =	vst.idx.add.f32.msk $0xffff, v6;
	v6 =	vmul.f32 v24, v16  }
0x19a: {  	[tilespmem:v62+s30+$0x0] =	vst.idx.add.f32.msk $0xffff, v13;
	v13 =	vmul.f32 v25, v23  }
0x19b: {  	[tilespmem:v48+s30+$0x0] =	vst.idx.add.f32.msk $0xffff, v6;
	v6 =	vmul.f32 v26, v1  }
0x19c: {  	[tilespmem:v47+s30+$0x0] =	vst.idx.add.f32.msk $0xffff, v13  }
0x19d: {  	[tilespmem:v50+s30+$0x0] =	vst.idx.add.f32.msk $0xffff, v6  }
0x19e: {  	v6 =	vld.idx.msk [tilespmem:v21+s21+$0x0], $0xffff  }
0x19f: {  	v7 =	vld.idx.msk [tilespmem:v7+s21+$0x0], $0xffff  }
0x1a0: {  	v13 =	vld.idx.msk [tilespmem:v8+s21+$0x0], $0xffff  }
0x1a1: {  	v9 =	vld.idx.msk [tilespmem:v9+s21+$0x0], $0xffff  }
0x1a2: {  	v10 =	vld.idx.msk [tilespmem:v10+s21+$0x0], $0xffff  }
0x1a3: {  	v11 =	vld.idx.msk [tilespmem:v11+s21+$0x0], $0xffff  }
0x1a4: {  	v6 =	vmul.f32 v6, v18;
	v8 =	vld.idx.msk [tilespmem:v12+s21+$0x0], $0xffff  }
.Ltmp2:
0x1a5: {  	v7 =	vmul.f32 v7, v19;
	[tilespmem:v4+s30+$0x0] =	vst.idx.add.f32.msk $0xffff, v5;
	v4 =	vmov v51;
	(pc) =	sbr.rel @p0 .LBB2_6-.Ltmp2, $4  }
0x1a6: {  	v5 =	vmul.f32 v13, v17;
	[tilespmem:v28+s30+$0x0] =	vst.idx.add.f32.msk $0xffff, v6  }
0x1a7: {  	v6 =	vmul.f32 v9, v15;
	[tilespmem:v31+s30+$0x0] =	vst.idx.add.f32.msk $0xffff, v7  }
0x1a8: {  	v13 =	vmul.f32 v10, v16;
	[tilespmem:v32+s30+$0x0] =	vst.idx.add.f32.msk $0xffff, v5  }
0x1a9: {  	s3 =	sadd.s32 $0x80, s3;
	[tilespmem:v34+s30+$0x0] =	vst.idx.add.f32.msk $0xffff, v6;
	v6 =	vmul.f32 v11, v23  }
0x1aa: {  	_ =	sdelay $0x3  }
0x1ab: {  	v1 =	vmul.f32 v8, v1;
	[tilespmem:v2+s30+$0x0] =	vst.idx.add.f32.msk $0xffff, v13  }
0x1ac: {  	[tilespmem:v3+s30+$0x0] =	vst.idx.add.f32.msk $0xffff, v6  }
0x1ad: {  	s3 =	simm.s32 $0x3C00;
	[tilespmem:v4+s30+$0x0] =	vst.idx.add.f32.msk $0xffff, v1  }
0x1ae: {  	[tilespmem:s3], [sflag:$0x3] =	stream.linear.gather [hbm4b:s13+s2], $0x1400, $0x38;
	[tilespmem:$0x1B800] =	vst v63  }
0x1af: {  	s25 =	simm.s32 $0x5000  }
0x1b0: {  	[tilespmem:s25], [sflag:$0x3] =	stream.linear.gather [hbm4b:s14+s2], $0x1400, $0x38;
	[tilespmem:$0x1B800] =	vst v63  }
0x1b1: {  	s26 =	simm.s32 $0x6400  }
0x1b2: {  	[tilespmem:s26], [sflag:$0x3] =	stream.linear.gather [hbm4b:s15+s2], $0x1400, $0x38;
	[tilespmem:$0x1B800] =	vst v63  }
0x1b3: {  	_ =	swait.ge [sflag:s29], $0x1400  }
0x1b4: {  	[sflag:s29] =	ssyncset.done $0x0  }
0x1b5: {  	[sflag:s29] =	ssyncadd.s32 $0xFFFFEC00  }
0x1b6: {  	_ =	swait.ge [sflag:s29], $0x1400  }
0x1b7: {  	[sflag:s29] =	ssyncset.done $0x0  }
0x1b8: {  	[sflag:s29] =	ssyncadd.s32 $0xFFFFEC00  }
0x1b9: {  	_ =	swait.ge [sflag:s29], $0x1400  }
0x1ba: {  	[sflag:s29] =	ssyncset.done $0x0  }
0x1bb: {  	s3 =	simm.s32 $0x40;
	[sflag:s29] =	ssyncadd.s32 $0xFFFFEC00  }
0x1bc: {  	v11 =	vld [tilespmem:s3+$0x30]  }
0x1bd: {  	v9 =	vld [tilespmem:s3+$0xFFFFFFD0]  }
0x1be: {  	v8 =	vld [tilespmem:s3+$0xFFFFFFE0]  }
0x1bf: {  	v5 =	vld [tilespmem:s3+$0xFFFFFFF0]  }
0x1c0: {  	v4 =	vld [tilespmem:s3+$0x0]  }
0x1c1: {  	v2 =	vld [tilespmem:s3+$0x10]  }
0x1c2: {  	s25 =	simm.s32 $0x1440;
	v3 =	vld [tilespmem:s3+$0x20]  }
0x1c3: {  	s26 =	simm.s32 $0x2840;
	v12 =	vld [tilespmem:s25+$0x30]  }
0x1c4: {  	v13 =	vld [tilespmem:s26+$0x30]  }
0x1c5: {  	v14 =	vld [tilespmem:s3+$0xFFFFFFC0]  }
0x1c6: {  	v22 =	vld [tilespmem:s26+$0xFFFFFFC0]  }
0x1c7: {  	v23 =	vld [tilespmem:s26+$0xFFFFFFD0]  }
0x1c8: {  	v25 =	vld [tilespmem:s26+$0xFFFFFFE0]  }
0x1c9: {  	v10 =	vld [tilespmem:s26+$0xFFFFFFF0]  }
0x1ca: {  	v1 =	vld.idx.msk [tilespmem:v11+s21+$0x0], $0xffff  }
0x1cb: {  	v26 =	vld [tilespmem:s25+$0xFFFFFFC0]  }
0x1cc: {  	v28 =	vld [tilespmem:s25+$0xFFFFFFD0]  }
0x1cd: {  	v29 =	vld [tilespmem:s25+$0xFFFFFFE0];
	v6 =	vadd.s32 $0x2800, v11  }
0x1ce: {  	v30 =	vld [tilespmem:s25+$0xFFFFFFF0]  }
0x1cf: {  	v31 =	vld [tilespmem:s25+$0x0];
	v1 =	vmul.f32 v1, v13  }
0x1d0: {  	v40 =	vld [tilespmem:s25+$0x10]  }
0x1d1: {  	[tilespmem:v12+s30+$0x0] =	vst.idx.add.f32.msk $0xffff, v1  }
0x1d2: {  	v1 =	vld.idx.msk [tilespmem:v6+s21+$0x0], $0xffff  }
0x1d3: {  	v41 =	vld [tilespmem:s25+$0x20]  }
0x1d4: {  	v7 =	vadd.s32 $0x2800, v12;
	v15 =	vld.idx.msk [tilespmem:v9+s21+$0x0], $0xffff  }
0x1d5: {  	v24 =	vadd.s32 $0x5000, v11;
	v16 =	vld.idx.msk [tilespmem:v8+s21+$0x0], $0xffff  }
0x1d6: {  	v20 =	vld.idx.msk [tilespmem:v14+s21+$0x0], $0xffff  }
0x1d7: {  	v18 =	vld.idx.msk [tilespmem:v4+s21+$0x0], $0xffff;
	v1 =	vmul.f32 v1, v13  }
0x1d8: {  	v6 =	vld [tilespmem:s26+$0x0]  }
0x1d9: {  	[tilespmem:v7+s30+$0x0] =	vst.idx.add.f32.msk $0xffff, v1  }
0x1da: {  	v24 =	vld.idx.msk [tilespmem:v24+s21+$0x0], $0xffff  }
0x1db: {  	v17 =	vld.idx.msk [tilespmem:v5+s21+$0x0], $0xffff;
	v20 =	vmul.f32 v20, v22  }
0x1dc: {  	v27 =	vadd.s32 $0x5000, v12;
	v19 =	vld.idx.msk [tilespmem:v2+s21+$0x0], $0xffff;
	v15 =	vmul.f32 v15, v23  }
0x1dd: {  	v11 =	vadd.s32 $0x7800, v11;
	v16 =	vmul.f32 v16, v25;
	[tilespmem:v26+s30+$0x0] =	vst.idx.add.f32.msk $0xffff, v20  }
0x1de: {  	v42 =	vadd.s32 $0x2800, v14;
	[tilespmem:v28+s30+$0x0] =	vst.idx.add.f32.msk $0xffff, v15;
	v15 =	vmul.f32 v18, v6  }
0x1df: {  	[tilespmem:v29+s30+$0x0] =	vst.idx.add.f32.msk $0xffff, v16;
	v24 =	vmul.f32 v24, v13  }
0x1e0: {  	[tilespmem:v31+s30+$0x0] =	vst.idx.add.f32.msk $0xffff, v15  }
0x1e1: {  	v15 =	vadd.s32 $0x2800, v8;
	[tilespmem:v27+s30+$0x0] =	vst.idx.add.f32.msk $0xffff, v24  }
0x1e2: {  	v11 =	vld.idx.msk [tilespmem:v11+s21+$0x0], $0xffff  }
0x1e3: {  	v16 =	vld.idx.msk [tilespmem:v42+s21+$0x0], $0xffff  }
0x1e4: {  	v12 =	vadd.s32 $0x7800, v12;
	v7 =	vld [tilespmem:s26+$0x10]  }
0x1e5: {  	v47 =	vadd.s32 $0x2800, v26;
	v21 =	vld.idx.msk [tilespmem:v3+s21+$0x0], $0xffff;
	v17 =	vmul.f32 v17, v10  }
0x1e6: {  	v15 =	vld.idx.msk [tilespmem:v15+s21+$0x0], $0xffff  }
0x1e7: {  	[tilespmem:v30+s30+$0x0] =	vst.idx.add.f32.msk $0xffff, v17;
	v11 =	vmul.f32 v11, v13;
	v13 =	vadd.s32 $0x2800, v9  }
0x1e8: {  	v49 =	vadd.s32 $0x2800, v29;
	v16 =	vmul.f32 v16, v22;
	v1 =	vld [tilespmem:s26+$0x20]  }
0x1e9: {  	v43 =	vmul.f32 v19, v7;
	[tilespmem:v12+s30+$0x0] =	vst.idx.add.f32.msk $0xffff, v11;
	v11 =	vadd.s32 $0x2800, v5  }
0x1ea: {  	[tilespmem:v47+s30+$0x0] =	vst.idx.add.f32.msk $0xffff, v16;
	v12 =	vadd.s32 $0x2800, v4  }
0x1eb: {  	[tilespmem:v40+s30+$0x0] =	vst.idx.add.f32.msk $0xffff, v43;
	v15 =	vmul.f32 v15, v25  }
0x1ec: {  	v45 =	vadd.s32 $0x2800, v2;
	v13 =	vld.idx.msk [tilespmem:v13+s21+$0x0], $0xffff  }
0x1ed: {  	v46 =	vadd.s32 $0x2800, v3;
	[tilespmem:v49+s30+$0x0] =	vst.idx.add.f32.msk $0xffff, v15  }
0x1ee: {  	v48 =	vadd.s32 $0x2800, v28;
	v44 =	vmul.f32 v21, v1;
	v11 =	vld.idx.msk [tilespmem:v11+s21+$0x0], $0xffff  }
0x1ef: {  	v15 =	vadd.s32 $0x5000, v9;
	v12 =	vld.idx.msk [tilespmem:v12+s21+$0x0], $0xffff  }
0x1f0: {  	v32 =	vadd.s32 $0x2800, v30;
	[tilespmem:v41+s30+$0x0] =	vst.idx.add.f32.msk $0xffff, v44  }
0x1f1: {  	v33 =	vadd.s32 $0x2800, v31;
	v17 =	vld.idx.msk [tilespmem:v45+s21+$0x0], $0xffff;
	v13 =	vmul.f32 v13, v23  }
0x1f2: {  	v51 =	vadd.s32 $0x5000, v8;
	v18 =	vld.idx.msk [tilespmem:v46+s21+$0x0], $0xffff  }
0x1f3: {  	v52 =	vadd.s32 $0x5000, v5;
	[tilespmem:v48+s30+$0x0] =	vst.idx.add.f32.msk $0xffff, v13;
	v11 =	vmul.f32 v11, v10  }
0x1f4: {  	v34 =	vadd.s32 $0x2800, v40;
	v12 =	vmul.f32 v12, v6;
	v15 =	vld.idx.msk [tilespmem:v15+s21+$0x0], $0xffff  }
0x1f5: {  	v50 =	vadd.s32 $0x2800, v41;
	[tilespmem:v32+s30+$0x0] =	vst.idx.add.f32.msk $0xffff, v11  }
0x1f6: {  	v13 =	vadd.s32 $0x5000, v14;
	[tilespmem:v33+s30+$0x0] =	vst.idx.add.f32.msk $0xffff, v12  }
0x1f7: {  	v53 =	vadd.s32 $0x5000, v3;
	v11 =	vmul.f32 v17, v7;
	v17 =	vld.idx.msk [tilespmem:v51+s21+$0x0], $0xffff  }
0x1f8: {  	v55 =	vadd.s32 $0x5000, v28;
	v12 =	vmul.f32 v18, v1;
	v18 =	vld.idx.msk [tilespmem:v52+s21+$0x0], $0xffff  }
0x1f9: {  	[tilespmem:v34+s30+$0x0] =	vst.idx.add.f32.msk $0xffff, v11;
	v11 =	vadd.s32 $0x5000, v4  }
0x1fa: {  	[tilespmem:v50+s30+$0x0] =	vst.idx.add.f32.msk $0xffff, v12;
	v12 =	vadd.s32 $0x5000, v2  }
0x1fb: {  	v9 =	vadd.s32 $0x7800, v9;
	v13 =	vld.idx.msk [tilespmem:v13+s21+$0x0], $0xffff;
	v15 =	vmul.f32 v15, v23  }
0x1fc: {  	v57 =	vadd.s32 $0x5000, v30;
	v16 =	vld.idx.msk [tilespmem:v53+s21+$0x0], $0xffff  }
0x1fd: {  	v54 =	vadd.s32 $0x5000, v26;
	[tilespmem:v55+s30+$0x0] =	vst.idx.add.f32.msk $0xffff, v15  }
0x1fe: {  	v5 =	vadd.s32 $0x7800, v5;
	v11 =	vld.idx.msk [tilespmem:v11+s21+$0x0], $0xffff  }
0x1ff: {  	v56 =	vadd.s32 $0x5000, v29;
	v15 =	vmul.f32 v18, v10;
	v12 =	vld.idx.msk [tilespmem:v12+s21+$0x0], $0xffff  }
0x200: {  	v8 =	vadd.s32 $0x7800, v8;
	v9 =	vld.idx.msk [tilespmem:v9+s21+$0x0], $0xffff;
	v13 =	vmul.f32 v13, v22  }
0x201: {  	v58 =	vadd.s32 $0x5000, v31;
	[tilespmem:v57+s30+$0x0] =	vst.idx.add.f32.msk $0xffff, v15  }
0x202: {  	v59 =	vadd.s32 $0x5000, v40;
	[tilespmem:v54+s30+$0x0] =	vst.idx.add.f32.msk $0xffff, v13;
	v13 =	vmul.f32 v17, v25  }
0x203: {  	v60 =	vadd.s32 $0x5000, v41;
	v5 =	vld.idx.msk [tilespmem:v5+s21+$0x0], $0xffff  }
0x204: {  	v14 =	vadd.s32 $0x7800, v14;
	[tilespmem:v56+s30+$0x0] =	vst.idx.add.f32.msk $0xffff, v13;
	v11 =	vmul.f32 v11, v6  }
0x205: {  	v4 =	vadd.s32 $0x7800, v4;
	v12 =	vmul.f32 v12, v7;
	v13 =	vld.idx.msk [tilespmem:v8+s21+$0x0], $0xffff  }
0x206: {  	v2 =	vadd.s32 $0x7800, v2;
	[tilespmem:v58+s30+$0x0] =	vst.idx.add.f32.msk $0xffff, v11;
	v11 =	vmul.f32 v16, v1  }
0x207: {  	v3 =	vadd.s32 $0x7800, v3;
	[tilespmem:v59+s30+$0x0] =	vst.idx.add.f32.msk $0xffff, v12  }
0x208: {  	v62 =	vadd.s32 $0x7800, v30;
	[tilespmem:v60+s30+$0x0] =	vst.idx.add.f32.msk $0xffff, v11  }
0x209: {  	v15 =	vadd.s32 $0x7800, v29;
	v11 =	vld.idx.msk [tilespmem:v14+s21+$0x0], $0xffff  }
0x20a: {  	v61 =	vld.idx.msk [tilespmem:v4+s21+$0x0], $0xffff;
	v14 =	vadd.s32 $0x7800, v28  }
0x20b: {  	v12 =	vadd.s32 $0x7800, v26;
	v5 =	vmul.f32 v5, v10;
	v63 =	vld.idx.msk [tilespmem:v2+s21+$0x0], $0xffff  }
0x20c: {  	v8 =	vld.idx.msk [tilespmem:v3+s21+$0x0], $0xffff;
	v4 =	vmul.f32 v13, v25  }
0x20d: {  	[tilespmem:v62+s30+$0x0] =	vst.idx.add.f32.msk $0xffff, v5;
	v3 =	vmul.f32 v9, v23  }
0x20e: {  	[tilespmem:v15+s30+$0x0] =	vst.idx.add.f32.msk $0xffff, v4;
	v2 =	vmul.f32 v11, v22  }
0x20f: {  	v4 =	vadd.s32 $0x7800, v41;
	v13 =	vmul.f32 v61, v6;
	[tilespmem:v14+s30+$0x0] =	vst.idx.add.f32.msk $0xffff, v3  }
0x210: {  	s28 =	simm.s32 $0x0;
	s3 =	simm.s32 $0xC0;
	v6 =	vmul.f32 v63, v7;
	v3 =	vadd.s32 $0x7800, v40;
	[tilespmem:v12+s30+$0x0] =	vst.idx.add.f32.msk $0xffff, v2;
	v2 =	vadd.s32 $0x7800, v31  }
.LBB2_8:
0x211: {  	v28 =	vld [tilespmem:s3+$0x30];
	s28 =	sadd.s32 $0x8, s28;
	v5 =	vmul.f32 v8, v1  }
0x212: {  	v1 =	vld [tilespmem:s3+$0xFFFFFFD0];
	p0 =	slt.u32 s28, $0x138  }
0x213: {  	v15 =	vld [tilespmem:s3+$0xFFFFFFE0]  }
0x214: {  	v16 =	vld [tilespmem:s3+$0xFFFFFFF0]  }
0x215: {  	v17 =	vld [tilespmem:s3+$0x0]  }
0x216: {  	v18 =	vld [tilespmem:s3+$0x10]  }
0x217: {  	s25 =	sadd.s32 $0x80, s25;
	v27 =	vadd.s32 $0x2800, v1;
	v14 =	vadd.s32 $0x5000, v1;
	v7 =	vadd.s32 $0x7800, v1;
	v19 =	vld [tilespmem:s3+$0x20]  }
0x218: {  	v29 =	vadd.s32 $0x2800, v15;
	v20 =	vadd.s32 $0x5000, v15;
	v8 =	vadd.s32 $0x7800, v15;
	v36 =	vld [tilespmem:s25+$0x30]  }
0x219: {  	s26 =	sadd.s32 $0x80, s26;
	v33 =	vadd.s32 $0x2800, v16;
	v22 =	vadd.s32 $0x5000, v16;
	v9 =	vadd.s32 $0x7800, v16;
	v21 =	vld.idx.msk [tilespmem:v28+s21+$0x0], $0xffff  }
0x21a: {  	v35 =	vadd.s32 $0x2800, v17;
	v24 =	vadd.s32 $0x5000, v17;
	v10 =	vadd.s32 $0x7800, v17;
	v37 =	vld [tilespmem:s26+$0x30]  }
0x21b: {  	v23 =	vld [tilespmem:s3+$0xFFFFFFC0];
	v38 =	vadd.s32 $0x2800, v18;
	v25 =	vadd.s32 $0x5000, v18;
	v11 =	vadd.s32 $0x7800, v18  }
0x21c: {  	v1 =	vld.idx.msk [tilespmem:v1+s21+$0x0], $0xffff;
	v39 =	vadd.s32 $0x2800, v19;
	v26 =	vadd.s32 $0x5000, v19;
	v12 =	vadd.s32 $0x7800, v19  }
0x21d: {  	v31 =	vld.idx.msk [tilespmem:v15+s21+$0x0], $0xffff;
	v15 =	vadd.s32 $0x2800, v28  }
0x21e: {  	v32 =	vld.idx.msk [tilespmem:v16+s21+$0x0], $0xffff  }
0x21f: {  	v34 =	vld.idx.msk [tilespmem:v17+s21+$0x0], $0xffff;
	v16 =	vmul.f32 v21, v37  }
0x220: {  	v40 =	vadd.s32 $0x2800, v23;
	v30 =	vadd.s32 $0x5000, v23;
	v21 =	vadd.s32 $0x7800, v23;
	v41 =	vld.idx.msk [tilespmem:v18+s21+$0x0], $0xffff  }
0x221: {  	[tilespmem:v36+s30+$0x0] =	vst.idx.add.f32.msk $0xffff, v16  }
0x222: {  	v16 =	vld.idx.msk [tilespmem:v15+s21+$0x0], $0xffff  }
0x223: {  	v23 =	vld.idx.msk [tilespmem:v23+s21+$0x0], $0xffff  }
0x224: {  	v42 =	vld.idx.msk [tilespmem:v19+s21+$0x0], $0xffff  }
0x225: {  	v43 =	vadd.s32 $0x2800, v36;
	v18 =	vld [tilespmem:s26+$0xFFFFFFC0]  }
0x226: {  	v44 =	vadd.s32 $0x5000, v28;
	v19 =	vld [tilespmem:s26+$0xFFFFFFD0]  }
0x227: {  	v17 =	vld [tilespmem:s26+$0xFFFFFFE0]  }
0x228: {  	v45 =	vmul.f32 v16, v37;
	v15 =	vld [tilespmem:s26+$0xFFFFFFF0]  }
0x229: {  	v16 =	vld [tilespmem:s26+$0x0]  }
0x22a: {  	v46 =	vmul.f32 v23, v18;
	[tilespmem:v43+s30+$0x0] =	vst.idx.add.f32.msk $0xffff, v45  }
0x22b: {  	v43 =	vmul.f32 v1, v19;
	v44 =	vld.idx.msk [tilespmem:v44+s21+$0x0], $0xffff  }
0x22c: {  	v45 =	vmul.f32 v31, v17;
	v23 =	vld [tilespmem:s26+$0x10]  }
0x22d: {  	v47 =	vmul.f32 v32, v15;
	v1 =	vld [tilespmem:s26+$0x20]  }
0x22e: {  	v31 =	vadd.s32 $0x5000, v36;
	v48 =	vld [tilespmem:s25+$0xFFFFFFC0];
	v49 =	vmul.f32 v34, v16  }
0x22f: {  	v32 =	vadd.s32 $0x7800, v28;
	v50 =	vld [tilespmem:s25+$0xFFFFFFD0]  }
0x230: {  	v51 =	vld [tilespmem:s25+$0xFFFFFFE0]  }
0x231: {  	v34 =	vmul.f32 v44, v37;
	v52 =	vld [tilespmem:s25+$0xFFFFFFF0];
	v41 =	vmul.f32 v41, v23  }
0x232: {  	v44 =	vld [tilespmem:s25+$0x0];
	v42 =	vmul.f32 v42, v1  }
0x233: {  	v53 =	vadd.s32 $0x2800, v48;
	v54 =	vadd.s32 $0x5000, v48;
	v28 =	vadd.s32 $0x7800, v48;
	[tilespmem:v31+s30+$0x0] =	vst.idx.add.f32.msk $0xffff, v34  }
0x234: {  	v55 =	vadd.s32 $0x2800, v50;
	v56 =	vadd.s32 $0x5000, v50;
	v31 =	vadd.s32 $0x7800, v50;
	v57 =	vld.idx.msk [tilespmem:v32+s21+$0x0], $0xffff  }
0x235: {  	v58 =	vadd.s32 $0x2800, v51;
	v59 =	vadd.s32 $0x5000, v51;
	v32 =	vadd.s32 $0x7800, v51;
	v60 =	vld [tilespmem:s25+$0x10]  }
0x236: {  	v61 =	vadd.s32 $0x2800, v52;
	v62 =	vadd.s32 $0x5000, v52;
	v34 =	vadd.s32 $0x7800, v52;
	v63 =	vld [tilespmem:s25+$0x20]  }
0x237: {  	v36 =	vadd.s32 $0x7800, v36;
	[tilespmem:v48+s30+$0x0] =	vst.idx.add.f32.msk $0xffff, v46;
	v46 =	vadd.s32 $0x2800, v44;
	v48 =	vadd.s32 $0x5000, v44  }
0x238: {  	[tilespmem:v50+s30+$0x0] =	vst.idx.add.f32.msk $0xffff, v43;
	v43 =	vadd.s32 $0x7800, v44  }
0x239: {  	[tilespmem:v51+s30+$0x0] =	vst.idx.add.f32.msk $0xffff, v45  }
0x23a: {  	v37 =	vmul.f32 v57, v37;
	[tilespmem:v52+s30+$0x0] =	vst.idx.add.f32.msk $0xffff, v47;
	v45 =	vadd.s32 $0x2800, v60;
	v47 =	vadd.s32 $0x5000, v60  }
0x23b: {  	[tilespmem:v44+s30+$0x0] =	vst.idx.add.f32.msk $0xffff, v49;
	v44 =	vadd.s32 $0x7800, v60;
	v49 =	vadd.s32 $0x2800, v63;
	v50 =	vadd.s32 $0x5000, v63  }
0x23c: {  	v51 =	vadd.s32 $0x7800, v63;
	[tilespmem:v36+s30+$0x0] =	vst.idx.add.f32.msk $0xffff, v37  }
0x23d: {  	[tilespmem:v60+s30+$0x0] =	vst.idx.add.f32.msk $0xffff, v41  }
0x23e: {  	[tilespmem:v63+s30+$0x0] =	vst.idx.add.f32.msk $0xffff, v42  }
0x23f: {  	v36 =	vld.idx.msk [tilespmem:v40+s21+$0x0], $0xffff  }
0x240: {  	v27 =	vld.idx.msk [tilespmem:v27+s21+$0x0], $0xffff  }
0x241: {  	v29 =	vld.idx.msk [tilespmem:v29+s21+$0x0], $0xffff  }
0x242: {  	v33 =	vld.idx.msk [tilespmem:v33+s21+$0x0], $0xffff  }
0x243: {  	v35 =	vld.idx.msk [tilespmem:v35+s21+$0x0], $0xffff  }
0x244: {  	v37 =	vld.idx.msk [tilespmem:v38+s21+$0x0], $0xffff  }
0x245: {  	v36 =	vmul.f32 v36, v18;
	v38 =	vld.idx.msk [tilespmem:v39+s21+$0x0], $0xffff  }
0x246: {  	v27 =	vmul.f32 v27, v19;
	[tilespmem:v2+s30+$0x0] =	vst.idx.add.f32.msk $0xffff, v13;
	v2 =	vmov v43  }
0x247: {  	v13 =	vmul.f32 v29, v17;
	[tilespmem:v53+s30+$0x0] =	vst.idx.add.f32.msk $0xffff, v36  }
0x248: {  	[tilespmem:v55+s30+$0x0] =	vst.idx.add.f32.msk $0xffff, v27;
	v27 =	vmul.f32 v33, v15  }
0x249: {  	[tilespmem:v58+s30+$0x0] =	vst.idx.add.f32.msk $0xffff, v13;
	v13 =	vmul.f32 v35, v16  }
0x24a: {  	[tilespmem:v61+s30+$0x0] =	vst.idx.add.f32.msk $0xffff, v27;
	v27 =	vmul.f32 v37, v23  }
0x24b: {  	[tilespmem:v46+s30+$0x0] =	vst.idx.add.f32.msk $0xffff, v13;
	v13 =	vmul.f32 v38, v1  }
0x24c: {  	[tilespmem:v45+s30+$0x0] =	vst.idx.add.f32.msk $0xffff, v27  }
0x24d: {  	[tilespmem:v49+s30+$0x0] =	vst.idx.add.f32.msk $0xffff, v13  }
0x24e: {  	v13 =	vld.idx.msk [tilespmem:v30+s21+$0x0], $0xffff  }
0x24f: {  	v14 =	vld.idx.msk [tilespmem:v14+s21+$0x0], $0xffff  }
0x250: {  	v20 =	vld.idx.msk [tilespmem:v20+s21+$0x0], $0xffff  }
0x251: {  	v22 =	vld.idx.msk [tilespmem:v22+s21+$0x0], $0xffff  }
0x252: {  	v24 =	vld.idx.msk [tilespmem:v24+s21+$0x0], $0xffff  }
0x253: {  	v25 =	vld.idx.msk [tilespmem:v25+s21+$0x0], $0xffff  }
0x254: {  	v13 =	vmul.f32 v13, v18;
	v26 =	vld.idx.msk [tilespmem:v26+s21+$0x0], $0xffff  }
0x255: {  	v14 =	vmul.f32 v14, v19;
	[tilespmem:v3+s30+$0x0] =	vst.idx.add.f32.msk $0xffff, v6;
	v3 =	vmov v44  }
0x256: {  	v6 =	vmul.f32 v20, v17;
	[tilespmem:v54+s30+$0x0] =	vst.idx.add.f32.msk $0xffff, v13  }
0x257: {  	v13 =	vmul.f32 v22, v15;
	[tilespmem:v56+s30+$0x0] =	vst.idx.add.f32.msk $0xffff, v14  }
0x258: {  	[tilespmem:v59+s30+$0x0] =	vst.idx.add.f32.msk $0xffff, v6;
	v6 =	vmul.f32 v24, v16  }
0x259: {  	[tilespmem:v62+s30+$0x0] =	vst.idx.add.f32.msk $0xffff, v13;
	v13 =	vmul.f32 v25, v23  }
0x25a: {  	[tilespmem:v48+s30+$0x0] =	vst.idx.add.f32.msk $0xffff, v6;
	v6 =	vmul.f32 v26, v1  }
0x25b: {  	[tilespmem:v47+s30+$0x0] =	vst.idx.add.f32.msk $0xffff, v13  }
0x25c: {  	[tilespmem:v50+s30+$0x0] =	vst.idx.add.f32.msk $0xffff, v6  }
0x25d: {  	v6 =	vld.idx.msk [tilespmem:v21+s21+$0x0], $0xffff  }
0x25e: {  	v7 =	vld.idx.msk [tilespmem:v7+s21+$0x0], $0xffff  }
0x25f: {  	v13 =	vld.idx.msk [tilespmem:v8+s21+$0x0], $0xffff  }
0x260: {  	v9 =	vld.idx.msk [tilespmem:v9+s21+$0x0], $0xffff  }
0x261: {  	v10 =	vld.idx.msk [tilespmem:v10+s21+$0x0], $0xffff  }
0x262: {  	v11 =	vld.idx.msk [tilespmem:v11+s21+$0x0], $0xffff  }
0x263: {  	v6 =	vmul.f32 v6, v18;
	v8 =	vld.idx.msk [tilespmem:v12+s21+$0x0], $0xffff  }
.Ltmp3:
0x264: {  	v7 =	vmul.f32 v7, v19;
	[tilespmem:v4+s30+$0x0] =	vst.idx.add.f32.msk $0xffff, v5;
	v4 =	vmov v51;
	(pc) =	sbr.rel @p0 .LBB2_8-.Ltmp3, $4  }
0x265: {  	v5 =	vmul.f32 v13, v17;
	[tilespmem:v28+s30+$0x0] =	vst.idx.add.f32.msk $0xffff, v6  }
0x266: {  	v6 =	vmul.f32 v9, v15;
	[tilespmem:v31+s30+$0x0] =	vst.idx.add.f32.msk $0xffff, v7  }
0x267: {  	v13 =	vmul.f32 v10, v16;
	[tilespmem:v32+s30+$0x0] =	vst.idx.add.f32.msk $0xffff, v5  }
0x268: {  	s3 =	sadd.s32 $0x80, s3;
	[tilespmem:v34+s30+$0x0] =	vst.idx.add.f32.msk $0xffff, v6;
	v6 =	vmul.f32 v11, v23  }
0x269: {  	_ =	sdelay $0x3  }
0x26a: {  	v1 =	vmul.f32 v8, v1;
	[tilespmem:v2+s30+$0x0] =	vst.idx.add.f32.msk $0xffff, v13  }
0x26b: {  	[tilespmem:v3+s30+$0x0] =	vst.idx.add.f32.msk $0xffff, v6  }
0x26c: {  	[tilespmem:v4+s30+$0x0] =	vst.idx.add.f32.msk $0xffff, v1  }
0x26d: {  	_ =	swait.ge [sflag:s31], $0x1400  }
0x26e: {  	[sflag:s31] =	ssyncset.done $0x0  }
0x26f: {  	[sflag:s31] =	ssyncadd.s32 $0xFFFFEC00  }
0x270: {  	_ =	swait.ge [sflag:s31], $0x1400  }
0x271: {  	[sflag:s31] =	ssyncset.done $0x0  }
0x272: {  	[sflag:s31] =	ssyncadd.s32 $0xFFFFEC00  }
0x273: {  	_ =	swait.ge [sflag:s31], $0x1400  }
0x274: {  	[sflag:s31] =	ssyncset.done $0x0  }
0x275: {  	s3 =	simm.s32 $0x3C40;
	[sflag:s31] =	ssyncadd.s32 $0xFFFFEC00  }
0x276: {  	v11 =	vld [tilespmem:s3+$0x30]  }
0x277: {  	v9 =	vld [tilespmem:s3+$0xFFFFFFD0]  }
0x278: {  	v8 =	vld [tilespmem:s3+$0xFFFFFFE0]  }
0x279: {  	v5 =	vld [tilespmem:s3+$0xFFFFFFF0]  }
0x27a: {  	v4 =	vld [tilespmem:s3+$0x0]  }
0x27b: {  	v2 =	vld [tilespmem:s3+$0x10]  }
0x27c: {  	s25 =	simm.s32 $0x5040;
	v3 =	vld [tilespmem:s3+$0x20]  }
0x27d: {  	s26 =	simm.s32 $0x6440;
	v12 =	vld [tilespmem:s25+$0x30]  }
0x27e: {  	v13 =	vld [tilespmem:s26+$0x30]  }
0x27f: {  	v14 =	vld [tilespmem:s3+$0xFFFFFFC0]  }
0x280: {  	v22 =	vld [tilespmem:s26+$0xFFFFFFC0]  }
0x281: {  	v23 =	vld [tilespmem:s26+$0xFFFFFFD0]  }
0x282: {  	v25 =	vld [tilespmem:s26+$0xFFFFFFE0]  }
0x283: {  	v10 =	vld [tilespmem:s26+$0xFFFFFFF0]  }
0x284: {  	v1 =	vld.idx.msk [tilespmem:v11+s21+$0x0], $0xffff  }
0x285: {  	v26 =	vld [tilespmem:s25+$0xFFFFFFC0]  }
0x286: {  	v28 =	vld [tilespmem:s25+$0xFFFFFFD0]  }
0x287: {  	v29 =	vld [tilespmem:s25+$0xFFFFFFE0];
	v6 =	vadd.s32 $0x2800, v11  }
0x288: {  	v30 =	vld [tilespmem:s25+$0xFFFFFFF0]  }
0x289: {  	v31 =	vld [tilespmem:s25+$0x0];
	v1 =	vmul.f32 v1, v13  }
0x28a: {  	v40 =	vld [tilespmem:s25+$0x10]  }
0x28b: {  	[tilespmem:v12+s30+$0x0] =	vst.idx.add.f32.msk $0xffff, v1  }
0x28c: {  	v1 =	vld.idx.msk [tilespmem:v6+s21+$0x0], $0xffff  }
0x28d: {  	v41 =	vld [tilespmem:s25+$0x20]  }
0x28e: {  	v7 =	vadd.s32 $0x2800, v12;
	v15 =	vld.idx.msk [tilespmem:v9+s21+$0x0], $0xffff  }
0x28f: {  	v24 =	vadd.s32 $0x5000, v11;
	v16 =	vld.idx.msk [tilespmem:v8+s21+$0x0], $0xffff  }
0x290: {  	v20 =	vld.idx.msk [tilespmem:v14+s21+$0x0], $0xffff  }
0x291: {  	v18 =	vld.idx.msk [tilespmem:v4+s21+$0x0], $0xffff;
	v1 =	vmul.f32 v1, v13  }
0x292: {  	v6 =	vld [tilespmem:s26+$0x0]  }
0x293: {  	[tilespmem:v7+s30+$0x0] =	vst.idx.add.f32.msk $0xffff, v1  }
0x294: {  	v24 =	vld.idx.msk [tilespmem:v24+s21+$0x0], $0xffff  }
0x295: {  	v17 =	vld.idx.msk [tilespmem:v5+s21+$0x0], $0xffff;
	v20 =	vmul.f32 v20, v22  }
0x296: {  	v27 =	vadd.s32 $0x5000, v12;
	v19 =	vld.idx.msk [tilespmem:v2+s21+$0x0], $0xffff;
	v15 =	vmul.f32 v15, v23  }
0x297: {  	v11 =	vadd.s32 $0x7800, v11;
	v16 =	vmul.f32 v16, v25;
	[tilespmem:v26+s30+$0x0] =	vst.idx.add.f32.msk $0xffff, v20  }
0x298: {  	v42 =	vadd.s32 $0x2800, v14;
	[tilespmem:v28+s30+$0x0] =	vst.idx.add.f32.msk $0xffff, v15;
	v15 =	vmul.f32 v18, v6  }
0x299: {  	[tilespmem:v29+s30+$0x0] =	vst.idx.add.f32.msk $0xffff, v16;
	v24 =	vmul.f32 v24, v13  }
0x29a: {  	[tilespmem:v31+s30+$0x0] =	vst.idx.add.f32.msk $0xffff, v15  }
0x29b: {  	v15 =	vadd.s32 $0x2800, v8;
	[tilespmem:v27+s30+$0x0] =	vst.idx.add.f32.msk $0xffff, v24  }
0x29c: {  	v11 =	vld.idx.msk [tilespmem:v11+s21+$0x0], $0xffff  }
0x29d: {  	v16 =	vld.idx.msk [tilespmem:v42+s21+$0x0], $0xffff  }
0x29e: {  	v12 =	vadd.s32 $0x7800, v12;
	v7 =	vld [tilespmem:s26+$0x10]  }
0x29f: {  	v47 =	vadd.s32 $0x2800, v26;
	v21 =	vld.idx.msk [tilespmem:v3+s21+$0x0], $0xffff;
	v17 =	vmul.f32 v17, v10  }
0x2a0: {  	v15 =	vld.idx.msk [tilespmem:v15+s21+$0x0], $0xffff  }
0x2a1: {  	[tilespmem:v30+s30+$0x0] =	vst.idx.add.f32.msk $0xffff, v17;
	v11 =	vmul.f32 v11, v13;
	v13 =	vadd.s32 $0x2800, v9  }
0x2a2: {  	v49 =	vadd.s32 $0x2800, v29;
	v16 =	vmul.f32 v16, v22;
	v1 =	vld [tilespmem:s26+$0x20]  }
0x2a3: {  	v43 =	vmul.f32 v19, v7;
	[tilespmem:v12+s30+$0x0] =	vst.idx.add.f32.msk $0xffff, v11;
	v11 =	vadd.s32 $0x2800, v5  }
0x2a4: {  	[tilespmem:v47+s30+$0x0] =	vst.idx.add.f32.msk $0xffff, v16;
	v12 =	vadd.s32 $0x2800, v4  }
0x2a5: {  	[tilespmem:v40+s30+$0x0] =	vst.idx.add.f32.msk $0xffff, v43;
	v15 =	vmul.f32 v15, v25  }
0x2a6: {  	v45 =	vadd.s32 $0x2800, v2;
	v13 =	vld.idx.msk [tilespmem:v13+s21+$0x0], $0xffff  }
0x2a7: {  	v46 =	vadd.s32 $0x2800, v3;
	[tilespmem:v49+s30+$0x0] =	vst.idx.add.f32.msk $0xffff, v15  }
0x2a8: {  	v48 =	vadd.s32 $0x2800, v28;
	v44 =	vmul.f32 v21, v1;
	v11 =	vld.idx.msk [tilespmem:v11+s21+$0x0], $0xffff  }
0x2a9: {  	v15 =	vadd.s32 $0x5000, v9;
	v12 =	vld.idx.msk [tilespmem:v12+s21+$0x0], $0xffff  }
0x2aa: {  	v32 =	vadd.s32 $0x2800, v30;
	[tilespmem:v41+s30+$0x0] =	vst.idx.add.f32.msk $0xffff, v44  }
0x2ab: {  	v33 =	vadd.s32 $0x2800, v31;
	v17 =	vld.idx.msk [tilespmem:v45+s21+$0x0], $0xffff;
	v13 =	vmul.f32 v13, v23  }
0x2ac: {  	v51 =	vadd.s32 $0x5000, v8;
	v18 =	vld.idx.msk [tilespmem:v46+s21+$0x0], $0xffff  }
0x2ad: {  	v52 =	vadd.s32 $0x5000, v5;
	[tilespmem:v48+s30+$0x0] =	vst.idx.add.f32.msk $0xffff, v13;
	v11 =	vmul.f32 v11, v10  }
0x2ae: {  	v34 =	vadd.s32 $0x2800, v40;
	v12 =	vmul.f32 v12, v6;
	v15 =	vld.idx.msk [tilespmem:v15+s21+$0x0], $0xffff  }
0x2af: {  	v50 =	vadd.s32 $0x2800, v41;
	[tilespmem:v32+s30+$0x0] =	vst.idx.add.f32.msk $0xffff, v11  }
0x2b0: {  	v13 =	vadd.s32 $0x5000, v14;
	[tilespmem:v33+s30+$0x0] =	vst.idx.add.f32.msk $0xffff, v12  }
0x2b1: {  	v53 =	vadd.s32 $0x5000, v3;
	v11 =	vmul.f32 v17, v7;
	v17 =	vld.idx.msk [tilespmem:v51+s21+$0x0], $0xffff  }
0x2b2: {  	v55 =	vadd.s32 $0x5000, v28;
	v12 =	vmul.f32 v18, v1;
	v18 =	vld.idx.msk [tilespmem:v52+s21+$0x0], $0xffff  }
0x2b3: {  	[tilespmem:v34+s30+$0x0] =	vst.idx.add.f32.msk $0xffff, v11;
	v11 =	vadd.s32 $0x5000, v4  }
0x2b4: {  	[tilespmem:v50+s30+$0x0] =	vst.idx.add.f32.msk $0xffff, v12;
	v12 =	vadd.s32 $0x5000, v2  }
0x2b5: {  	v9 =	vadd.s32 $0x7800, v9;
	v13 =	vld.idx.msk [tilespmem:v13+s21+$0x0], $0xffff;
	v15 =	vmul.f32 v15, v23  }
0x2b6: {  	v57 =	vadd.s32 $0x5000, v30;
	v16 =	vld.idx.msk [tilespmem:v53+s21+$0x0], $0xffff  }
0x2b7: {  	v54 =	vadd.s32 $0x5000, v26;
	[tilespmem:v55+s30+$0x0] =	vst.idx.add.f32.msk $0xffff, v15  }
0x2b8: {  	v5 =	vadd.s32 $0x7800, v5;
	v11 =	vld.idx.msk [tilespmem:v11+s21+$0x0], $0xffff  }
0x2b9: {  	v56 =	vadd.s32 $0x5000, v29;
	v15 =	vmul.f32 v18, v10;
	v12 =	vld.idx.msk [tilespmem:v12+s21+$0x0], $0xffff  }
0x2ba: {  	v8 =	vadd.s32 $0x7800, v8;
	v9 =	vld.idx.msk [tilespmem:v9+s21+$0x0], $0xffff;
	v13 =	vmul.f32 v13, v22  }
0x2bb: {  	v58 =	vadd.s32 $0x5000, v31;
	[tilespmem:v57+s30+$0x0] =	vst.idx.add.f32.msk $0xffff, v15  }
0x2bc: {  	v59 =	vadd.s32 $0x5000, v40;
	[tilespmem:v54+s30+$0x0] =	vst.idx.add.f32.msk $0xffff, v13;
	v13 =	vmul.f32 v17, v25  }
0x2bd: {  	v60 =	vadd.s32 $0x5000, v41;
	v5 =	vld.idx.msk [tilespmem:v5+s21+$0x0], $0xffff  }
0x2be: {  	v14 =	vadd.s32 $0x7800, v14;
	[tilespmem:v56+s30+$0x0] =	vst.idx.add.f32.msk $0xffff, v13;
	v11 =	vmul.f32 v11, v6  }
0x2bf: {  	v4 =	vadd.s32 $0x7800, v4;
	v12 =	vmul.f32 v12, v7;
	v13 =	vld.idx.msk [tilespmem:v8+s21+$0x0], $0xffff  }
0x2c0: {  	v2 =	vadd.s32 $0x7800, v2;
	[tilespmem:v58+s30+$0x0] =	vst.idx.add.f32.msk $0xffff, v11;
	v11 =	vmul.f32 v16, v1  }
0x2c1: {  	v3 =	vadd.s32 $0x7800, v3;
	[tilespmem:v59+s30+$0x0] =	vst.idx.add.f32.msk $0xffff, v12  }
0x2c2: {  	v62 =	vadd.s32 $0x7800, v30;
	[tilespmem:v60+s30+$0x0] =	vst.idx.add.f32.msk $0xffff, v11  }
0x2c3: {  	v15 =	vadd.s32 $0x7800, v29;
	v11 =	vld.idx.msk [tilespmem:v14+s21+$0x0], $0xffff  }
0x2c4: {  	v61 =	vld.idx.msk [tilespmem:v4+s21+$0x0], $0xffff;
	v14 =	vadd.s32 $0x7800, v28  }
0x2c5: {  	v12 =	vadd.s32 $0x7800, v26;
	v5 =	vmul.f32 v5, v10;
	v63 =	vld.idx.msk [tilespmem:v2+s21+$0x0], $0xffff  }
0x2c6: {  	v8 =	vld.idx.msk [tilespmem:v3+s21+$0x0], $0xffff;
	v4 =	vmul.f32 v13, v25  }
0x2c7: {  	[tilespmem:v62+s30+$0x0] =	vst.idx.add.f32.msk $0xffff, v5;
	v3 =	vmul.f32 v9, v23  }
0x2c8: {  	[tilespmem:v15+s30+$0x0] =	vst.idx.add.f32.msk $0xffff, v4;
	v2 =	vmul.f32 v11, v22  }
0x2c9: {  	v4 =	vadd.s32 $0x7800, v41;
	v13 =	vmul.f32 v61, v6;
	[tilespmem:v14+s30+$0x0] =	vst.idx.add.f32.msk $0xffff, v3  }
0x2ca: {  	s28 =	simm.s32 $0x0;
	s3 =	simm.s32 $0x3CC0;
	v6 =	vmul.f32 v63, v7;
	v3 =	vadd.s32 $0x7800, v40;
	[tilespmem:v12+s30+$0x0] =	vst.idx.add.f32.msk $0xffff, v2;
	v2 =	vadd.s32 $0x7800, v31  }
.LBB2_10:
0x2cb: {  	v28 =	vld [tilespmem:s3+$0x30];
	s28 =	sadd.s32 $0x8, s28;
	v5 =	vmul.f32 v8, v1  }
0x2cc: {  	v1 =	vld [tilespmem:s3+$0xFFFFFFD0];
	p0 =	slt.u32 s28, $0x138  }
0x2cd: {  	v15 =	vld [tilespmem:s3+$0xFFFFFFE0]  }
0x2ce: {  	v16 =	vld [tilespmem:s3+$0xFFFFFFF0]  }
0x2cf: {  	v17 =	vld [tilespmem:s3+$0x0]  }
0x2d0: {  	v18 =	vld [tilespmem:s3+$0x10]  }
0x2d1: {  	s25 =	sadd.s32 $0x80, s25;
	v27 =	vadd.s32 $0x2800, v1;
	v14 =	vadd.s32 $0x5000, v1;
	v7 =	vadd.s32 $0x7800, v1;
	v19 =	vld [tilespmem:s3+$0x20]  }
0x2d2: {  	v29 =	vadd.s32 $0x2800, v15;
	v20 =	vadd.s32 $0x5000, v15;
	v8 =	vadd.s32 $0x7800, v15;
	v36 =	vld [tilespmem:s25+$0x30]  }
0x2d3: {  	s26 =	sadd.s32 $0x80, s26;
	v33 =	vadd.s32 $0x2800, v16;
	v22 =	vadd.s32 $0x5000, v16;
	v9 =	vadd.s32 $0x7800, v16;
	v21 =	vld.idx.msk [tilespmem:v28+s21+$0x0], $0xffff  }
0x2d4: {  	v35 =	vadd.s32 $0x2800, v17;
	v24 =	vadd.s32 $0x5000, v17;
	v10 =	vadd.s32 $0x7800, v17;
	v37 =	vld [tilespmem:s26+$0x30]  }
0x2d5: {  	v23 =	vld [tilespmem:s3+$0xFFFFFFC0];
	v38 =	vadd.s32 $0x2800, v18;
	v25 =	vadd.s32 $0x5000, v18;
	v11 =	vadd.s32 $0x7800, v18  }
0x2d6: {  	v1 =	vld.idx.msk [tilespmem:v1+s21+$0x0], $0xffff;
	v39 =	vadd.s32 $0x2800, v19;
	v26 =	vadd.s32 $0x5000, v19;
	v12 =	vadd.s32 $0x7800, v19  }
0x2d7: {  	v31 =	vld.idx.msk [tilespmem:v15+s21+$0x0], $0xffff;
	v15 =	vadd.s32 $0x2800, v28  }
0x2d8: {  	v32 =	vld.idx.msk [tilespmem:v16+s21+$0x0], $0xffff  }
0x2d9: {  	v34 =	vld.idx.msk [tilespmem:v17+s21+$0x0], $0xffff;
	v16 =	vmul.f32 v21, v37  }
0x2da: {  	v40 =	vadd.s32 $0x2800, v23;
	v30 =	vadd.s32 $0x5000, v23;
	v21 =	vadd.s32 $0x7800, v23;
	v41 =	vld.idx.msk [tilespmem:v18+s21+$0x0], $0xffff  }
0x2db: {  	[tilespmem:v36+s30+$0x0] =	vst.idx.add.f32.msk $0xffff, v16  }
0x2dc: {  	v16 =	vld.idx.msk [tilespmem:v15+s21+$0x0], $0xffff  }
0x2dd: {  	v23 =	vld.idx.msk [tilespmem:v23+s21+$0x0], $0xffff  }
0x2de: {  	v42 =	vld.idx.msk [tilespmem:v19+s21+$0x0], $0xffff  }
0x2df: {  	v43 =	vadd.s32 $0x2800, v36;
	v18 =	vld [tilespmem:s26+$0xFFFFFFC0]  }
0x2e0: {  	v44 =	vadd.s32 $0x5000, v28;
	v19 =	vld [tilespmem:s26+$0xFFFFFFD0]  }
0x2e1: {  	v17 =	vld [tilespmem:s26+$0xFFFFFFE0]  }
0x2e2: {  	v45 =	vmul.f32 v16, v37;
	v15 =	vld [tilespmem:s26+$0xFFFFFFF0]  }
0x2e3: {  	v16 =	vld [tilespmem:s26+$0x0]  }
0x2e4: {  	v46 =	vmul.f32 v23, v18;
	[tilespmem:v43+s30+$0x0] =	vst.idx.add.f32.msk $0xffff, v45  }
0x2e5: {  	v43 =	vmul.f32 v1, v19;
	v44 =	vld.idx.msk [tilespmem:v44+s21+$0x0], $0xffff  }
0x2e6: {  	v45 =	vmul.f32 v31, v17;
	v23 =	vld [tilespmem:s26+$0x10]  }
0x2e7: {  	v47 =	vmul.f32 v32, v15;
	v1 =	vld [tilespmem:s26+$0x20]  }
0x2e8: {  	v31 =	vadd.s32 $0x5000, v36;
	v48 =	vld [tilespmem:s25+$0xFFFFFFC0];
	v49 =	vmul.f32 v34, v16  }
0x2e9: {  	v32 =	vadd.s32 $0x7800, v28;
	v50 =	vld [tilespmem:s25+$0xFFFFFFD0]  }
0x2ea: {  	v51 =	vld [tilespmem:s25+$0xFFFFFFE0]  }
0x2eb: {  	v34 =	vmul.f32 v44, v37;
	v52 =	vld [tilespmem:s25+$0xFFFFFFF0];
	v41 =	vmul.f32 v41, v23  }
0x2ec: {  	v44 =	vld [tilespmem:s25+$0x0];
	v42 =	vmul.f32 v42, v1  }
0x2ed: {  	v53 =	vadd.s32 $0x2800, v48;
	v54 =	vadd.s32 $0x5000, v48;
	v28 =	vadd.s32 $0x7800, v48;
	[tilespmem:v31+s30+$0x0] =	vst.idx.add.f32.msk $0xffff, v34  }
0x2ee: {  	v55 =	vadd.s32 $0x2800, v50;
	v56 =	vadd.s32 $0x5000, v50;
	v31 =	vadd.s32 $0x7800, v50;
	v57 =	vld.idx.msk [tilespmem:v32+s21+$0x0], $0xffff  }
0x2ef: {  	v58 =	vadd.s32 $0x2800, v51;
	v59 =	vadd.s32 $0x5000, v51;
	v32 =	vadd.s32 $0x7800, v51;
	v60 =	vld [tilespmem:s25+$0x10]  }
0x2f0: {  	v61 =	vadd.s32 $0x2800, v52;
	v62 =	vadd.s32 $0x5000, v52;
	v34 =	vadd.s32 $0x7800, v52;
	v63 =	vld [tilespmem:s25+$0x20]  }
0x2f1: {  	v36 =	vadd.s32 $0x7800, v36;
	[tilespmem:v48+s30+$0x0] =	vst.idx.add.f32.msk $0xffff, v46;
	v46 =	vadd.s32 $0x2800, v44;
	v48 =	vadd.s32 $0x5000, v44  }
0x2f2: {  	[tilespmem:v50+s30+$0x0] =	vst.idx.add.f32.msk $0xffff, v43;
	v43 =	vadd.s32 $0x7800, v44  }
0x2f3: {  	[tilespmem:v51+s30+$0x0] =	vst.idx.add.f32.msk $0xffff, v45  }
0x2f4: {  	v37 =	vmul.f32 v57, v37;
	[tilespmem:v52+s30+$0x0] =	vst.idx.add.f32.msk $0xffff, v47;
	v45 =	vadd.s32 $0x2800, v60;
	v47 =	vadd.s32 $0x5000, v60  }
0x2f5: {  	[tilespmem:v44+s30+$0x0] =	vst.idx.add.f32.msk $0xffff, v49;
	v44 =	vadd.s32 $0x7800, v60;
	v49 =	vadd.s32 $0x2800, v63;
	v50 =	vadd.s32 $0x5000, v63  }
0x2f6: {  	v51 =	vadd.s32 $0x7800, v63;
	[tilespmem:v36+s30+$0x0] =	vst.idx.add.f32.msk $0xffff, v37  }
0x2f7: {  	[tilespmem:v60+s30+$0x0] =	vst.idx.add.f32.msk $0xffff, v41  }
0x2f8: {  	[tilespmem:v63+s30+$0x0] =	vst.idx.add.f32.msk $0xffff, v42  }
0x2f9: {  	v36 =	vld.idx.msk [tilespmem:v40+s21+$0x0], $0xffff  }
0x2fa: {  	v27 =	vld.idx.msk [tilespmem:v27+s21+$0x0], $0xffff  }
0x2fb: {  	v29 =	vld.idx.msk [tilespmem:v29+s21+$0x0], $0xffff  }
0x2fc: {  	v33 =	vld.idx.msk [tilespmem:v33+s21+$0x0], $0xffff  }
0x2fd: {  	v35 =	vld.idx.msk [tilespmem:v35+s21+$0x0], $0xffff  }
0x2fe: {  	v37 =	vld.idx.msk [tilespmem:v38+s21+$0x0], $0xffff  }
0x2ff: {  	v36 =	vmul.f32 v36, v18;
	v38 =	vld.idx.msk [tilespmem:v39+s21+$0x0], $0xffff  }
0x300: {  	v27 =	vmul.f32 v27, v19;
	[tilespmem:v2+s30+$0x0] =	vst.idx.add.f32.msk $0xffff, v13;
	v2 =	vmov v43  }
0x301: {  	v13 =	vmul.f32 v29, v17;
	[tilespmem:v53+s30+$0x0] =	vst.idx.add.f32.msk $0xffff, v36  }
0x302: {  	[tilespmem:v55+s30+$0x0] =	vst.idx.add.f32.msk $0xffff, v27;
	v27 =	vmul.f32 v33, v15  }
0x303: {  	[tilespmem:v58+s30+$0x0] =	vst.idx.add.f32.msk $0xffff, v13;
	v13 =	vmul.f32 v35, v16  }
0x304: {  	[tilespmem:v61+s30+$0x0] =	vst.idx.add.f32.msk $0xffff, v27;
	v27 =	vmul.f32 v37, v23  }
0x305: {  	[tilespmem:v46+s30+$0x0] =	vst.idx.add.f32.msk $0xffff, v13;
	v13 =	vmul.f32 v38, v1  }
0x306: {  	[tilespmem:v45+s30+$0x0] =	vst.idx.add.f32.msk $0xffff, v27  }
0x307: {  	[tilespmem:v49+s30+$0x0] =	vst.idx.add.f32.msk $0xffff, v13  }
0x308: {  	v13 =	vld.idx.msk [tilespmem:v30+s21+$0x0], $0xffff  }
0x309: {  	v14 =	vld.idx.msk [tilespmem:v14+s21+$0x0], $0xffff  }
0x30a: {  	v20 =	vld.idx.msk [tilespmem:v20+s21+$0x0], $0xffff  }
0x30b: {  	v22 =	vld.idx.msk [tilespmem:v22+s21+$0x0], $0xffff  }
0x30c: {  	v24 =	vld.idx.msk [tilespmem:v24+s21+$0x0], $0xffff  }
0x30d: {  	v25 =	vld.idx.msk [tilespmem:v25+s21+$0x0], $0xffff  }
0x30e: {  	v13 =	vmul.f32 v13, v18;
	v26 =	vld.idx.msk [tilespmem:v26+s21+$0x0], $0xffff  }
0x30f: {  	v14 =	vmul.f32 v14, v19;
	[tilespmem:v3+s30+$0x0] =	vst.idx.add.f32.msk $0xffff, v6;
	v3 =	vmov v44  }
0x310: {  	v6 =	vmul.f32 v20, v17;
	[tilespmem:v54+s30+$0x0] =	vst.idx.add.f32.msk $0xffff, v13  }
0x311: {  	v13 =	vmul.f32 v22, v15;
	[tilespmem:v56+s30+$0x0] =	vst.idx.add.f32.msk $0xffff, v14  }
0x312: {  	[tilespmem:v59+s30+$0x0] =	vst.idx.add.f32.msk $0xffff, v6;
	v6 =	vmul.f32 v24, v16  }
0x313: {  	[tilespmem:v62+s30+$0x0] =	vst.idx.add.f32.msk $0xffff, v13;
	v13 =	vmul.f32 v25, v23  }
0x314: {  	[tilespmem:v48+s30+$0x0] =	vst.idx.add.f32.msk $0xffff, v6;
	v6 =	vmul.f32 v26, v1  }
0x315: {  	[tilespmem:v47+s30+$0x0] =	vst.idx.add.f32.msk $0xffff, v13  }
0x316: {  	[tilespmem:v50+s30+$0x0] =	vst.idx.add.f32.msk $0xffff, v6  }
0x317: {  	v6 =	vld.idx.msk [tilespmem:v21+s21+$0x0], $0xffff  }
0x318: {  	v7 =	vld.idx.msk [tilespmem:v7+s21+$0x0], $0xffff  }
0x319: {  	v13 =	vld.idx.msk [tilespmem:v8+s21+$0x0], $0xffff  }
0x31a: {  	v9 =	vld.idx.msk [tilespmem:v9+s21+$0x0], $0xffff  }
0x31b: {  	v10 =	vld.idx.msk [tilespmem:v10+s21+$0x0], $0xffff  }
0x31c: {  	v11 =	vld.idx.msk [tilespmem:v11+s21+$0x0], $0xffff  }
0x31d: {  	v6 =	vmul.f32 v6, v18;
	v8 =	vld.idx.msk [tilespmem:v12+s21+$0x0], $0xffff  }
.Ltmp4:
0x31e: {  	v7 =	vmul.f32 v7, v19;
	[tilespmem:v4+s30+$0x0] =	vst.idx.add.f32.msk $0xffff, v5;
	v4 =	vmov v51;
	(pc) =	sbr.rel @p0 .LBB2_10-.Ltmp4, $4  }
0x31f: {  	v5 =	vmul.f32 v13, v17;
	[tilespmem:v28+s30+$0x0] =	vst.idx.add.f32.msk $0xffff, v6  }
0x320: {  	v6 =	vmul.f32 v9, v15;
	[tilespmem:v31+s30+$0x0] =	vst.idx.add.f32.msk $0xffff, v7  }
0x321: {  	v13 =	vmul.f32 v10, v16;
	[tilespmem:v32+s30+$0x0] =	vst.idx.add.f32.msk $0xffff, v5  }
0x322: {  	s3 =	sadd.s32 $0x80, s3;
	[tilespmem:v34+s30+$0x0] =	vst.idx.add.f32.msk $0xffff, v6;
	v6 =	vmul.f32 v11, v23  }
0x323: {  	_ =	sdelay $0x3  }
0x324: {  	v1 =	vmul.f32 v8, v1;
	[tilespmem:v2+s30+$0x0] =	vst.idx.add.f32.msk $0xffff, v13  }
0x325: {  	[tilespmem:v3+s30+$0x0] =	vst.idx.add.f32.msk $0xffff, v6  }
0x326: {  	[tilespmem:v4+s30+$0x0] =	vst.idx.add.f32.msk $0xffff, v1  }
0x327: {  	[hbm4b:s16+s0] =	stream.strided.scatter [tilespmem:s30], [sflag:$0x4], $0x2800, s1, s0, $0x38;
	[tilespmem:$0x1B800] =	vst v63  }
0x328: {  	_ =	swait.ge [sflag:s22], $0x2800  }
0x329: {  	[sflag:s22] =	ssyncset.done $0x0  }
0x32a: {  	s3 =	simm.s32 $0x14000;
	[sflag:s22] =	ssyncadd.s32 $0xFFFFD800  }
0x32b: {  	[hbm4b:s17+s0] =	stream.strided.scatter [tilespmem:s3], [sflag:$0x4], $0x2800, s1, s0, $0x38;
	[tilespmem:$0x1B800] =	vst v63  }
0x32c: {  	_ =	swait.ge [sflag:s22], $0x2800  }
0x32d: {  	[sflag:s22] =	ssyncset.done $0x0  }
0x32e: {  	s26 =	simm.s32 $0x16800;
	[sflag:s22] =	ssyncadd.s32 $0xFFFFD800  }
0x32f: {  	[hbm4b:s18+s0] =	stream.strided.scatter [tilespmem:s26], [sflag:$0x4], $0x2800, s1, s0, $0x38;
	[tilespmem:$0x1B800] =	vst v63  }
0x330: {  	s23 =	sadd.s32 $0x1, s23;
	_ =	swait.ge [sflag:s22], $0x2800  }
0x331: {  	p0 =	sne.s32 s23, s20;
	[sflag:s22] =	ssyncset.done $0x0  }
.Ltmp5:
0x332: {  	s28 =	simm.s32 $0x19000;
	[sflag:s22] =	ssyncadd.s32 $0xFFFFD800;
	(pc) =	sbr.rel @p0 .LBB2_1-.Ltmp5, $4  }
0x333: {  	[hbm4b:s19+s0] =	stream.strided.scatter [tilespmem:s28], [sflag:$0x4], $0x2800, s1, s0, $0x38;
	[tilespmem:$0x1B800] =	vst v63  }
0x334: {  	_ =	swait.ge [sflag:s22], $0x2800  }
0x335: {  	[sflag:s22] =	ssyncset.done $0x0  }
0x336: {  	[sflag:s22] =	ssyncadd.s32 $0xFFFFD800  }
0x337: {  	_ =	sfence.sel $0x180000  }
0x338: {  	[bflag:$0x0] =	sbarrier.arrive $0xFFFF  }
0x339: {  	_ =	strace $0x9000004A  }
0x33a: {  	s0 =	stileid.u32;
	[bflag:$0x2] =	sbarrier.arrive $0xFFFF  }
0x33b: {  	p0 =	sne.s32 s0, $0x0;
	s0 =	rddreg [dreg:$0x2]  }
0x33c: {  	s0 =	sadd.s32 @!p0 $0x100000, s0  }
0x33d: {  	[sflag:s0] =	ssyncadd.tile.s32 @!p0 $0x1;
	_ =	shalt  }
.Lfunc_end2:
_tile_overlayer_lowered:
.L_overlay_start_2:
0x33e: {  	(tag) =	ssettag $0x2  }
0x33f: {  	s0 =	rddreg [dreg:$0x0];
	s2 =	stileid.u32  }
0x340: {  	s1 =	rddreg [dreg:$0x1];
	p0 =	sne.s32 s2, $0x0  }
0x341: {  	s3 =	rddreg [dreg:$0x2];
	[bflag:$0x3] =	sbarrier.arrive $0xFFFF;
	s2 =	simm.s32 @!p0 $0x1C04  }
0x342: {  	[timem:s3], [sflag:s2] =	dma.local @!p0 [hbm:s0], s1  }
0x343: {  	s0 =	simm.s32 @!p0 $0x4  }
0x344: {  	_ =	swait.ge @!p0 [sflag:s0], s1  }
0x345: {  	s1 =	ssub.s32 @!p0 $0x0, s1;
	[sflag:s0] =	ssyncset.done @!p0 $0x0  }
0x346: {  	[sflag:s0] =	ssyncadd.s32 @!p0 s1  }
0x347: {  	[bflag:$0x3] =	sbarrier.arrive $0xFFFF  }
0x348: {  	_ =	shalt  }

// kernel: kernel.8.cloned.1.call-start
scs
__scs_entry_jumppad:
0x0: {  	(pc) =	sbr.rel $0x88, $3  }
0x1: {  	(tag) =	ssettag $0x0;
	lr =	simm.s32 $0x1  }
0x2: {  	[smem:$0x3F94] =	sst lr;
	_ =	strace $0xD0000000  }
0x3: {  	_ = 	snop  }
0x4: {  	_ = 	snop  }
0x5: {  	_ = 	snop  }
0x6: {  	_ = 	snop  }
0x7: {  	_ = 	snop  }
__scs_overlays_trampoline_lowered:
0x8: {  	[smem:$0x3FA3] =	sst s0  }
0x9: {  	[smem:$0x3FA4] =	sst s1  }
0xa: {  	[smem:$0x3FA5] =	sst s2  }
0xb: {  	[smem:$0x3FA6] =	sst s3  }
0xc: {  	[smem:$0x3FA7] =	sst s4  }
0xd: {  	[smem:$0x3FA8] =	sst s5  }
0xe: {  	[smem:$0x3FA9] =	sst s6  }
0xf: {  	[smem:$0x3FAA] =	sst s7  }
0x10: {  	[smem:$0x3FAB] =	sst s8  }
0x11: {  	[smem:$0x3FAC] =	sst s9;
	s0 =	simm.s32 @!p0 $0x0  }
0x12: {  	s1 =	sld [smem:$0x3F92];
	s0 =	simm.s32 @p0 $0x1  }
0x13: {  	[smem:$0x3FAD] =	sst s0;
	s0 =	simm.s32 @!p1 $0x0  }
0x14: {  	s2 =	sld [smem:$0x3F91];
	s0 =	simm.s32 @p1 $0x1  }
0x15: {  	[smem:$0x3FAE] =	sst s0;
	s0 =	simm.s32 @!p2 $0x0  }
0x16: {  	s3 =	sld [smem:$0x3FDB];
	s0 =	simm.s32 @p2 $0x1  }
0x17: {  	s4 =	simm.s32 $0x1BF5;
	[smem:$0x3FB0] =	sst s0  }
0x18: {  	s0 =	sld [smem:$0x3F93];
	_ =	swait.ge [sflag:s4], $0x0  }
0x19: {  	s7 =	sld [smem:$0x3F94]  }
0x1a: {  	s8 =	sadd.s32 $0xFFFFE003, lr  }
0x1b: {  	s9 =	sadd.s32 $0xFFFFFEF7, lr;
	s5 =	simm.s32 $0xFFFFFFFF;
	p2 =	slt.u32 s8, $0xFFFFF086  }
0x1c: {  	p1 =	slt.u32 s9, $0xF7A;
	s5 =	simm.s32 @!p2 $0x0  }
0x1d: {  	s5 =	simm.s32 @p1 $0x1;
	p0 =	seq.s32 s7, s2  }
0x1e: {  	s7 =	smul.u32 @!p0 $0xF7A, s2;
	p2 =	seq.s32 @!p0 s5, $0x0  }
0x1f: {  	s9 =	smul.u32 $0xF7A, s1;
	s8 =	simm.s32 @!p0 $0x1BF5;
	p2 =	por !p2, p0  }
0x20: {  	[sflag:s8] =	ssyncset.s32 @!p0 $0xFFFFF086;
	s6 =	sadd.s32 @!p0 s3, s7;
	s7 =	simm.s32 @!p0 $0x108  }
0x21: {  	s3 =	sadd.s32 s3, s9;
	s6 =	sadd.s32 @!p0 $0x88, s6;
	s7 =	simm.s32 @p2 $0x1082  }
0x22: {  	[simem:s7], [sflag:s8] =	dma.local @!p0 [hbm:s6], $0xF7A  }
0x23: {  	s9 =	sor.u32 $0xD0000000, s2;
	s6 =	simm.s32 $0x108;
	_ =	swait.ge @!p0 [sflag:s8], $0x0  }
0x24: {  	s3 =	sadd.s32 $0x88, s3;
	s6 =	simm.s32 @!p1 $0x1082;
	[sflag:s4] =	ssyncset.s32 $0xFFFFF086  }
0x25: {  	[simem:s6], [sflag:s4] =	dma.local [hbm:s3], $0xF7A  }
0x26: {  	[smem:$0x3F94] =	sst s1;
	(tag) =	ssettag s2;
	_ =	strace s9  }
0x27: {  	s1 =	sld [smem:$0x3FA4]  }
0x28: {  	s2 =	sld [smem:$0x3FA5]  }
0x29: {  	s4 =	sld [smem:$0x3FA7]  }
0x2a: {  	p0 =	seq.s32 s5, $0x0;
	s5 =	sld [smem:$0x3FA8]  }
0x2b: {  	s6 =	sld [smem:$0x3FA9]  }
0x2c: {  	s7 =	sld [smem:$0x3FAA]  }
0x2d: {  	s3 =	simm.s32 $0x108;
	s8 =	sld [smem:$0x3FAB]  }
0x2e: {  	s3 =	simm.s32 @!p0 $0x1082;
	s9 =	sld [smem:$0x3FAC]  }
0x2f: {  	lr =	sadd.s32 s0, s3;
	s0 =	sld [smem:$0x3FA3]  }
0x30: {  	s3 =	sld [smem:$0x3FA6]  }
0x31: {  	[smem:$0x3FAF] =	sst s10  }
0x32: {  	s10 =	sld [smem:$0x3FAD];
	_ =	sdelay $0x3  }
0x33: {  	p0 =	seq.s32 s10, $0x1;
	s10 =	sld [smem:$0x3FAF];
	_ =	sdelay $0x3  }
0x34: {  	[smem:$0x3FAF] =	sst s10  }
0x35: {  	s10 =	sld [smem:$0x3FAE];
	_ =	sdelay $0x3  }
0x36: {  	p1 =	seq.s32 s10, $0x1;
	s10 =	sld [smem:$0x3FAF];
	_ =	sdelay $0x3  }
0x37: {  	[smem:$0x3FAF] =	sst s10  }
0x38: {  	s10 =	sld [smem:$0x3FB0]  }
0x39: {  	_ = 	snop;
	(pc) =	sbr.ind lr, $3  }
0x3a: {  	_ = 	snop  }
0x3b: {  	_ = 	snop  }
0x3c: {  	p2 =	seq.s32 s10, $0x1;
	s10 =	sld [smem:$0x3FAF]  }
0x3d: {  	_ =	shalt  }
0x3e: {  	_ =	shalt  }
0x3f: {  	_ =	shalt  }
0x40: {  	_ =	shalt  }
0x41: {  	_ =	shalt  }
0x42: {  	_ =	shalt  }
0x43: {  	_ =	shalt  }
0x44: {  	_ =	shalt  }
0x45: {  	_ =	shalt  }
0x46: {  	_ =	shalt  }
0x47: {  	_ =	shalt  }
0x48: {  	_ =	shalt  }
0x49: {  	_ =	shalt  }
0x4a: {  	_ =	shalt  }
0x4b: {  	_ =	shalt  }
0x4c: {  	_ =	shalt  }
0x4d: {  	_ =	shalt  }
0x4e: {  	_ =	shalt  }
0x4f: {  	_ =	shalt  }
0x50: {  	_ =	shalt  }
0x51: {  	_ =	shalt  }
0x52: {  	_ =	shalt  }
0x53: {  	_ =	shalt  }
0x54: {  	_ =	shalt  }
0x55: {  	_ =	shalt  }
0x56: {  	_ =	shalt  }
0x57: {  	_ =	shalt  }
0x58: {  	_ =	shalt  }
0x59: {  	_ =	shalt  }
0x5a: {  	_ =	shalt  }
0x5b: {  	_ =	shalt  }
0x5c: {  	_ =	shalt  }
0x5d: {  	_ =	shalt  }
0x5e: {  	_ =	shalt  }
0x5f: {  	_ =	shalt  }
0x60: {  	_ =	shalt  }
0x61: {  	_ =	shalt  }
0x62: {  	_ =	shalt  }
0x63: {  	_ =	shalt  }
0x64: {  	_ =	shalt  }
0x65: {  	_ =	shalt  }
0x66: {  	_ =	shalt  }
0x67: {  	_ =	shalt  }
0x68: {  	_ =	shalt  }
0x69: {  	_ =	shalt  }
0x6a: {  	_ =	shalt  }
0x6b: {  	_ =	shalt  }
0x6c: {  	_ =	shalt  }
0x6d: {  	_ =	shalt  }
0x6e: {  	_ =	shalt  }
0x6f: {  	_ =	shalt  }
0x70: {  	_ =	shalt  }
0x71: {  	_ =	shalt  }
0x72: {  	_ =	shalt  }
0x73: {  	_ =	shalt  }
0x74: {  	_ =	shalt  }
0x75: {  	_ =	shalt  }
0x76: {  	_ =	shalt  }
0x77: {  	_ =	shalt  }
0x78: {  	_ =	shalt  }
0x79: {  	_ =	shalt  }
0x7a: {  	_ =	shalt  }
0x7b: {  	_ =	shalt  }
0x7c: {  	_ =	shalt  }
0x7d: {  	_ =	shalt  }
0x7e: {  	_ =	shalt  }
0x7f: {  	_ =	shalt  }
0x80: {  	_ =	shalt  }
0x81: {  	_ =	shalt  }
0x82: {  	_ =	shalt  }
0x83: {  	_ =	shalt  }
0x84: {  	_ =	shalt  }
0x85: {  	_ =	shalt  }
0x86: {  	_ =	shalt  }
0x87: {  	_ =	shalt  }
.Lfunc_end0:
.L_simem_size_0:
called_computation_lowered:
.L_overlay_start_0:
0x88: {  	s2 =	sld [smem:$0x3FD9]  }
0x89: {  	s3 =	sld [smem:$0x3FFE];
	_ =	sdelay $0x1  }
0x8a: {  	s1 =	srdreg.scid  }
0x8b: {  	s0 =	sand.u32 $0x1, s1  }
0x8c: {  	s14 =	sshll.u32 s0, $0xA;
	s2 =	sadd.s32 s3, s2  }
0x8d: {  	s2 =	sadd.s32 s2, s14  }
0x8e: {  	[smem:$0x3FBB] =	sst s2  }
0x8f: {  	_ = 	snop  }
0x90: {  	s2 =	sld [smem:$0x3FD0];
	_ =	sdelay $0x2  }
0x91: {  	s15 =	simm.s32 $0xA;
	s4 =	simm.s32 $0x10  }
0x92: {  	[smem:s4], [sflag:s15] =	dma.local [hbm:s2], $0x1  }
0x93: {  	_ =	swait.eq [sflag:s15], $0x1  }
0x94: {  	[sflag:s15] =	ssyncset.done $0x0  }
0x95: {  	[sflag:s15] =	ssyncadd.s32 $0xFFFFFFFF  }
0x96: {  	s16 =	sld [smem:$0x10];
	(tm) =	ssettm $0x1  }
0x97: {  	s17 =	sld [smem:$0x3FFB];
	_ =	sdelay $0x3  }
0x98: {  	_ =	strace s17  }
0x99: {  	s3 =	sld [smem:$0x3FFC];
	_ =	sdelay $0x3  }
0x9a: {  	_ =	strace s3  }
0x9b: {  	s3 =	sld [smem:$0x3FFD];
	_ =	sdelay $0x3  }
0x9c: {  	_ =	strace s3  }
0x9d: {  	_ =	strace $0x8FFFFFFF  }
0x9e: {  	s18 =	sld [smem:$0x3FDB];
	_ =	sdelay $0x1  }
0x9f: {  	s19 =	simm.s32 $_scs_section_size  }
0xa0: {  	s5 =	simm.s32 $_size__tile_overlayer_lowered;
	s6 =	simm.s32 $_tile_overlayer_lowered  }
0xa1: {  	s22 =	simm.s32 $0x1BFF;
	s21 =	sshll.u32 s6, $0x1;
	s3 =	sadd.s32 s19, s18  }
0xa2: {  	s7 =	simm.s32 $0x0;
	s20 =	sshll.u32 s5, $0x1;
	s5 =	sadd.s32 s21, s3  }
0xa3: {  	[timem:s7], [sflag:s22] =	dma.local [hbm:s5], s20  }
0xa4: {  	_ =	swait.ge [sflag:s22], s20  }
0xa5: {  	s4 =	ssub.s32 $0x0, s20;
	[sflag:s22] =	ssyncset.done $0x0  }
0xa6: {  	[sflag:s22] =	ssyncadd.s32 s4;
	_ =	sdelay $0x1  }
0xa7: {  	s23 =	simm.s32 $0x1B8B  }
0xa8: {  	_ =	swait.ge [sflag:s23], $0x1  }
0xa9: {  	[sflag:s23] =	ssyncset.done $0x0  }
0xaa: {  	s25 =	simm.s32 $0x1B8E;
	s24 =	sld [smem:$0x3FFE];
	[sflag:s23] =	ssyncadd.s32 $0xFFFFFFFF  }
0xab: {  	s26 =	simm.s32 $execute0_lowered;
	[smem:$0x3FD2] =	sst s25  }
0xac: {  	s5 =	sshll.u32 s26, $0x1;
	_ =	strace $0x80000046;
	[dreg:$0x1] =	wrdreg $0xFFFFFFFF  }
0xad: {  	s28 =	simm.s32 $_size_execute0_lowered;
	s3 =	sadd.s32 s3, s5;
	[dreg:$0x0] =	wrdreg $0x0  }
0xae: {  	s5 =	sshll.u32 s28, $0x1;
	[dreg:$0x2] =	wrdreg s3  }
0xaf: {  	[dreg:$0x3] =	wrdreg s5  }
0xb0: {  	[dreg:$0x4] =	wrdreg $0xC0  }
0xb1: {  	_ =	task [dreg:s7], $0x5FFFF  }
0xb2: {  	[dreg:$0x1] =	wrdreg $0xFFFFFFFF  }
0xb3: {  	[dreg:$0x0] =	wrdreg $0x60  }
0xb4: {  	[dreg:$0x2] =	wrdreg s24  }
0xb5: {  	[dreg:$0x3] =	wrdreg s16  }
0xb6: {  	[dreg:$0x4] =	wrdreg $0x9  }
0xb7: {  	_ =	task.clear_ibuf [dreg:s7], $0x5FFFF;
	_ =	strace $0x90000046  }
0xb8: {  	s29 =	simm.s32 $0x9;
	_ =	strace $0x80000048  }
0xb9: {  	_ =	swait.ge [sflag:s29], $0x1  }
0xba: {  	[sflag:s29] =	ssyncadd.s32 $0xFFFFFFFF  }
0xbb: {  	_ =	strace $0x90000048  }
0xbc: {  	_ =	sfence  }
0xbd: {  	s30 =	sld [smem:$0x0];
	_ =	sdelay $0x2  }
0xbe: {  	s31 =	sshll.u32 s1, $0xD;
	s1 =	sshrl.u32 s1, $0x2  }
0xbf: {  	s3 =	sand.u32 $0x4000, s31;
	s1 =	sadd.s32 s1, s30  }
0xc0: {  	s0 =	sor.u32 s3, s0;
	s1 =	sshll.u32 s1, $0x11  }
0xc1: {  	s0 =	sor.u32 s1, s0  }
0xc2: {  	s0 =	sadd.s32 $0x8F2B, s0  }
0xc3: {  	[sflag:s0] =	ssyncadd.remote.s32 $0x1  }
0xc4: {  	_ =	sfence.sel $0xFFFF  }
0xc5: {  	[dreg:$0x0] =	wrdreg $0xFFFFFFFF;
	(pc) =	sbr.abs _section_cstart, $3  }
0xc6: {  	[dreg:$0x1] =	wrdreg $0xFFFFFFFF  }
0xc7: {  	_ =	task.clear_ibuf [dreg:s7], $0x2FFFF;
	_ =	strace $0x9FFFFFFF  }
0xc8: {  	(tm) =	ssettm $0x7FFFFFFF  }
0xc9: {  	_ =	shalt  }
tec
execute0_lowered:
.L_overlay_start_1:
0x0: {  	(tag) =	ssettag $0x1  }
0x1: {  	s0 =	rddreg [dreg:$0x0]  }
0x2: {  	s1 =	rddreg [dreg:$0x1]  }
0x3: {  	s8 =	stileid.u32;
	s2 =	simm.s32 $0x0;
	s4 =	srdreg.scid  }
0x4: {  	s21 =	simm.s32 $0x7800;
	s24 =	simm.s32 $0x1;
	s29 =	simm.s32 $0x2  }
0x5: {  	s30 =	simm.s32 $0x11800;
	s31 =	simm.s32 $0x3;
	s22 =	simm.s32 $0x4  }
0x6: {  	s23 =	simm.s32 $0x0;
	s3 =	sand.u32 $0x3, s8;
	[smem:$0x7FF] =	sst s2  }
0x7: {  	s4 =	sand.u32 $0x1, s4;
	s6 =	sshrl.u32 s8, $0x2;
	s13 =	sadd.s32 $0x10E00, s0  }
0x8: {  	s14 =	sadd.s32 $0xBE00, s0;
	s3 =	smul.u32 $0x1400, s3;
	_ =	strace $0x80000047  }
0x9: {  	s5 =	sshll.u32 s4, $0x2;
	s25 =	ssub.s32 $0x2, s4;
	s4 =	sshll.u32 s4, $0x4  }
0xa: {  	s5 =	sor.u32 s6, s5;
	s7 =	sshrl.u32 s25, $0x1;
	s11 =	sor.u32 s8, s4  }
0xb: {  	s3 =	sadd.s32 s3, s0;
	s5 =	smul.u32 $0x5000, s5;
	s0 =	sadd.s32 $0x6E00, s0  }
0xc: {  	s20 =	ssub.s32 s25, s7;
	s16 =	smul.u32 $0x1400, s11;
	s3 =	sadd.s32 $0x1E00, s3  }
0xd: {  	s20 =	smax.u32 s20, $0x1;
	s12 =	sshrl.u32 s5, $0x3;
	[dreg:$0x3] =	wrdreg s3  }
0xe: {  	s16 =	sadd.s32 s1, s16;
	s1 =	simm.s32 $0x200;
	s4 =	sadd.s32 s13, s12  }
0xf: {  	s26 =	sadd.s32 $0x280, s12;
	s5 =	sadd.s32 s14, s12;
	s6 =	sadd.s32 s0, s12  }
0x10: {  	s28 =	sadd.s32 $0x500, s12;
	s15 =	sadd.s32 $0x780, s12;
	s17 =	sadd.s32 $0x10, s16  }
0x11: {  	s18 =	sadd.s32 $0x20, s16;
	s19 =	sadd.s32 $0x30, s16;
	s7 =	sadd.s32 s13, s26  }
0x12: {  	s8 =	sadd.s32 s14, s26;
	s9 =	sadd.s32 s0, s26;
	s10 =	sadd.s32 s13, s28  }
0x13: {  	s11 =	sadd.s32 s14, s28;
	s12 =	sadd.s32 s0, s28;
	s13 =	sadd.s32 s13, s15  }
0x14: {  	v0 =	vimm.f32 $0.0e+00;
	s14 =	sadd.s32 s14, s15;
	s15 =	sadd.s32 s0, s15;
	s0 =	simm.s32 $0x80  }
.LBB2_1:
0x15: {  	s3 =	rddreg [dreg:$0x3]  }
0x16: {  	[tilespmem:s21], [sflag:$0x1] =	stream.linear.gather [hbm4b:s3+s2], $0xA000, $0x38;
	[tilespmem:$0x1B800] =	vst v63  }
0x17: {  	_ = 	snop  }
0x18: {  	[tilespmem:s2], [sflag:$0x2] =	stream.linear.gather [hbm4b:s4+s2], $0x1400, $0x38;
	[tilespmem:$0x1B800] =	vst v63  }
0x19: {  	s26 =	simm.s32 $0x1400  }
0x1a: {  	[tilespmem:s26], [sflag:$0x2] =	stream.linear.gather [hbm4b:s5+s2], $0x1400, $0x38;
	[tilespmem:$0x1B800] =	vst v63  }
0x1b: {  	s28 =	simm.s32 $0x2800;
	s25 =	simm.s32 $0x200;
	s3 =	simm.s32 $0x0  }
0x1c: {  	[tilespmem:s28], [sflag:$0x2] =	stream.linear.gather [hbm4b:s6+s2], $0x1400, $0x38;
	[tilespmem:$0x1B800] =	vst v63  }
.LBB2_2:
0x1d: {  	p0 =	sne.s32 s25, $0x27E00;
	[tilespmem:s3+$0x11870] =	vst v0  }
0x1e: {  	[tilespmem:s3+$0x11800] =	vst v0  }
0x1f: {  	[tilespmem:s3+$0x11810] =	vst v0  }
.Ltmp0:
0x20: {  	[tilespmem:s3+$0x11820] =	vst v0;
	(pc) =	sbr.rel @p0 .LBB2_2-.Ltmp0, $4  }
0x21: {  	[tilespmem:s3+$0x11830] =	vst v0  }
0x22: {  	[tilespmem:s3+$0x11840] =	vst v0  }
0x23: {  	[tilespmem:s3+$0x11850] =	vst v0  }
0x24: {  	[tilespmem:s3+$0x11860] =	vst v0;
	s3 =	sshra.s32 s25, $0x2;
	s25 =	sadd.s32 $0x200, s25  }
0x25: {  	[tilespmem:s3+$0x11870] =	vst v0  }
0x26: {  	[tilespmem:s3+$0x11800] =	vst v0  }
0x27: {  	[tilespmem:s3+$0x11810] =	vst v0  }
0x28: {  	[tilespmem:s3+$0x11820] =	vst v0  }
0x29: {  	[tilespmem:s3+$0x11830] =	vst v0  }
0x2a: {  	[tilespmem:s3+$0x11840] =	vst v0  }
0x2b: {  	[tilespmem:s3+$0x11850] =	vst v0  }
0x2c: {  	[tilespmem:s3+$0x11860] =	vst v0  }
0x2d: {  	_ =	swait.ge [sflag:s24], $0xA000  }
0x2e: {  	[sflag:s24] =	ssyncset.done $0x0  }
0x2f: {  	s26 =	simm.s32 $0x3C00;
	[sflag:s24] =	ssyncadd.s32 $0xFFFF6000  }
0x30: {  	[tilespmem:s26], [sflag:$0x3] =	stream.linear.gather [hbm4b:s7+s2], $0x1400, $0x38;
	[tilespmem:$0x1B800] =	vst v63  }
0x31: {  	s25 =	simm.s32 $0x5000  }
0x32: {  	[tilespmem:s25], [sflag:$0x3] =	stream.linear.gather [hbm4b:s8+s2], $0x1400, $0x38;
	[tilespmem:$0x1B800] =	vst v63  }
0x33: {  	s26 =	simm.s32 $0x6400  }
0x34: {  	[tilespmem:s26], [sflag:$0x3] =	stream.linear.gather [hbm4b:s9+s2], $0x1400, $0x38;
	[tilespmem:$0x1B800] =	vst v63  }
0x35: {  	_ =	swait.ge [sflag:s29], $0x1400  }
0x36: {  	[sflag:s29] =	ssyncset.done $0x0  }
0x37: {  	[sflag:s29] =	ssyncadd.s32 $0xFFFFEC00  }
0x38: {  	_ =	swait.ge [sflag:s29], $0x1400  }
0x39: {  	[sflag:s29] =	ssyncset.done $0x0  }
0x3a: {  	[sflag:s29] =	ssyncadd.s32 $0xFFFFEC00  }
0x3b: {  	_ =	swait.ge [sflag:s29], $0x1400  }
0x3c: {  	[sflag:s29] =	ssyncset.done $0x0  }
0x3d: {  	s3 =	simm.s32 $0x40;
	[sflag:s29] =	ssyncadd.s32 $0xFFFFEC00  }
0x3e: {  	v11 =	vld [tilespmem:s3+$0x30]  }
0x3f: {  	v9 =	vld [tilespmem:s3+$0xFFFFFFD0]  }
0x40: {  	v8 =	vld [tilespmem:s3+$0xFFFFFFE0]  }
0x41: {  	v5 =	vld [tilespmem:s3+$0xFFFFFFF0]  }
0x42: {  	v4 =	vld [tilespmem:s3+$0x0]  }
0x43: {  	v2 =	vld [tilespmem:s3+$0x10]  }
0x44: {  	s25 =	simm.s32 $0x1440;
	v3 =	vld [tilespmem:s3+$0x20]  }
0x45: {  	s26 =	simm.s32 $0x2840;
	v12 =	vld [tilespmem:s25+$0x30]  }
0x46: {  	v13 =	vld [tilespmem:s26+$0x30]  }
0x47: {  	v14 =	vld [tilespmem:s3+$0xFFFFFFC0]  }
0x48: {  	v22 =	vld [tilespmem:s26+$0xFFFFFFC0]  }
0x49: {  	v23 =	vld [tilespmem:s26+$0xFFFFFFD0]  }
0x4a: {  	v25 =	vld [tilespmem:s26+$0xFFFFFFE0]  }
0x4b: {  	v10 =	vld [tilespmem:s26+$0xFFFFFFF0]  }
0x4c: {  	v1 =	vld.idx.msk [tilespmem:v11+s21+$0x0], $0xffff  }
0x4d: {  	v26 =	vld [tilespmem:s25+$0xFFFFFFC0]  }
0x4e: {  	v28 =	vld [tilespmem:s25+$0xFFFFFFD0]  }
0x4f: {  	v29 =	vld [tilespmem:s25+$0xFFFFFFE0];
	v6 =	vadd.s32 $0x2800, v11  }
0x50: {  	v30 =	vld [tilespmem:s25+$0xFFFFFFF0]  }
0x51: {  	v31 =	vld [tilespmem:s25+$0x0];
	v1 =	vmul.f32 v1, v13  }
0x52: {  	v40 =	vld [tilespmem:s25+$0x10]  }
0x53: {  	[tilespmem:v12+s30+$0x0] =	vst.idx.add.f32.msk $0xffff, v1  }
0x54: {  	v1 =	vld.idx.msk [tilespmem:v6+s21+$0x0], $0xffff  }
0x55: {  	v41 =	vld [tilespmem:s25+$0x20]  }
0x56: {  	v7 =	vadd.s32 $0x2800, v12;
	v15 =	vld.idx.msk [tilespmem:v9+s21+$0x0], $0xffff  }
0x57: {  	v24 =	vadd.s32 $0x5000, v11;
	v16 =	vld.idx.msk [tilespmem:v8+s21+$0x0], $0xffff  }
0x58: {  	v20 =	vld.idx.msk [tilespmem:v14+s21+$0x0], $0xffff  }
0x59: {  	v18 =	vld.idx.msk [tilespmem:v4+s21+$0x0], $0xffff;
	v1 =	vmul.f32 v1, v13  }
0x5a: {  	v6 =	vld [tilespmem:s26+$0x0]  }
0x5b: {  	[tilespmem:v7+s30+$0x0] =	vst.idx.add.f32.msk $0xffff, v1  }
0x5c: {  	v24 =	vld.idx.msk [tilespmem:v24+s21+$0x0], $0xffff  }
0x5d: {  	v17 =	vld.idx.msk [tilespmem:v5+s21+$0x0], $0xffff;
	v20 =	vmul.f32 v20, v22  }
0x5e: {  	v27 =	vadd.s32 $0x5000, v12;
	v19 =	vld.idx.msk [tilespmem:v2+s21+$0x0], $0xffff;
	v15 =	vmul.f32 v15, v23  }
0x5f: {  	v11 =	vadd.s32 $0x7800, v11;
	v16 =	vmul.f32 v16, v25;
	[tilespmem:v26+s30+$0x0] =	vst.idx.add.f32.msk $0xffff, v20  }
0x60: {  	v42 =	vadd.s32 $0x2800, v14;
	[tilespmem:v28+s30+$0x0] =	vst.idx.add.f32.msk $0xffff, v15;
	v15 =	vmul.f32 v18, v6  }
0x61: {  	[tilespmem:v29+s30+$0x0] =	vst.idx.add.f32.msk $0xffff, v16;
	v24 =	vmul.f32 v24, v13  }
0x62: {  	[tilespmem:v31+s30+$0x0] =	vst.idx.add.f32.msk $0xffff, v15  }
0x63: {  	v15 =	vadd.s32 $0x2800, v8;
	[tilespmem:v27+s30+$0x0] =	vst.idx.add.f32.msk $0xffff, v24  }
0x64: {  	v11 =	vld.idx.msk [tilespmem:v11+s21+$0x0], $0xffff  }
0x65: {  	v16 =	vld.idx.msk [tilespmem:v42+s21+$0x0], $0xffff  }
0x66: {  	v12 =	vadd.s32 $0x7800, v12;
	v7 =	vld [tilespmem:s26+$0x10]  }
0x67: {  	v47 =	vadd.s32 $0x2800, v26;
	v21 =	vld.idx.msk [tilespmem:v3+s21+$0x0], $0xffff;
	v17 =	vmul.f32 v17, v10  }
0x68: {  	v15 =	vld.idx.msk [tilespmem:v15+s21+$0x0], $0xffff  }
0x69: {  	[tilespmem:v30+s30+$0x0] =	vst.idx.add.f32.msk $0xffff, v17;
	v11 =	vmul.f32 v11, v13;
	v13 =	vadd.s32 $0x2800, v9  }
0x6a: {  	v49 =	vadd.s32 $0x2800, v29;
	v16 =	vmul.f32 v16, v22;
	v1 =	vld [tilespmem:s26+$0x20]  }
0x6b: {  	v43 =	vmul.f32 v19, v7;
	[tilespmem:v12+s30+$0x0] =	vst.idx.add.f32.msk $0xffff, v11;
	v11 =	vadd.s32 $0x2800, v5  }
0x6c: {  	[tilespmem:v47+s30+$0x0] =	vst.idx.add.f32.msk $0xffff, v16;
	v12 =	vadd.s32 $0x2800, v4  }
0x6d: {  	[tilespmem:v40+s30+$0x0] =	vst.idx.add.f32.msk $0xffff, v43;
	v15 =	vmul.f32 v15, v25  }
0x6e: {  	v45 =	vadd.s32 $0x2800, v2;
	v13 =	vld.idx.msk [tilespmem:v13+s21+$0x0], $0xffff  }
0x6f: {  	v46 =	vadd.s32 $0x2800, v3;
	[tilespmem:v49+s30+$0x0] =	vst.idx.add.f32.msk $0xffff, v15  }
0x70: {  	v48 =	vadd.s32 $0x2800, v28;
	v44 =	vmul.f32 v21, v1;
	v11 =	vld.idx.msk [tilespmem:v11+s21+$0x0], $0xffff  }
0x71: {  	v15 =	vadd.s32 $0x5000, v9;
	v12 =	vld.idx.msk [tilespmem:v12+s21+$0x0], $0xffff  }
0x72: {  	v32 =	vadd.s32 $0x2800, v30;
	[tilespmem:v41+s30+$0x0] =	vst.idx.add.f32.msk $0xffff, v44  }
0x73: {  	v33 =	vadd.s32 $0x2800, v31;
	v17 =	vld.idx.msk [tilespmem:v45+s21+$0x0], $0xffff;
	v13 =	vmul.f32 v13, v23  }
0x74: {  	v51 =	vadd.s32 $0x5000, v8;
	v18 =	vld.idx.msk [tilespmem:v46+s21+$0x0], $0xffff  }
0x75: {  	v52 =	vadd.s32 $0x5000, v5;
	[tilespmem:v48+s30+$0x0] =	vst.idx.add.f32.msk $0xffff, v13;
	v11 =	vmul.f32 v11, v10  }
0x76: {  	v34 =	vadd.s32 $0x2800, v40;
	v12 =	vmul.f32 v12, v6;
	v15 =	vld.idx.msk [tilespmem:v15+s21+$0x0], $0xffff  }
0x77: {  	v50 =	vadd.s32 $0x2800, v41;
	[tilespmem:v32+s30+$0x0] =	vst.idx.add.f32.msk $0xffff, v11  }
0x78: {  	v13 =	vadd.s32 $0x5000, v14;
	[tilespmem:v33+s30+$0x0] =	vst.idx.add.f32.msk $0xffff, v12  }
0x79: {  	v53 =	vadd.s32 $0x5000, v3;
	v11 =	vmul.f32 v17, v7;
	v17 =	vld.idx.msk [tilespmem:v51+s21+$0x0], $0xffff  }
0x7a: {  	v55 =	vadd.s32 $0x5000, v28;
	v12 =	vmul.f32 v18, v1;
	v18 =	vld.idx.msk [tilespmem:v52+s21+$0x0], $0xffff  }
0x7b: {  	[tilespmem:v34+s30+$0x0] =	vst.idx.add.f32.msk $0xffff, v11;
	v11 =	vadd.s32 $0x5000, v4  }
0x7c: {  	[tilespmem:v50+s30+$0x0] =	vst.idx.add.f32.msk $0xffff, v12;
	v12 =	vadd.s32 $0x5000, v2  }
0x7d: {  	v9 =	vadd.s32 $0x7800, v9;
	v13 =	vld.idx.msk [tilespmem:v13+s21+$0x0], $0xffff;
	v15 =	vmul.f32 v15, v23  }
0x7e: {  	v57 =	vadd.s32 $0x5000, v30;
	v16 =	vld.idx.msk [tilespmem:v53+s21+$0x0], $0xffff  }
0x7f: {  	v54 =	vadd.s32 $0x5000, v26;
	[tilespmem:v55+s30+$0x0] =	vst.idx.add.f32.msk $0xffff, v15  }
0x80: {  	v5 =	vadd.s32 $0x7800, v5;
	v11 =	vld.idx.msk [tilespmem:v11+s21+$0x0], $0xffff  }
0x81: {  	v56 =	vadd.s32 $0x5000, v29;
	v15 =	vmul.f32 v18, v10;
	v12 =	vld.idx.msk [tilespmem:v12+s21+$0x0], $0xffff  }
0x82: {  	v8 =	vadd.s32 $0x7800, v8;
	v9 =	vld.idx.msk [tilespmem:v9+s21+$0x0], $0xffff;
	v13 =	vmul.f32 v13, v22  }
0x83: {  	v58 =	vadd.s32 $0x5000, v31;
	[tilespmem:v57+s30+$0x0] =	vst.idx.add.f32.msk $0xffff, v15  }
0x84: {  	v59 =	vadd.s32 $0x5000, v40;
	[tilespmem:v54+s30+$0x0] =	vst.idx.add.f32.msk $0xffff, v13;
	v13 =	vmul.f32 v17, v25  }
0x85: {  	v60 =	vadd.s32 $0x5000, v41;
	v5 =	vld.idx.msk [tilespmem:v5+s21+$0x0], $0xffff  }
0x86: {  	v14 =	vadd.s32 $0x7800, v14;
	[tilespmem:v56+s30+$0x0] =	vst.idx.add.f32.msk $0xffff, v13;
	v11 =	vmul.f32 v11, v6  }
0x87: {  	v4 =	vadd.s32 $0x7800, v4;
	v12 =	vmul.f32 v12, v7;
	v13 =	vld.idx.msk [tilespmem:v8+s21+$0x0], $0xffff  }
0x88: {  	v2 =	vadd.s32 $0x7800, v2;
	[tilespmem:v58+s30+$0x0] =	vst.idx.add.f32.msk $0xffff, v11;
	v11 =	vmul.f32 v16, v1  }
0x89: {  	v3 =	vadd.s32 $0x7800, v3;
	[tilespmem:v59+s30+$0x0] =	vst.idx.add.f32.msk $0xffff, v12  }
0x8a: {  	v62 =	vadd.s32 $0x7800, v30;
	[tilespmem:v60+s30+$0x0] =	vst.idx.add.f32.msk $0xffff, v11  }
0x8b: {  	v15 =	vadd.s32 $0x7800, v29;
	v11 =	vld.idx.msk [tilespmem:v14+s21+$0x0], $0xffff  }
0x8c: {  	v61 =	vld.idx.msk [tilespmem:v4+s21+$0x0], $0xffff;
	v14 =	vadd.s32 $0x7800, v28  }
0x8d: {  	v12 =	vadd.s32 $0x7800, v26;
	v5 =	vmul.f32 v5, v10;
	v63 =	vld.idx.msk [tilespmem:v2+s21+$0x0], $0xffff  }
0x8e: {  	v8 =	vld.idx.msk [tilespmem:v3+s21+$0x0], $0xffff;
	v4 =	vmul.f32 v13, v25  }
0x8f: {  	[tilespmem:v62+s30+$0x0] =	vst.idx.add.f32.msk $0xffff, v5;
	v3 =	vmul.f32 v9, v23  }
0x90: {  	[tilespmem:v15+s30+$0x0] =	vst.idx.add.f32.msk $0xffff, v4;
	v2 =	vmul.f32 v11, v22  }
0x91: {  	v4 =	vadd.s32 $0x7800, v41;
	v13 =	vmul.f32 v61, v6;
	[tilespmem:v14+s30+$0x0] =	vst.idx.add.f32.msk $0xffff, v3  }
0x92: {  	s28 =	simm.s32 $0x0;
	s3 =	simm.s32 $0xC0;
	v6 =	vmul.f32 v63, v7;
	v3 =	vadd.s32 $0x7800, v40;
	[tilespmem:v12+s30+$0x0] =	vst.idx.add.f32.msk $0xffff, v2;
	v2 =	vadd.s32 $0x7800, v31  }
.LBB2_4:
0x93: {  	v28 =	vld [tilespmem:s3+$0x30];
	s28 =	sadd.s32 $0x8, s28;
	v5 =	vmul.f32 v8, v1  }
0x94: {  	v1 =	vld [tilespmem:s3+$0xFFFFFFD0];
	p0 =	slt.u32 s28, $0x138  }
0x95: {  	v15 =	vld [tilespmem:s3+$0xFFFFFFE0]  }
0x96: {  	v16 =	vld [tilespmem:s3+$0xFFFFFFF0]  }
0x97: {  	v17 =	vld [tilespmem:s3+$0x0]  }
0x98: {  	v18 =	vld [tilespmem:s3+$0x10]  }
0x99: {  	s25 =	sadd.s32 $0x80, s25;
	v27 =	vadd.s32 $0x2800, v1;
	v14 =	vadd.s32 $0x5000, v1;
	v7 =	vadd.s32 $0x7800, v1;
	v19 =	vld [tilespmem:s3+$0x20]  }
0x9a: {  	v29 =	vadd.s32 $0x2800, v15;
	v20 =	vadd.s32 $0x5000, v15;
	v8 =	vadd.s32 $0x7800, v15;
	v36 =	vld [tilespmem:s25+$0x30]  }
0x9b: {  	s26 =	sadd.s32 $0x80, s26;
	v33 =	vadd.s32 $0x2800, v16;
	v22 =	vadd.s32 $0x5000, v16;
	v9 =	vadd.s32 $0x7800, v16;
	v21 =	vld.idx.msk [tilespmem:v28+s21+$0x0], $0xffff  }
0x9c: {  	v35 =	vadd.s32 $0x2800, v17;
	v24 =	vadd.s32 $0x5000, v17;
	v10 =	vadd.s32 $0x7800, v17;
	v37 =	vld [tilespmem:s26+$0x30]  }
0x9d: {  	v23 =	vld [tilespmem:s3+$0xFFFFFFC0];
	v38 =	vadd.s32 $0x2800, v18;
	v25 =	vadd.s32 $0x5000, v18;
	v11 =	vadd.s32 $0x7800, v18  }
0x9e: {  	v1 =	vld.idx.msk [tilespmem:v1+s21+$0x0], $0xffff;
	v39 =	vadd.s32 $0x2800, v19;
	v26 =	vadd.s32 $0x5000, v19;
	v12 =	vadd.s32 $0x7800, v19  }
0x9f: {  	v31 =	vld.idx.msk [tilespmem:v15+s21+$0x0], $0xffff;
	v15 =	vadd.s32 $0x2800, v28  }
0xa0: {  	v32 =	vld.idx.msk [tilespmem:v16+s21+$0x0], $0xffff  }
0xa1: {  	v34 =	vld.idx.msk [tilespmem:v17+s21+$0x0], $0xffff;
	v16 =	vmul.f32 v21, v37  }
0xa2: {  	v40 =	vadd.s32 $0x2800, v23;
	v30 =	vadd.s32 $0x5000, v23;
	v21 =	vadd.s32 $0x7800, v23;
	v41 =	vld.idx.msk [tilespmem:v18+s21+$0x0], $0xffff  }
0xa3: {  	[tilespmem:v36+s30+$0x0] =	vst.idx.add.f32.msk $0xffff, v16  }
0xa4: {  	v16 =	vld.idx.msk [tilespmem:v15+s21+$0x0], $0xffff  }
0xa5: {  	v23 =	vld.idx.msk [tilespmem:v23+s21+$0x0], $0xffff  }
0xa6: {  	v42 =	vld.idx.msk [tilespmem:v19+s21+$0x0], $0xffff  }
0xa7: {  	v43 =	vadd.s32 $0x2800, v36;
	v18 =	vld [tilespmem:s26+$0xFFFFFFC0]  }
0xa8: {  	v44 =	vadd.s32 $0x5000, v28;
	v19 =	vld [tilespmem:s26+$0xFFFFFFD0]  }
0xa9: {  	v17 =	vld [tilespmem:s26+$0xFFFFFFE0]  }
0xaa: {  	v45 =	vmul.f32 v16, v37;
	v15 =	vld [tilespmem:s26+$0xFFFFFFF0]  }
0xab: {  	v16 =	vld [tilespmem:s26+$0x0]  }
0xac: {  	v46 =	vmul.f32 v23, v18;
	[tilespmem:v43+s30+$0x0] =	vst.idx.add.f32.msk $0xffff, v45  }
0xad: {  	v43 =	vmul.f32 v1, v19;
	v44 =	vld.idx.msk [tilespmem:v44+s21+$0x0], $0xffff  }
0xae: {  	v45 =	vmul.f32 v31, v17;
	v23 =	vld [tilespmem:s26+$0x10]  }
0xaf: {  	v47 =	vmul.f32 v32, v15;
	v1 =	vld [tilespmem:s26+$0x20]  }
0xb0: {  	v31 =	vadd.s32 $0x5000, v36;
	v48 =	vld [tilespmem:s25+$0xFFFFFFC0];
	v49 =	vmul.f32 v34, v16  }
0xb1: {  	v32 =	vadd.s32 $0x7800, v28;
	v50 =	vld [tilespmem:s25+$0xFFFFFFD0]  }
0xb2: {  	v51 =	vld [tilespmem:s25+$0xFFFFFFE0]  }
0xb3: {  	v34 =	vmul.f32 v44, v37;
	v52 =	vld [tilespmem:s25+$0xFFFFFFF0];
	v41 =	vmul.f32 v41, v23  }
0xb4: {  	v44 =	vld [tilespmem:s25+$0x0];
	v42 =	vmul.f32 v42, v1  }
0xb5: {  	v53 =	vadd.s32 $0x2800, v48;
	v54 =	vadd.s32 $0x5000, v48;
	v28 =	vadd.s32 $0x7800, v48;
	[tilespmem:v31+s30+$0x0] =	vst.idx.add.f32.msk $0xffff, v34  }
0xb6: {  	v55 =	vadd.s32 $0x2800, v50;
	v56 =	vadd.s32 $0x5000, v50;
	v31 =	vadd.s32 $0x7800, v50;
	v57 =	vld.idx.msk [tilespmem:v32+s21+$0x0], $0xffff  }
0xb7: {  	v58 =	vadd.s32 $0x2800, v51;
	v59 =	vadd.s32 $0x5000, v51;
	v32 =	vadd.s32 $0x7800, v51;
	v60 =	vld [tilespmem:s25+$0x10]  }
0xb8: {  	v61 =	vadd.s32 $0x2800, v52;
	v62 =	vadd.s32 $0x5000, v52;
	v34 =	vadd.s32 $0x7800, v52;
	v63 =	vld [tilespmem:s25+$0x20]  }
0xb9: {  	v36 =	vadd.s32 $0x7800, v36;
	[tilespmem:v48+s30+$0x0] =	vst.idx.add.f32.msk $0xffff, v46;
	v46 =	vadd.s32 $0x2800, v44;
	v48 =	vadd.s32 $0x5000, v44  }
0xba: {  	[tilespmem:v50+s30+$0x0] =	vst.idx.add.f32.msk $0xffff, v43;
	v43 =	vadd.s32 $0x7800, v44  }
0xbb: {  	[tilespmem:v51+s30+$0x0] =	vst.idx.add.f32.msk $0xffff, v45  }
0xbc: {  	v37 =	vmul.f32 v57, v37;
	[tilespmem:v52+s30+$0x0] =	vst.idx.add.f32.msk $0xffff, v47;
	v45 =	vadd.s32 $0x2800, v60;
	v47 =	vadd.s32 $0x5000, v60  }
0xbd: {  	[tilespmem:v44+s30+$0x0] =	vst.idx.add.f32.msk $0xffff, v49;
	v44 =	vadd.s32 $0x7800, v60;
	v49 =	vadd.s32 $0x2800, v63;
	v50 =	vadd.s32 $0x5000, v63  }
0xbe: {  	v51 =	vadd.s32 $0x7800, v63;
	[tilespmem:v36+s30+$0x0] =	vst.idx.add.f32.msk $0xffff, v37  }
0xbf: {  	[tilespmem:v60+s30+$0x0] =	vst.idx.add.f32.msk $0xffff, v41  }
0xc0: {  	[tilespmem:v63+s30+$0x0] =	vst.idx.add.f32.msk $0xffff, v42  }
0xc1: {  	v36 =	vld.idx.msk [tilespmem:v40+s21+$0x0], $0xffff  }
0xc2: {  	v27 =	vld.idx.msk [tilespmem:v27+s21+$0x0], $0xffff  }
0xc3: {  	v29 =	vld.idx.msk [tilespmem:v29+s21+$0x0], $0xffff  }
0xc4: {  	v33 =	vld.idx.msk [tilespmem:v33+s21+$0x0], $0xffff  }
0xc5: {  	v35 =	vld.idx.msk [tilespmem:v35+s21+$0x0], $0xffff  }
0xc6: {  	v37 =	vld.idx.msk [tilespmem:v38+s21+$0x0], $0xffff  }
0xc7: {  	v36 =	vmul.f32 v36, v18;
	v38 =	vld.idx.msk [tilespmem:v39+s21+$0x0], $0xffff  }
0xc8: {  	v27 =	vmul.f32 v27, v19;
	[tilespmem:v2+s30+$0x0] =	vst.idx.add.f32.msk $0xffff, v13;
	v2 =	vmov v43  }
0xc9: {  	v13 =	vmul.f32 v29, v17;
	[tilespmem:v53+s30+$0x0] =	vst.idx.add.f32.msk $0xffff, v36  }
0xca: {  	[tilespmem:v55+s30+$0x0] =	vst.idx.add.f32.msk $0xffff, v27;
	v27 =	vmul.f32 v33, v15  }
0xcb: {  	[tilespmem:v58+s30+$0x0] =	vst.idx.add.f32.msk $0xffff, v13;
	v13 =	vmul.f32 v35, v16  }
0xcc: {  	[tilespmem:v61+s30+$0x0] =	vst.idx.add.f32.msk $0xffff, v27;
	v27 =	vmul.f32 v37, v23  }
0xcd: {  	[tilespmem:v46+s30+$0x0] =	vst.idx.add.f32.msk $0xffff, v13;
	v13 =	vmul.f32 v38, v1  }
0xce: {  	[tilespmem:v45+s30+$0x0] =	vst.idx.add.f32.msk $0xffff, v27  }
0xcf: {  	[tilespmem:v49+s30+$0x0] =	vst.idx.add.f32.msk $0xffff, v13  }
0xd0: {  	v13 =	vld.idx.msk [tilespmem:v30+s21+$0x0], $0xffff  }
0xd1: {  	v14 =	vld.idx.msk [tilespmem:v14+s21+$0x0], $0xffff  }
0xd2: {  	v20 =	vld.idx.msk [tilespmem:v20+s21+$0x0], $0xffff  }
0xd3: {  	v22 =	vld.idx.msk [tilespmem:v22+s21+$0x0], $0xffff  }
0xd4: {  	v24 =	vld.idx.msk [tilespmem:v24+s21+$0x0], $0xffff  }
0xd5: {  	v25 =	vld.idx.msk [tilespmem:v25+s21+$0x0], $0xffff  }
0xd6: {  	v13 =	vmul.f32 v13, v18;
	v26 =	vld.idx.msk [tilespmem:v26+s21+$0x0], $0xffff  }
0xd7: {  	v14 =	vmul.f32 v14, v19;
	[tilespmem:v3+s30+$0x0] =	vst.idx.add.f32.msk $0xffff, v6;
	v3 =	vmov v44  }
0xd8: {  	v6 =	vmul.f32 v20, v17;
	[tilespmem:v54+s30+$0x0] =	vst.idx.add.f32.msk $0xffff, v13  }
0xd9: {  	v13 =	vmul.f32 v22, v15;
	[tilespmem:v56+s30+$0x0] =	vst.idx.add.f32.msk $0xffff, v14  }
0xda: {  	[tilespmem:v59+s30+$0x0] =	vst.idx.add.f32.msk $0xffff, v6;
	v6 =	vmul.f32 v24, v16  }
0xdb: {  	[tilespmem:v62+s30+$0x0] =	vst.idx.add.f32.msk $0xffff, v13;
	v13 =	vmul.f32 v25, v23  }
0xdc: {  	[tilespmem:v48+s30+$0x0] =	vst.idx.add.f32.msk $0xffff, v6;
	v6 =	vmul.f32 v26, v1  }
0xdd: {  	[tilespmem:v47+s30+$0x0] =	vst.idx.add.f32.msk $0xffff, v13  }
0xde: {  	[tilespmem:v50+s30+$0x0] =	vst.idx.add.f32.msk $0xffff, v6  }
0xdf: {  	v6 =	vld.idx.msk [tilespmem:v21+s21+$0x0], $0xffff  }
0xe0: {  	v7 =	vld.idx.msk [tilespmem:v7+s21+$0x0], $0xffff  }
0xe1: {  	v13 =	vld.idx.msk [tilespmem:v8+s21+$0x0], $0xffff  }
0xe2: {  	v9 =	vld.idx.msk [tilespmem:v9+s21+$0x0], $0xffff  }
0xe3: {  	v10 =	vld.idx.msk [tilespmem:v10+s21+$0x0], $0xffff  }
0xe4: {  	v11 =	vld.idx.msk [tilespmem:v11+s21+$0x0], $0xffff  }
0xe5: {  	v6 =	vmul.f32 v6, v18;
	v8 =	vld.idx.msk [tilespmem:v12+s21+$0x0], $0xffff  }
.Ltmp1:
0xe6: {  	v7 =	vmul.f32 v7, v19;
	[tilespmem:v4+s30+$0x0] =	vst.idx.add.f32.msk $0xffff, v5;
	v4 =	vmov v51;
	(pc) =	sbr.rel @p0 .LBB2_4-.Ltmp1, $4  }
0xe7: {  	v5 =	vmul.f32 v13, v17;
	[tilespmem:v28+s30+$0x0] =	vst.idx.add.f32.msk $0xffff, v6  }
0xe8: {  	v6 =	vmul.f32 v9, v15;
	[tilespmem:v31+s30+$0x0] =	vst.idx.add.f32.msk $0xffff, v7  }
0xe9: {  	v13 =	vmul.f32 v10, v16;
	[tilespmem:v32+s30+$0x0] =	vst.idx.add.f32.msk $0xffff, v5  }
0xea: {  	s3 =	sadd.s32 $0x80, s3;
	[tilespmem:v34+s30+$0x0] =	vst.idx.add.f32.msk $0xffff, v6;
	v6 =	vmul.f32 v11, v23  }
0xeb: {  	_ =	sdelay $0x3  }
0xec: {  	v1 =	vmul.f32 v8, v1;
	[tilespmem:v2+s30+$0x0] =	vst.idx.add.f32.msk $0xffff, v13  }
0xed: {  	[tilespmem:v3+s30+$0x0] =	vst.idx.add.f32.msk $0xffff, v6  }
0xee: {  	[tilespmem:v4+s30+$0x0] =	vst.idx.add.f32.msk $0xffff, v1  }
0xef: {  	[tilespmem:s2], [sflag:$0x2] =	stream.linear.gather [hbm4b:s10+s2], $0x1400, $0x38;
	[tilespmem:$0x1B800] =	vst v63  }
0xf0: {  	s3 =	simm.s32 $0x1400  }
0xf1: {  	[tilespmem:s3], [sflag:$0x2] =	stream.linear.gather [hbm4b:s11+s2], $0x1400, $0x38;
	[tilespmem:$0x1B800] =	vst v63  }
0xf2: {  	s26 =	simm.s32 $0x2800  }
0xf3: {  	[tilespmem:s26], [sflag:$0x2] =	stream.linear.gather [hbm4b:s12+s2], $0x1400, $0x38;
	[tilespmem:$0x1B800] =	vst v63  }
0xf4: {  	_ =	swait.ge [sflag:s31], $0x1400  }
0xf5: {  	[sflag:s31] =	ssyncset.done $0x0  }
0xf6: {  	[sflag:s31] =	ssyncadd.s32 $0xFFFFEC00  }
0xf7: {  	_ =	swait.ge [sflag:s31], $0x1400  }
0xf8: {  	[sflag:s31] =	ssyncset.done $0x0  }
0xf9: {  	[sflag:s31] =	ssyncadd.s32 $0xFFFFEC00  }
0xfa: {  	_ =	swait.ge [sflag:s31], $0x1400  }
0xfb: {  	[sflag:s31] =	ssyncset.done $0x0  }
0xfc: {  	s3 =	simm.s32 $0x3C40;
	[sflag:s31] =	ssyncadd.s32 $0xFFFFEC00  }
0xfd: {  	v11 =	vld [tilespmem:s3+$0x30]  }
0xfe: {  	v9 =	vld [tilespmem:s3+$0xFFFFFFD0]  }
0xff: {  	v8 =	vld [tilespmem:s3+$0xFFFFFFE0]  }
0x100: {  	v5 =	vld [tilespmem:s3+$0xFFFFFFF0]  }
0x101: {  	v4 =	vld [tilespmem:s3+$0x0]  }
0x102: {  	v2 =	vld [tilespmem:s3+$0x10]  }
0x103: {  	s25 =	simm.s32 $0x5040;
	v3 =	vld [tilespmem:s3+$0x20]  }
0x104: {  	s26 =	simm.s32 $0x6440;
	v12 =	vld [tilespmem:s25+$0x30]  }
0x105: {  	v13 =	vld [tilespmem:s26+$0x30]  }
0x106: {  	v14 =	vld [tilespmem:s3+$0xFFFFFFC0]  }
0x107: {  	v22 =	vld [tilespmem:s26+$0xFFFFFFC0]  }
0x108: {  	v23 =	vld [tilespmem:s26+$0xFFFFFFD0]  }
0x109: {  	v25 =	vld [tilespmem:s26+$0xFFFFFFE0]  }
0x10a: {  	v10 =	vld [tilespmem:s26+$0xFFFFFFF0]  }
0x10b: {  	v1 =	vld.idx.msk [tilespmem:v11+s21+$0x0], $0xffff  }
0x10c: {  	v26 =	vld [tilespmem:s25+$0xFFFFFFC0]  }
0x10d: {  	v28 =	vld [tilespmem:s25+$0xFFFFFFD0]  }
0x10e: {  	v29 =	vld [tilespmem:s25+$0xFFFFFFE0];
	v6 =	vadd.s32 $0x2800, v11  }
0x10f: {  	v30 =	vld [tilespmem:s25+$0xFFFFFFF0]  }
0x110: {  	v31 =	vld [tilespmem:s25+$0x0];
	v1 =	vmul.f32 v1, v13  }
0x111: {  	v40 =	vld [tilespmem:s25+$0x10]  }
0x112: {  	[tilespmem:v12+s30+$0x0] =	vst.idx.add.f32.msk $0xffff, v1  }
0x113: {  	v1 =	vld.idx.msk [tilespmem:v6+s21+$0x0], $0xffff  }
0x114: {  	v41 =	vld [tilespmem:s25+$0x20]  }
0x115: {  	v7 =	vadd.s32 $0x2800, v12;
	v15 =	vld.idx.msk [tilespmem:v9+s21+$0x0], $0xffff  }
0x116: {  	v24 =	vadd.s32 $0x5000, v11;
	v16 =	vld.idx.msk [tilespmem:v8+s21+$0x0], $0xffff  }
0x117: {  	v20 =	vld.idx.msk [tilespmem:v14+s21+$0x0], $0xffff  }
0x118: {  	v18 =	vld.idx.msk [tilespmem:v4+s21+$0x0], $0xffff;
	v1 =	vmul.f32 v1, v13  }
0x119: {  	v6 =	vld [tilespmem:s26+$0x0]  }
0x11a: {  	[tilespmem:v7+s30+$0x0] =	vst.idx.add.f32.msk $0xffff, v1  }
0x11b: {  	v24 =	vld.idx.msk [tilespmem:v24+s21+$0x0], $0xffff  }
0x11c: {  	v17 =	vld.idx.msk [tilespmem:v5+s21+$0x0], $0xffff;
	v20 =	vmul.f32 v20, v22  }
0x11d: {  	v27 =	vadd.s32 $0x5000, v12;
	v19 =	vld.idx.msk [tilespmem:v2+s21+$0x0], $0xffff;
	v15 =	vmul.f32 v15, v23  }
0x11e: {  	v11 =	vadd.s32 $0x7800, v11;
	v16 =	vmul.f32 v16, v25;
	[tilespmem:v26+s30+$0x0] =	vst.idx.add.f32.msk $0xffff, v20  }
0x11f: {  	v42 =	vadd.s32 $0x2800, v14;
	[tilespmem:v28+s30+$0x0] =	vst.idx.add.f32.msk $0xffff, v15;
	v15 =	vmul.f32 v18, v6  }
0x120: {  	[tilespmem:v29+s30+$0x0] =	vst.idx.add.f32.msk $0xffff, v16;
	v24 =	vmul.f32 v24, v13  }
0x121: {  	[tilespmem:v31+s30+$0x0] =	vst.idx.add.f32.msk $0xffff, v15  }
0x122: {  	v15 =	vadd.s32 $0x2800, v8;
	[tilespmem:v27+s30+$0x0] =	vst.idx.add.f32.msk $0xffff, v24  }
0x123: {  	v11 =	vld.idx.msk [tilespmem:v11+s21+$0x0], $0xffff  }
0x124: {  	v16 =	vld.idx.msk [tilespmem:v42+s21+$0x0], $0xffff  }
0x125: {  	v12 =	vadd.s32 $0x7800, v12;
	v7 =	vld [tilespmem:s26+$0x10]  }
0x126: {  	v47 =	vadd.s32 $0x2800, v26;
	v21 =	vld.idx.msk [tilespmem:v3+s21+$0x0], $0xffff;
	v17 =	vmul.f32 v17, v10  }
0x127: {  	v15 =	vld.idx.msk [tilespmem:v15+s21+$0x0], $0xffff  }
0x128: {  	[tilespmem:v30+s30+$0x0] =	vst.idx.add.f32.msk $0xffff, v17;
	v11 =	vmul.f32 v11, v13;
	v13 =	vadd.s32 $0x2800, v9  }
0x129: {  	v49 =	vadd.s32 $0x2800, v29;
	v16 =	vmul.f32 v16, v22;
	v1 =	vld [tilespmem:s26+$0x20]  }
0x12a: {  	v43 =	vmul.f32 v19, v7;
	[tilespmem:v12+s30+$0x0] =	vst.idx.add.f32.msk $0xffff, v11;
	v11 =	vadd.s32 $0x2800, v5  }
0x12b: {  	[tilespmem:v47+s30+$0x0] =	vst.idx.add.f32.msk $0xffff, v16;
	v12 =	vadd.s32 $0x2800, v4  }
0x12c: {  	[tilespmem:v40+s30+$0x0] =	vst.idx.add.f32.msk $0xffff, v43;
	v15 =	vmul.f32 v15, v25  }
0x12d: {  	v45 =	vadd.s32 $0x2800, v2;
	v13 =	vld.idx.msk [tilespmem:v13+s21+$0x0], $0xffff  }
0x12e: {  	v46 =	vadd.s32 $0x2800, v3;
	[tilespmem:v49+s30+$0x0] =	vst.idx.add.f32.msk $0xffff, v15  }
0x12f: {  	v48 =	vadd.s32 $0x2800, v28;
	v44 =	vmul.f32 v21, v1;
	v11 =	vld.idx.msk [tilespmem:v11+s21+$0x0], $0xffff  }
0x130: {  	v15 =	vadd.s32 $0x5000, v9;
	v12 =	vld.idx.msk [tilespmem:v12+s21+$0x0], $0xffff  }
0x131: {  	v32 =	vadd.s32 $0x2800, v30;
	[tilespmem:v41+s30+$0x0] =	vst.idx.add.f32.msk $0xffff, v44  }
0x132: {  	v33 =	vadd.s32 $0x2800, v31;
	v17 =	vld.idx.msk [tilespmem:v45+s21+$0x0], $0xffff;
	v13 =	vmul.f32 v13, v23  }
0x133: {  	v51 =	vadd.s32 $0x5000, v8;
	v18 =	vld.idx.msk [tilespmem:v46+s21+$0x0], $0xffff  }
0x134: {  	v52 =	vadd.s32 $0x5000, v5;
	[tilespmem:v48+s30+$0x0] =	vst.idx.add.f32.msk $0xffff, v13;
	v11 =	vmul.f32 v11, v10  }
0x135: {  	v34 =	vadd.s32 $0x2800, v40;
	v12 =	vmul.f32 v12, v6;
	v15 =	vld.idx.msk [tilespmem:v15+s21+$0x0], $0xffff  }
0x136: {  	v50 =	vadd.s32 $0x2800, v41;
	[tilespmem:v32+s30+$0x0] =	vst.idx.add.f32.msk $0xffff, v11  }
0x137: {  	v13 =	vadd.s32 $0x5000, v14;
	[tilespmem:v33+s30+$0x0] =	vst.idx.add.f32.msk $0xffff, v12  }
0x138: {  	v53 =	vadd.s32 $0x5000, v3;
	v11 =	vmul.f32 v17, v7;
	v17 =	vld.idx.msk [tilespmem:v51+s21+$0x0], $0xffff  }
0x139: {  	v55 =	vadd.s32 $0x5000, v28;
	v12 =	vmul.f32 v18, v1;
	v18 =	vld.idx.msk [tilespmem:v52+s21+$0x0], $0xffff  }
0x13a: {  	[tilespmem:v34+s30+$0x0] =	vst.idx.add.f32.msk $0xffff, v11;
	v11 =	vadd.s32 $0x5000, v4  }
0x13b: {  	[tilespmem:v50+s30+$0x0] =	vst.idx.add.f32.msk $0xffff, v12;
	v12 =	vadd.s32 $0x5000, v2  }
0x13c: {  	v9 =	vadd.s32 $0x7800, v9;
	v13 =	vld.idx.msk [tilespmem:v13+s21+$0x0], $0xffff;
	v15 =	vmul.f32 v15, v23  }
0x13d: {  	v57 =	vadd.s32 $0x5000, v30;
	v16 =	vld.idx.msk [tilespmem:v53+s21+$0x0], $0xffff  }
0x13e: {  	v54 =	vadd.s32 $0x5000, v26;
	[tilespmem:v55+s30+$0x0] =	vst.idx.add.f32.msk $0xffff, v15  }
0x13f: {  	v5 =	vadd.s32 $0x7800, v5;
	v11 =	vld.idx.msk [tilespmem:v11+s21+$0x0], $0xffff  }
0x140: {  	v56 =	vadd.s32 $0x5000, v29;
	v15 =	vmul.f32 v18, v10;
	v12 =	vld.idx.msk [tilespmem:v12+s21+$0x0], $0xffff  }
0x141: {  	v8 =	vadd.s32 $0x7800, v8;
	v9 =	vld.idx.msk [tilespmem:v9+s21+$0x0], $0xffff;
	v13 =	vmul.f32 v13, v22  }
0x142: {  	v58 =	vadd.s32 $0x5000, v31;
	[tilespmem:v57+s30+$0x0] =	vst.idx.add.f32.msk $0xffff, v15  }
0x143: {  	v59 =	vadd.s32 $0x5000, v40;
	[tilespmem:v54+s30+$0x0] =	vst.idx.add.f32.msk $0xffff, v13;
	v13 =	vmul.f32 v17, v25  }
0x144: {  	v60 =	vadd.s32 $0x5000, v41;
	v5 =	vld.idx.msk [tilespmem:v5+s21+$0x0], $0xffff  }
0x145: {  	v14 =	vadd.s32 $0x7800, v14;
	[tilespmem:v56+s30+$0x0] =	vst.idx.add.f32.msk $0xffff, v13;
	v11 =	vmul.f32 v11, v6  }
0x146: {  	v4 =	vadd.s32 $0x7800, v4;
	v12 =	vmul.f32 v12, v7;
	v13 =	vld.idx.msk [tilespmem:v8+s21+$0x0], $0xffff  }
0x147: {  	v2 =	vadd.s32 $0x7800, v2;
	[tilespmem:v58+s30+$0x0] =	vst.idx.add.f32.msk $0xffff, v11;
	v11 =	vmul.f32 v16, v1  }
0x148: {  	v3 =	vadd.s32 $0x7800, v3;
	[tilespmem:v59+s30+$0x0] =	vst.idx.add.f32.msk $0xffff, v12  }
0x149: {  	v62 =	vadd.s32 $0x7800, v30;
	[tilespmem:v60+s30+$0x0] =	vst.idx.add.f32.msk $0xffff, v11  }
0x14a: {  	v15 =	vadd.s32 $0x7800, v29;
	v11 =	vld.idx.msk [tilespmem:v14+s21+$0x0], $0xffff  }
0x14b: {  	v61 =	vld.idx.msk [tilespmem:v4+s21+$0x0], $0xffff;
	v14 =	vadd.s32 $0x7800, v28  }
0x14c: {  	v12 =	vadd.s32 $0x7800, v26;
	v5 =	vmul.f32 v5, v10;
	v63 =	vld.idx.msk [tilespmem:v2+s21+$0x0], $0xffff  }
0x14d: {  	v8 =	vld.idx.msk [tilespmem:v3+s21+$0x0], $0xffff;
	v4 =	vmul.f32 v13, v25  }
0x14e: {  	[tilespmem:v62+s30+$0x0] =	vst.idx.add.f32.msk $0xffff, v5;
	v3 =	vmul.f32 v9, v23  }
0x14f: {  	[tilespmem:v15+s30+$0x0] =	vst.idx.add.f32.msk $0xffff, v4;
	v2 =	vmul.f32 v11, v22  }
0x150: {  	v4 =	vadd.s32 $0x7800, v41;
	v13 =	vmul.f32 v61, v6;
	[tilespmem:v14+s30+$0x0] =	vst.idx.add.f32.msk $0xffff, v3  }
0x151: {  	s28 =	simm.s32 $0x0;
	s3 =	simm.s32 $0x3CC0;
	v6 =	vmul.f32 v63, v7;
	v3 =	vadd.s32 $0x7800, v40;
	[tilespmem:v12+s30+$0x0] =	vst.idx.add.f32.msk $0xffff, v2;
	v2 =	vadd.s32 $0x7800, v31  }
.LBB2_6:
0x152: {  	v28 =	vld [tilespmem:s3+$0x30];
	s28 =	sadd.s32 $0x8, s28;
	v5 =	vmul.f32 v8, v1  }
0x153: {  	v1 =	vld [tilespmem:s3+$0xFFFFFFD0];
	p0 =	slt.u32 s28, $0x138  }
0x154: {  	v15 =	vld [tilespmem:s3+$0xFFFFFFE0]  }
0x155: {  	v16 =	vld [tilespmem:s3+$0xFFFFFFF0]  }
0x156: {  	v17 =	vld [tilespmem:s3+$0x0]  }
0x157: {  	v18 =	vld [tilespmem:s3+$0x10]  }
0x158: {  	s25 =	sadd.s32 $0x80, s25;
	v27 =	vadd.s32 $0x2800, v1;
	v14 =	vadd.s32 $0x5000, v1;
	v7 =	vadd.s32 $0x7800, v1;
	v19 =	vld [tilespmem:s3+$0x20]  }
0x159: {  	v29 =	vadd.s32 $0x2800, v15;
	v20 =	vadd.s32 $0x5000, v15;
	v8 =	vadd.s32 $0x7800, v15;
	v36 =	vld [tilespmem:s25+$0x30]  }
0x15a: {  	s26 =	sadd.s32 $0x80, s26;
	v33 =	vadd.s32 $0x2800, v16;
	v22 =	vadd.s32 $0x5000, v16;
	v9 =	vadd.s32 $0x7800, v16;
	v21 =	vld.idx.msk [tilespmem:v28+s21+$0x0], $0xffff  }
0x15b: {  	v35 =	vadd.s32 $0x2800, v17;
	v24 =	vadd.s32 $0x5000, v17;
	v10 =	vadd.s32 $0x7800, v17;
	v37 =	vld [tilespmem:s26+$0x30]  }
0x15c: {  	v23 =	vld [tilespmem:s3+$0xFFFFFFC0];
	v38 =	vadd.s32 $0x2800, v18;
	v25 =	vadd.s32 $0x5000, v18;
	v11 =	vadd.s32 $0x7800, v18  }
0x15d: {  	v1 =	vld.idx.msk [tilespmem:v1+s21+$0x0], $0xffff;
	v39 =	vadd.s32 $0x2800, v19;
	v26 =	vadd.s32 $0x5000, v19;
	v12 =	vadd.s32 $0x7800, v19  }
0x15e: {  	v31 =	vld.idx.msk [tilespmem:v15+s21+$0x0], $0xffff;
	v15 =	vadd.s32 $0x2800, v28  }
0x15f: {  	v32 =	vld.idx.msk [tilespmem:v16+s21+$0x0], $0xffff  }
0x160: {  	v34 =	vld.idx.msk [tilespmem:v17+s21+$0x0], $0xffff;
	v16 =	vmul.f32 v21, v37  }
0x161: {  	v40 =	vadd.s32 $0x2800, v23;
	v30 =	vadd.s32 $0x5000, v23;
	v21 =	vadd.s32 $0x7800, v23;
	v41 =	vld.idx.msk [tilespmem:v18+s21+$0x0], $0xffff  }
0x162: {  	[tilespmem:v36+s30+$0x0] =	vst.idx.add.f32.msk $0xffff, v16  }
0x163: {  	v16 =	vld.idx.msk [tilespmem:v15+s21+$0x0], $0xffff  }
0x164: {  	v23 =	vld.idx.msk [tilespmem:v23+s21+$0x0], $0xffff  }
0x165: {  	v42 =	vld.idx.msk [tilespmem:v19+s21+$0x0], $0xffff  }
0x166: {  	v43 =	vadd.s32 $0x2800, v36;
	v18 =	vld [tilespmem:s26+$0xFFFFFFC0]  }
0x167: {  	v44 =	vadd.s32 $0x5000, v28;
	v19 =	vld [tilespmem:s26+$0xFFFFFFD0]  }
0x168: {  	v17 =	vld [tilespmem:s26+$0xFFFFFFE0]  }
0x169: {  	v45 =	vmul.f32 v16, v37;
	v15 =	vld [tilespmem:s26+$0xFFFFFFF0]  }
0x16a: {  	v16 =	vld [tilespmem:s26+$0x0]  }
0x16b: {  	v46 =	vmul.f32 v23, v18;
	[tilespmem:v43+s30+$0x0] =	vst.idx.add.f32.msk $0xffff, v45  }
0x16c: {  	v43 =	vmul.f32 v1, v19;
	v44 =	vld.idx.msk [tilespmem:v44+s21+$0x0], $0xffff  }
0x16d: {  	v45 =	vmul.f32 v31, v17;
	v23 =	vld [tilespmem:s26+$0x10]  }
0x16e: {  	v47 =	vmul.f32 v32, v15;
	v1 =	vld [tilespmem:s26+$0x20]  }
0x16f: {  	v31 =	vadd.s32 $0x5000, v36;
	v48 =	vld [tilespmem:s25+$0xFFFFFFC0];
	v49 =	vmul.f32 v34, v16  }
0x170: {  	v32 =	vadd.s32 $0x7800, v28;
	v50 =	vld [tilespmem:s25+$0xFFFFFFD0]  }
0x171: {  	v51 =	vld [tilespmem:s25+$0xFFFFFFE0]  }
0x172: {  	v34 =	vmul.f32 v44, v37;
	v52 =	vld [tilespmem:s25+$0xFFFFFFF0];
	v41 =	vmul.f32 v41, v23  }
0x173: {  	v44 =	vld [tilespmem:s25+$0x0];
	v42 =	vmul.f32 v42, v1  }
0x174: {  	v53 =	vadd.s32 $0x2800, v48;
	v54 =	vadd.s32 $0x5000, v48;
	v28 =	vadd.s32 $0x7800, v48;
	[tilespmem:v31+s30+$0x0] =	vst.idx.add.f32.msk $0xffff, v34  }
0x175: {  	v55 =	vadd.s32 $0x2800, v50;
	v56 =	vadd.s32 $0x5000, v50;
	v31 =	vadd.s32 $0x7800, v50;
	v57 =	vld.idx.msk [tilespmem:v32+s21+$0x0], $0xffff  }
0x176: {  	v58 =	vadd.s32 $0x2800, v51;
	v59 =	vadd.s32 $0x5000, v51;
	v32 =	vadd.s32 $0x7800, v51;
	v60 =	vld [tilespmem:s25+$0x10]  }
0x177: {  	v61 =	vadd.s32 $0x2800, v52;
	v62 =	vadd.s32 $0x5000, v52;
	v34 =	vadd.s32 $0x7800, v52;
	v63 =	vld [tilespmem:s25+$0x20]  }
0x178: {  	v36 =	vadd.s32 $0x7800, v36;
	[tilespmem:v48+s30+$0x0] =	vst.idx.add.f32.msk $0xffff, v46;
	v46 =	vadd.s32 $0x2800, v44;
	v48 =	vadd.s32 $0x5000, v44  }
0x179: {  	[tilespmem:v50+s30+$0x0] =	vst.idx.add.f32.msk $0xffff, v43;
	v43 =	vadd.s32 $0x7800, v44  }
0x17a: {  	[tilespmem:v51+s30+$0x0] =	vst.idx.add.f32.msk $0xffff, v45  }
0x17b: {  	v37 =	vmul.f32 v57, v37;
	[tilespmem:v52+s30+$0x0] =	vst.idx.add.f32.msk $0xffff, v47;
	v45 =	vadd.s32 $0x2800, v60;
	v47 =	vadd.s32 $0x5000, v60  }
0x17c: {  	[tilespmem:v44+s30+$0x0] =	vst.idx.add.f32.msk $0xffff, v49;
	v44 =	vadd.s32 $0x7800, v60;
	v49 =	vadd.s32 $0x2800, v63;
	v50 =	vadd.s32 $0x5000, v63  }
0x17d: {  	v51 =	vadd.s32 $0x7800, v63;
	[tilespmem:v36+s30+$0x0] =	vst.idx.add.f32.msk $0xffff, v37  }
0x17e: {  	[tilespmem:v60+s30+$0x0] =	vst.idx.add.f32.msk $0xffff, v41  }
0x17f: {  	[tilespmem:v63+s30+$0x0] =	vst.idx.add.f32.msk $0xffff, v42  }
0x180: {  	v36 =	vld.idx.msk [tilespmem:v40+s21+$0x0], $0xffff  }
0x181: {  	v27 =	vld.idx.msk [tilespmem:v27+s21+$0x0], $0xffff  }
0x182: {  	v29 =	vld.idx.msk [tilespmem:v29+s21+$0x0], $0xffff  }
0x183: {  	v33 =	vld.idx.msk [tilespmem:v33+s21+$0x0], $0xffff  }
0x184: {  	v35 =	vld.idx.msk [tilespmem:v35+s21+$0x0], $0xffff  }
0x185: {  	v37 =	vld.idx.msk [tilespmem:v38+s21+$0x0], $0xffff  }
0x186: {  	v36 =	vmul.f32 v36, v18;
	v38 =	vld.idx.msk [tilespmem:v39+s21+$0x0], $0xffff  }
0x187: {  	v27 =	vmul.f32 v27, v19;
	[tilespmem:v2+s30+$0x0] =	vst.idx.add.f32.msk $0xffff, v13;
	v2 =	vmov v43  }
0x188: {  	v13 =	vmul.f32 v29, v17;
	[tilespmem:v53+s30+$0x0] =	vst.idx.add.f32.msk $0xffff, v36  }
0x189: {  	[tilespmem:v55+s30+$0x0] =	vst.idx.add.f32.msk $0xffff, v27;
	v27 =	vmul.f32 v33, v15  }
0x18a: {  	[tilespmem:v58+s30+$0x0] =	vst.idx.add.f32.msk $0xffff, v13;
	v13 =	vmul.f32 v35, v16  }
0x18b: {  	[tilespmem:v61+s30+$0x0] =	vst.idx.add.f32.msk $0xffff, v27;
	v27 =	vmul.f32 v37, v23  }
0x18c: {  	[tilespmem:v46+s30+$0x0] =	vst.idx.add.f32.msk $0xffff, v13;
	v13 =	vmul.f32 v38, v1  }
0x18d: {  	[tilespmem:v45+s30+$0x0] =	vst.idx.add.f32.msk $0xffff, v27  }
0x18e: {  	[tilespmem:v49+s30+$0x0] =	vst.idx.add.f32.msk $0xffff, v13  }
0x18f: {  	v13 =	vld.idx.msk [tilespmem:v30+s21+$0x0], $0xffff  }
0x190: {  	v14 =	vld.idx.msk [tilespmem:v14+s21+$0x0], $0xffff  }
0x191: {  	v20 =	vld.idx.msk [tilespmem:v20+s21+$0x0], $0xffff  }
0x192: {  	v22 =	vld.idx.msk [tilespmem:v22+s21+$0x0], $0xffff  }
0x193: {  	v24 =	vld.idx.msk [tilespmem:v24+s21+$0x0], $0xffff  }
0x194: {  	v25 =	vld.idx.msk [tilespmem:v25+s21+$0x0], $0xffff  }
0x195: {  	v13 =	vmul.f32 v13, v18;
	v26 =	vld.idx.msk [tilespmem:v26+s21+$0x0], $0xffff  }
0x196: {  	v14 =	vmul.f32 v14, v19;
	[tilespmem:v3+s30+$0x0] =	vst.idx.add.f32.msk $0xffff, v6;
	v3 =	vmov v44  }
0x197: {  	v6 =	vmul.f32 v20, v17;
	[tilespmem:v54+s30+$0x0] =	vst.idx.add.f32.msk $0xffff, v13  }
0x198: {  	v13 =	vmul.f32 v22, v15;
	[tilespmem:v56+s30+$0x0] =	vst.idx.add.f32.msk $0xffff, v14  }
0x199: {  	[tilespmem:v59+s30+$0x0] =	vst.idx.add.f32.msk $0xffff, v6;
	v6 =	vmul.f32 v24, v16  }
0x19a: {  	[tilespmem:v62+s30+$0x0] =	vst.idx.add.f32.msk $0xffff, v13;
	v13 =	vmul.f32 v25, v23  }
0x19b: {  	[tilespmem:v48+s30+$0x0] =	vst.idx.add.f32.msk $0xffff, v6;
	v6 =	vmul.f32 v26, v1  }
0x19c: {  	[tilespmem:v47+s30+$0x0] =	vst.idx.add.f32.msk $0xffff, v13  }
0x19d: {  	[tilespmem:v50+s30+$0x0] =	vst.idx.add.f32.msk $0xffff, v6  }
0x19e: {  	v6 =	vld.idx.msk [tilespmem:v21+s21+$0x0], $0xffff  }
0x19f: {  	v7 =	vld.idx.msk [tilespmem:v7+s21+$0x0], $0xffff  }
0x1a0: {  	v13 =	vld.idx.msk [tilespmem:v8+s21+$0x0], $0xffff  }
0x1a1: {  	v9 =	vld.idx.msk [tilespmem:v9+s21+$0x0], $0xffff  }
0x1a2: {  	v10 =	vld.idx.msk [tilespmem:v10+s21+$0x0], $0xffff  }
0x1a3: {  	v11 =	vld.idx.msk [tilespmem:v11+s21+$0x0], $0xffff  }
0x1a4: {  	v6 =	vmul.f32 v6, v18;
	v8 =	vld.idx.msk [tilespmem:v12+s21+$0x0], $0xffff  }
.Ltmp2:
0x1a5: {  	v7 =	vmul.f32 v7, v19;
	[tilespmem:v4+s30+$0x0] =	vst.idx.add.f32.msk $0xffff, v5;
	v4 =	vmov v51;
	(pc) =	sbr.rel @p0 .LBB2_6-.Ltmp2, $4  }
0x1a6: {  	v5 =	vmul.f32 v13, v17;
	[tilespmem:v28+s30+$0x0] =	vst.idx.add.f32.msk $0xffff, v6  }
0x1a7: {  	v6 =	vmul.f32 v9, v15;
	[tilespmem:v31+s30+$0x0] =	vst.idx.add.f32.msk $0xffff, v7  }
0x1a8: {  	v13 =	vmul.f32 v10, v16;
	[tilespmem:v32+s30+$0x0] =	vst.idx.add.f32.msk $0xffff, v5  }
0x1a9: {  	s3 =	sadd.s32 $0x80, s3;
	[tilespmem:v34+s30+$0x0] =	vst.idx.add.f32.msk $0xffff, v6;
	v6 =	vmul.f32 v11, v23  }
0x1aa: {  	_ =	sdelay $0x3  }
0x1ab: {  	v1 =	vmul.f32 v8, v1;
	[tilespmem:v2+s30+$0x0] =	vst.idx.add.f32.msk $0xffff, v13  }
0x1ac: {  	[tilespmem:v3+s30+$0x0] =	vst.idx.add.f32.msk $0xffff, v6  }
0x1ad: {  	s3 =	simm.s32 $0x3C00;
	[tilespmem:v4+s30+$0x0] =	vst.idx.add.f32.msk $0xffff, v1  }
0x1ae: {  	[tilespmem:s3], [sflag:$0x3] =	stream.linear.gather [hbm4b:s13+s2], $0x1400, $0x38;
	[tilespmem:$0x1B800] =	vst v63  }
0x1af: {  	s25 =	simm.s32 $0x5000  }
0x1b0: {  	[tilespmem:s25], [sflag:$0x3] =	stream.linear.gather [hbm4b:s14+s2], $0x1400, $0x38;
	[tilespmem:$0x1B800] =	vst v63  }
0x1b1: {  	s26 =	simm.s32 $0x6400  }
0x1b2: {  	[tilespmem:s26], [sflag:$0x3] =	stream.linear.gather [hbm4b:s15+s2], $0x1400, $0x38;
	[tilespmem:$0x1B800] =	vst v63  }
0x1b3: {  	_ =	swait.ge [sflag:s29], $0x1400  }
0x1b4: {  	[sflag:s29] =	ssyncset.done $0x0  }
0x1b5: {  	[sflag:s29] =	ssyncadd.s32 $0xFFFFEC00  }
0x1b6: {  	_ =	swait.ge [sflag:s29], $0x1400  }
0x1b7: {  	[sflag:s29] =	ssyncset.done $0x0  }
0x1b8: {  	[sflag:s29] =	ssyncadd.s32 $0xFFFFEC00  }
0x1b9: {  	_ =	swait.ge [sflag:s29], $0x1400  }
0x1ba: {  	[sflag:s29] =	ssyncset.done $0x0  }
0x1bb: {  	s3 =	simm.s32 $0x40;
	[sflag:s29] =	ssyncadd.s32 $0xFFFFEC00  }
0x1bc: {  	v11 =	vld [tilespmem:s3+$0x30]  }
0x1bd: {  	v9 =	vld [tilespmem:s3+$0xFFFFFFD0]  }
0x1be: {  	v8 =	vld [tilespmem:s3+$0xFFFFFFE0]  }
0x1bf: {  	v5 =	vld [tilespmem:s3+$0xFFFFFFF0]  }
0x1c0: {  	v4 =	vld [tilespmem:s3+$0x0]  }
0x1c1: {  	v2 =	vld [tilespmem:s3+$0x10]  }
0x1c2: {  	s25 =	simm.s32 $0x1440;
	v3 =	vld [tilespmem:s3+$0x20]  }
0x1c3: {  	s26 =	simm.s32 $0x2840;
	v12 =	vld [tilespmem:s25+$0x30]  }
0x1c4: {  	v13 =	vld [tilespmem:s26+$0x30]  }
0x1c5: {  	v14 =	vld [tilespmem:s3+$0xFFFFFFC0]  }
0x1c6: {  	v22 =	vld [tilespmem:s26+$0xFFFFFFC0]  }
0x1c7: {  	v23 =	vld [tilespmem:s26+$0xFFFFFFD0]  }
0x1c8: {  	v25 =	vld [tilespmem:s26+$0xFFFFFFE0]  }
0x1c9: {  	v10 =	vld [tilespmem:s26+$0xFFFFFFF0]  }
0x1ca: {  	v1 =	vld.idx.msk [tilespmem:v11+s21+$0x0], $0xffff  }
0x1cb: {  	v26 =	vld [tilespmem:s25+$0xFFFFFFC0]  }
0x1cc: {  	v28 =	vld [tilespmem:s25+$0xFFFFFFD0]  }
0x1cd: {  	v29 =	vld [tilespmem:s25+$0xFFFFFFE0];
	v6 =	vadd.s32 $0x2800, v11  }
0x1ce: {  	v30 =	vld [tilespmem:s25+$0xFFFFFFF0]  }
0x1cf: {  	v31 =	vld [tilespmem:s25+$0x0];
	v1 =	vmul.f32 v1, v13  }
0x1d0: {  	v40 =	vld [tilespmem:s25+$0x10]  }
0x1d1: {  	[tilespmem:v12+s30+$0x0] =	vst.idx.add.f32.msk $0xffff, v1  }
0x1d2: {  	v1 =	vld.idx.msk [tilespmem:v6+s21+$0x0], $0xffff  }
0x1d3: {  	v41 =	vld [tilespmem:s25+$0x20]  }
0x1d4: {  	v7 =	vadd.s32 $0x2800, v12;
	v15 =	vld.idx.msk [tilespmem:v9+s21+$0x0], $0xffff  }
0x1d5: {  	v24 =	vadd.s32 $0x5000, v11;
	v16 =	vld.idx.msk [tilespmem:v8+s21+$0x0], $0xffff  }
0x1d6: {  	v20 =	vld.idx.msk [tilespmem:v14+s21+$0x0], $0xffff  }
0x1d7: {  	v18 =	vld.idx.msk [tilespmem:v4+s21+$0x0], $0xffff;
	v1 =	vmul.f32 v1, v13  }
0x1d8: {  	v6 =	vld [tilespmem:s26+$0x0]  }
0x1d9: {  	[tilespmem:v7+s30+$0x0] =	vst.idx.add.f32.msk $0xffff, v1  }
0x1da: {  	v24 =	vld.idx.msk [tilespmem:v24+s21+$0x0], $0xffff  }
0x1db: {  	v17 =	vld.idx.msk [tilespmem:v5+s21+$0x0], $0xffff;
	v20 =	vmul.f32 v20, v22  }
0x1dc: {  	v27 =	vadd.s32 $0x5000, v12;
	v19 =	vld.idx.msk [tilespmem:v2+s21+$0x0], $0xffff;
	v15 =	vmul.f32 v15, v23  }
0x1dd: {  	v11 =	vadd.s32 $0x7800, v11;
	v16 =	vmul.f32 v16, v25;
	[tilespmem:v26+s30+$0x0] =	vst.idx.add.f32.msk $0xffff, v20  }
0x1de: {  	v42 =	vadd.s32 $0x2800, v14;
	[tilespmem:v28+s30+$0x0] =	vst.idx.add.f32.msk $0xffff, v15;
	v15 =	vmul.f32 v18, v6  }
0x1df: {  	[tilespmem:v29+s30+$0x0] =	vst.idx.add.f32.msk $0xffff, v16;
	v24 =	vmul.f32 v24, v13  }
0x1e0: {  	[tilespmem:v31+s30+$0x0] =	vst.idx.add.f32.msk $0xffff, v15  }
0x1e1: {  	v15 =	vadd.s32 $0x2800, v8;
	[tilespmem:v27+s30+$0x0] =	vst.idx.add.f32.msk $0xffff, v24  }
0x1e2: {  	v11 =	vld.idx.msk [tilespmem:v11+s21+$0x0], $0xffff  }
0x1e3: {  	v16 =	vld.idx.msk [tilespmem:v42+s21+$0x0], $0xffff  }
0x1e4: {  	v12 =	vadd.s32 $0x7800, v12;
	v7 =	vld [tilespmem:s26+$0x10]  }
0x1e5: {  	v47 =	vadd.s32 $0x2800, v26;
	v21 =	vld.idx.msk [tilespmem:v3+s21+$0x0], $0xffff;
	v17 =	vmul.f32 v17, v10  }
0x1e6: {  	v15 =	vld.idx.msk [tilespmem:v15+s21+$0x0], $0xffff  }
0x1e7: {  	[tilespmem:v30+s30+$0x0] =	vst.idx.add.f32.msk $0xffff, v17;
	v11 =	vmul.f32 v11, v13;
	v13 =	vadd.s32 $0x2800, v9  }
0x1e8: {  	v49 =	vadd.s32 $0x2800, v29;
	v16 =	vmul.f32 v16, v22;
	v1 =	vld [tilespmem:s26+$0x20]  }
0x1e9: {  	v43 =	vmul.f32 v19, v7;
	[tilespmem:v12+s30+$0x0] =	vst.idx.add.f32.msk $0xffff, v11;
	v11 =	vadd.s32 $0x2800, v5  }
0x1ea: {  	[tilespmem:v47+s30+$0x0] =	vst.idx.add.f32.msk $0xffff, v16;
	v12 =	vadd.s32 $0x2800, v4  }
0x1eb: {  	[tilespmem:v40+s30+$0x0] =	vst.idx.add.f32.msk $0xffff, v43;
	v15 =	vmul.f32 v15, v25  }
0x1ec: {  	v45 =	vadd.s32 $0x2800, v2;
	v13 =	vld.idx.msk [tilespmem:v13+s21+$0x0], $0xffff  }
0x1ed: {  	v46 =	vadd.s32 $0x2800, v3;
	[tilespmem:v49+s30+$0x0] =	vst.idx.add.f32.msk $0xffff, v15  }
0x1ee: {  	v48 =	vadd.s32 $0x2800, v28;
	v44 =	vmul.f32 v21, v1;
	v11 =	vld.idx.msk [tilespmem:v11+s21+$0x0], $0xffff  }
0x1ef: {  	v15 =	vadd.s32 $0x5000, v9;
	v12 =	vld.idx.msk [tilespmem:v12+s21+$0x0], $0xffff  }
0x1f0: {  	v32 =	vadd.s32 $0x2800, v30;
	[tilespmem:v41+s30+$0x0] =	vst.idx.add.f32.msk $0xffff, v44  }
0x1f1: {  	v33 =	vadd.s32 $0x2800, v31;
	v17 =	vld.idx.msk [tilespmem:v45+s21+$0x0], $0xffff;
	v13 =	vmul.f32 v13, v23  }
0x1f2: {  	v51 =	vadd.s32 $0x5000, v8;
	v18 =	vld.idx.msk [tilespmem:v46+s21+$0x0], $0xffff  }
0x1f3: {  	v52 =	vadd.s32 $0x5000, v5;
	[tilespmem:v48+s30+$0x0] =	vst.idx.add.f32.msk $0xffff, v13;
	v11 =	vmul.f32 v11, v10  }
0x1f4: {  	v34 =	vadd.s32 $0x2800, v40;
	v12 =	vmul.f32 v12, v6;
	v15 =	vld.idx.msk [tilespmem:v15+s21+$0x0], $0xffff  }
0x1f5: {  	v50 =	vadd.s32 $0x2800, v41;
	[tilespmem:v32+s30+$0x0] =	vst.idx.add.f32.msk $0xffff, v11  }
0x1f6: {  	v13 =	vadd.s32 $0x5000, v14;
	[tilespmem:v33+s30+$0x0] =	vst.idx.add.f32.msk $0xffff, v12  }
0x1f7: {  	v53 =	vadd.s32 $0x5000, v3;
	v11 =	vmul.f32 v17, v7;
	v17 =	vld.idx.msk [tilespmem:v51+s21+$0x0], $0xffff  }
0x1f8: {  	v55 =	vadd.s32 $0x5000, v28;
	v12 =	vmul.f32 v18, v1;
	v18 =	vld.idx.msk [tilespmem:v52+s21+$0x0], $0xffff  }
0x1f9: {  	[tilespmem:v34+s30+$0x0] =	vst.idx.add.f32.msk $0xffff, v11;
	v11 =	vadd.s32 $0x5000, v4  }
0x1fa: {  	[tilespmem:v50+s30+$0x0] =	vst.idx.add.f32.msk $0xffff, v12;
	v12 =	vadd.s32 $0x5000, v2  }
0x1fb: {  	v9 =	vadd.s32 $0x7800, v9;
	v13 =	vld.idx.msk [tilespmem:v13+s21+$0x0], $0xffff;
	v15 =	vmul.f32 v15, v23  }
0x1fc: {  	v57 =	vadd.s32 $0x5000, v30;
	v16 =	vld.idx.msk [tilespmem:v53+s21+$0x0], $0xffff  }
0x1fd: {  	v54 =	vadd.s32 $0x5000, v26;
	[tilespmem:v55+s30+$0x0] =	vst.idx.add.f32.msk $0xffff, v15  }
0x1fe: {  	v5 =	vadd.s32 $0x7800, v5;
	v11 =	vld.idx.msk [tilespmem:v11+s21+$0x0], $0xffff  }
0x1ff: {  	v56 =	vadd.s32 $0x5000, v29;
	v15 =	vmul.f32 v18, v10;
	v12 =	vld.idx.msk [tilespmem:v12+s21+$0x0], $0xffff  }
0x200: {  	v8 =	vadd.s32 $0x7800, v8;
	v9 =	vld.idx.msk [tilespmem:v9+s21+$0x0], $0xffff;
	v13 =	vmul.f32 v13, v22  }
0x201: {  	v58 =	vadd.s32 $0x5000, v31;
	[tilespmem:v57+s30+$0x0] =	vst.idx.add.f32.msk $0xffff, v15  }
0x202: {  	v59 =	vadd.s32 $0x5000, v40;
	[tilespmem:v54+s30+$0x0] =	vst.idx.add.f32.msk $0xffff, v13;
	v13 =	vmul.f32 v17, v25  }
0x203: {  	v60 =	vadd.s32 $0x5000, v41;
	v5 =	vld.idx.msk [tilespmem:v5+s21+$0x0], $0xffff  }
0x204: {  	v14 =	vadd.s32 $0x7800, v14;
	[tilespmem:v56+s30+$0x0] =	vst.idx.add.f32.msk $0xffff, v13;
	v11 =	vmul.f32 v11, v6  }
0x205: {  	v4 =	vadd.s32 $0x7800, v4;
	v12 =	vmul.f32 v12, v7;
	v13 =	vld.idx.msk [tilespmem:v8+s21+$0x0], $0xffff  }
0x206: {  	v2 =	vadd.s32 $0x7800, v2;
	[tilespmem:v58+s30+$0x0] =	vst.idx.add.f32.msk $0xffff, v11;
	v11 =	vmul.f32 v16, v1  }
0x207: {  	v3 =	vadd.s32 $0x7800, v3;
	[tilespmem:v59+s30+$0x0] =	vst.idx.add.f32.msk $0xffff, v12  }
0x208: {  	v62 =	vadd.s32 $0x7800, v30;
	[tilespmem:v60+s30+$0x0] =	vst.idx.add.f32.msk $0xffff, v11  }
0x209: {  	v15 =	vadd.s32 $0x7800, v29;
	v11 =	vld.idx.msk [tilespmem:v14+s21+$0x0], $0xffff  }
0x20a: {  	v61 =	vld.idx.msk [tilespmem:v4+s21+$0x0], $0xffff;
	v14 =	vadd.s32 $0x7800, v28  }
0x20b: {  	v12 =	vadd.s32 $0x7800, v26;
	v5 =	vmul.f32 v5, v10;
	v63 =	vld.idx.msk [tilespmem:v2+s21+$0x0], $0xffff  }
0x20c: {  	v8 =	vld.idx.msk [tilespmem:v3+s21+$0x0], $0xffff;
	v4 =	vmul.f32 v13, v25  }
0x20d: {  	[tilespmem:v62+s30+$0x0] =	vst.idx.add.f32.msk $0xffff, v5;
	v3 =	vmul.f32 v9, v23  }
0x20e: {  	[tilespmem:v15+s30+$0x0] =	vst.idx.add.f32.msk $0xffff, v4;
	v2 =	vmul.f32 v11, v22  }
0x20f: {  	v4 =	vadd.s32 $0x7800, v41;
	v13 =	vmul.f32 v61, v6;
	[tilespmem:v14+s30+$0x0] =	vst.idx.add.f32.msk $0xffff, v3  }
0x210: {  	s28 =	simm.s32 $0x0;
	s3 =	simm.s32 $0xC0;
	v6 =	vmul.f32 v63, v7;
	v3 =	vadd.s32 $0x7800, v40;
	[tilespmem:v12+s30+$0x0] =	vst.idx.add.f32.msk $0xffff, v2;
	v2 =	vadd.s32 $0x7800, v31  }
.LBB2_8:
0x211: {  	v28 =	vld [tilespmem:s3+$0x30];
	s28 =	sadd.s32 $0x8, s28;
	v5 =	vmul.f32 v8, v1  }
0x212: {  	v1 =	vld [tilespmem:s3+$0xFFFFFFD0];
	p0 =	slt.u32 s28, $0x138  }
0x213: {  	v15 =	vld [tilespmem:s3+$0xFFFFFFE0]  }
0x214: {  	v16 =	vld [tilespmem:s3+$0xFFFFFFF0]  }
0x215: {  	v17 =	vld [tilespmem:s3+$0x0]  }
0x216: {  	v18 =	vld [tilespmem:s3+$0x10]  }
0x217: {  	s25 =	sadd.s32 $0x80, s25;
	v27 =	vadd.s32 $0x2800, v1;
	v14 =	vadd.s32 $0x5000, v1;
	v7 =	vadd.s32 $0x7800, v1;
	v19 =	vld [tilespmem:s3+$0x20]  }
0x218: {  	v29 =	vadd.s32 $0x2800, v15;
	v20 =	vadd.s32 $0x5000, v15;
	v8 =	vadd.s32 $0x7800, v15;
	v36 =	vld [tilespmem:s25+$0x30]  }
0x219: {  	s26 =	sadd.s32 $0x80, s26;
	v33 =	vadd.s32 $0x2800, v16;
	v22 =	vadd.s32 $0x5000, v16;
	v9 =	vadd.s32 $0x7800, v16;
	v21 =	vld.idx.msk [tilespmem:v28+s21+$0x0], $0xffff  }
0x21a: {  	v35 =	vadd.s32 $0x2800, v17;
	v24 =	vadd.s32 $0x5000, v17;
	v10 =	vadd.s32 $0x7800, v17;
	v37 =	vld [tilespmem:s26+$0x30]  }
0x21b: {  	v23 =	vld [tilespmem:s3+$0xFFFFFFC0];
	v38 =	vadd.s32 $0x2800, v18;
	v25 =	vadd.s32 $0x5000, v18;
	v11 =	vadd.s32 $0x7800, v18  }
0x21c: {  	v1 =	vld.idx.msk [tilespmem:v1+s21+$0x0], $0xffff;
	v39 =	vadd.s32 $0x2800, v19;
	v26 =	vadd.s32 $0x5000, v19;
	v12 =	vadd.s32 $0x7800, v19  }
0x21d: {  	v31 =	vld.idx.msk [tilespmem:v15+s21+$0x0], $0xffff;
	v15 =	vadd.s32 $0x2800, v28  }
0x21e: {  	v32 =	vld.idx.msk [tilespmem:v16+s21+$0x0], $0xffff  }
0x21f: {  	v34 =	vld.idx.msk [tilespmem:v17+s21+$0x0], $0xffff;
	v16 =	vmul.f32 v21, v37  }
0x220: {  	v40 =	vadd.s32 $0x2800, v23;
	v30 =	vadd.s32 $0x5000, v23;
	v21 =	vadd.s32 $0x7800, v23;
	v41 =	vld.idx.msk [tilespmem:v18+s21+$0x0], $0xffff  }
0x221: {  	[tilespmem:v36+s30+$0x0] =	vst.idx.add.f32.msk $0xffff, v16  }
0x222: {  	v16 =	vld.idx.msk [tilespmem:v15+s21+$0x0], $0xffff  }
0x223: {  	v23 =	vld.idx.msk [tilespmem:v23+s21+$0x0], $0xffff  }
0x224: {  	v42 =	vld.idx.msk [tilespmem:v19+s21+$0x0], $0xffff  }
0x225: {  	v43 =	vadd.s32 $0x2800, v36;
	v18 =	vld [tilespmem:s26+$0xFFFFFFC0]  }
0x226: {  	v44 =	vadd.s32 $0x5000, v28;
	v19 =	vld [tilespmem:s26+$0xFFFFFFD0]  }
0x227: {  	v17 =	vld [tilespmem:s26+$0xFFFFFFE0]  }
0x228: {  	v45 =	vmul.f32 v16, v37;
	v15 =	vld [tilespmem:s26+$0xFFFFFFF0]  }
0x229: {  	v16 =	vld [tilespmem:s26+$0x0]  }
0x22a: {  	v46 =	vmul.f32 v23, v18;
	[tilespmem:v43+s30+$0x0] =	vst.idx.add.f32.msk $0xffff, v45  }
0x22b: {  	v43 =	vmul.f32 v1, v19;
	v44 =	vld.idx.msk [tilespmem:v44+s21+$0x0], $0xffff  }
0x22c: {  	v45 =	vmul.f32 v31, v17;
	v23 =	vld [tilespmem:s26+$0x10]  }
0x22d: {  	v47 =	vmul.f32 v32, v15;
	v1 =	vld [tilespmem:s26+$0x20]  }
0x22e: {  	v31 =	vadd.s32 $0x5000, v36;
	v48 =	vld [tilespmem:s25+$0xFFFFFFC0];
	v49 =	vmul.f32 v34, v16  }
0x22f: {  	v32 =	vadd.s32 $0x7800, v28;
	v50 =	vld [tilespmem:s25+$0xFFFFFFD0]  }
0x230: {  	v51 =	vld [tilespmem:s25+$0xFFFFFFE0]  }
0x231: {  	v34 =	vmul.f32 v44, v37;
	v52 =	vld [tilespmem:s25+$0xFFFFFFF0];
	v41 =	vmul.f32 v41, v23  }
0x232: {  	v44 =	vld [tilespmem:s25+$0x0];
	v42 =	vmul.f32 v42, v1  }
0x233: {  	v53 =	vadd.s32 $0x2800, v48;
	v54 =	vadd.s32 $0x5000, v48;
	v28 =	vadd.s32 $0x7800, v48;
	[tilespmem:v31+s30+$0x0] =	vst.idx.add.f32.msk $0xffff, v34  }
0x234: {  	v55 =	vadd.s32 $0x2800, v50;
	v56 =	vadd.s32 $0x5000, v50;
	v31 =	vadd.s32 $0x7800, v50;
	v57 =	vld.idx.msk [tilespmem:v32+s21+$0x0], $0xffff  }
0x235: {  	v58 =	vadd.s32 $0x2800, v51;
	v59 =	vadd.s32 $0x5000, v51;
	v32 =	vadd.s32 $0x7800, v51;
	v60 =	vld [tilespmem:s25+$0x10]  }
0x236: {  	v61 =	vadd.s32 $0x2800, v52;
	v62 =	vadd.s32 $0x5000, v52;
	v34 =	vadd.s32 $0x7800, v52;
	v63 =	vld [tilespmem:s25+$0x20]  }
0x237: {  	v36 =	vadd.s32 $0x7800, v36;
	[tilespmem:v48+s30+$0x0] =	vst.idx.add.f32.msk $0xffff, v46;
	v46 =	vadd.s32 $0x2800, v44;
	v48 =	vadd.s32 $0x5000, v44  }
0x238: {  	[tilespmem:v50+s30+$0x0] =	vst.idx.add.f32.msk $0xffff, v43;
	v43 =	vadd.s32 $0x7800, v44  }
0x239: {  	[tilespmem:v51+s30+$0x0] =	vst.idx.add.f32.msk $0xffff, v45  }
0x23a: {  	v37 =	vmul.f32 v57, v37;
	[tilespmem:v52+s30+$0x0] =	vst.idx.add.f32.msk $0xffff, v47;
	v45 =	vadd.s32 $0x2800, v60;
	v47 =	vadd.s32 $0x5000, v60  }
0x23b: {  	[tilespmem:v44+s30+$0x0] =	vst.idx.add.f32.msk $0xffff, v49;
	v44 =	vadd.s32 $0x7800, v60;
	v49 =	vadd.s32 $0x2800, v63;
	v50 =	vadd.s32 $0x5000, v63  }
0x23c: {  	v51 =	vadd.s32 $0x7800, v63;
	[tilespmem:v36+s30+$0x0] =	vst.idx.add.f32.msk $0xffff, v37  }
0x23d: {  	[tilespmem:v60+s30+$0x0] =	vst.idx.add.f32.msk $0xffff, v41  }
0x23e: {  	[tilespmem:v63+s30+$0x0] =	vst.idx.add.f32.msk $0xffff, v42  }
0x23f: {  	v36 =	vld.idx.msk [tilespmem:v40+s21+$0x0], $0xffff  }
0x240: {  	v27 =	vld.idx.msk [tilespmem:v27+s21+$0x0], $0xffff  }
0x241: {  	v29 =	vld.idx.msk [tilespmem:v29+s21+$0x0], $0xffff  }
0x242: {  	v33 =	vld.idx.msk [tilespmem:v33+s21+$0x0], $0xffff  }
0x243: {  	v35 =	vld.idx.msk [tilespmem:v35+s21+$0x0], $0xffff  }
0x244: {  	v37 =	vld.idx.msk [tilespmem:v38+s21+$0x0], $0xffff  }
0x245: {  	v36 =	vmul.f32 v36, v18;
	v38 =	vld.idx.msk [tilespmem:v39+s21+$0x0], $0xffff  }
0x246: {  	v27 =	vmul.f32 v27, v19;
	[tilespmem:v2+s30+$0x0] =	vst.idx.add.f32.msk $0xffff, v13;
	v2 =	vmov v43  }
0x247: {  	v13 =	vmul.f32 v29, v17;
	[tilespmem:v53+s30+$0x0] =	vst.idx.add.f32.msk $0xffff, v36  }
0x248: {  	[tilespmem:v55+s30+$0x0] =	vst.idx.add.f32.msk $0xffff, v27;
	v27 =	vmul.f32 v33, v15  }
0x249: {  	[tilespmem:v58+s30+$0x0] =	vst.idx.add.f32.msk $0xffff, v13;
	v13 =	vmul.f32 v35, v16  }
0x24a: {  	[tilespmem:v61+s30+$0x0] =	vst.idx.add.f32.msk $0xffff, v27;
	v27 =	vmul.f32 v37, v23  }
0x24b: {  	[tilespmem:v46+s30+$0x0] =	vst.idx.add.f32.msk $0xffff, v13;
	v13 =	vmul.f32 v38, v1  }
0x24c: {  	[tilespmem:v45+s30+$0x0] =	vst.idx.add.f32.msk $0xffff, v27  }
0x24d: {  	[tilespmem:v49+s30+$0x0] =	vst.idx.add.f32.msk $0xffff, v13  }
0x24e: {  	v13 =	vld.idx.msk [tilespmem:v30+s21+$0x0], $0xffff  }
0x24f: {  	v14 =	vld.idx.msk [tilespmem:v14+s21+$0x0], $0xffff  }
0x250: {  	v20 =	vld.idx.msk [tilespmem:v20+s21+$0x0], $0xffff  }
0x251: {  	v22 =	vld.idx.msk [tilespmem:v22+s21+$0x0], $0xffff  }
0x252: {  	v24 =	vld.idx.msk [tilespmem:v24+s21+$0x0], $0xffff  }
0x253: {  	v25 =	vld.idx.msk [tilespmem:v25+s21+$0x0], $0xffff  }
0x254: {  	v13 =	vmul.f32 v13, v18;
	v26 =	vld.idx.msk [tilespmem:v26+s21+$0x0], $0xffff  }
0x255: {  	v14 =	vmul.f32 v14, v19;
	[tilespmem:v3+s30+$0x0] =	vst.idx.add.f32.msk $0xffff, v6;
	v3 =	vmov v44  }
0x256: {  	v6 =	vmul.f32 v20, v17;
	[tilespmem:v54+s30+$0x0] =	vst.idx.add.f32.msk $0xffff, v13  }
0x257: {  	v13 =	vmul.f32 v22, v15;
	[tilespmem:v56+s30+$0x0] =	vst.idx.add.f32.msk $0xffff, v14  }
0x258: {  	[tilespmem:v59+s30+$0x0] =	vst.idx.add.f32.msk $0xffff, v6;
	v6 =	vmul.f32 v24, v16  }
0x259: {  	[tilespmem:v62+s30+$0x0] =	vst.idx.add.f32.msk $0xffff, v13;
	v13 =	vmul.f32 v25, v23  }
0x25a: {  	[tilespmem:v48+s30+$0x0] =	vst.idx.add.f32.msk $0xffff, v6;
	v6 =	vmul.f32 v26, v1  }
0x25b: {  	[tilespmem:v47+s30+$0x0] =	vst.idx.add.f32.msk $0xffff, v13  }
0x25c: {  	[tilespmem:v50+s30+$0x0] =	vst.idx.add.f32.msk $0xffff, v6  }
0x25d: {  	v6 =	vld.idx.msk [tilespmem:v21+s21+$0x0], $0xffff  }
0x25e: {  	v7 =	vld.idx.msk [tilespmem:v7+s21+$0x0], $0xffff  }
0x25f: {  	v13 =	vld.idx.msk [tilespmem:v8+s21+$0x0], $0xffff  }
0x260: {  	v9 =	vld.idx.msk [tilespmem:v9+s21+$0x0], $0xffff  }
0x261: {  	v10 =	vld.idx.msk [tilespmem:v10+s21+$0x0], $0xffff  }
0x262: {  	v11 =	vld.idx.msk [tilespmem:v11+s21+$0x0], $0xffff  }
0x263: {  	v6 =	vmul.f32 v6, v18;
	v8 =	vld.idx.msk [tilespmem:v12+s21+$0x0], $0xffff  }
.Ltmp3:
0x264: {  	v7 =	vmul.f32 v7, v19;
	[tilespmem:v4+s30+$0x0] =	vst.idx.add.f32.msk $0xffff, v5;
	v4 =	vmov v51;
	(pc) =	sbr.rel @p0 .LBB2_8-.Ltmp3, $4  }
0x265: {  	v5 =	vmul.f32 v13, v17;
	[tilespmem:v28+s30+$0x0] =	vst.idx.add.f32.msk $0xffff, v6  }
0x266: {  	v6 =	vmul.f32 v9, v15;
	[tilespmem:v31+s30+$0x0] =	vst.idx.add.f32.msk $0xffff, v7  }
0x267: {  	v13 =	vmul.f32 v10, v16;
	[tilespmem:v32+s30+$0x0] =	vst.idx.add.f32.msk $0xffff, v5  }
0x268: {  	s3 =	sadd.s32 $0x80, s3;
	[tilespmem:v34+s30+$0x0] =	vst.idx.add.f32.msk $0xffff, v6;
	v6 =	vmul.f32 v11, v23  }
0x269: {  	_ =	sdelay $0x3  }
0x26a: {  	v1 =	vmul.f32 v8, v1;
	[tilespmem:v2+s30+$0x0] =	vst.idx.add.f32.msk $0xffff, v13  }
0x26b: {  	[tilespmem:v3+s30+$0x0] =	vst.idx.add.f32.msk $0xffff, v6  }
0x26c: {  	[tilespmem:v4+s30+$0x0] =	vst.idx.add.f32.msk $0xffff, v1  }
0x26d: {  	_ =	swait.ge [sflag:s31], $0x1400  }
0x26e: {  	[sflag:s31] =	ssyncset.done $0x0  }
0x26f: {  	[sflag:s31] =	ssyncadd.s32 $0xFFFFEC00  }
0x270: {  	_ =	swait.ge [sflag:s31], $0x1400  }
0x271: {  	[sflag:s31] =	ssyncset.done $0x0  }
0x272: {  	[sflag:s31] =	ssyncadd.s32 $0xFFFFEC00  }
0x273: {  	_ =	swait.ge [sflag:s31], $0x1400  }
0x274: {  	[sflag:s31] =	ssyncset.done $0x0  }
0x275: {  	s3 =	simm.s32 $0x3C40;
	[sflag:s31] =	ssyncadd.s32 $0xFFFFEC00  }
0x276: {  	v11 =	vld [tilespmem:s3+$0x30]  }
0x277: {  	v9 =	vld [tilespmem:s3+$0xFFFFFFD0]  }
0x278: {  	v8 =	vld [tilespmem:s3+$0xFFFFFFE0]  }
0x279: {  	v5 =	vld [tilespmem:s3+$0xFFFFFFF0]  }
0x27a: {  	v4 =	vld [tilespmem:s3+$0x0]  }
0x27b: {  	v2 =	vld [tilespmem:s3+$0x10]  }
0x27c: {  	s25 =	simm.s32 $0x5040;
	v3 =	vld [tilespmem:s3+$0x20]  }
0x27d: {  	s26 =	simm.s32 $0x6440;
	v12 =	vld [tilespmem:s25+$0x30]  }
0x27e: {  	v13 =	vld [tilespmem:s26+$0x30]  }
0x27f: {  	v14 =	vld [tilespmem:s3+$0xFFFFFFC0]  }
0x280: {  	v22 =	vld [tilespmem:s26+$0xFFFFFFC0]  }
0x281: {  	v23 =	vld [tilespmem:s26+$0xFFFFFFD0]  }
0x282: {  	v25 =	vld [tilespmem:s26+$0xFFFFFFE0]  }
0x283: {  	v10 =	vld [tilespmem:s26+$0xFFFFFFF0]  }
0x284: {  	v1 =	vld.idx.msk [tilespmem:v11+s21+$0x0], $0xffff  }
0x285: {  	v26 =	vld [tilespmem:s25+$0xFFFFFFC0]  }
0x286: {  	v28 =	vld [tilespmem:s25+$0xFFFFFFD0]  }
0x287: {  	v29 =	vld [tilespmem:s25+$0xFFFFFFE0];
	v6 =	vadd.s32 $0x2800, v11  }
0x288: {  	v30 =	vld [tilespmem:s25+$0xFFFFFFF0]  }
0x289: {  	v31 =	vld [tilespmem:s25+$0x0];
	v1 =	vmul.f32 v1, v13  }
0x28a: {  	v40 =	vld [tilespmem:s25+$0x10]  }
0x28b: {  	[tilespmem:v12+s30+$0x0] =	vst.idx.add.f32.msk $0xffff, v1  }
0x28c: {  	v1 =	vld.idx.msk [tilespmem:v6+s21+$0x0], $0xffff  }
0x28d: {  	v41 =	vld [tilespmem:s25+$0x20]  }
0x28e: {  	v7 =	vadd.s32 $0x2800, v12;
	v15 =	vld.idx.msk [tilespmem:v9+s21+$0x0], $0xffff  }
0x28f: {  	v24 =	vadd.s32 $0x5000, v11;
	v16 =	vld.idx.msk [tilespmem:v8+s21+$0x0], $0xffff  }
0x290: {  	v20 =	vld.idx.msk [tilespmem:v14+s21+$0x0], $0xffff  }
0x291: {  	v18 =	vld.idx.msk [tilespmem:v4+s21+$0x0], $0xffff;
	v1 =	vmul.f32 v1, v13  }
0x292: {  	v6 =	vld [tilespmem:s26+$0x0]  }
0x293: {  	[tilespmem:v7+s30+$0x0] =	vst.idx.add.f32.msk $0xffff, v1  }
0x294: {  	v24 =	vld.idx.msk [tilespmem:v24+s21+$0x0], $0xffff  }
0x295: {  	v17 =	vld.idx.msk [tilespmem:v5+s21+$0x0], $0xffff;
	v20 =	vmul.f32 v20, v22  }
0x296: {  	v27 =	vadd.s32 $0x5000, v12;
	v19 =	vld.idx.msk [tilespmem:v2+s21+$0x0], $0xffff;
	v15 =	vmul.f32 v15, v23  }
0x297: {  	v11 =	vadd.s32 $0x7800, v11;
	v16 =	vmul.f32 v16, v25;
	[tilespmem:v26+s30+$0x0] =	vst.idx.add.f32.msk $0xffff, v20  }
0x298: {  	v42 =	vadd.s32 $0x2800, v14;
	[tilespmem:v28+s30+$0x0] =	vst.idx.add.f32.msk $0xffff, v15;
	v15 =	vmul.f32 v18, v6  }
0x299: {  	[tilespmem:v29+s30+$0x0] =	vst.idx.add.f32.msk $0xffff, v16;
	v24 =	vmul.f32 v24, v13  }
0x29a: {  	[tilespmem:v31+s30+$0x0] =	vst.idx.add.f32.msk $0xffff, v15  }
0x29b: {  	v15 =	vadd.s32 $0x2800, v8;
	[tilespmem:v27+s30+$0x0] =	vst.idx.add.f32.msk $0xffff, v24  }
0x29c: {  	v11 =	vld.idx.msk [tilespmem:v11+s21+$0x0], $0xffff  }
0x29d: {  	v16 =	vld.idx.msk [tilespmem:v42+s21+$0x0], $0xffff  }
0x29e: {  	v12 =	vadd.s32 $0x7800, v12;
	v7 =	vld [tilespmem:s26+$0x10]  }
0x29f: {  	v47 =	vadd.s32 $0x2800, v26;
	v21 =	vld.idx.msk [tilespmem:v3+s21+$0x0], $0xffff;
	v17 =	vmul.f32 v17, v10  }
0x2a0: {  	v15 =	vld.idx.msk [tilespmem:v15+s21+$0x0], $0xffff  }
0x2a1: {  	[tilespmem:v30+s30+$0x0] =	vst.idx.add.f32.msk $0xffff, v17;
	v11 =	vmul.f32 v11, v13;
	v13 =	vadd.s32 $0x2800, v9  }
0x2a2: {  	v49 =	vadd.s32 $0x2800, v29;
	v16 =	vmul.f32 v16, v22;
	v1 =	vld [tilespmem:s26+$0x20]  }
0x2a3: {  	v43 =	vmul.f32 v19, v7;
	[tilespmem:v12+s30+$0x0] =	vst.idx.add.f32.msk $0xffff, v11;
	v11 =	vadd.s32 $0x2800, v5  }
0x2a4: {  	[tilespmem:v47+s30+$0x0] =	vst.idx.add.f32.msk $0xffff, v16;
	v12 =	vadd.s32 $0x2800, v4  }
0x2a5: {  	[tilespmem:v40+s30+$0x0] =	vst.idx.add.f32.msk $0xffff, v43;
	v15 =	vmul.f32 v15, v25  }
0x2a6: {  	v45 =	vadd.s32 $0x2800, v2;
	v13 =	vld.idx.msk [tilespmem:v13+s21+$0x0], $0xffff  }
0x2a7: {  	v46 =	vadd.s32 $0x2800, v3;
	[tilespmem:v49+s30+$0x0] =	vst.idx.add.f32.msk $0xffff, v15  }
0x2a8: {  	v48 =	vadd.s32 $0x2800, v28;
	v44 =	vmul.f32 v21, v1;
	v11 =	vld.idx.msk [tilespmem:v11+s21+$0x0], $0xffff  }
0x2a9: {  	v15 =	vadd.s32 $0x5000, v9;
	v12 =	vld.idx.msk [tilespmem:v12+s21+$0x0], $0xffff  }
0x2aa: {  	v32 =	vadd.s32 $0x2800, v30;
	[tilespmem:v41+s30+$0x0] =	vst.idx.add.f32.msk $0xffff, v44  }
0x2ab: {  	v33 =	vadd.s32 $0x2800, v31;
	v17 =	vld.idx.msk [tilespmem:v45+s21+$0x0], $0xffff;
	v13 =	vmul.f32 v13, v23  }
0x2ac: {  	v51 =	vadd.s32 $0x5000, v8;
	v18 =	vld.idx.msk [tilespmem:v46+s21+$0x0], $0xffff  }
0x2ad: {  	v52 =	vadd.s32 $0x5000, v5;
	[tilespmem:v48+s30+$0x0] =	vst.idx.add.f32.msk $0xffff, v13;
	v11 =	vmul.f32 v11, v10  }
0x2ae: {  	v34 =	vadd.s32 $0x2800, v40;
	v12 =	vmul.f32 v12, v6;
	v15 =	vld.idx.msk [tilespmem:v15+s21+$0x0], $0xffff  }
0x2af: {  	v50 =	vadd.s32 $0x2800, v41;
	[tilespmem:v32+s30+$0x0] =	vst.idx.add.f32.msk $0xffff, v11  }
0x2b0: {  	v13 =	vadd.s32 $0x5000, v14;
	[tilespmem:v33+s30+$0x0] =	vst.idx.add.f32.msk $0xffff, v12  }
0x2b1: {  	v53 =	vadd.s32 $0x5000, v3;
	v11 =	vmul.f32 v17, v7;
	v17 =	vld.idx.msk [tilespmem:v51+s21+$0x0], $0xffff  }
0x2b2: {  	v55 =	vadd.s32 $0x5000, v28;
	v12 =	vmul.f32 v18, v1;
	v18 =	vld.idx.msk [tilespmem:v52+s21+$0x0], $0xffff  }
0x2b3: {  	[tilespmem:v34+s30+$0x0] =	vst.idx.add.f32.msk $0xffff, v11;
	v11 =	vadd.s32 $0x5000, v4  }
0x2b4: {  	[tilespmem:v50+s30+$0x0] =	vst.idx.add.f32.msk $0xffff, v12;
	v12 =	vadd.s32 $0x5000, v2  }
0x2b5: {  	v9 =	vadd.s32 $0x7800, v9;
	v13 =	vld.idx.msk [tilespmem:v13+s21+$0x0], $0xffff;
	v15 =	vmul.f32 v15, v23  }
0x2b6: {  	v57 =	vadd.s32 $0x5000, v30;
	v16 =	vld.idx.msk [tilespmem:v53+s21+$0x0], $0xffff  }
0x2b7: {  	v54 =	vadd.s32 $0x5000, v26;
	[tilespmem:v55+s30+$0x0] =	vst.idx.add.f32.msk $0xffff, v15  }
0x2b8: {  	v5 =	vadd.s32 $0x7800, v5;
	v11 =	vld.idx.msk [tilespmem:v11+s21+$0x0], $0xffff  }
0x2b9: {  	v56 =	vadd.s32 $0x5000, v29;
	v15 =	vmul.f32 v18, v10;
	v12 =	vld.idx.msk [tilespmem:v12+s21+$0x0], $0xffff  }
0x2ba: {  	v8 =	vadd.s32 $0x7800, v8;
	v9 =	vld.idx.msk [tilespmem:v9+s21+$0x0], $0xffff;
	v13 =	vmul.f32 v13, v22  }
0x2bb: {  	v58 =	vadd.s32 $0x5000, v31;
	[tilespmem:v57+s30+$0x0] =	vst.idx.add.f32.msk $0xffff, v15  }
0x2bc: {  	v59 =	vadd.s32 $0x5000, v40;
	[tilespmem:v54+s30+$0x0] =	vst.idx.add.f32.msk $0xffff, v13;
	v13 =	vmul.f32 v17, v25  }
0x2bd: {  	v60 =	vadd.s32 $0x5000, v41;
	v5 =	vld.idx.msk [tilespmem:v5+s21+$0x0], $0xffff  }
0x2be: {  	v14 =	vadd.s32 $0x7800, v14;
	[tilespmem:v56+s30+$0x0] =	vst.idx.add.f32.msk $0xffff, v13;
	v11 =	vmul.f32 v11, v6  }
0x2bf: {  	v4 =	vadd.s32 $0x7800, v4;
	v12 =	vmul.f32 v12, v7;
	v13 =	vld.idx.msk [tilespmem:v8+s21+$0x0], $0xffff  }
0x2c0: {  	v2 =	vadd.s32 $0x7800, v2;
	[tilespmem:v58+s30+$0x0] =	vst.idx.add.f32.msk $0xffff, v11;
	v11 =	vmul.f32 v16, v1  }
0x2c1: {  	v3 =	vadd.s32 $0x7800, v3;
	[tilespmem:v59+s30+$0x0] =	vst.idx.add.f32.msk $0xffff, v12  }
0x2c2: {  	v62 =	vadd.s32 $0x7800, v30;
	[tilespmem:v60+s30+$0x0] =	vst.idx.add.f32.msk $0xffff, v11  }
0x2c3: {  	v15 =	vadd.s32 $0x7800, v29;
	v11 =	vld.idx.msk [tilespmem:v14+s21+$0x0], $0xffff  }
0x2c4: {  	v61 =	vld.idx.msk [tilespmem:v4+s21+$0x0], $0xffff;
	v14 =	vadd.s32 $0x7800, v28  }
0x2c5: {  	v12 =	vadd.s32 $0x7800, v26;
	v5 =	vmul.f32 v5, v10;
	v63 =	vld.idx.msk [tilespmem:v2+s21+$0x0], $0xffff  }
0x2c6: {  	v8 =	vld.idx.msk [tilespmem:v3+s21+$0x0], $0xffff;
	v4 =	vmul.f32 v13, v25  }
0x2c7: {  	[tilespmem:v62+s30+$0x0] =	vst.idx.add.f32.msk $0xffff, v5;
	v3 =	vmul.f32 v9, v23  }
0x2c8: {  	[tilespmem:v15+s30+$0x0] =	vst.idx.add.f32.msk $0xffff, v4;
	v2 =	vmul.f32 v11, v22  }
0x2c9: {  	v4 =	vadd.s32 $0x7800, v41;
	v13 =	vmul.f32 v61, v6;
	[tilespmem:v14+s30+$0x0] =	vst.idx.add.f32.msk $0xffff, v3  }
0x2ca: {  	s28 =	simm.s32 $0x0;
	s3 =	simm.s32 $0x3CC0;
	v6 =	vmul.f32 v63, v7;
	v3 =	vadd.s32 $0x7800, v40;
	[tilespmem:v12+s30+$0x0] =	vst.idx.add.f32.msk $0xffff, v2;
	v2 =	vadd.s32 $0x7800, v31  }
.LBB2_10:
0x2cb: {  	v28 =	vld [tilespmem:s3+$0x30];
	s28 =	sadd.s32 $0x8, s28;
	v5 =	vmul.f32 v8, v1  }
0x2cc: {  	v1 =	vld [tilespmem:s3+$0xFFFFFFD0];
	p0 =	slt.u32 s28, $0x138  }
0x2cd: {  	v15 =	vld [tilespmem:s3+$0xFFFFFFE0]  }
0x2ce: {  	v16 =	vld [tilespmem:s3+$0xFFFFFFF0]  }
0x2cf: {  	v17 =	vld [tilespmem:s3+$0x0]  }
0x2d0: {  	v18 =	vld [tilespmem:s3+$0x10]  }
0x2d1: {  	s25 =	sadd.s32 $0x80, s25;
	v27 =	vadd.s32 $0x2800, v1;
	v14 =	vadd.s32 $0x5000, v1;
	v7 =	vadd.s32 $0x7800, v1;
	v19 =	vld [tilespmem:s3+$0x20]  }
0x2d2: {  	v29 =	vadd.s32 $0x2800, v15;
	v20 =	vadd.s32 $0x5000, v15;
	v8 =	vadd.s32 $0x7800, v15;
	v36 =	vld [tilespmem:s25+$0x30]  }
0x2d3: {  	s26 =	sadd.s32 $0x80, s26;
	v33 =	vadd.s32 $0x2800, v16;
	v22 =	vadd.s32 $0x5000, v16;
	v9 =	vadd.s32 $0x7800, v16;
	v21 =	vld.idx.msk [tilespmem:v28+s21+$0x0], $0xffff  }
0x2d4: {  	v35 =	vadd.s32 $0x2800, v17;
	v24 =	vadd.s32 $0x5000, v17;
	v10 =	vadd.s32 $0x7800, v17;
	v37 =	vld [tilespmem:s26+$0x30]  }
0x2d5: {  	v23 =	vld [tilespmem:s3+$0xFFFFFFC0];
	v38 =	vadd.s32 $0x2800, v18;
	v25 =	vadd.s32 $0x5000, v18;
	v11 =	vadd.s32 $0x7800, v18  }
0x2d6: {  	v1 =	vld.idx.msk [tilespmem:v1+s21+$0x0], $0xffff;
	v39 =	vadd.s32 $0x2800, v19;
	v26 =	vadd.s32 $0x5000, v19;
	v12 =	vadd.s32 $0x7800, v19  }
0x2d7: {  	v31 =	vld.idx.msk [tilespmem:v15+s21+$0x0], $0xffff;
	v15 =	vadd.s32 $0x2800, v28  }
0x2d8: {  	v32 =	vld.idx.msk [tilespmem:v16+s21+$0x0], $0xffff  }
0x2d9: {  	v34 =	vld.idx.msk [tilespmem:v17+s21+$0x0], $0xffff;
	v16 =	vmul.f32 v21, v37  }
0x2da: {  	v40 =	vadd.s32 $0x2800, v23;
	v30 =	vadd.s32 $0x5000, v23;
	v21 =	vadd.s32 $0x7800, v23;
	v41 =	vld.idx.msk [tilespmem:v18+s21+$0x0], $0xffff  }
0x2db: {  	[tilespmem:v36+s30+$0x0] =	vst.idx.add.f32.msk $0xffff, v16  }
0x2dc: {  	v16 =	vld.idx.msk [tilespmem:v15+s21+$0x0], $0xffff  }
0x2dd: {  	v23 =	vld.idx.msk [tilespmem:v23+s21+$0x0], $0xffff  }
0x2de: {  	v42 =	vld.idx.msk [tilespmem:v19+s21+$0x0], $0xffff  }
0x2df: {  	v43 =	vadd.s32 $0x2800, v36;
	v18 =	vld [tilespmem:s26+$0xFFFFFFC0]  }
0x2e0: {  	v44 =	vadd.s32 $0x5000, v28;
	v19 =	vld [tilespmem:s26+$0xFFFFFFD0]  }
0x2e1: {  	v17 =	vld [tilespmem:s26+$0xFFFFFFE0]  }
0x2e2: {  	v45 =	vmul.f32 v16, v37;
	v15 =	vld [tilespmem:s26+$0xFFFFFFF0]  }
0x2e3: {  	v16 =	vld [tilespmem:s26+$0x0]  }
0x2e4: {  	v46 =	vmul.f32 v23, v18;
	[tilespmem:v43+s30+$0x0] =	vst.idx.add.f32.msk $0xffff, v45  }
0x2e5: {  	v43 =	vmul.f32 v1, v19;
	v44 =	vld.idx.msk [tilespmem:v44+s21+$0x0], $0xffff  }
0x2e6: {  	v45 =	vmul.f32 v31, v17;
	v23 =	vld [tilespmem:s26+$0x10]  }
0x2e7: {  	v47 =	vmul.f32 v32, v15;
	v1 =	vld [tilespmem:s26+$0x20]  }
0x2e8: {  	v31 =	vadd.s32 $0x5000, v36;
	v48 =	vld [tilespmem:s25+$0xFFFFFFC0];
	v49 =	vmul.f32 v34, v16  }
0x2e9: {  	v32 =	vadd.s32 $0x7800, v28;
	v50 =	vld [tilespmem:s25+$0xFFFFFFD0]  }
0x2ea: {  	v51 =	vld [tilespmem:s25+$0xFFFFFFE0]  }
0x2eb: {  	v34 =	vmul.f32 v44, v37;
	v52 =	vld [tilespmem:s25+$0xFFFFFFF0];
	v41 =	vmul.f32 v41, v23  }
0x2ec: {  	v44 =	vld [tilespmem:s25+$0x0];
	v42 =	vmul.f32 v42, v1  }
0x2ed: {  	v53 =	vadd.s32 $0x2800, v48;
	v54 =	vadd.s32 $0x5000, v48;
	v28 =	vadd.s32 $0x7800, v48;
	[tilespmem:v31+s30+$0x0] =	vst.idx.add.f32.msk $0xffff, v34  }
0x2ee: {  	v55 =	vadd.s32 $0x2800, v50;
	v56 =	vadd.s32 $0x5000, v50;
	v31 =	vadd.s32 $0x7800, v50;
	v57 =	vld.idx.msk [tilespmem:v32+s21+$0x0], $0xffff  }
0x2ef: {  	v58 =	vadd.s32 $0x2800, v51;
	v59 =	vadd.s32 $0x5000, v51;
	v32 =	vadd.s32 $0x7800, v51;
	v60 =	vld [tilespmem:s25+$0x10]  }
0x2f0: {  	v61 =	vadd.s32 $0x2800, v52;
	v62 =	vadd.s32 $0x5000, v52;
	v34 =	vadd.s32 $0x7800, v52;
	v63 =	vld [tilespmem:s25+$0x20]  }
0x2f1: {  	v36 =	vadd.s32 $0x7800, v36;
	[tilespmem:v48+s30+$0x0] =	vst.idx.add.f32.msk $0xffff, v46;
	v46 =	vadd.s32 $0x2800, v44;
	v48 =	vadd.s32 $0x5000, v44  }
0x2f2: {  	[tilespmem:v50+s30+$0x0] =	vst.idx.add.f32.msk $0xffff, v43;
	v43 =	vadd.s32 $0x7800, v44  }
0x2f3: {  	[tilespmem:v51+s30+$0x0] =	vst.idx.add.f32.msk $0xffff, v45  }
0x2f4: {  	v37 =	vmul.f32 v57, v37;
	[tilespmem:v52+s30+$0x0] =	vst.idx.add.f32.msk $0xffff, v47;
	v45 =	vadd.s32 $0x2800, v60;
	v47 =	vadd.s32 $0x5000, v60  }
0x2f5: {  	[tilespmem:v44+s30+$0x0] =	vst.idx.add.f32.msk $0xffff, v49;
	v44 =	vadd.s32 $0x7800, v60;
	v49 =	vadd.s32 $0x2800, v63;
	v50 =	vadd.s32 $0x5000, v63  }
0x2f6: {  	v51 =	vadd.s32 $0x7800, v63;
	[tilespmem:v36+s30+$0x0] =	vst.idx.add.f32.msk $0xffff, v37  }
0x2f7: {  	[tilespmem:v60+s30+$0x0] =	vst.idx.add.f32.msk $0xffff, v41  }
0x2f8: {  	[tilespmem:v63+s30+$0x0] =	vst.idx.add.f32.msk $0xffff, v42  }
0x2f9: {  	v36 =	vld.idx.msk [tilespmem:v40+s21+$0x0], $0xffff  }
0x2fa: {  	v27 =	vld.idx.msk [tilespmem:v27+s21+$0x0], $0xffff  }
0x2fb: {  	v29 =	vld.idx.msk [tilespmem:v29+s21+$0x0], $0xffff  }
0x2fc: {  	v33 =	vld.idx.msk [tilespmem:v33+s21+$0x0], $0xffff  }
0x2fd: {  	v35 =	vld.idx.msk [tilespmem:v35+s21+$0x0], $0xffff  }
0x2fe: {  	v37 =	vld.idx.msk [tilespmem:v38+s21+$0x0], $0xffff  }
0x2ff: {  	v36 =	vmul.f32 v36, v18;
	v38 =	vld.idx.msk [tilespmem:v39+s21+$0x0], $0xffff  }
0x300: {  	v27 =	vmul.f32 v27, v19;
	[tilespmem:v2+s30+$0x0] =	vst.idx.add.f32.msk $0xffff, v13;
	v2 =	vmov v43  }
0x301: {  	v13 =	vmul.f32 v29, v17;
	[tilespmem:v53+s30+$0x0] =	vst.idx.add.f32.msk $0xffff, v36  }
0x302: {  	[tilespmem:v55+s30+$0x0] =	vst.idx.add.f32.msk $0xffff, v27;
	v27 =	vmul.f32 v33, v15  }
0x303: {  	[tilespmem:v58+s30+$0x0] =	vst.idx.add.f32.msk $0xffff, v13;
	v13 =	vmul.f32 v35, v16  }
0x304: {  	[tilespmem:v61+s30+$0x0] =	vst.idx.add.f32.msk $0xffff, v27;
	v27 =	vmul.f32 v37, v23  }
0x305: {  	[tilespmem:v46+s30+$0x0] =	vst.idx.add.f32.msk $0xffff, v13;
	v13 =	vmul.f32 v38, v1  }
0x306: {  	[tilespmem:v45+s30+$0x0] =	vst.idx.add.f32.msk $0xffff, v27  }
0x307: {  	[tilespmem:v49+s30+$0x0] =	vst.idx.add.f32.msk $0xffff, v13  }
0x308: {  	v13 =	vld.idx.msk [tilespmem:v30+s21+$0x0], $0xffff  }
0x309: {  	v14 =	vld.idx.msk [tilespmem:v14+s21+$0x0], $0xffff  }
0x30a: {  	v20 =	vld.idx.msk [tilespmem:v20+s21+$0x0], $0xffff  }
0x30b: {  	v22 =	vld.idx.msk [tilespmem:v22+s21+$0x0], $0xffff  }
0x30c: {  	v24 =	vld.idx.msk [tilespmem:v24+s21+$0x0], $0xffff  }
0x30d: {  	v25 =	vld.idx.msk [tilespmem:v25+s21+$0x0], $0xffff  }
0x30e: {  	v13 =	vmul.f32 v13, v18;
	v26 =	vld.idx.msk [tilespmem:v26+s21+$0x0], $0xffff  }
0x30f: {  	v14 =	vmul.f32 v14, v19;
	[tilespmem:v3+s30+$0x0] =	vst.idx.add.f32.msk $0xffff, v6;
	v3 =	vmov v44  }
0x310: {  	v6 =	vmul.f32 v20, v17;
	[tilespmem:v54+s30+$0x0] =	vst.idx.add.f32.msk $0xffff, v13  }
0x311: {  	v13 =	vmul.f32 v22, v15;
	[tilespmem:v56+s30+$0x0] =	vst.idx.add.f32.msk $0xffff, v14  }
0x312: {  	[tilespmem:v59+s30+$0x0] =	vst.idx.add.f32.msk $0xffff, v6;
	v6 =	vmul.f32 v24, v16  }
0x313: {  	[tilespmem:v62+s30+$0x0] =	vst.idx.add.f32.msk $0xffff, v13;
	v13 =	vmul.f32 v25, v23  }
0x314: {  	[tilespmem:v48+s30+$0x0] =	vst.idx.add.f32.msk $0xffff, v6;
	v6 =	vmul.f32 v26, v1  }
0x315: {  	[tilespmem:v47+s30+$0x0] =	vst.idx.add.f32.msk $0xffff, v13  }
0x316: {  	[tilespmem:v50+s30+$0x0] =	vst.idx.add.f32.msk $0xffff, v6  }
0x317: {  	v6 =	vld.idx.msk [tilespmem:v21+s21+$0x0], $0xffff  }
0x318: {  	v7 =	vld.idx.msk [tilespmem:v7+s21+$0x0], $0xffff  }
0x319: {  	v13 =	vld.idx.msk [tilespmem:v8+s21+$0x0], $0xffff  }
0x31a: {  	v9 =	vld.idx.msk [tilespmem:v9+s21+$0x0], $0xffff  }
0x31b: {  	v10 =	vld.idx.msk [tilespmem:v10+s21+$0x0], $0xffff  }
0x31c: {  	v11 =	vld.idx.msk [tilespmem:v11+s21+$0x0], $0xffff  }
0x31d: {  	v6 =	vmul.f32 v6, v18;
	v8 =	vld.idx.msk [tilespmem:v12+s21+$0x0], $0xffff  }
.Ltmp4:
0x31e: {  	v7 =	vmul.f32 v7, v19;
	[tilespmem:v4+s30+$0x0] =	vst.idx.add.f32.msk $0xffff, v5;
	v4 =	vmov v51;
	(pc) =	sbr.rel @p0 .LBB2_10-.Ltmp4, $4  }
0x31f: {  	v5 =	vmul.f32 v13, v17;
	[tilespmem:v28+s30+$0x0] =	vst.idx.add.f32.msk $0xffff, v6  }
0x320: {  	v6 =	vmul.f32 v9, v15;
	[tilespmem:v31+s30+$0x0] =	vst.idx.add.f32.msk $0xffff, v7  }
0x321: {  	v13 =	vmul.f32 v10, v16;
	[tilespmem:v32+s30+$0x0] =	vst.idx.add.f32.msk $0xffff, v5  }
0x322: {  	s3 =	sadd.s32 $0x80, s3;
	[tilespmem:v34+s30+$0x0] =	vst.idx.add.f32.msk $0xffff, v6;
	v6 =	vmul.f32 v11, v23  }
0x323: {  	_ =	sdelay $0x3  }
0x324: {  	v1 =	vmul.f32 v8, v1;
	[tilespmem:v2+s30+$0x0] =	vst.idx.add.f32.msk $0xffff, v13  }
0x325: {  	[tilespmem:v3+s30+$0x0] =	vst.idx.add.f32.msk $0xffff, v6  }
0x326: {  	[tilespmem:v4+s30+$0x0] =	vst.idx.add.f32.msk $0xffff, v1  }
0x327: {  	[hbm4b:s16+s0] =	stream.strided.scatter [tilespmem:s30], [sflag:$0x4], $0x2800, s1, s0, $0x38;
	[tilespmem:$0x1B800] =	vst v63  }
0x328: {  	_ =	swait.ge [sflag:s22], $0x2800  }
0x329: {  	[sflag:s22] =	ssyncset.done $0x0  }
0x32a: {  	s3 =	simm.s32 $0x14000;
	[sflag:s22] =	ssyncadd.s32 $0xFFFFD800  }
0x32b: {  	[hbm4b:s17+s0] =	stream.strided.scatter [tilespmem:s3], [sflag:$0x4], $0x2800, s1, s0, $0x38;
	[tilespmem:$0x1B800] =	vst v63  }
0x32c: {  	_ =	swait.ge [sflag:s22], $0x2800  }
0x32d: {  	[sflag:s22] =	ssyncset.done $0x0  }
0x32e: {  	s26 =	simm.s32 $0x16800;
	[sflag:s22] =	ssyncadd.s32 $0xFFFFD800  }
0x32f: {  	[hbm4b:s18+s0] =	stream.strided.scatter [tilespmem:s26], [sflag:$0x4], $0x2800, s1, s0, $0x38;
	[tilespmem:$0x1B800] =	vst v63  }
0x330: {  	s23 =	sadd.s32 $0x1, s23;
	_ =	swait.ge [sflag:s22], $0x2800  }
0x331: {  	p0 =	sne.s32 s23, s20;
	[sflag:s22] =	ssyncset.done $0x0  }
.Ltmp5:
0x332: {  	s28 =	simm.s32 $0x19000;
	[sflag:s22] =	ssyncadd.s32 $0xFFFFD800;
	(pc) =	sbr.rel @p0 .LBB2_1-.Ltmp5, $4  }
0x333: {  	[hbm4b:s19+s0] =	stream.strided.scatter [tilespmem:s28], [sflag:$0x4], $0x2800, s1, s0, $0x38;
	[tilespmem:$0x1B800] =	vst v63  }
0x334: {  	_ =	swait.ge [sflag:s22], $0x2800  }
0x335: {  	[sflag:s22] =	ssyncset.done $0x0  }
0x336: {  	[sflag:s22] =	ssyncadd.s32 $0xFFFFD800  }
0x337: {  	_ =	sfence.sel $0x180000  }
0x338: {  	[bflag:$0x0] =	sbarrier.arrive $0xFFFF  }
0x339: {  	_ =	strace $0x90000047  }
0x33a: {  	s0 =	stileid.u32;
	[bflag:$0x2] =	sbarrier.arrive $0xFFFF  }
0x33b: {  	p0 =	sne.s32 s0, $0x0;
	s0 =	rddreg [dreg:$0x2]  }
0x33c: {  	s0 =	sadd.s32 @!p0 $0x100000, s0  }
0x33d: {  	[sflag:s0] =	ssyncadd.tile.s32 @!p0 $0x1;
	_ =	shalt  }
.Lfunc_end2:
_tile_overlayer_lowered:
.L_overlay_start_2:
0x33e: {  	(tag) =	ssettag $0x2  }
0x33f: {  	s0 =	rddreg [dreg:$0x0];
	s2 =	stileid.u32  }
0x340: {  	s1 =	rddreg [dreg:$0x1];
	p0 =	sne.s32 s2, $0x0  }
0x341: {  	s3 =	rddreg [dreg:$0x2];
	[bflag:$0x3] =	sbarrier.arrive $0xFFFF;
	s2 =	simm.s32 @!p0 $0x1C04  }
0x342: {  	[timem:s3], [sflag:s2] =	dma.local @!p0 [hbm:s0], s1  }
0x343: {  	s0 =	simm.s32 @!p0 $0x4  }
0x344: {  	_ =	swait.ge @!p0 [sflag:s0], s1  }
0x345: {  	s1 =	ssub.s32 @!p0 $0x0, s1;
	[sflag:s0] =	ssyncset.done @!p0 $0x0  }
0x346: {  	[sflag:s0] =	ssyncadd.s32 @!p0 s1  }
0x347: {  	[bflag:$0x3] =	sbarrier.arrive $0xFFFF  }
0x348: {  	_ =	shalt  }

</sc_bundles>
